<compile_context>
chip_gen: v7x
topology: tpu7x:2x2x1
jax: 0.10.2.dev20260603
libtpu: 0.0.44.dev20260713+nightly
codegen_flags: <defaults>
</compile_context>

<pallas_src>
import functools

import jax
import jax.numpy as jnp
from jax import lax
from jax.experimental import pallas as pl
from jax.experimental.pallas import tpu as pltpu
from jax.experimental.pallas import tpu_sc as plsc

N = 10000
E = 320000
D = 128
NP = 10240
EP = 327680
NW = 32
CHUNKS = EP // (NW * 128)
RPT = NP // 16

def _mesh():
    return plsc.VectorSubcoreMesh(core_axis_name="c", subcore_axis_name="s")


@functools.cache
def _make_deg_sc():
  return functools.partial(
    pl.kernel,
    out_type=jax.ShapeDtypeStruct((NW, NP // 128, 128), jnp.float32),
    mesh=_mesh(),
    scratch_types=[
        pltpu.VMEM((CHUNKS, 128), jnp.int32),
        pltpu.VMEM((NP // 128, 128), jnp.float32),
    ],
    compiler_params=pltpu.CompilerParams(needs_layout_passes=False),
  )(_deg_sc)


def _deg_sc(dst_hbm, out_hbm, idx_v, deg_v):
    c = lax.axis_index("c")
    s = lax.axis_index("s")
    wid = c * 16 + s
    pltpu.sync_copy(dst_hbm.at[pl.ds(wid * CHUNKS, CHUNKS)], idx_v)
    z16 = jnp.zeros((16,), jnp.float32)

    def zero(j, _):
        for k in range(8):
            deg_v[j, pl.ds(k * 16, 16)] = z16
        return 0

    lax.fori_loop(0, NP // 128, zero, 0)
    o16 = jnp.ones((16,), jnp.float32)

    def body(j, _):
        for k in range(8):
            di = idx_v[j, pl.ds(k * 16, 16)]
            plsc.addupdate_scatter(deg_v, [di >> 7, di & 127], o16)
        return 0

    lax.fori_loop(0, CHUNKS, body, 0)
    pltpu.sync_copy(deg_v, out_hbm.at[wid])


TCH = EP // (16 * 128)
ER = EP // 128 + TCH
_PS = 32
C0 = 128


@functools.cache
def _make_scatter_sc():
  return functools.partial(
    pl.kernel,
    out_type=jax.ShapeDtypeStruct((2, NP, D), jnp.float32),
    mesh=_mesh(),
    scratch_types=[
        pltpu.VMEM((_PS, 128), jnp.int32),
        pltpu.VMEM((_PS, 128), jnp.int32),
        pltpu.VMEM((256, D), jnp.float32),
        pltpu.SemaphoreType.DMA((2,)),
        pltpu.VMEM_SHARED((NP, D), jnp.float32),
    ],
    compiler_params=pltpu.CompilerParams(needs_layout_passes=False),
  )(_scatter_sc)


def _pipe(g_hbm, src_hbm, dst_hbm, isv, idv, buf, gsem, acc_sp, base0, nchunks):
    for p in range(nchunks // _PS):
        wbase = base0 + p * _PS
        pltpu.sync_copy(src_hbm.at[pl.ds(wbase, _PS)], isv)
        pltpu.sync_copy(dst_hbm.at[pl.ds(wbase, _PS)], idv)
        for r in range(2):
            pltpu.async_copy(g_hbm.at[isv.at[r]], buf.at[pl.ds(r * 128, 128)],
                             gsem.at[r])

        def body(j, _):
            half = (j % 2) * 128
            bref = buf.at[pl.ds(half, 128)]
            pltpu.make_async_copy(g_hbm.at[pl.ds(0, 128)], bref,
                                  gsem.at[j % 2]).wait()
            pltpu.sync_copy(bref, acc_sp.at[idv.at[j - 2]], add=True)

            @pl.when(j < _PS)
            def _fire():
                pltpu.async_copy(g_hbm.at[isv.at[j]], bref, gsem.at[j % 2])

            return 0

        lax.fori_loop(2, _PS + 2, body, 0)


def _scatter_sc(g_hbm, src_hbm, dst_hbm, zeros_hbm, out_hbm, isv, idv,
                buf, gsem, acc_sp):
    c = lax.axis_index("c")
    s = lax.axis_index("s")
    pltpu.sync_copy(zeros_hbm, buf.at[pl.ds(0, 128)])
    for k in range(RPT // 128):
        pltpu.sync_copy(buf.at[pl.ds(0, 128)],
                        acc_sp.at[pl.ds(s * RPT + k * 128, 128)])
    plsc.subcore_barrier()

    @pl.when(c == 0)
    def _core0():
        _pipe(g_hbm, src_hbm, dst_hbm, isv, idv, buf, gsem, acc_sp,
              s * TCH, C0)

    @pl.when(c == 1)
    def _core1():
        _pipe(g_hbm, src_hbm, dst_hbm, isv, idv, buf, gsem, acc_sp,
              s * TCH + C0, TCH - C0)

    plsc.subcore_barrier()
    for k in range(RPT // 128):
        pltpu.sync_copy(acc_sp.at[pl.ds(s * RPT + k * 128, 128)],
                        buf.at[pl.ds(0, 128)])
        pltpu.sync_copy(buf.at[pl.ds(0, 128)],
                        out_hbm.at[c, pl.ds(s * RPT + k * 128, 128)])


@functools.cache
def _make_edge_sc():
  return functools.partial(
    pl.kernel,
    out_type=jax.ShapeDtypeStruct((EP // 128, 128), jnp.float32),
    mesh=_mesh(),
    scratch_types=[
        pltpu.VMEM((CHUNKS, 128), jnp.int32),
        pltpu.VMEM((CHUNKS, 128), jnp.int32),
        pltpu.VMEM((NP // 128, 128), jnp.float32),
        pltpu.VMEM((CHUNKS, 128), jnp.float32),
    ],
    compiler_params=pltpu.CompilerParams(needs_layout_passes=False),
  )(_edge_sc)


def _edge_sc(z_hbm, src_hbm, dst_hbm, out_hbm, isv, idv, z_v, y_v):
    c = lax.axis_index("c")
    s = lax.axis_index("s")
    wid = c * 16 + s
    pltpu.sync_copy(z_hbm, z_v)
    pltpu.sync_copy(src_hbm.at[pl.ds(wid * CHUNKS, CHUNKS)], isv)
    pltpu.sync_copy(dst_hbm.at[pl.ds(wid * CHUNKS, CHUNKS)], idv)

    def body(j, _):
        for k in range(8):
            si = isv[j, pl.ds(k * 16, 16)]
            di = idv[j, pl.ds(k * 16, 16)]
            zs = plsc.load_gather(z_v, [si // 128, si % 128])
            zd = plsc.load_gather(z_v, [di // 128, di % 128])
            y_v[j, pl.ds(k * 16, 16)] = (zs + zd) * 0.5
        return 0

    lax.fori_loop(0, CHUNKS, body, 0)
    pltpu.sync_copy(y_v, out_hbm.at[pl.ds(wid * CHUNKS, CHUNKS)])


_BR = 1280

def _mm1_body(x_ref, w_ref, deg_ref, g_ref, dinv_ref):
    deg = jnp.sum(deg_ref[...], axis=0) + 1.0
    dinv = lax.rsqrt(deg)[:, None]
    h = jnp.dot(x_ref[...], w_ref[...], precision=lax.Precision.HIGHEST,
                preferred_element_type=jnp.float32)
    g_ref[...] = dinv * h
    dinv_ref[...] = dinv


def _mm1_tc(x_p, W1, deg_part):
    return pl.pallas_call(
        _mm1_body,
        grid=(NP // _BR,),
        in_specs=[
            pl.BlockSpec((_BR, D), lambda i: (i, 0)),
            pl.BlockSpec((D, D), lambda i: (0, 0)),
            pl.BlockSpec((NW, _BR), lambda i: (0, i)),
        ],
        out_specs=[
            pl.BlockSpec((_BR, D), lambda i: (i, 0)),
            pl.BlockSpec((_BR, 1), lambda i: (i, 0)),
        ],
        out_shape=[
            jax.ShapeDtypeStruct((NP, D), jnp.float32),
            jax.ShapeDtypeStruct((NP, 1), jnp.float32),
        ],
    )(x_p, W1, deg_part)


def _mm2_body(acc_ref, g_ref, dinv_ref, b_ref, w_ref, g2_ref):
    a = acc_ref[0] + acc_ref[1] + g_ref[...]
    h = jnp.maximum(dinv_ref[...] * a + b_ref[...], 0.0)
    g2_ref[...] = dinv_ref[...] * jnp.dot(
        h, w_ref[...], precision=lax.Precision.HIGHEST,
        preferred_element_type=jnp.float32)


def _mm2_tc(acc, g1, dinv, b1, W2):
    return pl.pallas_call(
        _mm2_body,
        grid=(NP // _BR,),
        in_specs=[
            pl.BlockSpec((2, _BR, D), lambda i: (0, i, 0)),
            pl.BlockSpec((_BR, D), lambda i: (i, 0)),
            pl.BlockSpec((_BR, 1), lambda i: (i, 0)),
            pl.BlockSpec((1, D), lambda i: (0, 0)),
            pl.BlockSpec((D, D), lambda i: (0, 0)),
        ],
        out_specs=pl.BlockSpec((_BR, D), lambda i: (i, 0)),
        out_shape=jax.ShapeDtypeStruct((NP, D), jnp.float32),
    )(acc, g1, dinv, b1.reshape(1, D), W2)


def _mm3_body(acc_ref, g_ref, dinv_ref, b_ref, we_ref, be_ref, h_ref, z_ref):
    a = acc_ref[0] + acc_ref[1] + g_ref[...]
    h = jnp.maximum(dinv_ref[...] * a + b_ref[...], 0.0)
    h_ref[...] = h
    z_ref[...] = jnp.dot(h, we_ref[...], precision=lax.Precision.HIGHEST,
                         preferred_element_type=jnp.float32) + be_ref[...]


def _mm3_tc(acc, g2, dinv, b2, We, be):
    return pl.pallas_call(
        _mm3_body,
        grid=(NP // _BR,),
        in_specs=[
            pl.BlockSpec((2, _BR, D), lambda i: (0, i, 0)),
            pl.BlockSpec((_BR, D), lambda i: (i, 0)),
            pl.BlockSpec((_BR, 1), lambda i: (i, 0)),
            pl.BlockSpec((1, D), lambda i: (0, 0)),
            pl.BlockSpec((D, 1), lambda i: (0, 0)),
            pl.BlockSpec((1, 1), lambda i: (0, 0)),
        ],
        out_specs=[
            pl.BlockSpec((_BR, D), lambda i: (i, 0)),
            pl.BlockSpec((_BR, 1), lambda i: (i, 0)),
        ],
        out_shape=[
            jax.ShapeDtypeStruct((NP, D), jnp.float32),
            jax.ShapeDtypeStruct((NP, 1), jnp.float32),
        ],
    )(acc, g2, dinv, b2.reshape(1, D), We, be.reshape(1, 1))


def kernel(x, edge_index, W1, b1, W2, b2, We, be):
    src = edge_index[0].astype(jnp.int32)
    dst = edge_index[1].astype(jnp.int32)
    pad = jnp.full((ER * 128 - E,), N, dtype=jnp.int32)
    src_r = jnp.concatenate([src, pad]).reshape(ER, 128)
    dst_r = jnp.concatenate([dst, pad]).reshape(ER, 128)
    x_p = jnp.concatenate([x, jnp.zeros((NP - N, D), x.dtype)])
    zeros128 = jnp.zeros((128, D), jnp.float32)

    deg_part = _make_deg_sc()(dst_r).reshape(NW, NP)
    g1, dinv = _mm1_tc(x_p, W1, deg_part)
    acc1 = _make_scatter_sc()(g1, src_r, dst_r, zeros128)
    g2 = _mm2_tc(acc1, g1, dinv, b1, W2)
    acc2 = _make_scatter_sc()(g2, src_r, dst_r, zeros128)
    h, z = _mm3_tc(acc2, g2, dinv, b2, We, be)
    y = _make_edge_sc()(z.reshape(NP // 128, 128), src_r, dst_r)
    return (h[:N], y.reshape(-1)[:E, None])

# --- scband reference (transcript-rebuilt; emitter-appended) ---
"""Pipeline reference for scband-gnnencoder-35845797053073 (READ-ONLY COPY).

The authoritative reference and input builder live on the scoring server;
editing this copy changes nothing except your own understanding.
"""

import jax, jax.numpy as jnp
import numpy as np

N = 10000
E = 320000
D = 128
H = 128


def gcn_conv(x, edge_index, W, b):
    # PyG-style GCNConv: h = X @ W, add self-loops, symmetric normalization,
    # scatter-add aggregation, then bias.
    n = x.shape[0]
    loop = jnp.arange(n, dtype=edge_index.dtype)
    src = jnp.concatenate([edge_index[0], loop])
    dst = jnp.concatenate([edge_index[1], loop])
    ones = jnp.ones(src.shape[0], dtype=x.dtype)
    deg = jax.ops.segment_sum(ones, dst, num_segments=n)
    dinv = jnp.where(deg > 0, 1.0 / jnp.sqrt(deg), 0.0)
    norm = dinv[src] * dinv[dst]
    h = x @ W
    msg = h[src] * norm[:, None]
    out = jax.ops.segment_sum(msg, dst, num_segments=n)
    return out + b


def setup_inputs(seed: int = 0) -> dict:
    key = jax.random.key(seed)
    ks = jax.random.split(key, 8)
    x = jax.random.normal(ks[0], (N, D), dtype=jnp.float32)
    edge_index = jax.random.randint(ks[1], (2, E), 0, N)
    W1 = jax.random.normal(ks[2], (D, H), dtype=jnp.float32) * (1.0 / np.sqrt(D))
    b1 = jnp.zeros((H,), dtype=jnp.float32)
    W2 = jax.random.normal(ks[3], (H, H), dtype=jnp.float32) * (1.0 / np.sqrt(H))
    b2 = jnp.zeros((H,), dtype=jnp.float32)
    We = jax.random.normal(ks[4], (H, 1), dtype=jnp.float32) * (1.0 / np.sqrt(H))
    be = jnp.zeros((1,), dtype=jnp.float32)
    return {"x": x, "edge_index": edge_index, "W1": W1, "b1": b1, "W2": W2, "b2": b2, "We": We, "be": be}


def reference(x, edge_index, W1, b1, W2, b2, We, be):
    h = jax.nn.relu(gcn_conv(x, edge_index, W1, b1))
    h = jax.nn.relu(gcn_conv(h, edge_index, W2, b2))
    y = (h[edge_index[0]] + h[edge_index[1]]) / 2.0
    y = y @ We + be
    return (h, y)

if __name__ == "__main__":
    import jax
    _d = setup_inputs()
    print(jax.jit(kernel)(*tuple(_d.values())))

</pallas_src>

<mosaic_0001>
#map = affine_map<(d0, d1) -> (0, 0)>
#map1 = affine_map<(d0, d1) -> (0, 0, 0)>
module attributes {stable_mosaic.version = 14 : i64} {
  func.func @_scatter_sc(%arg0: i32, %arg1: i32, %arg2: memref<10240x128xf32, #tpu.memory_space<hbm>>, %arg3: memref<2720x128xi32, #tpu.memory_space<hbm>>, %arg4: memref<2720x128xi32, #tpu.memory_space<hbm>>, %arg5: memref<128x128xf32, #tpu.memory_space<hbm>>, %arg6: memref<2x10240x128xf32, #tpu.memory_space<hbm>>, %arg7: memref<32x128xi32, #tpu.memory_space<vmem>>, %arg8: memref<32x128xi32, #tpu.memory_space<vmem>>, %arg9: memref<256x128xf32, #tpu.memory_space<vmem>>, %arg10: memref<2x!tpu.dma_semaphore, #tpu.memory_space<semaphore_mem>>, %arg11: memref<10240x128xf32, #tpu.memory_space<vmem_shared>>) attributes {dimension_semantics = [#tpu.dimension_semantics<core_parallel>, #tpu.dimension_semantics<subcore_parallel>], iteration_bounds = array<i64: 2, 16>, scalar_prefetch = 0 : i64, scratch_operands = 5 : i64, tpu.core_type = #tpu.core_type<sc_vector_subcore>, window_params = [{transform_indices = #map}, {transform_indices = #map}, {transform_indices = #map}, {transform_indices = #map}, {transform_indices = #map1}]} {
    "tpu.region"() ({
      %run_scoped3A = tpu.sem_alloc : memref<!tpu.dma_semaphore, #tpu.memory_space<semaphore_mem>>
      %dma_start3A = arith.constant 0 : i32
      %dma_start3A_66 = arith.constant 0 : i32
      %dma_start3A_67 = tpu.memref_slice %arg9[%dma_start3A, %dma_start3A_66] : memref<256x128xf32, #tpu.memory_space<vmem>> -> memref<128x128xf32, #tpu.memory_space<vmem>>
      %dma_start3A_68 = arith.constant 0 : i32
      %dma_start3A_69 = arith.constant 0 : i32
      %dma_start3A_70 = tpu.memref_slice %arg9[%dma_start3A_68, %dma_start3A_69] : memref<256x128xf32, #tpu.memory_space<vmem>> -> memref<128x128xf32, #tpu.memory_space<vmem>>
      tpu.enqueue_dma source(%arg5 : memref<128x128xf32, #tpu.memory_space<hbm>>) target(%dma_start3A_70 : memref<128x128xf32, #tpu.memory_space<vmem>>) target_semaphore(%run_scoped3A : memref<!tpu.dma_semaphore, #tpu.memory_space<semaphore_mem>>)
      %dma_wait3A = arith.constant 0 : i32
      %dma_wait3A_71 = arith.constant 0 : i32
      %dma_wait3A_72 = tpu.memref_slice %arg9[%dma_wait3A, %dma_wait3A_71] : memref<256x128xf32, #tpu.memory_space<vmem>> -> memref<128x128xf32, #tpu.memory_space<vmem>>
      %dma_wait3A_73 = arith.constant 0 : i32
      %dma_wait3A_74 = arith.constant 0 : i32
      %dma_wait3A_75 = tpu.memref_slice %arg9[%dma_wait3A_73, %dma_wait3A_74] : memref<256x128xf32, #tpu.memory_space<vmem>> -> memref<128x128xf32, #tpu.memory_space<vmem>>
      tpu.wait_dma2 semaphore(%run_scoped3A : memref<!tpu.dma_semaphore, #tpu.memory_space<semaphore_mem>>) src(%arg5 : memref<128x128xf32, #tpu.memory_space<hbm>>) dst(%dma_wait3A_75 : memref<128x128xf32, #tpu.memory_space<vmem>>)
      tpu.yield
    }) : () -> ()
    %mul3A = arith.constant 640 : i32
    %mul3A_0 = arith.muli %arg1, %mul3A : i32
    %add3A = arith.constant 0 : i32
    %add3A_1 = arith.addi %mul3A_0, %add3A : i32
    "tpu.region"() ({
      %run_scoped3A = tpu.sem_alloc : memref<!tpu.dma_semaphore, #tpu.memory_space<semaphore_mem>>
      %dma_start3A = arith.constant 0 : i32
      %dma_start3A_66 = arith.constant 0 : i32
      %dma_start3A_67 = tpu.memref_slice %arg9[%dma_start3A, %dma_start3A_66] : memref<256x128xf32, #tpu.memory_space<vmem>> -> memref<128x128xf32, #tpu.memory_space<vmem>>
      %dma_start3A_68 = arith.constant 0 : i32
      %dma_start3A_69 = tpu.memref_slice %arg11[%add3A_1, %dma_start3A_68] : memref<10240x128xf32, #tpu.memory_space<vmem_shared>> -> memref<128x128xf32, #tpu.memory_space<vmem_shared>>
      %dma_start3A_70 = arith.constant 0 : i32
      %dma_start3A_71 = tpu.memref_slice %arg11[%add3A_1, %dma_start3A_70] : memref<10240x128xf32, #tpu.memory_space<vmem_shared>> -> memref<128x128xf32, #tpu.memory_space<vmem_shared>>
      %dma_start3A_72 = arith.constant 0 : i32
      %dma_start3A_73 = arith.constant 0 : i32
      %dma_start3A_74 = tpu.memref_slice %arg9[%dma_start3A_72, %dma_start3A_73] : memref<256x128xf32, #tpu.memory_space<vmem>> -> memref<128x128xf32, #tpu.memory_space<vmem>>
      tpu.enqueue_dma source(%dma_start3A_74 : memref<128x128xf32, #tpu.memory_space<vmem>>) target(%dma_start3A_71 : memref<128x128xf32, #tpu.memory_space<vmem_shared>>) target_semaphore(%run_scoped3A : memref<!tpu.dma_semaphore, #tpu.memory_space<semaphore_mem>>)
      %dma_wait3A = arith.constant 0 : i32
      %dma_wait3A_75 = arith.constant 0 : i32
      %dma_wait3A_76 = tpu.memref_slice %arg9[%dma_wait3A, %dma_wait3A_75] : memref<256x128xf32, #tpu.memory_space<vmem>> -> memref<128x128xf32, #tpu.memory_space<vmem>>
      %dma_wait3A_77 = arith.constant 0 : i32
      %dma_wait3A_78 = tpu.memref_slice %arg11[%add3A_1, %dma_wait3A_77] : memref<10240x128xf32, #tpu.memory_space<vmem_shared>> -> memref<128x128xf32, #tpu.memory_space<vmem_shared>>
      %dma_wait3A_79 = arith.constant 0 : i32
      %dma_wait3A_80 = tpu.memref_slice %arg11[%add3A_1, %dma_wait3A_79] : memref<10240x128xf32, #tpu.memory_space<vmem_shared>> -> memref<128x128xf32, #tpu.memory_space<vmem_shared>>
      %dma_wait3A_81 = arith.constant 0 : i32
      %dma_wait3A_82 = arith.constant 0 : i32
      %dma_wait3A_83 = tpu.memref_slice %arg9[%dma_wait3A_81, %dma_wait3A_82] : memref<256x128xf32, #tpu.memory_space<vmem>> -> memref<128x128xf32, #tpu.memory_space<vmem>>
      tpu.wait_dma2 semaphore(%run_scoped3A : memref<!tpu.dma_semaphore, #tpu.memory_space<semaphore_mem>>) src(%dma_wait3A_83 : memref<128x128xf32, #tpu.memory_space<vmem>>) dst(%dma_wait3A_80 : memref<128x128xf32, #tpu.memory_space<vmem_shared>>)
      tpu.yield
    }) : () -> ()
    %mul3A_2 = arith.constant 640 : i32
    %mul3A_3 = arith.muli %arg1, %mul3A_2 : i32
    %add3A_4 = arith.constant 128 : i32
    %add3A_5 = arith.addi %mul3A_3, %add3A_4 : i32
    "tpu.region"() ({
      %run_scoped3A = tpu.sem_alloc : memref<!tpu.dma_semaphore, #tpu.memory_space<semaphore_mem>>
      %dma_start3A = arith.constant 0 : i32
      %dma_start3A_66 = arith.constant 0 : i32
      %dma_start3A_67 = tpu.memref_slice %arg9[%dma_start3A, %dma_start3A_66] : memref<256x128xf32, #tpu.memory_space<vmem>> -> memref<128x128xf32, #tpu.memory_space<vmem>>
      %dma_start3A_68 = arith.constant 0 : i32
      %dma_start3A_69 = tpu.memref_slice %arg11[%add3A_5, %dma_start3A_68] : memref<10240x128xf32, #tpu.memory_space<vmem_shared>> -> memref<128x128xf32, #tpu.memory_space<vmem_shared>>
      %dma_start3A_70 = arith.constant 0 : i32
      %dma_start3A_71 = tpu.memref_slice %arg11[%add3A_5, %dma_start3A_70] : memref<10240x128xf32, #tpu.memory_space<vmem_shared>> -> memref<128x128xf32, #tpu.memory_space<vmem_shared>>
      %dma_start3A_72 = arith.constant 0 : i32
      %dma_start3A_73 = arith.constant 0 : i32
      %dma_start3A_74 = tpu.memref_slice %arg9[%dma_start3A_72, %dma_start3A_73] : memref<256x128xf32, #tpu.memory_space<vmem>> -> memref<128x128xf32, #tpu.memory_space<vmem>>
      tpu.enqueue_dma source(%dma_start3A_74 : memref<128x128xf32, #tpu.memory_space<vmem>>) target(%dma_start3A_71 : memref<128x128xf32, #tpu.memory_space<vmem_shared>>) target_semaphore(%run_scoped3A : memref<!tpu.dma_semaphore, #tpu.memory_space<semaphore_mem>>)
      %dma_wait3A = arith.constant 0 : i32
      %dma_wait3A_75 = arith.constant 0 : i32
      %dma_wait3A_76 = tpu.memref_slice %arg9[%dma_wait3A, %dma_wait3A_75] : memref<256x128xf32, #tpu.memory_space<vmem>> -> memref<128x128xf32, #tpu.memory_space<vmem>>
      %dma_wait3A_77 = arith.constant 0 : i32
      %dma_wait3A_78 = tpu.memref_slice %arg11[%add3A_5, %dma_wait3A_77] : memref<10240x128xf32, #tpu.memory_space<vmem_shared>> -> memref<128x128xf32, #tpu.memory_space<vmem_shared>>
      %dma_wait3A_79 = arith.constant 0 : i32
      %dma_wait3A_80 = tpu.memref_slice %arg11[%add3A_5, %dma_wait3A_79] : memref<10240x128xf32, #tpu.memory_space<vmem_shared>> -> memref<128x128xf32, #tpu.memory_space<vmem_shared>>
      %dma_wait3A_81 = arith.constant 0 : i32
      %dma_wait3A_82 = arith.constant 0 : i32
      %dma_wait3A_83 = tpu.memref_slice %arg9[%dma_wait3A_81, %dma_wait3A_82] : memref<256x128xf32, #tpu.memory_space<vmem>> -> memref<128x128xf32, #tpu.memory_space<vmem>>
      tpu.wait_dma2 semaphore(%run_scoped3A : memref<!tpu.dma_semaphore, #tpu.memory_space<semaphore_mem>>) src(%dma_wait3A_83 : memref<128x128xf32, #tpu.memory_space<vmem>>) dst(%dma_wait3A_80 : memref<128x128xf32, #tpu.memory_space<vmem_shared>>)
      tpu.yield
    }) : () -> ()
    %mul3A_6 = arith.constant 640 : i32
    %mul3A_7 = arith.muli %arg1, %mul3A_6 : i32
    %add3A_8 = arith.constant 256 : i32
    %add3A_9 = arith.addi %mul3A_7, %add3A_8 : i32
    "tpu.region"() ({
      %run_scoped3A = tpu.sem_alloc : memref<!tpu.dma_semaphore, #tpu.memory_space<semaphore_mem>>
      %dma_start3A = arith.constant 0 : i32
      %dma_start3A_66 = arith.constant 0 : i32
      %dma_start3A_67 = tpu.memref_slice %arg9[%dma_start3A, %dma_start3A_66] : memref<256x128xf32, #tpu.memory_space<vmem>> -> memref<128x128xf32, #tpu.memory_space<vmem>>
      %dma_start3A_68 = arith.constant 0 : i32
      %dma_start3A_69 = tpu.memref_slice %arg11[%add3A_9, %dma_start3A_68] : memref<10240x128xf32, #tpu.memory_space<vmem_shared>> -> memref<128x128xf32, #tpu.memory_space<vmem_shared>>
      %dma_start3A_70 = arith.constant 0 : i32
      %dma_start3A_71 = tpu.memref_slice %arg11[%add3A_9, %dma_start3A_70] : memref<10240x128xf32, #tpu.memory_space<vmem_shared>> -> memref<128x128xf32, #tpu.memory_space<vmem_shared>>
      %dma_start3A_72 = arith.constant 0 : i32
      %dma_start3A_73 = arith.constant 0 : i32
      %dma_start3A_74 = tpu.memref_slice %arg9[%dma_start3A_72, %dma_start3A_73] : memref<256x128xf32, #tpu.memory_space<vmem>> -> memref<128x128xf32, #tpu.memory_space<vmem>>
      tpu.enqueue_dma source(%dma_start3A_74 : memref<128x128xf32, #tpu.memory_space<vmem>>) target(%dma_start3A_71 : memref<128x128xf32, #tpu.memory_space<vmem_shared>>) target_semaphore(%run_scoped3A : memref<!tpu.dma_semaphore, #tpu.memory_space<semaphore_mem>>)
      %dma_wait3A = arith.constant 0 : i32
      %dma_wait3A_75 = arith.constant 0 : i32
      %dma_wait3A_76 = tpu.memref_slice %arg9[%dma_wait3A, %dma_wait3A_75] : memref<256x128xf32, #tpu.memory_space<vmem>> -> memref<128x128xf32, #tpu.memory_space<vmem>>
      %dma_wait3A_77 = arith.constant 0 : i32
      %dma_wait3A_78 = tpu.memref_slice %arg11[%add3A_9, %dma_wait3A_77] : memref<10240x128xf32, #tpu.memory_space<vmem_shared>> -> memref<128x128xf32, #tpu.memory_space<vmem_shared>>
      %dma_wait3A_79 = arith.constant 0 : i32
      %dma_wait3A_80 = tpu.memref_slice %arg11[%add3A_9, %dma_wait3A_79] : memref<10240x128xf32, #tpu.memory_space<vmem_shared>> -> memref<128x128xf32, #tpu.memory_space<vmem_shared>>
      %dma_wait3A_81 = arith.constant 0 : i32
      %dma_wait3A_82 = arith.constant 0 : i32
      %dma_wait3A_83 = tpu.memref_slice %arg9[%dma_wait3A_81, %dma_wait3A_82] : memref<256x128xf32, #tpu.memory_space<vmem>> -> memref<128x128xf32, #tpu.memory_space<vmem>>
      tpu.wait_dma2 semaphore(%run_scoped3A : memref<!tpu.dma_semaphore, #tpu.memory_space<semaphore_mem>>) src(%dma_wait3A_83 : memref<128x128xf32, #tpu.memory_space<vmem>>) dst(%dma_wait3A_80 : memref<128x128xf32, #tpu.memory_space<vmem_shared>>)
      tpu.yield
    }) : () -> ()
    %mul3A_10 = arith.constant 640 : i32
    %mul3A_11 = arith.muli %arg1, %mul3A_10 : i32
    %add3A_12 = arith.constant 384 : i32
    %add3A_13 = arith.addi %mul3A_11, %add3A_12 : i32
    "tpu.region"() ({
      %run_scoped3A = tpu.sem_alloc : memref<!tpu.dma_semaphore, #tpu.memory_space<semaphore_mem>>
      %dma_start3A = arith.constant 0 : i32
      %dma_start3A_66 = arith.constant 0 : i32
      %dma_start3A_67 = tpu.memref_slice %arg9[%dma_start3A, %dma_start3A_66] : memref<256x128xf32, #tpu.memory_space<vmem>> -> memref<128x128xf32, #tpu.memory_space<vmem>>
      %dma_start3A_68 = arith.constant 0 : i32
      %dma_start3A_69 = tpu.memref_slice %arg11[%add3A_13, %dma_start3A_68] : memref<10240x128xf32, #tpu.memory_space<vmem_shared>> -> memref<128x128xf32, #tpu.memory_space<vmem_shared>>
      %dma_start3A_70 = arith.constant 0 : i32
      %dma_start3A_71 = tpu.memref_slice %arg11[%add3A_13, %dma_start3A_70] : memref<10240x128xf32, #tpu.memory_space<vmem_shared>> -> memref<128x128xf32, #tpu.memory_space<vmem_shared>>
      %dma_start3A_72 = arith.constant 0 : i32
      %dma_start3A_73 = arith.constant 0 : i32
      %dma_start3A_74 = tpu.memref_slice %arg9[%dma_start3A_72, %dma_start3A_73] : memref<256x128xf32, #tpu.memory_space<vmem>> -> memref<128x128xf32, #tpu.memory_space<vmem>>
      tpu.enqueue_dma source(%dma_start3A_74 : memref<128x128xf32, #tpu.memory_space<vmem>>) target(%dma_start3A_71 : memref<128x128xf32, #tpu.memory_space<vmem_shared>>) target_semaphore(%run_scoped3A : memref<!tpu.dma_semaphore, #tpu.memory_space<semaphore_mem>>)
      %dma_wait3A = arith.constant 0 : i32
      %dma_wait3A_75 = arith.constant 0 : i32
      %dma_wait3A_76 = tpu.memref_slice %arg9[%dma_wait3A, %dma_wait3A_75] : memref<256x128xf32, #tpu.memory_space<vmem>> -> memref<128x128xf32, #tpu.memory_space<vmem>>
      %dma_wait3A_77 = arith.constant 0 : i32
      %dma_wait3A_78 = tpu.memref_slice %arg11[%add3A_13, %dma_wait3A_77] : memref<10240x128xf32, #tpu.memory_space<vmem_shared>> -> memref<128x128xf32, #tpu.memory_space<vmem_shared>>
      %dma_wait3A_79 = arith.constant 0 : i32
      %dma_wait3A_80 = tpu.memref_slice %arg11[%add3A_13, %dma_wait3A_79] : memref<10240x128xf32, #tpu.memory_space<vmem_shared>> -> memref<128x128xf32, #tpu.memory_space<vmem_shared>>
      %dma_wait3A_81 = arith.constant 0 : i32
      %dma_wait3A_82 = arith.constant 0 : i32
      %dma_wait3A_83 = tpu.memref_slice %arg9[%dma_wait3A_81, %dma_wait3A_82] : memref<256x128xf32, #tpu.memory_space<vmem>> -> memref<128x128xf32, #tpu.memory_space<vmem>>
      tpu.wait_dma2 semaphore(%run_scoped3A : memref<!tpu.dma_semaphore, #tpu.memory_space<semaphore_mem>>) src(%dma_wait3A_83 : memref<128x128xf32, #tpu.memory_space<vmem>>) dst(%dma_wait3A_80 : memref<128x128xf32, #tpu.memory_space<vmem_shared>>)
      tpu.yield
    }) : () -> ()
    %mul3A_14 = arith.constant 640 : i32
    %mul3A_15 = arith.muli %arg1, %mul3A_14 : i32
    %add3A_16 = arith.constant 512 : i32
    %add3A_17 = arith.addi %mul3A_15, %add3A_16 : i32
    "tpu.region"() ({
      %run_scoped3A = tpu.sem_alloc : memref<!tpu.dma_semaphore, #tpu.memory_space<semaphore_mem>>
      %dma_start3A = arith.constant 0 : i32
      %dma_start3A_66 = arith.constant 0 : i32
      %dma_start3A_67 = tpu.memref_slice %arg9[%dma_start3A, %dma_start3A_66] : memref<256x128xf32, #tpu.memory_space<vmem>> -> memref<128x128xf32, #tpu.memory_space<vmem>>
      %dma_start3A_68 = arith.constant 0 : i32
      %dma_start3A_69 = tpu.memref_slice %arg11[%add3A_17, %dma_start3A_68] : memref<10240x128xf32, #tpu.memory_space<vmem_shared>> -> memref<128x128xf32, #tpu.memory_space<vmem_shared>>
      %dma_start3A_70 = arith.constant 0 : i32
      %dma_start3A_71 = tpu.memref_slice %arg11[%add3A_17, %dma_start3A_70] : memref<10240x128xf32, #tpu.memory_space<vmem_shared>> -> memref<128x128xf32, #tpu.memory_space<vmem_shared>>
      %dma_start3A_72 = arith.constant 0 : i32
      %dma_start3A_73 = arith.constant 0 : i32
      %dma_start3A_74 = tpu.memref_slice %arg9[%dma_start3A_72, %dma_start3A_73] : memref<256x128xf32, #tpu.memory_space<vmem>> -> memref<128x128xf32, #tpu.memory_space<vmem>>
      tpu.enqueue_dma source(%dma_start3A_74 : memref<128x128xf32, #tpu.memory_space<vmem>>) target(%dma_start3A_71 : memref<128x128xf32, #tpu.memory_space<vmem_shared>>) target_semaphore(%run_scoped3A : memref<!tpu.dma_semaphore, #tpu.memory_space<semaphore_mem>>)
      %dma_wait3A = arith.constant 0 : i32
      %dma_wait3A_75 = arith.constant 0 : i32
      %dma_wait3A_76 = tpu.memref_slice %arg9[%dma_wait3A, %dma_wait3A_75] : memref<256x128xf32, #tpu.memory_space<vmem>> -> memref<128x128xf32, #tpu.memory_space<vmem>>
      %dma_wait3A_77 = arith.constant 0 : i32
      %dma_wait3A_78 = tpu.memref_slice %arg11[%add3A_17, %dma_wait3A_77] : memref<10240x128xf32, #tpu.memory_space<vmem_shared>> -> memref<128x128xf32, #tpu.memory_space<vmem_shared>>
      %dma_wait3A_79 = arith.constant 0 : i32
      %dma_wait3A_80 = tpu.memref_slice %arg11[%add3A_17, %dma_wait3A_79] : memref<10240x128xf32, #tpu.memory_space<vmem_shared>> -> memref<128x128xf32, #tpu.memory_space<vmem_shared>>
      %dma_wait3A_81 = arith.constant 0 : i32
      %dma_wait3A_82 = arith.constant 0 : i32
      %dma_wait3A_83 = tpu.memref_slice %arg9[%dma_wait3A_81, %dma_wait3A_82] : memref<256x128xf32, #tpu.memory_space<vmem>> -> memref<128x128xf32, #tpu.memory_space<vmem>>
      tpu.wait_dma2 semaphore(%run_scoped3A : memref<!tpu.dma_semaphore, #tpu.memory_space<semaphore_mem>>) src(%dma_wait3A_83 : memref<128x128xf32, #tpu.memory_space<vmem>>) dst(%dma_wait3A_80 : memref<128x128xf32, #tpu.memory_space<vmem_shared>>)
      tpu.yield
    }) : () -> ()
    %barrier3A = arith.constant 0 : index
    tpu.barrier barrier_id(%barrier3A)
    %eq3A = arith.constant 0 : i32
    %eq3A_18 = arith.cmpi eq, %arg0, %eq3A : i32
    %convert_element_type3A = arith.extui %eq3A_18 : i1 to i32
    %cond3A = arith.constant 0 : i32
    %cond3A_19 = arith.cmpi ne, %convert_element_type3A, %cond3A : i32
    scf.if %cond3A_19 {
      %mul3A_66 = arith.constant 160 : i32
      %mul3A_67 = arith.muli %arg1, %mul3A_66 : i32
      %add3A_68 = arith.constant 0 : i32
      %add3A_69 = arith.addi %mul3A_67, %add3A_68 : i32
      "tpu.region"() ({
        %run_scoped3A = tpu.sem_alloc : memref<!tpu.dma_semaphore, #tpu.memory_space<semaphore_mem>>
        %dma_start3A_206 = arith.constant 0 : i32
        %dma_start3A_207 = tpu.memref_slice %arg3[%add3A_69, %dma_start3A_206] : memref<2720x128xi32, #tpu.memory_space<hbm>> -> memref<32x128xi32, #tpu.memory_space<hbm>>
        %dma_start3A_208 = arith.constant 0 : i32
        %dma_start3A_209 = tpu.memref_slice %arg3[%add3A_69, %dma_start3A_208] : memref<2720x128xi32, #tpu.memory_space<hbm>> -> memref<32x128xi32, #tpu.memory_space<hbm>>
        tpu.enqueue_dma source(%dma_start3A_209 : memref<32x128xi32, #tpu.memory_space<hbm>>) target(%arg7 : memref<32x128xi32, #tpu.memory_space<vmem>>) target_semaphore(%run_scoped3A : memref<!tpu.dma_semaphore, #tpu.memory_space<semaphore_mem>>)
        %dma_wait3A = arith.constant 0 : i32
        %dma_wait3A_210 = tpu.memref_slice %arg3[%add3A_69, %dma_wait3A] : memref<2720x128xi32, #tpu.memory_space<hbm>> -> memref<32x128xi32, #tpu.memory_space<hbm>>
        %dma_wait3A_211 = arith.constant 0 : i32
        %dma_wait3A_212 = tpu.memref_slice %arg3[%add3A_69, %dma_wait3A_211] : memref<2720x128xi32, #tpu.memory_space<hbm>> -> memref<32x128xi32, #tpu.memory_space<hbm>>
        tpu.wait_dma2 semaphore(%run_scoped3A : memref<!tpu.dma_semaphore, #tpu.memory_space<semaphore_mem>>) src(%dma_wait3A_212 : memref<32x128xi32, #tpu.memory_space<hbm>>) dst(%arg7 : memref<32x128xi32, #tpu.memory_space<vmem>>)
        tpu.yield
      }) : () -> ()
      "tpu.region"() ({
        %run_scoped3A = tpu.sem_alloc : memref<!tpu.dma_semaphore, #tpu.memory_space<semaphore_mem>>
        %dma_start3A_206 = arith.constant 0 : i32
        %dma_start3A_207 = tpu.memref_slice %arg4[%add3A_69, %dma_start3A_206] : memref<2720x128xi32, #tpu.memory_space<hbm>> -> memref<32x128xi32, #tpu.memory_space<hbm>>
        %dma_start3A_208 = arith.constant 0 : i32
        %dma_start3A_209 = tpu.memref_slice %arg4[%add3A_69, %dma_start3A_208] : memref<2720x128xi32, #tpu.memory_space<hbm>> -> memref<32x128xi32, #tpu.memory_space<hbm>>
        tpu.enqueue_dma source(%dma_start3A_209 : memref<32x128xi32, #tpu.memory_space<hbm>>) target(%arg8 : memref<32x128xi32, #tpu.memory_space<vmem>>) target_semaphore(%run_scoped3A : memref<!tpu.dma_semaphore, #tpu.memory_space<semaphore_mem>>)
        %dma_wait3A = arith.constant 0 : i32
        %dma_wait3A_210 = tpu.memref_slice %arg4[%add3A_69, %dma_wait3A] : memref<2720x128xi32, #tpu.memory_space<hbm>> -> memref<32x128xi32, #tpu.memory_space<hbm>>
        %dma_wait3A_211 = arith.constant 0 : i32
        %dma_wait3A_212 = tpu.memref_slice %arg4[%add3A_69, %dma_wait3A_211] : memref<2720x128xi32, #tpu.memory_space<hbm>> -> memref<32x128xi32, #tpu.memory_space<hbm>>
        tpu.wait_dma2 semaphore(%run_scoped3A : memref<!tpu.dma_semaphore, #tpu.memory_space<semaphore_mem>>) src(%dma_wait3A_212 : memref<32x128xi32, #tpu.memory_space<hbm>>) dst(%arg8 : memref<32x128xi32, #tpu.memory_space<vmem>>)
        tpu.yield
      }) : () -> ()
      %dma_start3A = arith.constant 0 : i32
      %dma_start3A_70 = arith.constant 0 : i32
      %dma_start3A_71 = arith.constant 0 : i32
      %dma_start3A_72 = arith.constant 0 : i32
      %dma_start3A_73 = tpu.memref_slice %arg9[%dma_start3A_71, %dma_start3A_72] : memref<256x128xf32, #tpu.memory_space<vmem>> -> memref<128x128xf32, #tpu.memory_space<vmem>>
      %dma_start3A_74 = arith.constant 0 : i32
      %dma_start3A_75 = tpu.memref_slice %arg7[%dma_start3A, %dma_start3A_74] : memref<32x128xi32, #tpu.memory_space<vmem>> -> memref<1x128xi32, #tpu.memory_space<vmem>>
      %dma_start3A_76 = tpu.memref_squeeze %dma_start3A_75 : memref<1x128xi32, #tpu.memory_space<vmem>> -> memref<128xi32, #tpu.memory_space<vmem>>
      %dma_start3A_77 = arith.constant 0 : i32
      %dma_start3A_78 = arith.constant 0 : i32
      %dma_start3A_79 = tpu.memref_slice %arg2[%dma_start3A_77, %dma_start3A_78] : memref<10240x128xf32, #tpu.memory_space<hbm>> -> memref<10240x128xf32, #tpu.memory_space<hbm>>
      %dma_start3A_80 = tpu.memref_slice %arg10[%dma_start3A_70] : memref<2x!tpu.dma_semaphore, #tpu.memory_space<semaphore_mem>> -> memref<1x!tpu.dma_semaphore, #tpu.memory_space<semaphore_mem>>
      %dma_start3A_81 = tpu.memref_squeeze %dma_start3A_80 : memref<1x!tpu.dma_semaphore, #tpu.memory_space<semaphore_mem>> -> memref<!tpu.dma_semaphore, #tpu.memory_space<semaphore_mem>>
      tpu.enqueue_indirect_dma source(%dma_start3A_79 : memref<10240x128xf32, #tpu.memory_space<hbm>>) target(%dma_start3A_73 : memref<128x128xf32, #tpu.memory_space<vmem>>) offsets(%dma_start3A_76 : memref<128xi32, #tpu.memory_space<vmem>>) semaphore(%dma_start3A_81 : memref<!tpu.dma_semaphore, #tpu.memory_space<semaphore_mem>>)
      %dma_start3A_82 = arith.constant 1 : i32
      %dma_start3A_83 = arith.constant 1 : i32
      %dma_start3A_84 = arith.constant 128 : i32
      %dma_start3A_85 = arith.constant 0 : i32
      %dma_start3A_86 = tpu.memref_slice %arg9[%dma_start3A_84, %dma_start3A_85] : memref<256x128xf32, #tpu.memory_space<vmem>> -> memref<128x128xf32, #tpu.memory_space<vmem>>
      %dma_start3A_87 = arith.constant 0 : i32
      %dma_start3A_88 = tpu.memref_slice %arg7[%dma_start3A_82, %dma_start3A_87] : memref<32x128xi32, #tpu.memory_space<vmem>> -> memref<1x128xi32, #tpu.memory_space<vmem>>
      %dma_start3A_89 = tpu.memref_squeeze %dma_start3A_88 : memref<1x128xi32, #tpu.memory_space<vmem>> -> memref<128xi32, #tpu.memory_space<vmem>>
      %dma_start3A_90 = arith.constant 0 : i32
      %dma_start3A_91 = arith.constant 0 : i32
      %dma_start3A_92 = tpu.memref_slice %arg2[%dma_start3A_90, %dma_start3A_91] : memref<10240x128xf32, #tpu.memory_space<hbm>> -> memref<10240x128xf32, #tpu.memory_space<hbm>>
      %dma_start3A_93 = tpu.memref_slice %arg10[%dma_start3A_83] : memref<2x!tpu.dma_semaphore, #tpu.memory_space<semaphore_mem>> -> memref<1x!tpu.dma_semaphore, #tpu.memory_space<semaphore_mem>>
      %dma_start3A_94 = tpu.memref_squeeze %dma_start3A_93 : memref<1x!tpu.dma_semaphore, #tpu.memory_space<semaphore_mem>> -> memref<!tpu.dma_semaphore, #tpu.memory_space<semaphore_mem>>
      tpu.enqueue_indirect_dma source(%dma_start3A_92 : memref<10240x128xf32, #tpu.memory_space<hbm>>) target(%dma_start3A_86 : memref<128x128xf32, #tpu.memory_space<vmem>>) offsets(%dma_start3A_89 : memref<128xi32, #tpu.memory_space<vmem>>) semaphore(%dma_start3A_94 : memref<!tpu.dma_semaphore, #tpu.memory_space<semaphore_mem>>)
      %scan3A = arith.constant 0 : i32
      %scan3A_95 = arith.constant 2 : i32
      %scan3A_96 = arith.constant 32 : i32
      %scan3A_97 = arith.addi %scan3A_95, %scan3A_96 : i32
      %scan3A_98 = arith.constant 1 : i32
      %scan3A_99 = scf.for %scan3A_206 = %scan3A_95 to %scan3A_97 step %scan3A_98 iter_args(%scan3A_207 = %scan3A) -> (i32)  : i32 {
        %jit3A = arith.constant 2 : i32
        %eq3A_208 = arith.constant 0 : i32
        %eq3A_209 = arith.cmpi eq, %jit3A, %eq3A_208 : i32
        %jit3A_210 = arith.constant 1 : i32
        %select_n3A = arith.select %eq3A_209, %jit3A_210, %jit3A : i32
        %rem3A = arith.remsi %scan3A_206, %select_n3A : i32
        %ne3A = arith.constant 0 : i32
        %ne3A_211 = arith.cmpi ne, %rem3A, %ne3A : i32
        %lt3A = arith.constant 0 : i32
        %lt3A_212 = arith.cmpi slt, %rem3A, %lt3A : i32
        %lt3A_213 = arith.constant 0 : i32
        %lt3A_214 = arith.cmpi slt, %select_n3A, %lt3A_213 : i32
        %ne3A_215 = arith.xori %lt3A_212, %lt3A_214 : i1
        %and3A = arith.andi %ne3A_215, %ne3A_211 : i1
        %add3A_216 = arith.addi %rem3A, %select_n3A : i32
        %select_n3A_217 = arith.select %and3A, %add3A_216, %rem3A : i32
        %mul3A_218 = arith.constant 128 : i32
        %mul3A_219 = arith.muli %select_n3A_217, %mul3A_218 : i32
        %jit3A_220 = arith.constant 2 : i32
        %eq3A_221 = arith.constant 0 : i32
        %eq3A_222 = arith.cmpi eq, %jit3A_220, %eq3A_221 : i32
        %jit3A_223 = arith.constant 1 : i32
        %select_n3A_224 = arith.select %eq3A_222, %jit3A_223, %jit3A_220 : i32
        %rem3A_225 = arith.remsi %scan3A_206, %select_n3A_224 : i32
        %ne3A_226 = arith.constant 0 : i32
        %ne3A_227 = arith.cmpi ne, %rem3A_225, %ne3A_226 : i32
        %lt3A_228 = arith.constant 0 : i32
        %lt3A_229 = arith.cmpi slt, %rem3A_225, %lt3A_228 : i32
        %lt3A_230 = arith.constant 0 : i32
        %lt3A_231 = arith.cmpi slt, %select_n3A_224, %lt3A_230 : i32
        %ne3A_232 = arith.xori %lt3A_229, %lt3A_231 : i1
        %and3A_233 = arith.andi %ne3A_232, %ne3A_227 : i1
        %add3A_234 = arith.addi %rem3A_225, %select_n3A_224 : i32
        %select_n3A_235 = arith.select %and3A_233, %add3A_234, %rem3A_225 : i32
        %dma_wait3A = arith.constant 0 : i32
        %dma_wait3A_236 = tpu.memref_slice %arg9[%mul3A_219, %dma_wait3A] : memref<256x128xf32, #tpu.memory_space<vmem>> -> memref<128x128xf32, #tpu.memory_space<vmem>>
        %dma_wait3A_237 = arith.constant 0 : i32
        %dma_wait3A_238 = arith.constant 0 : i32
        %dma_wait3A_239 = tpu.memref_slice %arg2[%dma_wait3A_237, %dma_wait3A_238] : memref<10240x128xf32, #tpu.memory_space<hbm>> -> memref<128x128xf32, #tpu.memory_space<hbm>>
        %dma_wait3A_240 = tpu.memref_slice %arg10[%select_n3A_235] : memref<2x!tpu.dma_semaphore, #tpu.memory_space<semaphore_mem>> -> memref<1x!tpu.dma_semaphore, #tpu.memory_space<semaphore_mem>>
        %dma_wait3A_241 = tpu.memref_squeeze %dma_wait3A_240 : memref<1x!tpu.dma_semaphore, #tpu.memory_space<semaphore_mem>> -> memref<!tpu.dma_semaphore, #tpu.memory_space<semaphore_mem>>
        %dma_wait3A_242 = arith.constant 0 : i32
        %dma_wait3A_243 = tpu.memref_slice %arg9[%mul3A_219, %dma_wait3A_242] : memref<256x128xf32, #tpu.memory_space<vmem>> -> memref<128x128xf32, #tpu.memory_space<vmem>>
        %dma_wait3A_244 = arith.constant 0 : i32
        %dma_wait3A_245 = arith.constant 0 : i32
        %dma_wait3A_246 = tpu.memref_slice %arg2[%dma_wait3A_244, %dma_wait3A_245] : memref<10240x128xf32, #tpu.memory_space<hbm>> -> memref<128x128xf32, #tpu.memory_space<hbm>>
        tpu.wait_dma2 semaphore(%dma_wait3A_241 : memref<!tpu.dma_semaphore, #tpu.memory_space<semaphore_mem>>) src(%dma_wait3A_246 : memref<128x128xf32, #tpu.memory_space<hbm>>) dst(%dma_wait3A_243 : memref<128x128xf32, #tpu.memory_space<vmem>>)
        %sub3A = arith.constant 2 : i32
        %sub3A_247 = arith.subi %scan3A_206, %sub3A : i32
        "tpu.region"() ({
          %run_scoped3A = tpu.sem_alloc : memref<!tpu.dma_semaphore, #tpu.memory_space<semaphore_mem>>
          %dma_start3A_254 = arith.constant 0 : i32
          %dma_start3A_255 = tpu.memref_slice %arg9[%mul3A_219, %dma_start3A_254] : memref<256x128xf32, #tpu.memory_space<vmem>> -> memref<128x128xf32, #tpu.memory_space<vmem>>
          %dma_start3A_256 = arith.constant 0 : i32
          %dma_start3A_257 = tpu.memref_slice %arg8[%sub3A_247, %dma_start3A_256] : memref<32x128xi32, #tpu.memory_space<vmem>> -> memref<1x128xi32, #tpu.memory_space<vmem>>
          %dma_start3A_258 = tpu.memref_squeeze %dma_start3A_257 : memref<1x128xi32, #tpu.memory_space<vmem>> -> memref<128xi32, #tpu.memory_space<vmem>>
          %dma_start3A_259 = arith.constant 0 : i32
          %dma_start3A_260 = arith.constant 0 : i32
          %dma_start3A_261 = tpu.memref_slice %arg11[%dma_start3A_259, %dma_start3A_260] : memref<10240x128xf32, #tpu.memory_space<vmem_shared>> -> memref<10240x128xf32, #tpu.memory_space<vmem_shared>>
          tpu.enqueue_indirect_dma source(%dma_start3A_255 : memref<128x128xf32, #tpu.memory_space<vmem>>) target(%dma_start3A_261 : memref<10240x128xf32, #tpu.memory_space<vmem_shared>>) offsets(%dma_start3A_258 : memref<128xi32, #tpu.memory_space<vmem>>) semaphore(%run_scoped3A : memref<!tpu.dma_semaphore, #tpu.memory_space<semaphore_mem>>) {add = true}
          %dma_wait3A_262 = arith.constant 0 : i32
          %dma_wait3A_263 = tpu.memref_slice %arg9[%mul3A_219, %dma_wait3A_262] : memref<256x128xf32, #tpu.memory_space<vmem>> -> memref<128x128xf32, #tpu.memory_space<vmem>>
          %dma_wait3A_264 = arith.constant 0 : i32
          %dma_wait3A_265 = tpu.memref_slice %arg8[%sub3A_247, %dma_wait3A_264] : memref<32x128xi32, #tpu.memory_space<vmem>> -> memref<1x128xi32, #tpu.memory_space<vmem>>
          %dma_wait3A_266 = tpu.memref_squeeze %dma_wait3A_265 : memref<1x128xi32, #tpu.memory_space<vmem>> -> memref<128xi32, #tpu.memory_space<vmem>>
          %dma_wait3A_267 = arith.constant 0 : i32
          %dma_wait3A_268 = arith.constant 0 : i32
          %dma_wait3A_269 = tpu.memref_slice %arg11[%dma_wait3A_267, %dma_wait3A_268] : memref<10240x128xf32, #tpu.memory_space<vmem_shared>> -> memref<10240x128xf32, #tpu.memory_space<vmem_shared>>
          tpu.wait_indirect_dma semaphore(%run_scoped3A : memref<!tpu.dma_semaphore, #tpu.memory_space<semaphore_mem>>) src(%dma_wait3A_263 : memref<128x128xf32, #tpu.memory_space<vmem>>) dst(%dma_wait3A_269 : memref<10240x128xf32, #tpu.memory_space<vmem_shared>>)
          tpu.yield
        }) : () -> ()
        %lt3A_248 = arith.constant 32 : i32
        %lt3A_249 = arith.cmpi slt, %scan3A_206, %lt3A_248 : i32
        %convert_element_type3A_250 = arith.extui %lt3A_249 : i1 to i32
        %cond3A_251 = arith.constant 0 : i32
        %cond3A_252 = arith.cmpi ne, %convert_element_type3A_250, %cond3A_251 : i32
        scf.if %cond3A_252 {
          %jit3A_254 = arith.constant 2 : i32
          %eq3A_255 = arith.constant 0 : i32
          %eq3A_256 = arith.cmpi eq, %jit3A_254, %eq3A_255 : i32
          %jit3A_257 = arith.constant 1 : i32
          %select_n3A_258 = arith.select %eq3A_256, %jit3A_257, %jit3A_254 : i32
          %rem3A_259 = arith.remsi %scan3A_206, %select_n3A_258 : i32
          %ne3A_260 = arith.constant 0 : i32
          %ne3A_261 = arith.cmpi ne, %rem3A_259, %ne3A_260 : i32
          %lt3A_262 = arith.constant 0 : i32
          %lt3A_263 = arith.cmpi slt, %rem3A_259, %lt3A_262 : i32
          %lt3A_264 = arith.constant 0 : i32
          %lt3A_265 = arith.cmpi slt, %select_n3A_258, %lt3A_264 : i32
          %ne3A_266 = arith.xori %lt3A_263, %lt3A_265 : i1
          %and3A_267 = arith.andi %ne3A_266, %ne3A_261 : i1
          %add3A_268 = arith.addi %rem3A_259, %select_n3A_258 : i32
          %select_n3A_269 = arith.select %and3A_267, %add3A_268, %rem3A_259 : i32
          %dma_start3A_270 = arith.constant 0 : i32
          %dma_start3A_271 = tpu.memref_slice %arg9[%mul3A_219, %dma_start3A_270] : memref<256x128xf32, #tpu.memory_space<vmem>> -> memref<128x128xf32, #tpu.memory_space<vmem>>
          %dma_start3A_272 = arith.constant 0 : i32
          %dma_start3A_273 = tpu.memref_slice %arg7[%scan3A_206, %dma_start3A_272] : memref<32x128xi32, #tpu.memory_space<vmem>> -> memref<1x128xi32, #tpu.memory_space<vmem>>
          %dma_start3A_274 = tpu.memref_squeeze %dma_start3A_273 : memref<1x128xi32, #tpu.memory_space<vmem>> -> memref<128xi32, #tpu.memory_space<vmem>>
          %dma_start3A_275 = arith.constant 0 : i32
          %dma_start3A_276 = arith.constant 0 : i32
          %dma_start3A_277 = tpu.memref_slice %arg2[%dma_start3A_275, %dma_start3A_276] : memref<10240x128xf32, #tpu.memory_space<hbm>> -> memref<10240x128xf32, #tpu.memory_space<hbm>>
          %dma_start3A_278 = tpu.memref_slice %arg10[%select_n3A_269] : memref<2x!tpu.dma_semaphore, #tpu.memory_space<semaphore_mem>> -> memref<1x!tpu.dma_semaphore, #tpu.memory_space<semaphore_mem>>
          %dma_start3A_279 = tpu.memref_squeeze %dma_start3A_278 : memref<1x!tpu.dma_semaphore, #tpu.memory_space<semaphore_mem>> -> memref<!tpu.dma_semaphore, #tpu.memory_space<semaphore_mem>>
          tpu.enqueue_indirect_dma source(%dma_start3A_277 : memref<10240x128xf32, #tpu.memory_space<hbm>>) target(%dma_start3A_271 : memref<128x128xf32, #tpu.memory_space<vmem>>) offsets(%dma_start3A_274 : memref<128xi32, #tpu.memory_space<vmem>>) semaphore(%dma_start3A_279 : memref<!tpu.dma_semaphore, #tpu.memory_space<semaphore_mem>>)
        } else {
        }
        %scan3A_253 = arith.constant 0 : i32
        scf.yield %scan3A_253 : i32
      }
      %scan3A_100 = arith.constant 32 : i32
      %add3A_101 = arith.constant 32 : i32
      %add3A_102 = arith.addi %mul3A_67, %add3A_101 : i32
      "tpu.region"() ({
        %run_scoped3A = tpu.sem_alloc : memref<!tpu.dma_semaphore, #tpu.memory_space<semaphore_mem>>
        %dma_start3A_206 = arith.constant 0 : i32
        %dma_start3A_207 = tpu.memref_slice %arg3[%add3A_102, %dma_start3A_206] : memref<2720x128xi32, #tpu.memory_space<hbm>> -> memref<32x128xi32, #tpu.memory_space<hbm>>
        %dma_start3A_208 = arith.constant 0 : i32
        %dma_start3A_209 = tpu.memref_slice %arg3[%add3A_102, %dma_start3A_208] : memref<2720x128xi32, #tpu.memory_space<hbm>> -> memref<32x128xi32, #tpu.memory_space<hbm>>
        tpu.enqueue_dma source(%dma_start3A_209 : memref<32x128xi32, #tpu.memory_space<hbm>>) target(%arg7 : memref<32x128xi32, #tpu.memory_space<vmem>>) target_semaphore(%run_scoped3A : memref<!tpu.dma_semaphore, #tpu.memory_space<semaphore_mem>>)
        %dma_wait3A = arith.constant 0 : i32
        %dma_wait3A_210 = tpu.memref_slice %arg3[%add3A_102, %dma_wait3A] : memref<2720x128xi32, #tpu.memory_space<hbm>> -> memref<32x128xi32, #tpu.memory_space<hbm>>
        %dma_wait3A_211 = arith.constant 0 : i32
        %dma_wait3A_212 = tpu.memref_slice %arg3[%add3A_102, %dma_wait3A_211] : memref<2720x128xi32, #tpu.memory_space<hbm>> -> memref<32x128xi32, #tpu.memory_space<hbm>>
        tpu.wait_dma2 semaphore(%run_scoped3A : memref<!tpu.dma_semaphore, #tpu.memory_space<semaphore_mem>>) src(%dma_wait3A_212 : memref<32x128xi32, #tpu.memory_space<hbm>>) dst(%arg7 : memref<32x128xi32, #tpu.memory_space<vmem>>)
        tpu.yield
      }) : () -> ()
      "tpu.region"() ({
        %run_scoped3A = tpu.sem_alloc : memref<!tpu.dma_semaphore, #tpu.memory_space<semaphore_mem>>
        %dma_start3A_206 = arith.constant 0 : i32
        %dma_start3A_207 = tpu.memref_slice %arg4[%add3A_102, %dma_start3A_206] : memref<2720x128xi32, #tpu.memory_space<hbm>> -> memref<32x128xi32, #tpu.memory_space<hbm>>
        %dma_start3A_208 = arith.constant 0 : i32
        %dma_start3A_209 = tpu.memref_slice %arg4[%add3A_102, %dma_start3A_208] : memref<2720x128xi32, #tpu.memory_space<hbm>> -> memref<32x128xi32, #tpu.memory_space<hbm>>
        tpu.enqueue_dma source(%dma_start3A_209 : memref<32x128xi32, #tpu.memory_space<hbm>>) target(%arg8 : memref<32x128xi32, #tpu.memory_space<vmem>>) target_semaphore(%run_scoped3A : memref<!tpu.dma_semaphore, #tpu.memory_space<semaphore_mem>>)
        %dma_wait3A = arith.constant 0 : i32
        %dma_wait3A_210 = tpu.memref_slice %arg4[%add3A_102, %dma_wait3A] : memref<2720x128xi32, #tpu.memory_space<hbm>> -> memref<32x128xi32, #tpu.memory_space<hbm>>
        %dma_wait3A_211 = arith.constant 0 : i32
        %dma_wait3A_212 = tpu.memref_slice %arg4[%add3A_102, %dma_wait3A_211] : memref<2720x128xi32, #tpu.memory_space<hbm>> -> memref<32x128xi32, #tpu.memory_space<hbm>>
        tpu.wait_dma2 semaphore(%run_scoped3A : memref<!tpu.dma_semaphore, #tpu.memory_space<semaphore_mem>>) src(%dma_wait3A_212 : memref<32x128xi32, #tpu.memory_space<hbm>>) dst(%arg8 : memref<32x128xi32, #tpu.memory_space<vmem>>)
        tpu.yield
      }) : () -> ()
      %dma_start3A_103 = arith.constant 0 : i32
      %dma_start3A_104 = arith.constant 0 : i32
      %dma_start3A_105 = arith.constant 0 : i32
      %dma_start3A_106 = arith.constant 0 : i32
      %dma_start3A_107 = tpu.memref_slice %arg9[%dma_start3A_105, %dma_start3A_106] : memref<256x128xf32, #tpu.memory_space<vmem>> -> memref<128x128xf32, #tpu.memory_space<vmem>>
      %dma_start3A_108 = arith.constant 0 : i32
      %dma_start3A_109 = tpu.memref_slice %arg7[%dma_start3A_103, %dma_start3A_108] : memref<32x128xi32, #tpu.memory_space<vmem>> -> memref<1x128xi32, #tpu.memory_space<vmem>>
      %dma_start3A_110 = tpu.memref_squeeze %dma_start3A_109 : memref<1x128xi32, #tpu.memory_space<vmem>> -> memref<128xi32, #tpu.memory_space<vmem>>
      %dma_start3A_111 = arith.constant 0 : i32
      %dma_start3A_112 = arith.constant 0 : i32
      %dma_start3A_113 = tpu.memref_slice %arg2[%dma_start3A_111, %dma_start3A_112] : memref<10240x128xf32, #tpu.memory_space<hbm>> -> memref<10240x128xf32, #tpu.memory_space<hbm>>
      %dma_start3A_114 = tpu.memref_slice %arg10[%dma_start3A_104] : memref<2x!tpu.dma_semaphore, #tpu.memory_space<semaphore_mem>> -> memref<1x!tpu.dma_semaphore, #tpu.memory_space<semaphore_mem>>
      %dma_start3A_115 = tpu.memref_squeeze %dma_start3A_114 : memref<1x!tpu.dma_semaphore, #tpu.memory_space<semaphore_mem>> -> memref<!tpu.dma_semaphore, #tpu.memory_space<semaphore_mem>>
      tpu.enqueue_indirect_dma source(%dma_start3A_113 : memref<10240x128xf32, #tpu.memory_space<hbm>>) target(%dma_start3A_107 : memref<128x128xf32, #tpu.memory_space<vmem>>) offsets(%dma_start3A_110 : memref<128xi32, #tpu.memory_space<vmem>>) semaphore(%dma_start3A_115 : memref<!tpu.dma_semaphore, #tpu.memory_space<semaphore_mem>>)
      %dma_start3A_116 = arith.constant 1 : i32
      %dma_start3A_117 = arith.constant 1 : i32
      %dma_start3A_118 = arith.constant 128 : i32
      %dma_start3A_119 = arith.constant 0 : i32
      %dma_start3A_120 = tpu.memref_slice %arg9[%dma_start3A_118, %dma_start3A_119] : memref<256x128xf32, #tpu.memory_space<vmem>> -> memref<128x128xf32, #tpu.memory_space<vmem>>
      %dma_start3A_121 = arith.constant 0 : i32
      %dma_start3A_122 = tpu.memref_slice %arg7[%dma_start3A_116, %dma_start3A_121] : memref<32x128xi32, #tpu.memory_space<vmem>> -> memref<1x128xi32, #tpu.memory_space<vmem>>
      %dma_start3A_123 = tpu.memref_squeeze %dma_start3A_122 : memref<1x128xi32, #tpu.memory_space<vmem>> -> memref<128xi32, #tpu.memory_space<vmem>>
      %dma_start3A_124 = arith.constant 0 : i32
      %dma_start3A_125 = arith.constant 0 : i32
      %dma_start3A_126 = tpu.memref_slice %arg2[%dma_start3A_124, %dma_start3A_125] : memref<10240x128xf32, #tpu.memory_space<hbm>> -> memref<10240x128xf32, #tpu.memory_space<hbm>>
      %dma_start3A_127 = tpu.memref_slice %arg10[%dma_start3A_117] : memref<2x!tpu.dma_semaphore, #tpu.memory_space<semaphore_mem>> -> memref<1x!tpu.dma_semaphore, #tpu.memory_space<semaphore_mem>>
      %dma_start3A_128 = tpu.memref_squeeze %dma_start3A_127 : memref<1x!tpu.dma_semaphore, #tpu.memory_space<semaphore_mem>> -> memref<!tpu.dma_semaphore, #tpu.memory_space<semaphore_mem>>
      tpu.enqueue_indirect_dma source(%dma_start3A_126 : memref<10240x128xf32, #tpu.memory_space<hbm>>) target(%dma_start3A_120 : memref<128x128xf32, #tpu.memory_space<vmem>>) offsets(%dma_start3A_123 : memref<128xi32, #tpu.memory_space<vmem>>) semaphore(%dma_start3A_128 : memref<!tpu.dma_semaphore, #tpu.memory_space<semaphore_mem>>)
      %scan3A_129 = arith.constant 0 : i32
      %scan3A_130 = arith.constant 2 : i32
      %scan3A_131 = arith.constant 32 : i32
      %scan3A_132 = arith.addi %scan3A_130, %scan3A_131 : i32
      %scan3A_133 = arith.constant 1 : i32
      %scan3A_134 = scf.for %scan3A_206 = %scan3A_130 to %scan3A_132 step %scan3A_133 iter_args(%scan3A_207 = %scan3A_129) -> (i32)  : i32 {
        %jit3A = arith.constant 2 : i32
        %eq3A_208 = arith.constant 0 : i32
        %eq3A_209 = arith.cmpi eq, %jit3A, %eq3A_208 : i32
        %jit3A_210 = arith.constant 1 : i32
        %select_n3A = arith.select %eq3A_209, %jit3A_210, %jit3A : i32
        %rem3A = arith.remsi %scan3A_206, %select_n3A : i32
        %ne3A = arith.constant 0 : i32
        %ne3A_211 = arith.cmpi ne, %rem3A, %ne3A : i32
        %lt3A = arith.constant 0 : i32
        %lt3A_212 = arith.cmpi slt, %rem3A, %lt3A : i32
        %lt3A_213 = arith.constant 0 : i32
        %lt3A_214 = arith.cmpi slt, %select_n3A, %lt3A_213 : i32
        %ne3A_215 = arith.xori %lt3A_212, %lt3A_214 : i1
        %and3A = arith.andi %ne3A_215, %ne3A_211 : i1
        %add3A_216 = arith.addi %rem3A, %select_n3A : i32
        %select_n3A_217 = arith.select %and3A, %add3A_216, %rem3A : i32
        %mul3A_218 = arith.constant 128 : i32
        %mul3A_219 = arith.muli %select_n3A_217, %mul3A_218 : i32
        %jit3A_220 = arith.constant 2 : i32
        %eq3A_221 = arith.constant 0 : i32
        %eq3A_222 = arith.cmpi eq, %jit3A_220, %eq3A_221 : i32
        %jit3A_223 = arith.constant 1 : i32
        %select_n3A_224 = arith.select %eq3A_222, %jit3A_223, %jit3A_220 : i32
        %rem3A_225 = arith.remsi %scan3A_206, %select_n3A_224 : i32
        %ne3A_226 = arith.constant 0 : i32
        %ne3A_227 = arith.cmpi ne, %rem3A_225, %ne3A_226 : i32
        %lt3A_228 = arith.constant 0 : i32
        %lt3A_229 = arith.cmpi slt, %rem3A_225, %lt3A_228 : i32
        %lt3A_230 = arith.constant 0 : i32
        %lt3A_231 = arith.cmpi slt, %select_n3A_224, %lt3A_230 : i32
        %ne3A_232 = arith.xori %lt3A_229, %lt3A_231 : i1
        %and3A_233 = arith.andi %ne3A_232, %ne3A_227 : i1
        %add3A_234 = arith.addi %rem3A_225, %select_n3A_224 : i32
        %select_n3A_235 = arith.select %and3A_233, %add3A_234, %rem3A_225 : i32
        %dma_wait3A = arith.constant 0 : i32
        %dma_wait3A_236 = tpu.memref_slice %arg9[%mul3A_219, %dma_wait3A] : memref<256x128xf32, #tpu.memory_space<vmem>> -> memref<128x128xf32, #tpu.memory_space<vmem>>
        %dma_wait3A_237 = arith.constant 0 : i32
        %dma_wait3A_238 = arith.constant 0 : i32
        %dma_wait3A_239 = tpu.memref_slice %arg2[%dma_wait3A_237, %dma_wait3A_238] : memref<10240x128xf32, #tpu.memory_space<hbm>> -> memref<128x128xf32, #tpu.memory_space<hbm>>
        %dma_wait3A_240 = tpu.memref_slice %arg10[%select_n3A_235] : memref<2x!tpu.dma_semaphore, #tpu.memory_space<semaphore_mem>> -> memref<1x!tpu.dma_semaphore, #tpu.memory_space<semaphore_mem>>
        %dma_wait3A_241 = tpu.memref_squeeze %dma_wait3A_240 : memref<1x!tpu.dma_semaphore, #tpu.memory_space<semaphore_mem>> -> memref<!tpu.dma_semaphore, #tpu.memory_space<semaphore_mem>>
        %dma_wait3A_242 = arith.constant 0 : i32
        %dma_wait3A_243 = tpu.memref_slice %arg9[%mul3A_219, %dma_wait3A_242] : memref<256x128xf32, #tpu.memory_space<vmem>> -> memref<128x128xf32, #tpu.memory_space<vmem>>
        %dma_wait3A_244 = arith.constant 0 : i32
        %dma_wait3A_245 = arith.constant 0 : i32
        %dma_wait3A_246 = tpu.memref_slice %arg2[%dma_wait3A_244, %dma_wait3A_245] : memref<10240x128xf32, #tpu.memory_space<hbm>> -> memref<128x128xf32, #tpu.memory_space<hbm>>
        tpu.wait_dma2 semaphore(%dma_wait3A_241 : memref<!tpu.dma_semaphore, #tpu.memory_space<semaphore_mem>>) src(%dma_wait3A_246 : memref<128x128xf32, #tpu.memory_space<hbm>>) dst(%dma_wait3A_243 : memref<128x128xf32, #tpu.memory_space<vmem>>)
        %sub3A = arith.constant 2 : i32
        %sub3A_247 = arith.subi %scan3A_206, %sub3A : i32
        "tpu.region"() ({
          %run_scoped3A = tpu.sem_alloc : memref<!tpu.dma_semaphore, #tpu.memory_space<semaphore_mem>>
          %dma_start3A_254 = arith.constant 0 : i32
          %dma_start3A_255 = tpu.memref_slice %arg9[%mul3A_219, %dma_start3A_254] : memref<256x128xf32, #tpu.memory_space<vmem>> -> memref<128x128xf32, #tpu.memory_space<vmem>>
          %dma_start3A_256 = arith.constant 0 : i32
          %dma_start3A_257 = tpu.memref_slice %arg8[%sub3A_247, %dma_start3A_256] : memref<32x128xi32, #tpu.memory_space<vmem>> -> memref<1x128xi32, #tpu.memory_space<vmem>>
          %dma_start3A_258 = tpu.memref_squeeze %dma_start3A_257 : memref<1x128xi32, #tpu.memory_space<vmem>> -> memref<128xi32, #tpu.memory_space<vmem>>
          %dma_start3A_259 = arith.constant 0 : i32
          %dma_start3A_260 = arith.constant 0 : i32
          %dma_start3A_261 = tpu.memref_slice %arg11[%dma_start3A_259, %dma_start3A_260] : memref<10240x128xf32, #tpu.memory_space<vmem_shared>> -> memref<10240x128xf32, #tpu.memory_space<vmem_shared>>
          tpu.enqueue_indirect_dma source(%dma_start3A_255 : memref<128x128xf32, #tpu.memory_space<vmem>>) target(%dma_start3A_261 : memref<10240x128xf32, #tpu.memory_space<vmem_shared>>) offsets(%dma_start3A_258 : memref<128xi32, #tpu.memory_space<vmem>>) semaphore(%run_scoped3A : memref<!tpu.dma_semaphore, #tpu.memory_space<semaphore_mem>>) {add = true}
          %dma_wait3A_262 = arith.constant 0 : i32
          %dma_wait3A_263 = tpu.memref_slice %arg9[%mul3A_219, %dma_wait3A_262] : memref<256x128xf32, #tpu.memory_space<vmem>> -> memref<128x128xf32, #tpu.memory_space<vmem>>
          %dma_wait3A_264 = arith.constant 0 : i32
          %dma_wait3A_265 = tpu.memref_slice %arg8[%sub3A_247, %dma_wait3A_264] : memref<32x128xi32, #tpu.memory_space<vmem>> -> memref<1x128xi32, #tpu.memory_space<vmem>>
          %dma_wait3A_266 = tpu.memref_squeeze %dma_wait3A_265 : memref<1x128xi32, #tpu.memory_space<vmem>> -> memref<128xi32, #tpu.memory_space<vmem>>
          %dma_wait3A_267 = arith.constant 0 : i32
          %dma_wait3A_268 = arith.constant 0 : i32
          %dma_wait3A_269 = tpu.memref_slice %arg11[%dma_wait3A_267, %dma_wait3A_268] : memref<10240x128xf32, #tpu.memory_space<vmem_shared>> -> memref<10240x128xf32, #tpu.memory_space<vmem_shared>>
          tpu.wait_indirect_dma semaphore(%run_scoped3A : memref<!tpu.dma_semaphore, #tpu.memory_space<semaphore_mem>>) src(%dma_wait3A_263 : memref<128x128xf32, #tpu.memory_space<vmem>>) dst(%dma_wait3A_269 : memref<10240x128xf32, #tpu.memory_space<vmem_shared>>)
          tpu.yield
        }) : () -> ()
        %lt3A_248 = arith.constant 32 : i32
        %lt3A_249 = arith.cmpi slt, %scan3A_206, %lt3A_248 : i32
        %convert_element_type3A_250 = arith.extui %lt3A_249 : i1 to i32
        %cond3A_251 = arith.constant 0 : i32
        %cond3A_252 = arith.cmpi ne, %convert_element_type3A_250, %cond3A_251 : i32
        scf.if %cond3A_252 {
          %jit3A_254 = arith.constant 2 : i32
          %eq3A_255 = arith.constant 0 : i32
          %eq3A_256 = arith.cmpi eq, %jit3A_254, %eq3A_255 : i32
          %jit3A_257 = arith.constant 1 : i32
          %select_n3A_258 = arith.select %eq3A_256, %jit3A_257, %jit3A_254 : i32
          %rem3A_259 = arith.remsi %scan3A_206, %select_n3A_258 : i32
          %ne3A_260 = arith.constant 0 : i32
          %ne3A_261 = arith.cmpi ne, %rem3A_259, %ne3A_260 : i32
          %lt3A_262 = arith.constant 0 : i32
          %lt3A_263 = arith.cmpi slt, %rem3A_259, %lt3A_262 : i32
          %lt3A_264 = arith.constant 0 : i32
          %lt3A_265 = arith.cmpi slt, %select_n3A_258, %lt3A_264 : i32
          %ne3A_266 = arith.xori %lt3A_263, %lt3A_265 : i1
          %and3A_267 = arith.andi %ne3A_266, %ne3A_261 : i1
          %add3A_268 = arith.addi %rem3A_259, %select_n3A_258 : i32
          %select_n3A_269 = arith.select %and3A_267, %add3A_268, %rem3A_259 : i32
          %dma_start3A_270 = arith.constant 0 : i32
          %dma_start3A_271 = tpu.memref_slice %arg9[%mul3A_219, %dma_start3A_270] : memref<256x128xf32, #tpu.memory_space<vmem>> -> memref<128x128xf32, #tpu.memory_space<vmem>>
          %dma_start3A_272 = arith.constant 0 : i32
          %dma_start3A_273 = tpu.memref_slice %arg7[%scan3A_206, %dma_start3A_272] : memref<32x128xi32, #tpu.memory_space<vmem>> -> memref<1x128xi32, #tpu.memory_space<vmem>>
          %dma_start3A_274 = tpu.memref_squeeze %dma_start3A_273 : memref<1x128xi32, #tpu.memory_space<vmem>> -> memref<128xi32, #tpu.memory_space<vmem>>
          %dma_start3A_275 = arith.constant 0 : i32
          %dma_start3A_276 = arith.constant 0 : i32
          %dma_start3A_277 = tpu.memref_slice %arg2[%dma_start3A_275, %dma_start3A_276] : memref<10240x128xf32, #tpu.memory_space<hbm>> -> memref<10240x128xf32, #tpu.memory_space<hbm>>
          %dma_start3A_278 = tpu.memref_slice %arg10[%select_n3A_269] : memref<2x!tpu.dma_semaphore, #tpu.memory_space<semaphore_mem>> -> memref<1x!tpu.dma_semaphore, #tpu.memory_space<semaphore_mem>>
          %dma_start3A_279 = tpu.memref_squeeze %dma_start3A_278 : memref<1x!tpu.dma_semaphore, #tpu.memory_space<semaphore_mem>> -> memref<!tpu.dma_semaphore, #tpu.memory_space<semaphore_mem>>
          tpu.enqueue_indirect_dma source(%dma_start3A_277 : memref<10240x128xf32, #tpu.memory_space<hbm>>) target(%dma_start3A_271 : memref<128x128xf32, #tpu.memory_space<vmem>>) offsets(%dma_start3A_274 : memref<128xi32, #tpu.memory_space<vmem>>) semaphore(%dma_start3A_279 : memref<!tpu.dma_semaphore, #tpu.memory_space<semaphore_mem>>)
        } else {
        }
        %scan3A_253 = arith.constant 0 : i32
        scf.yield %scan3A_253 : i32
      }
      %scan3A_135 = arith.constant 32 : i32
      %add3A_136 = arith.constant 64 : i32
      %add3A_137 = arith.addi %mul3A_67, %add3A_136 : i32
      "tpu.region"() ({
        %run_scoped3A = tpu.sem_alloc : memref<!tpu.dma_semaphore, #tpu.memory_space<semaphore_mem>>
        %dma_start3A_206 = arith.constant 0 : i32
        %dma_start3A_207 = tpu.memref_slice %arg3[%add3A_137, %dma_start3A_206] : memref<2720x128xi32, #tpu.memory_space<hbm>> -> memref<32x128xi32, #tpu.memory_space<hbm>>
        %dma_start3A_208 = arith.constant 0 : i32
        %dma_start3A_209 = tpu.memref_slice %arg3[%add3A_137, %dma_start3A_208] : memref<2720x128xi32, #tpu.memory_space<hbm>> -> memref<32x128xi32, #tpu.memory_space<hbm>>
        tpu.enqueue_dma source(%dma_start3A_209 : memref<32x128xi32, #tpu.memory_space<hbm>>) target(%arg7 : memref<32x128xi32, #tpu.memory_space<vmem>>) target_semaphore(%run_scoped3A : memref<!tpu.dma_semaphore, #tpu.memory_space<semaphore_mem>>)
        %dma_wait3A = arith.constant 0 : i32
        %dma_wait3A_210 = tpu.memref_slice %arg3[%add3A_137, %dma_wait3A] : memref<2720x128xi32, #tpu.memory_space<hbm>> -> memref<32x128xi32, #tpu.memory_space<hbm>>
        %dma_wait3A_211 = arith.constant 0 : i32
        %dma_wait3A_212 = tpu.memref_slice %arg3[%add3A_137, %dma_wait3A_211] : memref<2720x128xi32, #tpu.memory_space<hbm>> -> memref<32x128xi32, #tpu.memory_space<hbm>>
        tpu.wait_dma2 semaphore(%run_scoped3A : memref<!tpu.dma_semaphore, #tpu.memory_space<semaphore_mem>>) src(%dma_wait3A_212 : memref<32x128xi32, #tpu.memory_space<hbm>>) dst(%arg7 : memref<32x128xi32, #tpu.memory_space<vmem>>)
        tpu.yield
      }) : () -> ()
      "tpu.region"() ({
        %run_scoped3A = tpu.sem_alloc : memref<!tpu.dma_semaphore, #tpu.memory_space<semaphore_mem>>
        %dma_start3A_206 = arith.constant 0 : i32
        %dma_start3A_207 = tpu.memref_slice %arg4[%add3A_137, %dma_start3A_206] : memref<2720x128xi32, #tpu.memory_space<hbm>> -> memref<32x128xi32, #tpu.memory_space<hbm>>
        %dma_start3A_208 = arith.constant 0 : i32
        %dma_start3A_209 = tpu.memref_slice %arg4[%add3A_137, %dma_start3A_208] : memref<2720x128xi32, #tpu.memory_space<hbm>> -> memref<32x128xi32, #tpu.memory_space<hbm>>
        tpu.enqueue_dma source(%dma_start3A_209 : memref<32x128xi32, #tpu.memory_space<hbm>>) target(%arg8 : memref<32x128xi32, #tpu.memory_space<vmem>>) target_semaphore(%run_scoped3A : memref<!tpu.dma_semaphore, #tpu.memory_space<semaphore_mem>>)
        %dma_wait3A = arith.constant 0 : i32
        %dma_wait3A_210 = tpu.memref_slice %arg4[%add3A_137, %dma_wait3A] : memref<2720x128xi32, #tpu.memory_space<hbm>> -> memref<32x128xi32, #tpu.memory_space<hbm>>
        %dma_wait3A_211 = arith.constant 0 : i32
        %dma_wait3A_212 = tpu.memref_slice %arg4[%add3A_137, %dma_wait3A_211] : memref<2720x128xi32, #tpu.memory_space<hbm>> -> memref<32x128xi32, #tpu.memory_space<hbm>>
        tpu.wait_dma2 semaphore(%run_scoped3A : memref<!tpu.dma_semaphore, #tpu.memory_space<semaphore_mem>>) src(%dma_wait3A_212 : memref<32x128xi32, #tpu.memory_space<hbm>>) dst(%arg8 : memref<32x128xi32, #tpu.memory_space<vmem>>)
        tpu.yield
      }) : () -> ()
      %dma_start3A_138 = arith.constant 0 : i32
      %dma_start3A_139 = arith.constant 0 : i32
      %dma_start3A_140 = arith.constant 0 : i32
      %dma_start3A_141 = arith.constant 0 : i32
      %dma_start3A_142 = tpu.memref_slice %arg9[%dma_start3A_140, %dma_start3A_141] : memref<256x128xf32, #tpu.memory_space<vmem>> -> memref<128x128xf32, #tpu.memory_space<vmem>>
      %dma_start3A_143 = arith.constant 0 : i32
      %dma_start3A_144 = tpu.memref_slice %arg7[%dma_start3A_138, %dma_start3A_143] : memref<32x128xi32, #tpu.memory_space<vmem>> -> memref<1x128xi32, #tpu.memory_space<vmem>>
      %dma_start3A_145 = tpu.memref_squeeze %dma_start3A_144 : memref<1x128xi32, #tpu.memory_space<vmem>> -> memref<128xi32, #tpu.memory_space<vmem>>
      %dma_start3A_146 = arith.constant 0 : i32
      %dma_start3A_147 = arith.constant 0 : i32
      %dma_start3A_148 = tpu.memref_slice %arg2[%dma_start3A_146, %dma_start3A_147] : memref<10240x128xf32, #tpu.memory_space<hbm>> -> memref<10240x128xf32, #tpu.memory_space<hbm>>
      %dma_start3A_149 = tpu.memref_slice %arg10[%dma_start3A_139] : memref<2x!tpu.dma_semaphore, #tpu.memory_space<semaphore_mem>> -> memref<1x!tpu.dma_semaphore, #tpu.memory_space<semaphore_mem>>
      %dma_start3A_150 = tpu.memref_squeeze %dma_start3A_149 : memref<1x!tpu.dma_semaphore, #tpu.memory_space<semaphore_mem>> -> memref<!tpu.dma_semaphore, #tpu.memory_space<semaphore_mem>>
      tpu.enqueue_indirect_dma source(%dma_start3A_148 : memref<10240x128xf32, #tpu.memory_space<hbm>>) target(%dma_start3A_142 : memref<128x128xf32, #tpu.memory_space<vmem>>) offsets(%dma_start3A_145 : memref<128xi32, #tpu.memory_space<vmem>>) semaphore(%dma_start3A_150 : memref<!tpu.dma_semaphore, #tpu.memory_space<semaphore_mem>>)
      %dma_start3A_151 = arith.constant 1 : i32
      %dma_start3A_152 = arith.constant 1 : i32
      %dma_start3A_153 = arith.constant 128 : i32
      %dma_start3A_154 = arith.constant 0 : i32
      %dma_start3A_155 = tpu.memref_slice %arg9[%dma_start3A_153, %dma_start3A_154] : memref<256x128xf32, #tpu.memory_space<vmem>> -> memref<128x128xf32, #tpu.memory_space<vmem>>
      %dma_start3A_156 = arith.constant 0 : i32
      %dma_start3A_157 = tpu.memref_slice %arg7[%dma_start3A_151, %dma_start3A_156] : memref<32x128xi32, #tpu.memory_space<vmem>> -> memref<1x128xi32, #tpu.memory_space<vmem>>
      %dma_start3A_158 = tpu.memref_squeeze %dma_start3A_157 : memref<1x128xi32, #tpu.memory_space<vmem>> -> memref<128xi32, #tpu.memory_space<vmem>>
      %dma_start3A_159 = arith.constant 0 : i32
      %dma_start3A_160 = arith.constant 0 : i32
      %dma_start3A_161 = tpu.memref_slice %arg2[%dma_start3A_159, %dma_start3A_160] : memref<10240x128xf32, #tpu.memory_space<hbm>> -> memref<10240x128xf32, #tpu.memory_space<hbm>>
      %dma_start3A_162 = tpu.memref_slice %arg10[%dma_start3A_152] : memref<2x!tpu.dma_semaphore, #tpu.memory_space<semaphore_mem>> -> memref<1x!tpu.dma_semaphore, #tpu.memory_space<semaphore_mem>>
      %dma_start3A_163 = tpu.memref_squeeze %dma_start3A_162 : memref<1x!tpu.dma_semaphore, #tpu.memory_space<semaphore_mem>> -> memref<!tpu.dma_semaphore, #tpu.memory_space<semaphore_mem>>
      tpu.enqueue_indirect_dma source(%dma_start3A_161 : memref<10240x128xf32, #tpu.memory_space<hbm>>) target(%dma_start3A_155 : memref<128x128xf32, #tpu.memory_space<vmem>>) offsets(%dma_start3A_158 : memref<128xi32, #tpu.memory_space<vmem>>) semaphore(%dma_start3A_163 : memref<!tpu.dma_semaphore, #tpu.memory_space<semaphore_mem>>)
      %scan3A_164 = arith.constant 0 : i32
      %scan3A_165 = arith.constant 2 : i32
      %scan3A_166 = arith.constant 32 : i32
      %scan3A_167 = arith.addi %scan3A_165, %scan3A_166 : i32
      %scan3A_168 = arith.constant 1 : i32
      %scan3A_169 = scf.for %scan3A_206 = %scan3A_165 to %scan3A_167 step %scan3A_168 iter_args(%scan3A_207 = %scan3A_164) -> (i32)  : i32 {
        %jit3A = arith.constant 2 : i32
        %eq3A_208 = arith.constant 0 : i32
        %eq3A_209 = arith.cmpi eq, %jit3A, %eq3A_208 : i32
        %jit3A_210 = arith.constant 1 : i32
        %select_n3A = arith.select %eq3A_209, %jit3A_210, %jit3A : i32
        %rem3A = arith.remsi %scan3A_206, %select_n3A : i32
        %ne3A = arith.constant 0 : i32
        %ne3A_211 = arith.cmpi ne, %rem3A, %ne3A : i32
        %lt3A = arith.constant 0 : i32
        %lt3A_212 = arith.cmpi slt, %rem3A, %lt3A : i32
        %lt3A_213 = arith.constant 0 : i32
        %lt3A_214 = arith.cmpi slt, %select_n3A, %lt3A_213 : i32
        %ne3A_215 = arith.xori %lt3A_212, %lt3A_214 : i1
        %and3A = arith.andi %ne3A_215, %ne3A_211 : i1
        %add3A_216 = arith.addi %rem3A, %select_n3A : i32
        %select_n3A_217 = arith.select %and3A, %add3A_216, %rem3A : i32
        %mul3A_218 = arith.constant 128 : i32
        %mul3A_219 = arith.muli %select_n3A_217, %mul3A_218 : i32
        %jit3A_220 = arith.constant 2 : i32
        %eq3A_221 = arith.constant 0 : i32
        %eq3A_222 = arith.cmpi eq, %jit3A_220, %eq3A_221 : i32
        %jit3A_223 = arith.constant 1 : i32
        %select_n3A_224 = arith.select %eq3A_222, %jit3A_223, %jit3A_220 : i32
        %rem3A_225 = arith.remsi %scan3A_206, %select_n3A_224 : i32
        %ne3A_226 = arith.constant 0 : i32
        %ne3A_227 = arith.cmpi ne, %rem3A_225, %ne3A_226 : i32
        %lt3A_228 = arith.constant 0 : i32
        %lt3A_229 = arith.cmpi slt, %rem3A_225, %lt3A_228 : i32
        %lt3A_230 = arith.constant 0 : i32
        %lt3A_231 = arith.cmpi slt, %select_n3A_224, %lt3A_230 : i32
        %ne3A_232 = arith.xori %lt3A_229, %lt3A_231 : i1
        %and3A_233 = arith.andi %ne3A_232, %ne3A_227 : i1
        %add3A_234 = arith.addi %rem3A_225, %select_n3A_224 : i32
        %select_n3A_235 = arith.select %and3A_233, %add3A_234, %rem3A_225 : i32
        %dma_wait3A = arith.constant 0 : i32
        %dma_wait3A_236 = tpu.memref_slice %arg9[%mul3A_219, %dma_wait3A] : memref<256x128xf32, #tpu.memory_space<vmem>> -> memref<128x128xf32, #tpu.memory_space<vmem>>
        %dma_wait3A_237 = arith.constant 0 : i32
        %dma_wait3A_238 = arith.constant 0 : i32
        %dma_wait3A_239 = tpu.memref_slice %arg2[%dma_wait3A_237, %dma_wait3A_238] : memref<10240x128xf32, #tpu.memory_space<hbm>> -> memref<128x128xf32, #tpu.memory_space<hbm>>
        %dma_wait3A_240 = tpu.memref_slice %arg10[%select_n3A_235] : memref<2x!tpu.dma_semaphore, #tpu.memory_space<semaphore_mem>> -> memref<1x!tpu.dma_semaphore, #tpu.memory_space<semaphore_mem>>
        %dma_wait3A_241 = tpu.memref_squeeze %dma_wait3A_240 : memref<1x!tpu.dma_semaphore, #tpu.memory_space<semaphore_mem>> -> memref<!tpu.dma_semaphore, #tpu.memory_space<semaphore_mem>>
        %dma_wait3A_242 = arith.constant 0 : i32
        %dma_wait3A_243 = tpu.memref_slice %arg9[%mul3A_219, %dma_wait3A_242] : memref<256x128xf32, #tpu.memory_space<vmem>> -> memref<128x128xf32, #tpu.memory_space<vmem>>
        %dma_wait3A_244 = arith.constant 0 : i32
        %dma_wait3A_245 = arith.constant 0 : i32
        %dma_wait3A_246 = tpu.memref_slice %arg2[%dma_wait3A_244, %dma_wait3A_245] : memref<10240x128xf32, #tpu.memory_space<hbm>> -> memref<128x128xf32, #tpu.memory_space<hbm>>
        tpu.wait_dma2 semaphore(%dma_wait3A_241 : memref<!tpu.dma_semaphore, #tpu.memory_space<semaphore_mem>>) src(%dma_wait3A_246 : memref<128x128xf32, #tpu.memory_space<hbm>>) dst(%dma_wait3A_243 : memref<128x128xf32, #tpu.memory_space<vmem>>)
        %sub3A = arith.constant 2 : i32
        %sub3A_247 = arith.subi %scan3A_206, %sub3A : i32
        "tpu.region"() ({
          %run_scoped3A = tpu.sem_alloc : memref<!tpu.dma_semaphore, #tpu.memory_space<semaphore_mem>>
          %dma_start3A_254 = arith.constant 0 : i32
          %dma_start3A_255 = tpu.memref_slice %arg9[%mul3A_219, %dma_start3A_254] : memref<256x128xf32, #tpu.memory_space<vmem>> -> memref<128x128xf32, #tpu.memory_space<vmem>>
          %dma_start3A_256 = arith.constant 0 : i32
          %dma_start3A_257 = tpu.memref_slice %arg8[%sub3A_247, %dma_start3A_256] : memref<32x128xi32, #tpu.memory_space<vmem>> -> memref<1x128xi32, #tpu.memory_space<vmem>>
          %dma_start3A_258 = tpu.memref_squeeze %dma_start3A_257 : memref<1x128xi32, #tpu.memory_space<vmem>> -> memref<128xi32, #tpu.memory_space<vmem>>
          %dma_start3A_259 = arith.constant 0 : i32
          %dma_start3A_260 = arith.constant 0 : i32
          %dma_start3A_261 = tpu.memref_slice %arg11[%dma_start3A_259, %dma_start3A_260] : memref<10240x128xf32, #tpu.memory_space<vmem_shared>> -> memref<10240x128xf32, #tpu.memory_space<vmem_shared>>
          tpu.enqueue_indirect_dma source(%dma_start3A_255 : memref<128x128xf32, #tpu.memory_space<vmem>>) target(%dma_start3A_261 : memref<10240x128xf32, #tpu.memory_space<vmem_shared>>) offsets(%dma_start3A_258 : memref<128xi32, #tpu.memory_space<vmem>>) semaphore(%run_scoped3A : memref<!tpu.dma_semaphore, #tpu.memory_space<semaphore_mem>>) {add = true}
          %dma_wait3A_262 = arith.constant 0 : i32
          %dma_wait3A_263 = tpu.memref_slice %arg9[%mul3A_219, %dma_wait3A_262] : memref<256x128xf32, #tpu.memory_space<vmem>> -> memref<128x128xf32, #tpu.memory_space<vmem>>
          %dma_wait3A_264 = arith.constant 0 : i32
          %dma_wait3A_265 = tpu.memref_slice %arg8[%sub3A_247, %dma_wait3A_264] : memref<32x128xi32, #tpu.memory_space<vmem>> -> memref<1x128xi32, #tpu.memory_space<vmem>>
          %dma_wait3A_266 = tpu.memref_squeeze %dma_wait3A_265 : memref<1x128xi32, #tpu.memory_space<vmem>> -> memref<128xi32, #tpu.memory_space<vmem>>
          %dma_wait3A_267 = arith.constant 0 : i32
          %dma_wait3A_268 = arith.constant 0 : i32
          %dma_wait3A_269 = tpu.memref_slice %arg11[%dma_wait3A_267, %dma_wait3A_268] : memref<10240x128xf32, #tpu.memory_space<vmem_shared>> -> memref<10240x128xf32, #tpu.memory_space<vmem_shared>>
          tpu.wait_indirect_dma semaphore(%run_scoped3A : memref<!tpu.dma_semaphore, #tpu.memory_space<semaphore_mem>>) src(%dma_wait3A_263 : memref<128x128xf32, #tpu.memory_space<vmem>>) dst(%dma_wait3A_269 : memref<10240x128xf32, #tpu.memory_space<vmem_shared>>)
          tpu.yield
        }) : () -> ()
        %lt3A_248 = arith.constant 32 : i32
        %lt3A_249 = arith.cmpi slt, %scan3A_206, %lt3A_248 : i32
        %convert_element_type3A_250 = arith.extui %lt3A_249 : i1 to i32
        %cond3A_251 = arith.constant 0 : i32
        %cond3A_252 = arith.cmpi ne, %convert_element_type3A_250, %cond3A_251 : i32
        scf.if %cond3A_252 {
          %jit3A_254 = arith.constant 2 : i32
          %eq3A_255 = arith.constant 0 : i32
          %eq3A_256 = arith.cmpi eq, %jit3A_254, %eq3A_255 : i32
          %jit3A_257 = arith.constant 1 : i32
          %select_n3A_258 = arith.select %eq3A_256, %jit3A_257, %jit3A_254 : i32
          %rem3A_259 = arith.remsi %scan3A_206, %select_n3A_258 : i32
          %ne3A_260 = arith.constant 0 : i32
          %ne3A_261 = arith.cmpi ne, %rem3A_259, %ne3A_260 : i32
          %lt3A_262 = arith.constant 0 : i32
          %lt3A_263 = arith.cmpi slt, %rem3A_259, %lt3A_262 : i32
          %lt3A_264 = arith.constant 0 : i32
          %lt3A_265 = arith.cmpi slt, %select_n3A_258, %lt3A_264 : i32
          %ne3A_266 = arith.xori %lt3A_263, %lt3A_265 : i1
          %and3A_267 = arith.andi %ne3A_266, %ne3A_261 : i1
          %add3A_268 = arith.addi %rem3A_259, %select_n3A_258 : i32
          %select_n3A_269 = arith.select %and3A_267, %add3A_268, %rem3A_259 : i32
          %dma_start3A_270 = arith.constant 0 : i32
          %dma_start3A_271 = tpu.memref_slice %arg9[%mul3A_219, %dma_start3A_270] : memref<256x128xf32, #tpu.memory_space<vmem>> -> memref<128x128xf32, #tpu.memory_space<vmem>>
          %dma_start3A_272 = arith.constant 0 : i32
          %dma_start3A_273 = tpu.memref_slice %arg7[%scan3A_206, %dma_start3A_272] : memref<32x128xi32, #tpu.memory_space<vmem>> -> memref<1x128xi32, #tpu.memory_space<vmem>>
          %dma_start3A_274 = tpu.memref_squeeze %dma_start3A_273 : memref<1x128xi32, #tpu.memory_space<vmem>> -> memref<128xi32, #tpu.memory_space<vmem>>
          %dma_start3A_275 = arith.constant 0 : i32
          %dma_start3A_276 = arith.constant 0 : i32
          %dma_start3A_277 = tpu.memref_slice %arg2[%dma_start3A_275, %dma_start3A_276] : memref<10240x128xf32, #tpu.memory_space<hbm>> -> memref<10240x128xf32, #tpu.memory_space<hbm>>
          %dma_start3A_278 = tpu.memref_slice %arg10[%select_n3A_269] : memref<2x!tpu.dma_semaphore, #tpu.memory_space<semaphore_mem>> -> memref<1x!tpu.dma_semaphore, #tpu.memory_space<semaphore_mem>>
          %dma_start3A_279 = tpu.memref_squeeze %dma_start3A_278 : memref<1x!tpu.dma_semaphore, #tpu.memory_space<semaphore_mem>> -> memref<!tpu.dma_semaphore, #tpu.memory_space<semaphore_mem>>
          tpu.enqueue_indirect_dma source(%dma_start3A_277 : memref<10240x128xf32, #tpu.memory_space<hbm>>) target(%dma_start3A_271 : memref<128x128xf32, #tpu.memory_space<vmem>>) offsets(%dma_start3A_274 : memref<128xi32, #tpu.memory_space<vmem>>) semaphore(%dma_start3A_279 : memref<!tpu.dma_semaphore, #tpu.memory_space<semaphore_mem>>)
        } else {
        }
        %scan3A_253 = arith.constant 0 : i32
        scf.yield %scan3A_253 : i32
      }
      %scan3A_170 = arith.constant 32 : i32
      %add3A_171 = arith.constant 96 : i32
      %add3A_172 = arith.addi %mul3A_67, %add3A_171 : i32
      "tpu.region"() ({
        %run_scoped3A = tpu.sem_alloc : memref<!tpu.dma_semaphore, #tpu.memory_space<semaphore_mem>>
        %dma_start3A_206 = arith.constant 0 : i32
        %dma_start3A_207 = tpu.memref_slice %arg3[%add3A_172, %dma_start3A_206] : memref<2720x128xi32, #tpu.memory_space<hbm>> -> memref<32x128xi32, #tpu.memory_space<hbm>>
        %dma_start3A_208 = arith.constant 0 : i32
        %dma_start3A_209 = tpu.memref_slice %arg3[%add3A_172, %dma_start3A_208] : memref<2720x128xi32, #tpu.memory_space<hbm>> -> memref<32x128xi32, #tpu.memory_space<hbm>>
        tpu.enqueue_dma source(%dma_start3A_209 : memref<32x128xi32, #tpu.memory_space<hbm>>) target(%arg7 : memref<32x128xi32, #tpu.memory_space<vmem>>) target_semaphore(%run_scoped3A : memref<!tpu.dma_semaphore, #tpu.memory_space<semaphore_mem>>)
        %dma_wait3A = arith.constant 0 : i32
        %dma_wait3A_210 = tpu.memref_slice %arg3[%add3A_172, %dma_wait3A] : memref<2720x128xi32, #tpu.memory_space<hbm>> -> memref<32x128xi32, #tpu.memory_space<hbm>>
        %dma_wait3A_211 = arith.constant 0 : i32
        %dma_wait3A_212 = tpu.memref_slice %arg3[%add3A_172, %dma_wait3A_211] : memref<2720x128xi32, #tpu.memory_space<hbm>> -> memref<32x128xi32, #tpu.memory_space<hbm>>
        tpu.wait_dma2 semaphore(%run_scoped3A : memref<!tpu.dma_semaphore, #tpu.memory_space<semaphore_mem>>) src(%dma_wait3A_212 : memref<32x128xi32, #tpu.memory_space<hbm>>) dst(%arg7 : memref<32x128xi32, #tpu.memory_space<vmem>>)
        tpu.yield
      }) : () -> ()
      "tpu.region"() ({
        %run_scoped3A = tpu.sem_alloc : memref<!tpu.dma_semaphore, #tpu.memory_space<semaphore_mem>>
        %dma_start3A_206 = arith.constant 0 : i32
        %dma_start3A_207 = tpu.memref_slice %arg4[%add3A_172, %dma_start3A_206] : memref<2720x128xi32, #tpu.memory_space<hbm>> -> memref<32x128xi32, #tpu.memory_space<hbm>>
        %dma_start3A_208 = arith.constant 0 : i32
        %dma_start3A_209 = tpu.memref_slice %arg4[%add3A_172, %dma_start3A_208] : memref<2720x128xi32, #tpu.memory_space<hbm>> -> memref<32x128xi32, #tpu.memory_space<hbm>>
        tpu.enqueue_dma source(%dma_start3A_209 : memref<32x128xi32, #tpu.memory_space<hbm>>) target(%arg8 : memref<32x128xi32, #tpu.memory_space<vmem>>) target_semaphore(%run_scoped3A : memref<!tpu.dma_semaphore, #tpu.memory_space<semaphore_mem>>)
        %dma_wait3A = arith.constant 0 : i32
        %dma_wait3A_210 = tpu.memref_slice %arg4[%add3A_172, %dma_wait3A] : memref<2720x128xi32, #tpu.memory_space<hbm>> -> memref<32x128xi32, #tpu.memory_space<hbm>>
        %dma_wait3A_211 = arith.constant 0 : i32
        %dma_wait3A_212 = tpu.memref_slice %arg4[%add3A_172, %dma_wait3A_211] : memref<2720x128xi32, #tpu.memory_space<hbm>> -> memref<32x128xi32, #tpu.memory_space<hbm>>
        tpu.wait_dma2 semaphore(%run_scoped3A : memref<!tpu.dma_semaphore, #tpu.memory_space<semaphore_mem>>) src(%dma_wait3A_212 : memref<32x128xi32, #tpu.memory_space<hbm>>) dst(%arg8 : memref<32x128xi32, #tpu.memory_space<vmem>>)
        tpu.yield
      }) : () -> ()
      %dma_start3A_173 = arith.constant 0 : i32
      %dma_start3A_174 = arith.constant 0 : i32
      %dma_start3A_175 = arith.constant 0 : i32
      %dma_start3A_176 = arith.constant 0 : i32
      %dma_start3A_177 = tpu.memref_slice %arg9[%dma_start3A_175, %dma_start3A_176] : memref<256x128xf32, #tpu.memory_space<vmem>> -> memref<128x128xf32, #tpu.memory_space<vmem>>
      %dma_start3A_178 = arith.constant 0 : i32
      %dma_start3A_179 = tpu.memref_slice %arg7[%dma_start3A_173, %dma_start3A_178] : memref<32x128xi32, #tpu.memory_space<vmem>> -> memref<1x128xi32, #tpu.memory_space<vmem>>
      %dma_start3A_180 = tpu.memref_squeeze %dma_start3A_179 : memref<1x128xi32, #tpu.memory_space<vmem>> -> memref<128xi32, #tpu.memory_space<vmem>>
      %dma_start3A_181 = arith.constant 0 : i32
      %dma_start3A_182 = arith.constant 0 : i32
      %dma_start3A_183 = tpu.memref_slice %arg2[%dma_start3A_181, %dma_start3A_182] : memref<10240x128xf32, #tpu.memory_space<hbm>> -> memref<10240x128xf32, #tpu.memory_space<hbm>>
      %dma_start3A_184 = tpu.memref_slice %arg10[%dma_start3A_174] : memref<2x!tpu.dma_semaphore, #tpu.memory_space<semaphore_mem>> -> memref<1x!tpu.dma_semaphore, #tpu.memory_space<semaphore_mem>>
      %dma_start3A_185 = tpu.memref_squeeze %dma_start3A_184 : memref<1x!tpu.dma_semaphore, #tpu.memory_space<semaphore_mem>> -> memref<!tpu.dma_semaphore, #tpu.memory_space<semaphore_mem>>
      tpu.enqueue_indirect_dma source(%dma_start3A_183 : memref<10240x128xf32, #tpu.memory_space<hbm>>) target(%dma_start3A_177 : memref<128x128xf32, #tpu.memory_space<vmem>>) offsets(%dma_start3A_180 : memref<128xi32, #tpu.memory_space<vmem>>) semaphore(%dma_start3A_185 : memref<!tpu.dma_semaphore, #tpu.memory_space<semaphore_mem>>)
      %dma_start3A_186 = arith.constant 1 : i32
      %dma_start3A_187 = arith.constant 1 : i32
      %dma_start3A_188 = arith.constant 128 : i32
      %dma_start3A_189 = arith.constant 0 : i32
      %dma_start3A_190 = tpu.memref_slice %arg9[%dma_start3A_188, %dma_start3A_189] : memref<256x128xf32, #tpu.memory_space<vmem>> -> memref<128x128xf32, #tpu.memory_space<vmem>>
      %dma_start3A_191 = arith.constant 0 : i32
      %dma_start3A_192 = tpu.memref_slice %arg7[%dma_start3A_186, %dma_start3A_191] : memref<32x128xi32, #tpu.memory_space<vmem>> -> memref<1x128xi32, #tpu.memory_space<vmem>>
      %dma_start3A_193 = tpu.memref_squeeze %dma_start3A_192 : memref<1x128xi32, #tpu.memory_space<vmem>> -> memref<128xi32, #tpu.memory_space<vmem>>
      %dma_start3A_194 = arith.constant 0 : i32
      %dma_start3A_195 = arith.constant 0 : i32
      %dma_start3A_196 = tpu.memref_slice %arg2[%dma_start3A_194, %dma_start3A_195] : memref<10240x128xf32, #tpu.memory_space<hbm>> -> memref<10240x128xf32, #tpu.memory_space<hbm>>
      %dma_start3A_197 = tpu.memref_slice %arg10[%dma_start3A_187] : memref<2x!tpu.dma_semaphore, #tpu.memory_space<semaphore_mem>> -> memref<1x!tpu.dma_semaphore, #tpu.memory_space<semaphore_mem>>
      %dma_start3A_198 = tpu.memref_squeeze %dma_start3A_197 : memref<1x!tpu.dma_semaphore, #tpu.memory_space<semaphore_mem>> -> memref<!tpu.dma_semaphore, #tpu.memory_space<semaphore_mem>>
      tpu.enqueue_indirect_dma source(%dma_start3A_196 : memref<10240x128xf32, #tpu.memory_space<hbm>>) target(%dma_start3A_190 : memref<128x128xf32, #tpu.memory_space<vmem>>) offsets(%dma_start3A_193 : memref<128xi32, #tpu.memory_space<vmem>>) semaphore(%dma_start3A_198 : memref<!tpu.dma_semaphore, #tpu.memory_space<semaphore_mem>>)
      %scan3A_199 = arith.constant 0 : i32
      %scan3A_200 = arith.constant 2 : i32
      %scan3A_201 = arith.constant 32 : i32
      %scan3A_202 = arith.addi %scan3A_200, %scan3A_201 : i32
      %scan3A_203 = arith.constant 1 : i32
      %scan3A_204 = scf.for %scan3A_206 = %scan3A_200 to %scan3A_202 step %scan3A_203 iter_args(%scan3A_207 = %scan3A_199) -> (i32)  : i32 {
        %jit3A = arith.constant 2 : i32
        %eq3A_208 = arith.constant 0 : i32
        %eq3A_209 = arith.cmpi eq, %jit3A, %eq3A_208 : i32
        %jit3A_210 = arith.constant 1 : i32
        %select_n3A = arith.select %eq3A_209, %jit3A_210, %jit3A : i32
        %rem3A = arith.remsi %scan3A_206, %select_n3A : i32
        %ne3A = arith.constant 0 : i32
        %ne3A_211 = arith.cmpi ne, %rem3A, %ne3A : i32
        %lt3A = arith.constant 0 : i32
        %lt3A_212 = arith.cmpi slt, %rem3A, %lt3A : i32
        %lt3A_213 = arith.constant 0 : i32
        %lt3A_214 = arith.cmpi slt, %select_n3A, %lt3A_213 : i32
        %ne3A_215 = arith.xori %lt3A_212, %lt3A_214 : i1
        %and3A = arith.andi %ne3A_215, %ne3A_211 : i1
        %add3A_216 = arith.addi %rem3A, %select_n3A : i32
        %select_n3A_217 = arith.select %and3A, %add3A_216, %rem3A : i32
        %mul3A_218 = arith.constant 128 : i32
        %mul3A_219 = arith.muli %select_n3A_217, %mul3A_218 : i32
        %jit3A_220 = arith.constant 2 : i32
        %eq3A_221 = arith.constant 0 : i32
        %eq3A_222 = arith.cmpi eq, %jit3A_220, %eq3A_221 : i32
        %jit3A_223 = arith.constant 1 : i32
        %select_n3A_224 = arith.select %eq3A_222, %jit3A_223, %jit3A_220 : i32
        %rem3A_225 = arith.remsi %scan3A_206, %select_n3A_224 : i32
        %ne3A_226 = arith.constant 0 : i32
        %ne3A_227 = arith.cmpi ne, %rem3A_225, %ne3A_226 : i32
        %lt3A_228 = arith.constant 0 : i32
        %lt3A_229 = arith.cmpi slt, %rem3A_225, %lt3A_228 : i32
        %lt3A_230 = arith.constant 0 : i32
        %lt3A_231 = arith.cmpi slt, %select_n3A_224, %lt3A_230 : i32
        %ne3A_232 = arith.xori %lt3A_229, %lt3A_231 : i1
        %and3A_233 = arith.andi %ne3A_232, %ne3A_227 : i1
        %add3A_234 = arith.addi %rem3A_225, %select_n3A_224 : i32
        %select_n3A_235 = arith.select %and3A_233, %add3A_234, %rem3A_225 : i32
        %dma_wait3A = arith.constant 0 : i32
        %dma_wait3A_236 = tpu.memref_slice %arg9[%mul3A_219, %dma_wait3A] : memref<256x128xf32, #tpu.memory_space<vmem>> -> memref<128x128xf32, #tpu.memory_space<vmem>>
        %dma_wait3A_237 = arith.constant 0 : i32
        %dma_wait3A_238 = arith.constant 0 : i32
        %dma_wait3A_239 = tpu.memref_slice %arg2[%dma_wait3A_237, %dma_wait3A_238] : memref<10240x128xf32, #tpu.memory_space<hbm>> -> memref<128x128xf32, #tpu.memory_space<hbm>>
        %dma_wait3A_240 = tpu.memref_slice %arg10[%select_n3A_235] : memref<2x!tpu.dma_semaphore, #tpu.memory_space<semaphore_mem>> -> memref<1x!tpu.dma_semaphore, #tpu.memory_space<semaphore_mem>>
        %dma_wait3A_241 = tpu.memref_squeeze %dma_wait3A_240 : memref<1x!tpu.dma_semaphore, #tpu.memory_space<semaphore_mem>> -> memref<!tpu.dma_semaphore, #tpu.memory_space<semaphore_mem>>
        %dma_wait3A_242 = arith.constant 0 : i32
        %dma_wait3A_243 = tpu.memref_slice %arg9[%mul3A_219, %dma_wait3A_242] : memref<256x128xf32, #tpu.memory_space<vmem>> -> memref<128x128xf32, #tpu.memory_space<vmem>>
        %dma_wait3A_244 = arith.constant 0 : i32
        %dma_wait3A_245 = arith.constant 0 : i32
        %dma_wait3A_246 = tpu.memref_slice %arg2[%dma_wait3A_244, %dma_wait3A_245] : memref<10240x128xf32, #tpu.memory_space<hbm>> -> memref<128x128xf32, #tpu.memory_space<hbm>>
        tpu.wait_dma2 semaphore(%dma_wait3A_241 : memref<!tpu.dma_semaphore, #tpu.memory_space<semaphore_mem>>) src(%dma_wait3A_246 : memref<128x128xf32, #tpu.memory_space<hbm>>) dst(%dma_wait3A_243 : memref<128x128xf32, #tpu.memory_space<vmem>>)
        %sub3A = arith.constant 2 : i32
        %sub3A_247 = arith.subi %scan3A_206, %sub3A : i32
        "tpu.region"() ({
          %run_scoped3A = tpu.sem_alloc : memref<!tpu.dma_semaphore, #tpu.memory_space<semaphore_mem>>
          %dma_start3A_254 = arith.constant 0 : i32
          %dma_start3A_255 = tpu.memref_slice %arg9[%mul3A_219, %dma_start3A_254] : memref<256x128xf32, #tpu.memory_space<vmem>> -> memref<128x128xf32, #tpu.memory_space<vmem>>
          %dma_start3A_256 = arith.constant 0 : i32
          %dma_start3A_257 = tpu.memref_slice %arg8[%sub3A_247, %dma_start3A_256] : memref<32x128xi32, #tpu.memory_space<vmem>> -> memref<1x128xi32, #tpu.memory_space<vmem>>
          %dma_start3A_258 = tpu.memref_squeeze %dma_start3A_257 : memref<1x128xi32, #tpu.memory_space<vmem>> -> memref<128xi32, #tpu.memory_space<vmem>>
          %dma_start3A_259 = arith.constant 0 : i32
          %dma_start3A_260 = arith.constant 0 : i32
          %dma_start3A_261 = tpu.memref_slice %arg11[%dma_start3A_259, %dma_start3A_260] : memref<10240x128xf32, #tpu.memory_space<vmem_shared>> -> memref<10240x128xf32, #tpu.memory_space<vmem_shared>>
          tpu.enqueue_indirect_dma source(%dma_start3A_255 : memref<128x128xf32, #tpu.memory_space<vmem>>) target(%dma_start3A_261 : memref<10240x128xf32, #tpu.memory_space<vmem_shared>>) offsets(%dma_start3A_258 : memref<128xi32, #tpu.memory_space<vmem>>) semaphore(%run_scoped3A : memref<!tpu.dma_semaphore, #tpu.memory_space<semaphore_mem>>) {add = true}
          %dma_wait3A_262 = arith.constant 0 : i32
          %dma_wait3A_263 = tpu.memref_slice %arg9[%mul3A_219, %dma_wait3A_262] : memref<256x128xf32, #tpu.memory_space<vmem>> -> memref<128x128xf32, #tpu.memory_space<vmem>>
          %dma_wait3A_264 = arith.constant 0 : i32
          %dma_wait3A_265 = tpu.memref_slice %arg8[%sub3A_247, %dma_wait3A_264] : memref<32x128xi32, #tpu.memory_space<vmem>> -> memref<1x128xi32, #tpu.memory_space<vmem>>
          %dma_wait3A_266 = tpu.memref_squeeze %dma_wait3A_265 : memref<1x128xi32, #tpu.memory_space<vmem>> -> memref<128xi32, #tpu.memory_space<vmem>>
          %dma_wait3A_267 = arith.constant 0 : i32
          %dma_wait3A_268 = arith.constant 0 : i32
          %dma_wait3A_269 = tpu.memref_slice %arg11[%dma_wait3A_267, %dma_wait3A_268] : memref<10240x128xf32, #tpu.memory_space<vmem_shared>> -> memref<10240x128xf32, #tpu.memory_space<vmem_shared>>
          tpu.wait_indirect_dma semaphore(%run_scoped3A : memref<!tpu.dma_semaphore, #tpu.memory_space<semaphore_mem>>) src(%dma_wait3A_263 : memref<128x128xf32, #tpu.memory_space<vmem>>) dst(%dma_wait3A_269 : memref<10240x128xf32, #tpu.memory_space<vmem_shared>>)
          tpu.yield
        }) : () -> ()
        %lt3A_248 = arith.constant 32 : i32
        %lt3A_249 = arith.cmpi slt, %scan3A_206, %lt3A_248 : i32
        %convert_element_type3A_250 = arith.extui %lt3A_249 : i1 to i32
        %cond3A_251 = arith.constant 0 : i32
        %cond3A_252 = arith.cmpi ne, %convert_element_type3A_250, %cond3A_251 : i32
        scf.if %cond3A_252 {
          %jit3A_254 = arith.constant 2 : i32
          %eq3A_255 = arith.constant 0 : i32
          %eq3A_256 = arith.cmpi eq, %jit3A_254, %eq3A_255 : i32
          %jit3A_257 = arith.constant 1 : i32
          %select_n3A_258 = arith.select %eq3A_256, %jit3A_257, %jit3A_254 : i32
          %rem3A_259 = arith.remsi %scan3A_206, %select_n3A_258 : i32
          %ne3A_260 = arith.constant 0 : i32
          %ne3A_261 = arith.cmpi ne, %rem3A_259, %ne3A_260 : i32
          %lt3A_262 = arith.constant 0 : i32
          %lt3A_263 = arith.cmpi slt, %rem3A_259, %lt3A_262 : i32
          %lt3A_264 = arith.constant 0 : i32
          %lt3A_265 = arith.cmpi slt, %select_n3A_258, %lt3A_264 : i32
          %ne3A_266 = arith.xori %lt3A_263, %lt3A_265 : i1
          %and3A_267 = arith.andi %ne3A_266, %ne3A_261 : i1
          %add3A_268 = arith.addi %rem3A_259, %select_n3A_258 : i32
          %select_n3A_269 = arith.select %and3A_267, %add3A_268, %rem3A_259 : i32
          %dma_start3A_270 = arith.constant 0 : i32
          %dma_start3A_271 = tpu.memref_slice %arg9[%mul3A_219, %dma_start3A_270] : memref<256x128xf32, #tpu.memory_space<vmem>> -> memref<128x128xf32, #tpu.memory_space<vmem>>
          %dma_start3A_272 = arith.constant 0 : i32
          %dma_start3A_273 = tpu.memref_slice %arg7[%scan3A_206, %dma_start3A_272] : memref<32x128xi32, #tpu.memory_space<vmem>> -> memref<1x128xi32, #tpu.memory_space<vmem>>
          %dma_start3A_274 = tpu.memref_squeeze %dma_start3A_273 : memref<1x128xi32, #tpu.memory_space<vmem>> -> memref<128xi32, #tpu.memory_space<vmem>>
          %dma_start3A_275 = arith.constant 0 : i32
          %dma_start3A_276 = arith.constant 0 : i32
          %dma_start3A_277 = tpu.memref_slice %arg2[%dma_start3A_275, %dma_start3A_276] : memref<10240x128xf32, #tpu.memory_space<hbm>> -> memref<10240x128xf32, #tpu.memory_space<hbm>>
          %dma_start3A_278 = tpu.memref_slice %arg10[%select_n3A_269] : memref<2x!tpu.dma_semaphore, #tpu.memory_space<semaphore_mem>> -> memref<1x!tpu.dma_semaphore, #tpu.memory_space<semaphore_mem>>
          %dma_start3A_279 = tpu.memref_squeeze %dma_start3A_278 : memref<1x!tpu.dma_semaphore, #tpu.memory_space<semaphore_mem>> -> memref<!tpu.dma_semaphore, #tpu.memory_space<semaphore_mem>>
          tpu.enqueue_indirect_dma source(%dma_start3A_277 : memref<10240x128xf32, #tpu.memory_space<hbm>>) target(%dma_start3A_271 : memref<128x128xf32, #tpu.memory_space<vmem>>) offsets(%dma_start3A_274 : memref<128xi32, #tpu.memory_space<vmem>>) semaphore(%dma_start3A_279 : memref<!tpu.dma_semaphore, #tpu.memory_space<semaphore_mem>>)
        } else {
        }
        %scan3A_253 = arith.constant 0 : i32
        scf.yield %scan3A_253 : i32
      }
      %scan3A_205 = arith.constant 32 : i32
    } else {
    }
    %eq3A_20 = arith.constant 1 : i32
    %eq3A_21 = arith.cmpi eq, %arg0, %eq3A_20 : i32
    %convert_element_type3A_22 = arith.extui %eq3A_21 : i1 to i32
    %cond3A_23 = arith.constant 0 : i32
    %cond3A_24 = arith.cmpi ne, %convert_element_type3A_22, %cond3A_23 : i32
    scf.if %cond3A_24 {
      %mul3A_66 = arith.constant 160 : i32
      %mul3A_67 = arith.muli %arg1, %mul3A_66 : i32
      %add3A_68 = arith.constant 128 : i32
      %add3A_69 = arith.addi %mul3A_67, %add3A_68 : i32
      %add3A_70 = arith.constant 0 : i32
      %add3A_71 = arith.addi %add3A_69, %add3A_70 : i32
      "tpu.region"() ({
        %run_scoped3A = tpu.sem_alloc : memref<!tpu.dma_semaphore, #tpu.memory_space<semaphore_mem>>
        %dma_start3A_103 = arith.constant 0 : i32
        %dma_start3A_104 = tpu.memref_slice %arg3[%add3A_71, %dma_start3A_103] : memref<2720x128xi32, #tpu.memory_space<hbm>> -> memref<32x128xi32, #tpu.memory_space<hbm>>
        %dma_start3A_105 = arith.constant 0 : i32
        %dma_start3A_106 = tpu.memref_slice %arg3[%add3A_71, %dma_start3A_105] : memref<2720x128xi32, #tpu.memory_space<hbm>> -> memref<32x128xi32, #tpu.memory_space<hbm>>
        tpu.enqueue_dma source(%dma_start3A_106 : memref<32x128xi32, #tpu.memory_space<hbm>>) target(%arg7 : memref<32x128xi32, #tpu.memory_space<vmem>>) target_semaphore(%run_scoped3A : memref<!tpu.dma_semaphore, #tpu.memory_space<semaphore_mem>>)
        %dma_wait3A = arith.constant 0 : i32
        %dma_wait3A_107 = tpu.memref_slice %arg3[%add3A_71, %dma_wait3A] : memref<2720x128xi32, #tpu.memory_space<hbm>> -> memref<32x128xi32, #tpu.memory_space<hbm>>
        %dma_wait3A_108 = arith.constant 0 : i32
        %dma_wait3A_109 = tpu.memref_slice %arg3[%add3A_71, %dma_wait3A_108] : memref<2720x128xi32, #tpu.memory_space<hbm>> -> memref<32x128xi32, #tpu.memory_space<hbm>>
        tpu.wait_dma2 semaphore(%run_scoped3A : memref<!tpu.dma_semaphore, #tpu.memory_space<semaphore_mem>>) src(%dma_wait3A_109 : memref<32x128xi32, #tpu.memory_space<hbm>>) dst(%arg7 : memref<32x128xi32, #tpu.memory_space<vmem>>)
        tpu.yield
      }) : () -> ()
      "tpu.region"() ({
        %run_scoped3A = tpu.sem_alloc : memref<!tpu.dma_semaphore, #tpu.memory_space<semaphore_mem>>
        %dma_start3A_103 = arith.constant 0 : i32
        %dma_start3A_104 = tpu.memref_slice %arg4[%add3A_71, %dma_start3A_103] : memref<2720x128xi32, #tpu.memory_space<hbm>> -> memref<32x128xi32, #tpu.memory_space<hbm>>
        %dma_start3A_105 = arith.constant 0 : i32
        %dma_start3A_106 = tpu.memref_slice %arg4[%add3A_71, %dma_start3A_105] : memref<2720x128xi32, #tpu.memory_space<hbm>> -> memref<32x128xi32, #tpu.memory_space<hbm>>
        tpu.enqueue_dma source(%dma_start3A_106 : memref<32x128xi32, #tpu.memory_space<hbm>>) target(%arg8 : memref<32x128xi32, #tpu.memory_space<vmem>>) target_semaphore(%run_scoped3A : memref<!tpu.dma_semaphore, #tpu.memory_space<semaphore_mem>>)
        %dma_wait3A = arith.constant 0 : i32
        %dma_wait3A_107 = tpu.memref_slice %arg4[%add3A_71, %dma_wait3A] : memref<2720x128xi32, #tpu.memory_space<hbm>> -> memref<32x128xi32, #tpu.memory_space<hbm>>
        %dma_wait3A_108 = arith.constant 0 : i32
        %dma_wait3A_109 = tpu.memref_slice %arg4[%add3A_71, %dma_wait3A_108] : memref<2720x128xi32, #tpu.memory_space<hbm>> -> memref<32x128xi32, #tpu.memory_space<hbm>>
        tpu.wait_dma2 semaphore(%run_scoped3A : memref<!tpu.dma_semaphore, #tpu.memory_space<semaphore_mem>>) src(%dma_wait3A_109 : memref<32x128xi32, #tpu.memory_space<hbm>>) dst(%arg8 : memref<32x128xi32, #tpu.memory_space<vmem>>)
        tpu.yield
      }) : () -> ()
      %dma_start3A = arith.constant 0 : i32
      %dma_start3A_72 = arith.constant 0 : i32
      %dma_start3A_73 = arith.constant 0 : i32
      %dma_start3A_74 = arith.constant 0 : i32
      %dma_start3A_75 = tpu.memref_slice %arg9[%dma_start3A_73, %dma_start3A_74] : memref<256x128xf32, #tpu.memory_space<vmem>> -> memref<128x128xf32, #tpu.memory_space<vmem>>
      %dma_start3A_76 = arith.constant 0 : i32
      %dma_start3A_77 = tpu.memref_slice %arg7[%dma_start3A, %dma_start3A_76] : memref<32x128xi32, #tpu.memory_space<vmem>> -> memref<1x128xi32, #tpu.memory_space<vmem>>
      %dma_start3A_78 = tpu.memref_squeeze %dma_start3A_77 : memref<1x128xi32, #tpu.memory_space<vmem>> -> memref<128xi32, #tpu.memory_space<vmem>>
      %dma_start3A_79 = arith.constant 0 : i32
      %dma_start3A_80 = arith.constant 0 : i32
      %dma_start3A_81 = tpu.memref_slice %arg2[%dma_start3A_79, %dma_start3A_80] : memref<10240x128xf32, #tpu.memory_space<hbm>> -> memref<10240x128xf32, #tpu.memory_space<hbm>>
      %dma_start3A_82 = tpu.memref_slice %arg10[%dma_start3A_72] : memref<2x!tpu.dma_semaphore, #tpu.memory_space<semaphore_mem>> -> memref<1x!tpu.dma_semaphore, #tpu.memory_space<semaphore_mem>>
      %dma_start3A_83 = tpu.memref_squeeze %dma_start3A_82 : memref<1x!tpu.dma_semaphore, #tpu.memory_space<semaphore_mem>> -> memref<!tpu.dma_semaphore, #tpu.memory_space<semaphore_mem>>
      tpu.enqueue_indirect_dma source(%dma_start3A_81 : memref<10240x128xf32, #tpu.memory_space<hbm>>) target(%dma_start3A_75 : memref<128x128xf32, #tpu.memory_space<vmem>>) offsets(%dma_start3A_78 : memref<128xi32, #tpu.memory_space<vmem>>) semaphore(%dma_start3A_83 : memref<!tpu.dma_semaphore, #tpu.memory_space<semaphore_mem>>)
      %dma_start3A_84 = arith.constant 1 : i32
      %dma_start3A_85 = arith.constant 1 : i32
      %dma_start3A_86 = arith.constant 128 : i32
      %dma_start3A_87 = arith.constant 0 : i32
      %dma_start3A_88 = tpu.memref_slice %arg9[%dma_start3A_86, %dma_start3A_87] : memref<256x128xf32, #tpu.memory_space<vmem>> -> memref<128x128xf32, #tpu.memory_space<vmem>>
      %dma_start3A_89 = arith.constant 0 : i32
      %dma_start3A_90 = tpu.memref_slice %arg7[%dma_start3A_84, %dma_start3A_89] : memref<32x128xi32, #tpu.memory_space<vmem>> -> memref<1x128xi32, #tpu.memory_space<vmem>>
      %dma_start3A_91 = tpu.memref_squeeze %dma_start3A_90 : memref<1x128xi32, #tpu.memory_space<vmem>> -> memref<128xi32, #tpu.memory_space<vmem>>
      %dma_start3A_92 = arith.constant 0 : i32
      %dma_start3A_93 = arith.constant 0 : i32
      %dma_start3A_94 = tpu.memref_slice %arg2[%dma_start3A_92, %dma_start3A_93] : memref<10240x128xf32, #tpu.memory_space<hbm>> -> memref<10240x128xf32, #tpu.memory_space<hbm>>
      %dma_start3A_95 = tpu.memref_slice %arg10[%dma_start3A_85] : memref<2x!tpu.dma_semaphore, #tpu.memory_space<semaphore_mem>> -> memref<1x!tpu.dma_semaphore, #tpu.memory_space<semaphore_mem>>
      %dma_start3A_96 = tpu.memref_squeeze %dma_start3A_95 : memref<1x!tpu.dma_semaphore, #tpu.memory_space<semaphore_mem>> -> memref<!tpu.dma_semaphore, #tpu.memory_space<semaphore_mem>>
      tpu.enqueue_indirect_dma source(%dma_start3A_94 : memref<10240x128xf32, #tpu.memory_space<hbm>>) target(%dma_start3A_88 : memref<128x128xf32, #tpu.memory_space<vmem>>) offsets(%dma_start3A_91 : memref<128xi32, #tpu.memory_space<vmem>>) semaphore(%dma_start3A_96 : memref<!tpu.dma_semaphore, #tpu.memory_space<semaphore_mem>>)
      %scan3A = arith.constant 0 : i32
      %scan3A_97 = arith.constant 2 : i32
      %scan3A_98 = arith.constant 32 : i32
      %scan3A_99 = arith.addi %scan3A_97, %scan3A_98 : i32
      %scan3A_100 = arith.constant 1 : i32
      %scan3A_101 = scf.for %scan3A_103 = %scan3A_97 to %scan3A_99 step %scan3A_100 iter_args(%scan3A_104 = %scan3A) -> (i32)  : i32 {
        %jit3A = arith.constant 2 : i32
        %eq3A_105 = arith.constant 0 : i32
        %eq3A_106 = arith.cmpi eq, %jit3A, %eq3A_105 : i32
        %jit3A_107 = arith.constant 1 : i32
        %select_n3A = arith.select %eq3A_106, %jit3A_107, %jit3A : i32
        %rem3A = arith.remsi %scan3A_103, %select_n3A : i32
        %ne3A = arith.constant 0 : i32
        %ne3A_108 = arith.cmpi ne, %rem3A, %ne3A : i32
        %lt3A = arith.constant 0 : i32
        %lt3A_109 = arith.cmpi slt, %rem3A, %lt3A : i32
        %lt3A_110 = arith.constant 0 : i32
        %lt3A_111 = arith.cmpi slt, %select_n3A, %lt3A_110 : i32
        %ne3A_112 = arith.xori %lt3A_109, %lt3A_111 : i1
        %and3A = arith.andi %ne3A_112, %ne3A_108 : i1
        %add3A_113 = arith.addi %rem3A, %select_n3A : i32
        %select_n3A_114 = arith.select %and3A, %add3A_113, %rem3A : i32
        %mul3A_115 = arith.constant 128 : i32
        %mul3A_116 = arith.muli %select_n3A_114, %mul3A_115 : i32
        %jit3A_117 = arith.constant 2 : i32
        %eq3A_118 = arith.constant 0 : i32
        %eq3A_119 = arith.cmpi eq, %jit3A_117, %eq3A_118 : i32
        %jit3A_120 = arith.constant 1 : i32
        %select_n3A_121 = arith.select %eq3A_119, %jit3A_120, %jit3A_117 : i32
        %rem3A_122 = arith.remsi %scan3A_103, %select_n3A_121 : i32
        %ne3A_123 = arith.constant 0 : i32
        %ne3A_124 = arith.cmpi ne, %rem3A_122, %ne3A_123 : i32
        %lt3A_125 = arith.constant 0 : i32
        %lt3A_126 = arith.cmpi slt, %rem3A_122, %lt3A_125 : i32
        %lt3A_127 = arith.constant 0 : i32
        %lt3A_128 = arith.cmpi slt, %select_n3A_121, %lt3A_127 : i32
        %ne3A_129 = arith.xori %lt3A_126, %lt3A_128 : i1
        %and3A_130 = arith.andi %ne3A_129, %ne3A_124 : i1
        %add3A_131 = arith.addi %rem3A_122, %select_n3A_121 : i32
        %select_n3A_132 = arith.select %and3A_130, %add3A_131, %rem3A_122 : i32
        %dma_wait3A = arith.constant 0 : i32
        %dma_wait3A_133 = tpu.memref_slice %arg9[%mul3A_116, %dma_wait3A] : memref<256x128xf32, #tpu.memory_space<vmem>> -> memref<128x128xf32, #tpu.memory_space<vmem>>
        %dma_wait3A_134 = arith.constant 0 : i32
        %dma_wait3A_135 = arith.constant 0 : i32
        %dma_wait3A_136 = tpu.memref_slice %arg2[%dma_wait3A_134, %dma_wait3A_135] : memref<10240x128xf32, #tpu.memory_space<hbm>> -> memref<128x128xf32, #tpu.memory_space<hbm>>
        %dma_wait3A_137 = tpu.memref_slice %arg10[%select_n3A_132] : memref<2x!tpu.dma_semaphore, #tpu.memory_space<semaphore_mem>> -> memref<1x!tpu.dma_semaphore, #tpu.memory_space<semaphore_mem>>
        %dma_wait3A_138 = tpu.memref_squeeze %dma_wait3A_137 : memref<1x!tpu.dma_semaphore, #tpu.memory_space<semaphore_mem>> -> memref<!tpu.dma_semaphore, #tpu.memory_space<semaphore_mem>>
        %dma_wait3A_139 = arith.constant 0 : i32
        %dma_wait3A_140 = tpu.memref_slice %arg9[%mul3A_116, %dma_wait3A_139] : memref<256x128xf32, #tpu.memory_space<vmem>> -> memref<128x128xf32, #tpu.memory_space<vmem>>
        %dma_wait3A_141 = arith.constant 0 : i32
        %dma_wait3A_142 = arith.constant 0 : i32
        %dma_wait3A_143 = tpu.memref_slice %arg2[%dma_wait3A_141, %dma_wait3A_142] : memref<10240x128xf32, #tpu.memory_space<hbm>> -> memref<128x128xf32, #tpu.memory_space<hbm>>
        tpu.wait_dma2 semaphore(%dma_wait3A_138 : memref<!tpu.dma_semaphore, #tpu.memory_space<semaphore_mem>>) src(%dma_wait3A_143 : memref<128x128xf32, #tpu.memory_space<hbm>>) dst(%dma_wait3A_140 : memref<128x128xf32, #tpu.memory_space<vmem>>)
        %sub3A = arith.constant 2 : i32
        %sub3A_144 = arith.subi %scan3A_103, %sub3A : i32
        "tpu.region"() ({
          %run_scoped3A = tpu.sem_alloc : memref<!tpu.dma_semaphore, #tpu.memory_space<semaphore_mem>>
          %dma_start3A_151 = arith.constant 0 : i32
          %dma_start3A_152 = tpu.memref_slice %arg9[%mul3A_116, %dma_start3A_151] : memref<256x128xf32, #tpu.memory_space<vmem>> -> memref<128x128xf32, #tpu.memory_space<vmem>>
          %dma_start3A_153 = arith.constant 0 : i32
          %dma_start3A_154 = tpu.memref_slice %arg8[%sub3A_144, %dma_start3A_153] : memref<32x128xi32, #tpu.memory_space<vmem>> -> memref<1x128xi32, #tpu.memory_space<vmem>>
          %dma_start3A_155 = tpu.memref_squeeze %dma_start3A_154 : memref<1x128xi32, #tpu.memory_space<vmem>> -> memref<128xi32, #tpu.memory_space<vmem>>
          %dma_start3A_156 = arith.constant 0 : i32
          %dma_start3A_157 = arith.constant 0 : i32
          %dma_start3A_158 = tpu.memref_slice %arg11[%dma_start3A_156, %dma_start3A_157] : memref<10240x128xf32, #tpu.memory_space<vmem_shared>> -> memref<10240x128xf32, #tpu.memory_space<vmem_shared>>
          tpu.enqueue_indirect_dma source(%dma_start3A_152 : memref<128x128xf32, #tpu.memory_space<vmem>>) target(%dma_start3A_158 : memref<10240x128xf32, #tpu.memory_space<vmem_shared>>) offsets(%dma_start3A_155 : memref<128xi32, #tpu.memory_space<vmem>>) semaphore(%run_scoped3A : memref<!tpu.dma_semaphore, #tpu.memory_space<semaphore_mem>>) {add = true}
          %dma_wait3A_159 = arith.constant 0 : i32
          %dma_wait3A_160 = tpu.memref_slice %arg9[%mul3A_116, %dma_wait3A_159] : memref<256x128xf32, #tpu.memory_space<vmem>> -> memref<128x128xf32, #tpu.memory_space<vmem>>
          %dma_wait3A_161 = arith.constant 0 : i32
          %dma_wait3A_162 = tpu.memref_slice %arg8[%sub3A_144, %dma_wait3A_161] : memref<32x128xi32, #tpu.memory_space<vmem>> -> memref<1x128xi32, #tpu.memory_space<vmem>>
          %dma_wait3A_163 = tpu.memref_squeeze %dma_wait3A_162 : memref<1x128xi32, #tpu.memory_space<vmem>> -> memref<128xi32, #tpu.memory_space<vmem>>
          %dma_wait3A_164 = arith.constant 0 : i32
          %dma_wait3A_165 = arith.constant 0 : i32
          %dma_wait3A_166 = tpu.memref_slice %arg11[%dma_wait3A_164, %dma_wait3A_165] : memref<10240x128xf32, #tpu.memory_space<vmem_shared>> -> memref<10240x128xf32, #tpu.memory_space<vmem_shared>>
          tpu.wait_indirect_dma semaphore(%run_scoped3A : memref<!tpu.dma_semaphore, #tpu.memory_space<semaphore_mem>>) src(%dma_wait3A_160 : memref<128x128xf32, #tpu.memory_space<vmem>>) dst(%dma_wait3A_166 : memref<10240x128xf32, #tpu.memory_space<vmem_shared>>)
          tpu.yield
        }) : () -> ()
        %lt3A_145 = arith.constant 32 : i32
        %lt3A_146 = arith.cmpi slt, %scan3A_103, %lt3A_145 : i32
        %convert_element_type3A_147 = arith.extui %lt3A_146 : i1 to i32
        %cond3A_148 = arith.constant 0 : i32
        %cond3A_149 = arith.cmpi ne, %convert_element_type3A_147, %cond3A_148 : i32
        scf.if %cond3A_149 {
          %jit3A_151 = arith.constant 2 : i32
          %eq3A_152 = arith.constant 0 : i32
          %eq3A_153 = arith.cmpi eq, %jit3A_151, %eq3A_152 : i32
          %jit3A_154 = arith.constant 1 : i32
          %select_n3A_155 = arith.select %eq3A_153, %jit3A_154, %jit3A_151 : i32
          %rem3A_156 = arith.remsi %scan3A_103, %select_n3A_155 : i32
          %ne3A_157 = arith.constant 0 : i32
          %ne3A_158 = arith.cmpi ne, %rem3A_156, %ne3A_157 : i32
          %lt3A_159 = arith.constant 0 : i32
          %lt3A_160 = arith.cmpi slt, %rem3A_156, %lt3A_159 : i32
          %lt3A_161 = arith.constant 0 : i32
          %lt3A_162 = arith.cmpi slt, %select_n3A_155, %lt3A_161 : i32
          %ne3A_163 = arith.xori %lt3A_160, %lt3A_162 : i1
          %and3A_164 = arith.andi %ne3A_163, %ne3A_158 : i1
          %add3A_165 = arith.addi %rem3A_156, %select_n3A_155 : i32
          %select_n3A_166 = arith.select %and3A_164, %add3A_165, %rem3A_156 : i32
          %dma_start3A_167 = arith.constant 0 : i32
          %dma_start3A_168 = tpu.memref_slice %arg9[%mul3A_116, %dma_start3A_167] : memref<256x128xf32, #tpu.memory_space<vmem>> -> memref<128x128xf32, #tpu.memory_space<vmem>>
          %dma_start3A_169 = arith.constant 0 : i32
          %dma_start3A_170 = tpu.memref_slice %arg7[%scan3A_103, %dma_start3A_169] : memref<32x128xi32, #tpu.memory_space<vmem>> -> memref<1x128xi32, #tpu.memory_space<vmem>>
          %dma_start3A_171 = tpu.memref_squeeze %dma_start3A_170 : memref<1x128xi32, #tpu.memory_space<vmem>> -> memref<128xi32, #tpu.memory_space<vmem>>
          %dma_start3A_172 = arith.constant 0 : i32
          %dma_start3A_173 = arith.constant 0 : i32
          %dma_start3A_174 = tpu.memref_slice %arg2[%dma_start3A_172, %dma_start3A_173] : memref<10240x128xf32, #tpu.memory_space<hbm>> -> memref<10240x128xf32, #tpu.memory_space<hbm>>
          %dma_start3A_175 = tpu.memref_slice %arg10[%select_n3A_166] : memref<2x!tpu.dma_semaphore, #tpu.memory_space<semaphore_mem>> -> memref<1x!tpu.dma_semaphore, #tpu.memory_space<semaphore_mem>>
          %dma_start3A_176 = tpu.memref_squeeze %dma_start3A_175 : memref<1x!tpu.dma_semaphore, #tpu.memory_space<semaphore_mem>> -> memref<!tpu.dma_semaphore, #tpu.memory_space<semaphore_mem>>
          tpu.enqueue_indirect_dma source(%dma_start3A_174 : memref<10240x128xf32, #tpu.memory_space<hbm>>) target(%dma_start3A_168 : memref<128x128xf32, #tpu.memory_space<vmem>>) offsets(%dma_start3A_171 : memref<128xi32, #tpu.memory_space<vmem>>) semaphore(%dma_start3A_176 : memref<!tpu.dma_semaphore, #tpu.memory_space<semaphore_mem>>)
        } else {
        }
        %scan3A_150 = arith.constant 0 : i32
        scf.yield %scan3A_150 : i32
      }
      %scan3A_102 = arith.constant 32 : i32
    } else {
    }
    %barrier3A_25 = arith.constant 0 : index
    tpu.barrier barrier_id(%barrier3A_25)
    %mul3A_26 = arith.constant 640 : i32
    %mul3A_27 = arith.muli %arg1, %mul3A_26 : i32
    %add3A_28 = arith.constant 0 : i32
    %add3A_29 = arith.addi %mul3A_27, %add3A_28 : i32
    "tpu.region"() ({
      %run_scoped3A = tpu.sem_alloc : memref<!tpu.dma_semaphore, #tpu.memory_space<semaphore_mem>>
      %dma_start3A = arith.constant 0 : i32
      %dma_start3A_66 = arith.constant 0 : i32
      %dma_start3A_67 = tpu.memref_slice %arg9[%dma_start3A, %dma_start3A_66] : memref<256x128xf32, #tpu.memory_space<vmem>> -> memref<128x128xf32, #tpu.memory_space<vmem>>
      %dma_start3A_68 = arith.constant 0 : i32
      %dma_start3A_69 = tpu.memref_slice %arg11[%add3A_29, %dma_start3A_68] : memref<10240x128xf32, #tpu.memory_space<vmem_shared>> -> memref<128x128xf32, #tpu.memory_space<vmem_shared>>
      %dma_start3A_70 = arith.constant 0 : i32
      %dma_start3A_71 = arith.constant 0 : i32
      %dma_start3A_72 = tpu.memref_slice %arg9[%dma_start3A_70, %dma_start3A_71] : memref<256x128xf32, #tpu.memory_space<vmem>> -> memref<128x128xf32, #tpu.memory_space<vmem>>
      %dma_start3A_73 = arith.constant 0 : i32
      %dma_start3A_74 = tpu.memref_slice %arg11[%add3A_29, %dma_start3A_73] : memref<10240x128xf32, #tpu.memory_space<vmem_shared>> -> memref<128x128xf32, #tpu.memory_space<vmem_shared>>
      tpu.enqueue_dma source(%dma_start3A_74 : memref<128x128xf32, #tpu.memory_space<vmem_shared>>) target(%dma_start3A_72 : memref<128x128xf32, #tpu.memory_space<vmem>>) target_semaphore(%run_scoped3A : memref<!tpu.dma_semaphore, #tpu.memory_space<semaphore_mem>>)
      %dma_wait3A = arith.constant 0 : i32
      %dma_wait3A_75 = arith.constant 0 : i32
      %dma_wait3A_76 = tpu.memref_slice %arg9[%dma_wait3A, %dma_wait3A_75] : memref<256x128xf32, #tpu.memory_space<vmem>> -> memref<128x128xf32, #tpu.memory_space<vmem>>
      %dma_wait3A_77 = arith.constant 0 : i32
      %dma_wait3A_78 = tpu.memref_slice %arg11[%add3A_29, %dma_wait3A_77] : memref<10240x128xf32, #tpu.memory_space<vmem_shared>> -> memref<128x128xf32, #tpu.memory_space<vmem_shared>>
      %dma_wait3A_79 = arith.constant 0 : i32
      %dma_wait3A_80 = arith.constant 0 : i32
      %dma_wait3A_81 = tpu.memref_slice %arg9[%dma_wait3A_79, %dma_wait3A_80] : memref<256x128xf32, #tpu.memory_space<vmem>> -> memref<128x128xf32, #tpu.memory_space<vmem>>
      %dma_wait3A_82 = arith.constant 0 : i32
      %dma_wait3A_83 = tpu.memref_slice %arg11[%add3A_29, %dma_wait3A_82] : memref<10240x128xf32, #tpu.memory_space<vmem_shared>> -> memref<128x128xf32, #tpu.memory_space<vmem_shared>>
      tpu.wait_dma2 semaphore(%run_scoped3A : memref<!tpu.dma_semaphore, #tpu.memory_space<semaphore_mem>>) src(%dma_wait3A_83 : memref<128x128xf32, #tpu.memory_space<vmem_shared>>) dst(%dma_wait3A_81 : memref<128x128xf32, #tpu.memory_space<vmem>>)
      tpu.yield
    }) : () -> ()
    %mul3A_30 = arith.constant 640 : i32
    %mul3A_31 = arith.muli %arg1, %mul3A_30 : i32
    %add3A_32 = arith.constant 0 : i32
    %add3A_33 = arith.addi %mul3A_31, %add3A_32 : i32
    "tpu.region"() ({
      %run_scoped3A = tpu.sem_alloc : memref<!tpu.dma_semaphore, #tpu.memory_space<semaphore_mem>>
      %dma_start3A = arith.constant 0 : i32
      %dma_start3A_66 = arith.constant 0 : i32
      %dma_start3A_67 = tpu.memref_slice %arg9[%dma_start3A, %dma_start3A_66] : memref<256x128xf32, #tpu.memory_space<vmem>> -> memref<128x128xf32, #tpu.memory_space<vmem>>
      %dma_start3A_68 = arith.constant 0 : i32
      %dma_start3A_69 = tpu.memref_slice %arg6[%arg0, %add3A_33, %dma_start3A_68] : memref<2x10240x128xf32, #tpu.memory_space<hbm>> -> memref<1x128x128xf32, #tpu.memory_space<hbm>>
      %dma_start3A_70 = tpu.memref_squeeze %dma_start3A_69 : memref<1x128x128xf32, #tpu.memory_space<hbm>> -> memref<128x128xf32, #tpu.memory_space<hbm>>
      %dma_start3A_71 = arith.constant 0 : i32
      %dma_start3A_72 = tpu.memref_slice %arg6[%arg0, %add3A_33, %dma_start3A_71] : memref<2x10240x128xf32, #tpu.memory_space<hbm>> -> memref<1x128x128xf32, #tpu.memory_space<hbm>>
      %dma_start3A_73 = tpu.memref_squeeze %dma_start3A_72 : memref<1x128x128xf32, #tpu.memory_space<hbm>> -> memref<128x128xf32, #tpu.memory_space<hbm>>
      %dma_start3A_74 = arith.constant 0 : i32
      %dma_start3A_75 = arith.constant 0 : i32
      %dma_start3A_76 = tpu.memref_slice %arg9[%dma_start3A_74, %dma_start3A_75] : memref<256x128xf32, #tpu.memory_space<vmem>> -> memref<128x128xf32, #tpu.memory_space<vmem>>
      tpu.enqueue_dma source(%dma_start3A_76 : memref<128x128xf32, #tpu.memory_space<vmem>>) target(%dma_start3A_73 : memref<128x128xf32, #tpu.memory_space<hbm>>) target_semaphore(%run_scoped3A : memref<!tpu.dma_semaphore, #tpu.memory_space<semaphore_mem>>)
      %dma_wait3A = arith.constant 0 : i32
      %dma_wait3A_77 = arith.constant 0 : i32
      %dma_wait3A_78 = tpu.memref_slice %arg9[%dma_wait3A, %dma_wait3A_77] : memref<256x128xf32, #tpu.memory_space<vmem>> -> memref<128x128xf32, #tpu.memory_space<vmem>>
      %dma_wait3A_79 = arith.constant 0 : i32
      %dma_wait3A_80 = tpu.memref_slice %arg6[%arg0, %add3A_33, %dma_wait3A_79] : memref<2x10240x128xf32, #tpu.memory_space<hbm>> -> memref<1x128x128xf32, #tpu.memory_space<hbm>>
      %dma_wait3A_81 = tpu.memref_squeeze %dma_wait3A_80 : memref<1x128x128xf32, #tpu.memory_space<hbm>> -> memref<128x128xf32, #tpu.memory_space<hbm>>
      %dma_wait3A_82 = arith.constant 0 : i32
      %dma_wait3A_83 = tpu.memref_slice %arg6[%arg0, %add3A_33, %dma_wait3A_82] : memref<2x10240x128xf32, #tpu.memory_space<hbm>> -> memref<1x128x128xf32, #tpu.memory_space<hbm>>
      %dma_wait3A_84 = tpu.memref_squeeze %dma_wait3A_83 : memref<1x128x128xf32, #tpu.memory_space<hbm>> -> memref<128x128xf32, #tpu.memory_space<hbm>>
      %dma_wait3A_85 = arith.constant 0 : i32
      %dma_wait3A_86 = arith.constant 0 : i32
      %dma_wait3A_87 = tpu.memref_slice %arg9[%dma_wait3A_85, %dma_wait3A_86] : memref<256x128xf32, #tpu.memory_space<vmem>> -> memref<128x128xf32, #tpu.memory_space<vmem>>
      tpu.wait_dma2 semaphore(%run_scoped3A : memref<!tpu.dma_semaphore, #tpu.memory_space<semaphore_mem>>) src(%dma_wait3A_87 : memref<128x128xf32, #tpu.memory_space<vmem>>) dst(%dma_wait3A_84 : memref<128x128xf32, #tpu.memory_space<hbm>>)
      tpu.yield
    }) : () -> ()
    %mul3A_34 = arith.constant 640 : i32
    %mul3A_35 = arith.muli %arg1, %mul3A_34 : i32
    %add3A_36 = arith.constant 128 : i32
    %add3A_37 = arith.addi %mul3A_35, %add3A_36 : i32
    "tpu.region"() ({
      %run_scoped3A = tpu.sem_alloc : memref<!tpu.dma_semaphore, #tpu.memory_space<semaphore_mem>>
      %dma_start3A = arith.constant 0 : i32
      %dma_start3A_66 = arith.constant 0 : i32
      %dma_start3A_67 = tpu.memref_slice %arg9[%dma_start3A, %dma_start3A_66] : memref<256x128xf32, #tpu.memory_space<vmem>> -> memref<128x128xf32, #tpu.memory_space<vmem>>
      %dma_start3A_68 = arith.constant 0 : i32
      %dma_start3A_69 = tpu.memref_slice %arg11[%add3A_37, %dma_start3A_68] : memref<10240x128xf32, #tpu.memory_space<vmem_shared>> -> memref<128x128xf32, #tpu.memory_space<vmem_shared>>
      %dma_start3A_70 = arith.constant 0 : i32
      %dma_start3A_71 = arith.constant 0 : i32
      %dma_start3A_72 = tpu.memref_slice %arg9[%dma_start3A_70, %dma_start3A_71] : memref<256x128xf32, #tpu.memory_space<vmem>> -> memref<128x128xf32, #tpu.memory_space<vmem>>
      %dma_start3A_73 = arith.constant 0 : i32
      %dma_start3A_74 = tpu.memref_slice %arg11[%add3A_37, %dma_start3A_73] : memref<10240x128xf32, #tpu.memory_space<vmem_shared>> -> memref<128x128xf32, #tpu.memory_space<vmem_shared>>
      tpu.enqueue_dma source(%dma_start3A_74 : memref<128x128xf32, #tpu.memory_space<vmem_shared>>) target(%dma_start3A_72 : memref<128x128xf32, #tpu.memory_space<vmem>>) target_semaphore(%run_scoped3A : memref<!tpu.dma_semaphore, #tpu.memory_space<semaphore_mem>>)
      %dma_wait3A = arith.constant 0 : i32
      %dma_wait3A_75 = arith.constant 0 : i32
      %dma_wait3A_76 = tpu.memref_slice %arg9[%dma_wait3A, %dma_wait3A_75] : memref<256x128xf32, #tpu.memory_space<vmem>> -> memref<128x128xf32, #tpu.memory_space<vmem>>
      %dma_wait3A_77 = arith.constant 0 : i32
      %dma_wait3A_78 = tpu.memref_slice %arg11[%add3A_37, %dma_wait3A_77] : memref<10240x128xf32, #tpu.memory_space<vmem_shared>> -> memref<128x128xf32, #tpu.memory_space<vmem_shared>>
      %dma_wait3A_79 = arith.constant 0 : i32
      %dma_wait3A_80 = arith.constant 0 : i32
      %dma_wait3A_81 = tpu.memref_slice %arg9[%dma_wait3A_79, %dma_wait3A_80] : memref<256x128xf32, #tpu.memory_space<vmem>> -> memref<128x128xf32, #tpu.memory_space<vmem>>
      %dma_wait3A_82 = arith.constant 0 : i32
      %dma_wait3A_83 = tpu.memref_slice %arg11[%add3A_37, %dma_wait3A_82] : memref<10240x128xf32, #tpu.memory_space<vmem_shared>> -> memref<128x128xf32, #tpu.memory_space<vmem_shared>>
      tpu.wait_dma2 semaphore(%run_scoped3A : memref<!tpu.dma_semaphore, #tpu.memory_space<semaphore_mem>>) src(%dma_wait3A_83 : memref<128x128xf32, #tpu.memory_space<vmem_shared>>) dst(%dma_wait3A_81 : memref<128x128xf32, #tpu.memory_space<vmem>>)
      tpu.yield
    }) : () -> ()
    %mul3A_38 = arith.constant 640 : i32
    %mul3A_39 = arith.muli %arg1, %mul3A_38 : i32
    %add3A_40 = arith.constant 128 : i32
    %add3A_41 = arith.addi %mul3A_39, %add3A_40 : i32
    "tpu.region"() ({
      %run_scoped3A = tpu.sem_alloc : memref<!tpu.dma_semaphore, #tpu.memory_space<semaphore_mem>>
      %dma_start3A = arith.constant 0 : i32
      %dma_start3A_66 = arith.constant 0 : i32
      %dma_start3A_67 = tpu.memref_slice %arg9[%dma_start3A, %dma_start3A_66] : memref<256x128xf32, #tpu.memory_space<vmem>> -> memref<128x128xf32, #tpu.memory_space<vmem>>
      %dma_start3A_68 = arith.constant 0 : i32
      %dma_start3A_69 = tpu.memref_slice %arg6[%arg0, %add3A_41, %dma_start3A_68] : memref<2x10240x128xf32, #tpu.memory_space<hbm>> -> memref<1x128x128xf32, #tpu.memory_space<hbm>>
      %dma_start3A_70 = tpu.memref_squeeze %dma_start3A_69 : memref<1x128x128xf32, #tpu.memory_space<hbm>> -> memref<128x128xf32, #tpu.memory_space<hbm>>
      %dma_start3A_71 = arith.constant 0 : i32
      %dma_start3A_72 = tpu.memref_slice %arg6[%arg0, %add3A_41, %dma_start3A_71] : memref<2x10240x128xf32, #tpu.memory_space<hbm>> -> memref<1x128x128xf32, #tpu.memory_space<hbm>>
      %dma_start3A_73 = tpu.memref_squeeze %dma_start3A_72 : memref<1x128x128xf32, #tpu.memory_space<hbm>> -> memref<128x128xf32, #tpu.memory_space<hbm>>
      %dma_start3A_74 = arith.constant 0 : i32
      %dma_start3A_75 = arith.constant 0 : i32
      %dma_start3A_76 = tpu.memref_slice %arg9[%dma_start3A_74, %dma_start3A_75] : memref<256x128xf32, #tpu.memory_space<vmem>> -> memref<128x128xf32, #tpu.memory_space<vmem>>
      tpu.enqueue_dma source(%dma_start3A_76 : memref<128x128xf32, #tpu.memory_space<vmem>>) target(%dma_start3A_73 : memref<128x128xf32, #tpu.memory_space<hbm>>) target_semaphore(%run_scoped3A : memref<!tpu.dma_semaphore, #tpu.memory_space<semaphore_mem>>)
      %dma_wait3A = arith.constant 0 : i32
      %dma_wait3A_77 = arith.constant 0 : i32
      %dma_wait3A_78 = tpu.memref_slice %arg9[%dma_wait3A, %dma_wait3A_77] : memref<256x128xf32, #tpu.memory_space<vmem>> -> memref<128x128xf32, #tpu.memory_space<vmem>>
      %dma_wait3A_79 = arith.constant 0 : i32
      %dma_wait3A_80 = tpu.memref_slice %arg6[%arg0, %add3A_41, %dma_wait3A_79] : memref<2x10240x128xf32, #tpu.memory_space<hbm>> -> memref<1x128x128xf32, #tpu.memory_space<hbm>>
      %dma_wait3A_81 = tpu.memref_squeeze %dma_wait3A_80 : memref<1x128x128xf32, #tpu.memory_space<hbm>> -> memref<128x128xf32, #tpu.memory_space<hbm>>
      %dma_wait3A_82 = arith.constant 0 : i32
      %dma_wait3A_83 = tpu.memref_slice %arg6[%arg0, %add3A_41, %dma_wait3A_82] : memref<2x10240x128xf32, #tpu.memory_space<hbm>> -> memref<1x128x128xf32, #tpu.memory_space<hbm>>
      %dma_wait3A_84 = tpu.memref_squeeze %dma_wait3A_83 : memref<1x128x128xf32, #tpu.memory_space<hbm>> -> memref<128x128xf32, #tpu.memory_space<hbm>>
      %dma_wait3A_85 = arith.constant 0 : i32
      %dma_wait3A_86 = arith.constant 0 : i32
      %dma_wait3A_87 = tpu.memref_slice %arg9[%dma_wait3A_85, %dma_wait3A_86] : memref<256x128xf32, #tpu.memory_space<vmem>> -> memref<128x128xf32, #tpu.memory_space<vmem>>
      tpu.wait_dma2 semaphore(%run_scoped3A : memref<!tpu.dma_semaphore, #tpu.memory_space<semaphore_mem>>) src(%dma_wait3A_87 : memref<128x128xf32, #tpu.memory_space<vmem>>) dst(%dma_wait3A_84 : memref<128x128xf32, #tpu.memory_space<hbm>>)
      tpu.yield
    }) : () -> ()
    %mul3A_42 = arith.constant 640 : i32
    %mul3A_43 = arith.muli %arg1, %mul3A_42 : i32
    %add3A_44 = arith.constant 256 : i32
    %add3A_45 = arith.addi %mul3A_43, %add3A_44 : i32
    "tpu.region"() ({
      %run_scoped3A = tpu.sem_alloc : memref<!tpu.dma_semaphore, #tpu.memory_space<semaphore_mem>>
      %dma_start3A = arith.constant 0 : i32
      %dma_start3A_66 = arith.constant 0 : i32
      %dma_start3A_67 = tpu.memref_slice %arg9[%dma_start3A, %dma_start3A_66] : memref<256x128xf32, #tpu.memory_space<vmem>> -> memref<128x128xf32, #tpu.memory_space<vmem>>
      %dma_start3A_68 = arith.constant 0 : i32
      %dma_start3A_69 = tpu.memref_slice %arg11[%add3A_45, %dma_start3A_68] : memref<10240x128xf32, #tpu.memory_space<vmem_shared>> -> memref<128x128xf32, #tpu.memory_space<vmem_shared>>
      %dma_start3A_70 = arith.constant 0 : i32
      %dma_start3A_71 = arith.constant 0 : i32
      %dma_start3A_72 = tpu.memref_slice %arg9[%dma_start3A_70, %dma_start3A_71] : memref<256x128xf32, #tpu.memory_space<vmem>> -> memref<128x128xf32, #tpu.memory_space<vmem>>
      %dma_start3A_73 = arith.constant 0 : i32
      %dma_start3A_74 = tpu.memref_slice %arg11[%add3A_45, %dma_start3A_73] : memref<10240x128xf32, #tpu.memory_space<vmem_shared>> -> memref<128x128xf32, #tpu.memory_space<vmem_shared>>
      tpu.enqueue_dma source(%dma_start3A_74 : memref<128x128xf32, #tpu.memory_space<vmem_shared>>) target(%dma_start3A_72 : memref<128x128xf32, #tpu.memory_space<vmem>>) target_semaphore(%run_scoped3A : memref<!tpu.dma_semaphore, #tpu.memory_space<semaphore_mem>>)
      %dma_wait3A = arith.constant 0 : i32
      %dma_wait3A_75 = arith.constant 0 : i32
      %dma_wait3A_76 = tpu.memref_slice %arg9[%dma_wait3A, %dma_wait3A_75] : memref<256x128xf32, #tpu.memory_space<vmem>> -> memref<128x128xf32, #tpu.memory_space<vmem>>
      %dma_wait3A_77 = arith.constant 0 : i32
      %dma_wait3A_78 = tpu.memref_slice %arg11[%add3A_45, %dma_wait3A_77] : memref<10240x128xf32, #tpu.memory_space<vmem_shared>> -> memref<128x128xf32, #tpu.memory_space<vmem_shared>>
      %dma_wait3A_79 = arith.constant 0 : i32
      %dma_wait3A_80 = arith.constant 0 : i32
      %dma_wait3A_81 = tpu.memref_slice %arg9[%dma_wait3A_79, %dma_wait3A_80] : memref<256x128xf32, #tpu.memory_space<vmem>> -> memref<128x128xf32, #tpu.memory_space<vmem>>
      %dma_wait3A_82 = arith.constant 0 : i32
      %dma_wait3A_83 = tpu.memref_slice %arg11[%add3A_45, %dma_wait3A_82] : memref<10240x128xf32, #tpu.memory_space<vmem_shared>> -> memref<128x128xf32, #tpu.memory_space<vmem_shared>>
      tpu.wait_dma2 semaphore(%run_scoped3A : memref<!tpu.dma_semaphore, #tpu.memory_space<semaphore_mem>>) src(%dma_wait3A_83 : memref<128x128xf32, #tpu.memory_space<vmem_shared>>) dst(%dma_wait3A_81 : memref<128x128xf32, #tpu.memory_space<vmem>>)
      tpu.yield
    }) : () -> ()
    %mul3A_46 = arith.constant 640 : i32
    %mul3A_47 = arith.muli %arg1, %mul3A_46 : i32
    %add3A_48 = arith.constant 256 : i32
    %add3A_49 = arith.addi %mul3A_47, %add3A_48 : i32
    "tpu.region"() ({
      %run_scoped3A = tpu.sem_alloc : memref<!tpu.dma_semaphore, #tpu.memory_space<semaphore_mem>>
      %dma_start3A = arith.constant 0 : i32
      %dma_start3A_66 = arith.constant 0 : i32
      %dma_start3A_67 = tpu.memref_slice %arg9[%dma_start3A, %dma_start3A_66] : memref<256x128xf32, #tpu.memory_space<vmem>> -> memref<128x128xf32, #tpu.memory_space<vmem>>
      %dma_start3A_68 = arith.constant 0 : i32
      %dma_start3A_69 = tpu.memref_slice %arg6[%arg0, %add3A_49, %dma_start3A_68] : memref<2x10240x128xf32, #tpu.memory_space<hbm>> -> memref<1x128x128xf32, #tpu.memory_space<hbm>>
      %dma_start3A_70 = tpu.memref_squeeze %dma_start3A_69 : memref<1x128x128xf32, #tpu.memory_space<hbm>> -> memref<128x128xf32, #tpu.memory_space<hbm>>
      %dma_start3A_71 = arith.constant 0 : i32
      %dma_start3A_72 = tpu.memref_slice %arg6[%arg0, %add3A_49, %dma_start3A_71] : memref<2x10240x128xf32, #tpu.memory_space<hbm>> -> memref<1x128x128xf32, #tpu.memory_space<hbm>>
      %dma_start3A_73 = tpu.memref_squeeze %dma_start3A_72 : memref<1x128x128xf32, #tpu.memory_space<hbm>> -> memref<128x128xf32, #tpu.memory_space<hbm>>
      %dma_start3A_74 = arith.constant 0 : i32
      %dma_start3A_75 = arith.constant 0 : i32
      %dma_start3A_76 = tpu.memref_slice %arg9[%dma_start3A_74, %dma_start3A_75] : memref<256x128xf32, #tpu.memory_space<vmem>> -> memref<128x128xf32, #tpu.memory_space<vmem>>
      tpu.enqueue_dma source(%dma_start3A_76 : memref<128x128xf32, #tpu.memory_space<vmem>>) target(%dma_start3A_73 : memref<128x128xf32, #tpu.memory_space<hbm>>) target_semaphore(%run_scoped3A : memref<!tpu.dma_semaphore, #tpu.memory_space<semaphore_mem>>)
      %dma_wait3A = arith.constant 0 : i32
      %dma_wait3A_77 = arith.constant 0 : i32
      %dma_wait3A_78 = tpu.memref_slice %arg9[%dma_wait3A, %dma_wait3A_77] : memref<256x128xf32, #tpu.memory_space<vmem>> -> memref<128x128xf32, #tpu.memory_space<vmem>>
      %dma_wait3A_79 = arith.constant 0 : i32
      %dma_wait3A_80 = tpu.memref_slice %arg6[%arg0, %add3A_49, %dma_wait3A_79] : memref<2x10240x128xf32, #tpu.memory_space<hbm>> -> memref<1x128x128xf32, #tpu.memory_space<hbm>>
      %dma_wait3A_81 = tpu.memref_squeeze %dma_wait3A_80 : memref<1x128x128xf32, #tpu.memory_space<hbm>> -> memref<128x128xf32, #tpu.memory_space<hbm>>
      %dma_wait3A_82 = arith.constant 0 : i32
      %dma_wait3A_83 = tpu.memref_slice %arg6[%arg0, %add3A_49, %dma_wait3A_82] : memref<2x10240x128xf32, #tpu.memory_space<hbm>> -> memref<1x128x128xf32, #tpu.memory_space<hbm>>
      %dma_wait3A_84 = tpu.memref_squeeze %dma_wait3A_83 : memref<1x128x128xf32, #tpu.memory_space<hbm>> -> memref<128x128xf32, #tpu.memory_space<hbm>>
      %dma_wait3A_85 = arith.constant 0 : i32
      %dma_wait3A_86 = arith.constant 0 : i32
      %dma_wait3A_87 = tpu.memref_slice %arg9[%dma_wait3A_85, %dma_wait3A_86] : memref<256x128xf32, #tpu.memory_space<vmem>> -> memref<128x128xf32, #tpu.memory_space<vmem>>
      tpu.wait_dma2 semaphore(%run_scoped3A : memref<!tpu.dma_semaphore, #tpu.memory_space<semaphore_mem>>) src(%dma_wait3A_87 : memref<128x128xf32, #tpu.memory_space<vmem>>) dst(%dma_wait3A_84 : memref<128x128xf32, #tpu.memory_space<hbm>>)
      tpu.yield
    }) : () -> ()
    %mul3A_50 = arith.constant 640 : i32
    %mul3A_51 = arith.muli %arg1, %mul3A_50 : i32
    %add3A_52 = arith.constant 384 : i32
    %add3A_53 = arith.addi %mul3A_51, %add3A_52 : i32
    "tpu.region"() ({
      %run_scoped3A = tpu.sem_alloc : memref<!tpu.dma_semaphore, #tpu.memory_space<semaphore_mem>>
      %dma_start3A = arith.constant 0 : i32
      %dma_start3A_66 = arith.constant 0 : i32
      %dma_start3A_67 = tpu.memref_slice %arg9[%dma_start3A, %dma_start3A_66] : memref<256x128xf32, #tpu.memory_space<vmem>> -> memref<128x128xf32, #tpu.memory_space<vmem>>
      %dma_start3A_68 = arith.constant 0 : i32
      %dma_start3A_69 = tpu.memref_slice %arg11[%add3A_53, %dma_start3A_68] : memref<10240x128xf32, #tpu.memory_space<vmem_shared>> -> memref<128x128xf32, #tpu.memory_space<vmem_shared>>
      %dma_start3A_70 = arith.constant 0 : i32
      %dma_start3A_71 = arith.constant 0 : i32
      %dma_start3A_72 = tpu.memref_slice %arg9[%dma_start3A_70, %dma_start3A_71] : memref<256x128xf32, #tpu.memory_space<vmem>> -> memref<128x128xf32, #tpu.memory_space<vmem>>
      %dma_start3A_73 = arith.constant 0 : i32
      %dma_start3A_74 = tpu.memref_slice %arg11[%add3A_53, %dma_start3A_73] : memref<10240x128xf32, #tpu.memory_space<vmem_shared>> -> memref<128x128xf32, #tpu.memory_space<vmem_shared>>
      tpu.enqueue_dma source(%dma_start3A_74 : memref<128x128xf32, #tpu.memory_space<vmem_shared>>) target(%dma_start3A_72 : memref<128x128xf32, #tpu.memory_space<vmem>>) target_semaphore(%run_scoped3A : memref<!tpu.dma_semaphore, #tpu.memory_space<semaphore_mem>>)
      %dma_wait3A = arith.constant 0 : i32
      %dma_wait3A_75 = arith.constant 0 : i32
      %dma_wait3A_76 = tpu.memref_slice %arg9[%dma_wait3A, %dma_wait3A_75] : memref<256x128xf32, #tpu.memory_space<vmem>> -> memref<128x128xf32, #tpu.memory_space<vmem>>
      %dma_wait3A_77 = arith.constant 0 : i32
      %dma_wait3A_78 = tpu.memref_slice %arg11[%add3A_53, %dma_wait3A_77] : memref<10240x128xf32, #tpu.memory_space<vmem_shared>> -> memref<128x128xf32, #tpu.memory_space<vmem_shared>>
      %dma_wait3A_79 = arith.constant 0 : i32
      %dma_wait3A_80 = arith.constant 0 : i32
      %dma_wait3A_81 = tpu.memref_slice %arg9[%dma_wait3A_79, %dma_wait3A_80] : memref<256x128xf32, #tpu.memory_space<vmem>> -> memref<128x128xf32, #tpu.memory_space<vmem>>
      %dma_wait3A_82 = arith.constant 0 : i32
      %dma_wait3A_83 = tpu.memref_slice %arg11[%add3A_53, %dma_wait3A_82] : memref<10240x128xf32, #tpu.memory_space<vmem_shared>> -> memref<128x128xf32, #tpu.memory_space<vmem_shared>>
      tpu.wait_dma2 semaphore(%run_scoped3A : memref<!tpu.dma_semaphore, #tpu.memory_space<semaphore_mem>>) src(%dma_wait3A_83 : memref<128x128xf32, #tpu.memory_space<vmem_shared>>) dst(%dma_wait3A_81 : memref<128x128xf32, #tpu.memory_space<vmem>>)
      tpu.yield
    }) : () -> ()
    %mul3A_54 = arith.constant 640 : i32
    %mul3A_55 = arith.muli %arg1, %mul3A_54 : i32
    %add3A_56 = arith.constant 384 : i32
    %add3A_57 = arith.addi %mul3A_55, %add3A_56 : i32
    "tpu.region"() ({
      %run_scoped3A = tpu.sem_alloc : memref<!tpu.dma_semaphore, #tpu.memory_space<semaphore_mem>>
      %dma_start3A = arith.constant 0 : i32
      %dma_start3A_66 = arith.constant 0 : i32
      %dma_start3A_67 = tpu.memref_slice %arg9[%dma_start3A, %dma_start3A_66] : memref<256x128xf32, #tpu.memory_space<vmem>> -> memref<128x128xf32, #tpu.memory_space<vmem>>
      %dma_start3A_68 = arith.constant 0 : i32
      %dma_start3A_69 = tpu.memref_slice %arg6[%arg0, %add3A_57, %dma_start3A_68] : memref<2x10240x128xf32, #tpu.memory_space<hbm>> -> memref<1x128x128xf32, #tpu.memory_space<hbm>>
      %dma_start3A_70 = tpu.memref_squeeze %dma_start3A_69 : memref<1x128x128xf32, #tpu.memory_space<hbm>> -> memref<128x128xf32, #tpu.memory_space<hbm>>
      %dma_start3A_71 = arith.constant 0 : i32
      %dma_start3A_72 = tpu.memref_slice %arg6[%arg0, %add3A_57, %dma_start3A_71] : memref<2x10240x128xf32, #tpu.memory_space<hbm>> -> memref<1x128x128xf32, #tpu.memory_space<hbm>>
      %dma_start3A_73 = tpu.memref_squeeze %dma_start3A_72 : memref<1x128x128xf32, #tpu.memory_space<hbm>> -> memref<128x128xf32, #tpu.memory_space<hbm>>
      %dma_start3A_74 = arith.constant 0 : i32
      %dma_start3A_75 = arith.constant 0 : i32
      %dma_start3A_76 = tpu.memref_slice %arg9[%dma_start3A_74, %dma_start3A_75] : memref<256x128xf32, #tpu.memory_space<vmem>> -> memref<128x128xf32, #tpu.memory_space<vmem>>
      tpu.enqueue_dma source(%dma_start3A_76 : memref<128x128xf32, #tpu.memory_space<vmem>>) target(%dma_start3A_73 : memref<128x128xf32, #tpu.memory_space<hbm>>) target_semaphore(%run_scoped3A : memref<!tpu.dma_semaphore, #tpu.memory_space<semaphore_mem>>)
      %dma_wait3A = arith.constant 0 : i32
      %dma_wait3A_77 = arith.constant 0 : i32
      %dma_wait3A_78 = tpu.memref_slice %arg9[%dma_wait3A, %dma_wait3A_77] : memref<256x128xf32, #tpu.memory_space<vmem>> -> memref<128x128xf32, #tpu.memory_space<vmem>>
      %dma_wait3A_79 = arith.constant 0 : i32
      %dma_wait3A_80 = tpu.memref_slice %arg6[%arg0, %add3A_57, %dma_wait3A_79] : memref<2x10240x128xf32, #tpu.memory_space<hbm>> -> memref<1x128x128xf32, #tpu.memory_space<hbm>>
      %dma_wait3A_81 = tpu.memref_squeeze %dma_wait3A_80 : memref<1x128x128xf32, #tpu.memory_space<hbm>> -> memref<128x128xf32, #tpu.memory_space<hbm>>
      %dma_wait3A_82 = arith.constant 0 : i32
      %dma_wait3A_83 = tpu.memref_slice %arg6[%arg0, %add3A_57, %dma_wait3A_82] : memref<2x10240x128xf32, #tpu.memory_space<hbm>> -> memref<1x128x128xf32, #tpu.memory_space<hbm>>
      %dma_wait3A_84 = tpu.memref_squeeze %dma_wait3A_83 : memref<1x128x128xf32, #tpu.memory_space<hbm>> -> memref<128x128xf32, #tpu.memory_space<hbm>>
      %dma_wait3A_85 = arith.constant 0 : i32
      %dma_wait3A_86 = arith.constant 0 : i32
      %dma_wait3A_87 = tpu.memref_slice %arg9[%dma_wait3A_85, %dma_wait3A_86] : memref<256x128xf32, #tpu.memory_space<vmem>> -> memref<128x128xf32, #tpu.memory_space<vmem>>
      tpu.wait_dma2 semaphore(%run_scoped3A : memref<!tpu.dma_semaphore, #tpu.memory_space<semaphore_mem>>) src(%dma_wait3A_87 : memref<128x128xf32, #tpu.memory_space<vmem>>) dst(%dma_wait3A_84 : memref<128x128xf32, #tpu.memory_space<hbm>>)
      tpu.yield
    }) : () -> ()
    %mul3A_58 = arith.constant 640 : i32
    %mul3A_59 = arith.muli %arg1, %mul3A_58 : i32
    %add3A_60 = arith.constant 512 : i32
    %add3A_61 = arith.addi %mul3A_59, %add3A_60 : i32
    "tpu.region"() ({
      %run_scoped3A = tpu.sem_alloc : memref<!tpu.dma_semaphore, #tpu.memory_space<semaphore_mem>>
      %dma_start3A = arith.constant 0 : i32
      %dma_start3A_66 = arith.constant 0 : i32
      %dma_start3A_67 = tpu.memref_slice %arg9[%dma_start3A, %dma_start3A_66] : memref<256x128xf32, #tpu.memory_space<vmem>> -> memref<128x128xf32, #tpu.memory_space<vmem>>
      %dma_start3A_68 = arith.constant 0 : i32
      %dma_start3A_69 = tpu.memref_slice %arg11[%add3A_61, %dma_start3A_68] : memref<10240x128xf32, #tpu.memory_space<vmem_shared>> -> memref<128x128xf32, #tpu.memory_space<vmem_shared>>
      %dma_start3A_70 = arith.constant 0 : i32
      %dma_start3A_71 = arith.constant 0 : i32
      %dma_start3A_72 = tpu.memref_slice %arg9[%dma_start3A_70, %dma_start3A_71] : memref<256x128xf32, #tpu.memory_space<vmem>> -> memref<128x128xf32, #tpu.memory_space<vmem>>
      %dma_start3A_73 = arith.constant 0 : i32
      %dma_start3A_74 = tpu.memref_slice %arg11[%add3A_61, %dma_start3A_73] : memref<10240x128xf32, #tpu.memory_space<vmem_shared>> -> memref<128x128xf32, #tpu.memory_space<vmem_shared>>
      tpu.enqueue_dma source(%dma_start3A_74 : memref<128x128xf32, #tpu.memory_space<vmem_shared>>) target(%dma_start3A_72 : memref<128x128xf32, #tpu.memory_space<vmem>>) target_semaphore(%run_scoped3A : memref<!tpu.dma_semaphore, #tpu.memory_space<semaphore_mem>>)
      %dma_wait3A = arith.constant 0 : i32
      %dma_wait3A_75 = arith.constant 0 : i32
      %dma_wait3A_76 = tpu.memref_slice %arg9[%dma_wait3A, %dma_wait3A_75] : memref<256x128xf32, #tpu.memory_space<vmem>> -> memref<128x128xf32, #tpu.memory_space<vmem>>
      %dma_wait3A_77 = arith.constant 0 : i32
      %dma_wait3A_78 = tpu.memref_slice %arg11[%add3A_61, %dma_wait3A_77] : memref<10240x128xf32, #tpu.memory_space<vmem_shared>> -> memref<128x128xf32, #tpu.memory_space<vmem_shared>>
      %dma_wait3A_79 = arith.constant 0 : i32
      %dma_wait3A_80 = arith.constant 0 : i32
      %dma_wait3A_81 = tpu.memref_slice %arg9[%dma_wait3A_79, %dma_wait3A_80] : memref<256x128xf32, #tpu.memory_space<vmem>> -> memref<128x128xf32, #tpu.memory_space<vmem>>
      %dma_wait3A_82 = arith.constant 0 : i32
      %dma_wait3A_83 = tpu.memref_slice %arg11[%add3A_61, %dma_wait3A_82] : memref<10240x128xf32, #tpu.memory_space<vmem_shared>> -> memref<128x128xf32, #tpu.memory_space<vmem_shared>>
      tpu.wait_dma2 semaphore(%run_scoped3A : memref<!tpu.dma_semaphore, #tpu.memory_space<semaphore_mem>>) src(%dma_wait3A_83 : memref<128x128xf32, #tpu.memory_space<vmem_shared>>) dst(%dma_wait3A_81 : memref<128x128xf32, #tpu.memory_space<vmem>>)
      tpu.yield
    }) : () -> ()
    %mul3A_62 = arith.constant 640 : i32
    %mul3A_63 = arith.muli %arg1, %mul3A_62 : i32
    %add3A_64 = arith.constant 512 : i32
    %add3A_65 = arith.addi %mul3A_63, %add3A_64 : i32
    "tpu.region"() ({
      %run_scoped3A = tpu.sem_alloc : memref<!tpu.dma_semaphore, #tpu.memory_space<semaphore_mem>>
      %dma_start3A = arith.constant 0 : i32
      %dma_start3A_66 = arith.constant 0 : i32
      %dma_start3A_67 = tpu.memref_slice %arg9[%dma_start3A, %dma_start3A_66] : memref<256x128xf32, #tpu.memory_space<vmem>> -> memref<128x128xf32, #tpu.memory_space<vmem>>
      %dma_start3A_68 = arith.constant 0 : i32
      %dma_start3A_69 = tpu.memref_slice %arg6[%arg0, %add3A_65, %dma_start3A_68] : memref<2x10240x128xf32, #tpu.memory_space<hbm>> -> memref<1x128x128xf32, #tpu.memory_space<hbm>>
      %dma_start3A_70 = tpu.memref_squeeze %dma_start3A_69 : memref<1x128x128xf32, #tpu.memory_space<hbm>> -> memref<128x128xf32, #tpu.memory_space<hbm>>
      %dma_start3A_71 = arith.constant 0 : i32
      %dma_start3A_72 = tpu.memref_slice %arg6[%arg0, %add3A_65, %dma_start3A_71] : memref<2x10240x128xf32, #tpu.memory_space<hbm>> -> memref<1x128x128xf32, #tpu.memory_space<hbm>>
      %dma_start3A_73 = tpu.memref_squeeze %dma_start3A_72 : memref<1x128x128xf32, #tpu.memory_space<hbm>> -> memref<128x128xf32, #tpu.memory_space<hbm>>
      %dma_start3A_74 = arith.constant 0 : i32
      %dma_start3A_75 = arith.constant 0 : i32
      %dma_start3A_76 = tpu.memref_slice %arg9[%dma_start3A_74, %dma_start3A_75] : memref<256x128xf32, #tpu.memory_space<vmem>> -> memref<128x128xf32, #tpu.memory_space<vmem>>
      tpu.enqueue_dma source(%dma_start3A_76 : memref<128x128xf32, #tpu.memory_space<vmem>>) target(%dma_start3A_73 : memref<128x128xf32, #tpu.memory_space<hbm>>) target_semaphore(%run_scoped3A : memref<!tpu.dma_semaphore, #tpu.memory_space<semaphore_mem>>)
      %dma_wait3A = arith.constant 0 : i32
      %dma_wait3A_77 = arith.constant 0 : i32
      %dma_wait3A_78 = tpu.memref_slice %arg9[%dma_wait3A, %dma_wait3A_77] : memref<256x128xf32, #tpu.memory_space<vmem>> -> memref<128x128xf32, #tpu.memory_space<vmem>>
      %dma_wait3A_79 = arith.constant 0 : i32
      %dma_wait3A_80 = tpu.memref_slice %arg6[%arg0, %add3A_65, %dma_wait3A_79] : memref<2x10240x128xf32, #tpu.memory_space<hbm>> -> memref<1x128x128xf32, #tpu.memory_space<hbm>>
      %dma_wait3A_81 = tpu.memref_squeeze %dma_wait3A_80 : memref<1x128x128xf32, #tpu.memory_space<hbm>> -> memref<128x128xf32, #tpu.memory_space<hbm>>
      %dma_wait3A_82 = arith.constant 0 : i32
      %dma_wait3A_83 = tpu.memref_slice %arg6[%arg0, %add3A_65, %dma_wait3A_82] : memref<2x10240x128xf32, #tpu.memory_space<hbm>> -> memref<1x128x128xf32, #tpu.memory_space<hbm>>
      %dma_wait3A_84 = tpu.memref_squeeze %dma_wait3A_83 : memref<1x128x128xf32, #tpu.memory_space<hbm>> -> memref<128x128xf32, #tpu.memory_space<hbm>>
      %dma_wait3A_85 = arith.constant 0 : i32
      %dma_wait3A_86 = arith.constant 0 : i32
      %dma_wait3A_87 = tpu.memref_slice %arg9[%dma_wait3A_85, %dma_wait3A_86] : memref<256x128xf32, #tpu.memory_space<vmem>> -> memref<128x128xf32, #tpu.memory_space<vmem>>
      tpu.wait_dma2 semaphore(%run_scoped3A : memref<!tpu.dma_semaphore, #tpu.memory_space<semaphore_mem>>) src(%dma_wait3A_87 : memref<128x128xf32, #tpu.memory_space<vmem>>) dst(%dma_wait3A_84 : memref<128x128xf32, #tpu.memory_space<hbm>>)
      tpu.yield
    }) : () -> ()
    return
  }
}

#map = affine_map<(d0, d1) -> (0, 0)>
#map1 = affine_map<(d0, d1) -> (0, 0, 0)>
module attributes {stable_mosaic.version = 14 : i64} {
  func.func @_deg_sc(%arg0: i32, %arg1: i32, %arg2: memref<2720x128xi32, #tpu.memory_space<hbm>>, %arg3: memref<32x80x128xf32, #tpu.memory_space<hbm>>, %arg4: memref<80x128xi32, #tpu.memory_space<vmem>>, %arg5: memref<80x128xf32, #tpu.memory_space<vmem>>) attributes {dimension_semantics = [#tpu.dimension_semantics<core_parallel>, #tpu.dimension_semantics<subcore_parallel>], iteration_bounds = array<i64: 2, 16>, scalar_prefetch = 0 : i64, scratch_operands = 2 : i64, tpu.core_type = #tpu.core_type<sc_vector_subcore>, window_params = [{transform_indices = #map}, {transform_indices = #map1}]} {
    %mul3A = arith.constant 16 : i32
    %mul3A_0 = arith.muli %arg0, %mul3A : i32
    %add3A = arith.addi %mul3A_0, %arg1 : i32
    %mul3A_1 = arith.constant 80 : i32
    %mul3A_2 = arith.muli %add3A, %mul3A_1 : i32
    "tpu.region"() ({
      %run_scoped3A = tpu.sem_alloc : memref<!tpu.dma_semaphore, #tpu.memory_space<semaphore_mem>>
      %dma_start3A = arith.constant 0 : i32
      %dma_start3A_19 = tpu.memref_slice %arg2[%mul3A_2, %dma_start3A] : memref<2720x128xi32, #tpu.memory_space<hbm>> -> memref<80x128xi32, #tpu.memory_space<hbm>>
      %dma_start3A_20 = arith.constant 0 : i32
      %dma_start3A_21 = tpu.memref_slice %arg2[%mul3A_2, %dma_start3A_20] : memref<2720x128xi32, #tpu.memory_space<hbm>> -> memref<80x128xi32, #tpu.memory_space<hbm>>
      tpu.enqueue_dma source(%dma_start3A_21 : memref<80x128xi32, #tpu.memory_space<hbm>>) target(%arg4 : memref<80x128xi32, #tpu.memory_space<vmem>>) target_semaphore(%run_scoped3A : memref<!tpu.dma_semaphore, #tpu.memory_space<semaphore_mem>>)
      %dma_wait3A = arith.constant 0 : i32
      %dma_wait3A_22 = tpu.memref_slice %arg2[%mul3A_2, %dma_wait3A] : memref<2720x128xi32, #tpu.memory_space<hbm>> -> memref<80x128xi32, #tpu.memory_space<hbm>>
      %dma_wait3A_23 = arith.constant 0 : i32
      %dma_wait3A_24 = tpu.memref_slice %arg2[%mul3A_2, %dma_wait3A_23] : memref<2720x128xi32, #tpu.memory_space<hbm>> -> memref<80x128xi32, #tpu.memory_space<hbm>>
      tpu.wait_dma2 semaphore(%run_scoped3A : memref<!tpu.dma_semaphore, #tpu.memory_space<semaphore_mem>>) src(%dma_wait3A_24 : memref<80x128xi32, #tpu.memory_space<hbm>>) dst(%arg4 : memref<80x128xi32, #tpu.memory_space<vmem>>)
      tpu.yield
    }) : () -> ()
    %broadcast_in_dim3A = arith.constant 0.000000e+00 : f32
    %broadcast_in_dim3A_3 = vector.broadcast %broadcast_in_dim3A : f32 to vector<16xf32>
    %scan3A = arith.constant 0 : i32
    %scan3A_4 = arith.constant 0 : i32
    %scan3A_5 = arith.constant 80 : i32
    %scan3A_6 = arith.addi %scan3A_4, %scan3A_5 : i32
    %scan3A_7 = arith.constant 1 : i32
    %scan3A_8 = scf.for %scan3A_19 = %scan3A_4 to %scan3A_6 step %scan3A_7 iter_args(%scan3A_20 = %scan3A) -> (i32)  : i32 {
      %swap3A = arith.index_cast %scan3A_19 : i32 to index
      %swap3A_21 = arith.constant 0 : index
      %swap3A_22 = tpu.vector_load %arg5[%swap3A, %swap3A_21] {strides = array<i32>} : memref<80x128xf32, #tpu.memory_space<vmem>>, vector<16xf32>,
      tpu.vector_store %arg5[%swap3A, %swap3A_21], %broadcast_in_dim3A_3 {strides = array<i32>} : memref<80x128xf32, #tpu.memory_space<vmem>>, vector<16xf32>,
      %swap3A_23 = arith.index_cast %scan3A_19 : i32 to index
      %swap3A_24 = arith.constant 16 : index
      %swap3A_25 = tpu.vector_load %arg5[%swap3A_23, %swap3A_24] {strides = array<i32>} : memref<80x128xf32, #tpu.memory_space<vmem>>, vector<16xf32>,
      tpu.vector_store %arg5[%swap3A_23, %swap3A_24], %broadcast_in_dim3A_3 {strides = array<i32>} : memref<80x128xf32, #tpu.memory_space<vmem>>, vector<16xf32>,
      %swap3A_26 = arith.index_cast %scan3A_19 : i32 to index
      %swap3A_27 = arith.constant 32 : index
      %swap3A_28 = tpu.vector_load %arg5[%swap3A_26, %swap3A_27] {strides = array<i32>} : memref<80x128xf32, #tpu.memory_space<vmem>>, vector<16xf32>,
      tpu.vector_store %arg5[%swap3A_26, %swap3A_27], %broadcast_in_dim3A_3 {strides = array<i32>} : memref<80x128xf32, #tpu.memory_space<vmem>>, vector<16xf32>,
      %swap3A_29 = arith.index_cast %scan3A_19 : i32 to index
      %swap3A_30 = arith.constant 48 : index
      %swap3A_31 = tpu.vector_load %arg5[%swap3A_29, %swap3A_30] {strides = array<i32>} : memref<80x128xf32, #tpu.memory_space<vmem>>, vector<16xf32>,
      tpu.vector_store %arg5[%swap3A_29, %swap3A_30], %broadcast_in_dim3A_3 {strides = array<i32>} : memref<80x128xf32, #tpu.memory_space<vmem>>, vector<16xf32>,
      %swap3A_32 = arith.index_cast %scan3A_19 : i32 to index
      %swap3A_33 = arith.constant 64 : index
      %swap3A_34 = tpu.vector_load %arg5[%swap3A_32, %swap3A_33] {strides = array<i32>} : memref<80x128xf32, #tpu.memory_space<vmem>>, vector<16xf32>,
      tpu.vector_store %arg5[%swap3A_32, %swap3A_33], %broadcast_in_dim3A_3 {strides = array<i32>} : memref<80x128xf32, #tpu.memory_space<vmem>>, vector<16xf32>,
      %swap3A_35 = arith.index_cast %scan3A_19 : i32 to index
      %swap3A_36 = arith.constant 80 : index
      %swap3A_37 = tpu.vector_load %arg5[%swap3A_35, %swap3A_36] {strides = array<i32>} : memref<80x128xf32, #tpu.memory_space<vmem>>, vector<16xf32>,
      tpu.vector_store %arg5[%swap3A_35, %swap3A_36], %broadcast_in_dim3A_3 {strides = array<i32>} : memref<80x128xf32, #tpu.memory_space<vmem>>, vector<16xf32>,
      %swap3A_38 = arith.index_cast %scan3A_19 : i32 to index
      %swap3A_39 = arith.constant 96 : index
      %swap3A_40 = tpu.vector_load %arg5[%swap3A_38, %swap3A_39] {strides = array<i32>} : memref<80x128xf32, #tpu.memory_space<vmem>>, vector<16xf32>,
      tpu.vector_store %arg5[%swap3A_38, %swap3A_39], %broadcast_in_dim3A_3 {strides = array<i32>} : memref<80x128xf32, #tpu.memory_space<vmem>>, vector<16xf32>,
      %swap3A_41 = arith.index_cast %scan3A_19 : i32 to index
      %swap3A_42 = arith.constant 112 : index
      %swap3A_43 = tpu.vector_load %arg5[%swap3A_41, %swap3A_42] {strides = array<i32>} : memref<80x128xf32, #tpu.memory_space<vmem>>, vector<16xf32>,
      tpu.vector_store %arg5[%swap3A_41, %swap3A_42], %broadcast_in_dim3A_3 {strides = array<i32>} : memref<80x128xf32, #tpu.memory_space<vmem>>, vector<16xf32>,
      %scan3A_44 = arith.constant 0 : i32
      scf.yield %scan3A_44 : i32
    }
    %scan3A_9 = arith.constant 80 : i32
    %broadcast_in_dim3A_10 = arith.constant 1.000000e+00 : f32
    %broadcast_in_dim3A_11 = vector.broadcast %broadcast_in_dim3A_10 : f32 to vector<16xf32>
    %scan3A_12 = arith.constant 0 : i32
    %scan3A_13 = arith.constant 0 : i32
    %scan3A_14 = arith.constant 80 : i32
    %scan3A_15 = arith.addi %scan3A_13, %scan3A_14 : i32
    %scan3A_16 = arith.constant 1 : i32
    %scan3A_17 = scf.for %scan3A_19 = %scan3A_13 to %scan3A_15 step %scan3A_16 iter_args(%scan3A_20 = %scan3A_12) -> (i32)  : i32 {
      %get3A = arith.index_cast %scan3A_19 : i32 to index
      %get3A_21 = arith.constant 0 : index
      %get3A_22 = tpu.vector_load %arg4[%get3A, %get3A_21] {strides = array<i32>} : memref<80x128xi32, #tpu.memory_space<vmem>>, vector<16xi32>,
      %shift_right_arithmetic3A = arith.constant 7 : i32
      %shift_right_arithmetic3A_23 = vector.broadcast %shift_right_arithmetic3A : i32 to vector<16xi32>
      %shift_right_arithmetic3A_24 = arith.shrsi %get3A_22, %shift_right_arithmetic3A_23 : vector<16xi32>
      %and3A = arith.constant 127 : i32
      %and3A_25 = vector.broadcast %and3A : i32 to vector<16xi32>
      %and3A_26 = arith.andi %get3A_22, %and3A_25 : vector<16xi32>
      tpu.vector_store_idx %arg5[%shift_right_arithmetic3A_24, %and3A_26], %broadcast_in_dim3A_11 {add = true} : memref<80x128xf32, #tpu.memory_space<vmem>>[vector<16xi32>, vector<16xi32>], vector<16xf32>,
      %get3A_27 = arith.index_cast %scan3A_19 : i32 to index
      %get3A_28 = arith.constant 16 : index
      %get3A_29 = tpu.vector_load %arg4[%get3A_27, %get3A_28] {strides = array<i32>} : memref<80x128xi32, #tpu.memory_space<vmem>>, vector<16xi32>,
      %shift_right_arithmetic3A_30 = arith.constant 7 : i32
      %shift_right_arithmetic3A_31 = vector.broadcast %shift_right_arithmetic3A_30 : i32 to vector<16xi32>
      %shift_right_arithmetic3A_32 = arith.shrsi %get3A_29, %shift_right_arithmetic3A_31 : vector<16xi32>
      %and3A_33 = arith.constant 127 : i32
      %and3A_34 = vector.broadcast %and3A_33 : i32 to vector<16xi32>
      %and3A_35 = arith.andi %get3A_29, %and3A_34 : vector<16xi32>
      tpu.vector_store_idx %arg5[%shift_right_arithmetic3A_32, %and3A_35], %broadcast_in_dim3A_11 {add = true} : memref<80x128xf32, #tpu.memory_space<vmem>>[vector<16xi32>, vector<16xi32>], vector<16xf32>,
      %get3A_36 = arith.index_cast %scan3A_19 : i32 to index
      %get3A_37 = arith.constant 32 : index
      %get3A_38 = tpu.vector_load %arg4[%get3A_36, %get3A_37] {strides = array<i32>} : memref<80x128xi32, #tpu.memory_space<vmem>>, vector<16xi32>,
      %shift_right_arithmetic3A_39 = arith.constant 7 : i32
      %shift_right_arithmetic3A_40 = vector.broadcast %shift_right_arithmetic3A_39 : i32 to vector<16xi32>
      %shift_right_arithmetic3A_41 = arith.shrsi %get3A_38, %shift_right_arithmetic3A_40 : vector<16xi32>
      %and3A_42 = arith.constant 127 : i32
      %and3A_43 = vector.broadcast %and3A_42 : i32 to vector<16xi32>
      %and3A_44 = arith.andi %get3A_38, %and3A_43 : vector<16xi32>
      tpu.vector_store_idx %arg5[%shift_right_arithmetic3A_41, %and3A_44], %broadcast_in_dim3A_11 {add = true} : memref<80x128xf32, #tpu.memory_space<vmem>>[vector<16xi32>, vector<16xi32>], vector<16xf32>,
      %get3A_45 = arith.index_cast %scan3A_19 : i32 to index
      %get3A_46 = arith.constant 48 : index
      %get3A_47 = tpu.vector_load %arg4[%get3A_45, %get3A_46] {strides = array<i32>} : memref<80x128xi32, #tpu.memory_space<vmem>>, vector<16xi32>,
      %shift_right_arithmetic3A_48 = arith.constant 7 : i32
      %shift_right_arithmetic3A_49 = vector.broadcast %shift_right_arithmetic3A_48 : i32 to vector<16xi32>
      %shift_right_arithmetic3A_50 = arith.shrsi %get3A_47, %shift_right_arithmetic3A_49 : vector<16xi32>
      %and3A_51 = arith.constant 127 : i32
      %and3A_52 = vector.broadcast %and3A_51 : i32 to vector<16xi32>
      %and3A_53 = arith.andi %get3A_47, %and3A_52 : vector<16xi32>
      tpu.vector_store_idx %arg5[%shift_right_arithmetic3A_50, %and3A_53], %broadcast_in_dim3A_11 {add = true} : memref<80x128xf32, #tpu.memory_space<vmem>>[vector<16xi32>, vector<16xi32>], vector<16xf32>,
      %get3A_54 = arith.index_cast %scan3A_19 : i32 to index
      %get3A_55 = arith.constant 64 : index
      %get3A_56 = tpu.vector_load %arg4[%get3A_54, %get3A_55] {strides = array<i32>} : memref<80x128xi32, #tpu.memory_space<vmem>>, vector<16xi32>,
      %shift_right_arithmetic3A_57 = arith.constant 7 : i32
      %shift_right_arithmetic3A_58 = vector.broadcast %shift_right_arithmetic3A_57 : i32 to vector<16xi32>
      %shift_right_arithmetic3A_59 = arith.shrsi %get3A_56, %shift_right_arithmetic3A_58 : vector<16xi32>
      %and3A_60 = arith.constant 127 : i32
      %and3A_61 = vector.broadcast %and3A_60 : i32 to vector<16xi32>
      %and3A_62 = arith.andi %get3A_56, %and3A_61 : vector<16xi32>
      tpu.vector_store_idx %arg5[%shift_right_arithmetic3A_59, %and3A_62], %broadcast_in_dim3A_11 {add = true} : memref<80x128xf32, #tpu.memory_space<vmem>>[vector<16xi32>, vector<16xi32>], vector<16xf32>,
      %get3A_63 = arith.index_cast %scan3A_19 : i32 to index
      %get3A_64 = arith.constant 80 : index
      %get3A_65 = tpu.vector_load %arg4[%get3A_63, %get3A_64] {strides = array<i32>} : memref<80x128xi32, #tpu.memory_space<vmem>>, vector<16xi32>,
      %shift_right_arithmetic3A_66 = arith.constant 7 : i32
      %shift_right_arithmetic3A_67 = vector.broadcast %shift_right_arithmetic3A_66 : i32 to vector<16xi32>
      %shift_right_arithmetic3A_68 = arith.shrsi %get3A_65, %shift_right_arithmetic3A_67 : vector<16xi32>
      %and3A_69 = arith.constant 127 : i32
      %and3A_70 = vector.broadcast %and3A_69 : i32 to vector<16xi32>
      %and3A_71 = arith.andi %get3A_65, %and3A_70 : vector<16xi32>
      tpu.vector_store_idx %arg5[%shift_right_arithmetic3A_68, %and3A_71], %broadcast_in_dim3A_11 {add = true} : memref<80x128xf32, #tpu.memory_space<vmem>>[vector<16xi32>, vector<16xi32>], vector<16xf32>,
      %get3A_72 = arith.index_cast %scan3A_19 : i32 to index
      %get3A_73 = arith.constant 96 : index
      %get3A_74 = tpu.vector_load %arg4[%get3A_72, %get3A_73] {strides = array<i32>} : memref<80x128xi32, #tpu.memory_space<vmem>>, vector<16xi32>,
      %shift_right_arithmetic3A_75 = arith.constant 7 : i32
      %shift_right_arithmetic3A_76 = vector.broadcast %shift_right_arithmetic3A_75 : i32 to vector<16xi32>
      %shift_right_arithmetic3A_77 = arith.shrsi %get3A_74, %shift_right_arithmetic3A_76 : vector<16xi32>
      %and3A_78 = arith.constant 127 : i32
      %and3A_79 = vector.broadcast %and3A_78 : i32 to vector<16xi32>
      %and3A_80 = arith.andi %get3A_74, %and3A_79 : vector<16xi32>
      tpu.vector_store_idx %arg5[%shift_right_arithmetic3A_77, %and3A_80], %broadcast_in_dim3A_11 {add = true} : memref<80x128xf32, #tpu.memory_space<vmem>>[vector<16xi32>, vector<16xi32>], vector<16xf32>,
      %get3A_81 = arith.index_cast %scan3A_19 : i32 to index
      %get3A_82 = arith.constant 112 : index
      %get3A_83 = tpu.vector_load %arg4[%get3A_81, %get3A_82] {strides = array<i32>} : memref<80x128xi32, #tpu.memory_space<vmem>>, vector<16xi32>,
      %shift_right_arithmetic3A_84 = arith.constant 7 : i32
      %shift_right_arithmetic3A_85 = vector.broadcast %shift_right_arithmetic3A_84 : i32 to vector<16xi32>
      %shift_right_arithmetic3A_86 = arith.shrsi %get3A_83, %shift_right_arithmetic3A_85 : vector<16xi32>
      %and3A_87 = arith.constant 127 : i32
      %and3A_88 = vector.broadcast %and3A_87 : i32 to vector<16xi32>
      %and3A_89 = arith.andi %get3A_83, %and3A_88 : vector<16xi32>
      tpu.vector_store_idx %arg5[%shift_right_arithmetic3A_86, %and3A_89], %broadcast_in_dim3A_11 {add = true} : memref<80x128xf32, #tpu.memory_space<vmem>>[vector<16xi32>, vector<16xi32>], vector<16xf32>,
      %scan3A_90 = arith.constant 0 : i32
      scf.yield %scan3A_90 : i32
    }
    %scan3A_18 = arith.constant 80 : i32
    "tpu.region"() ({
      %run_scoped3A = tpu.sem_alloc : memref<!tpu.dma_semaphore, #tpu.memory_space<semaphore_mem>>
      %dma_start3A = arith.constant 0 : i32
      %dma_start3A_19 = arith.constant 0 : i32
      %dma_start3A_20 = tpu.memref_slice %arg3[%add3A, %dma_start3A, %dma_start3A_19] : memref<32x80x128xf32, #tpu.memory_space<hbm>> -> memref<1x80x128xf32, #tpu.memory_space<hbm>>
      %dma_start3A_21 = tpu.memref_squeeze %dma_start3A_20 : memref<1x80x128xf32, #tpu.memory_space<hbm>> -> memref<80x128xf32, #tpu.memory_space<hbm>>
      %dma_start3A_22 = arith.constant 0 : i32
      %dma_start3A_23 = arith.constant 0 : i32
      %dma_start3A_24 = tpu.memref_slice %arg3[%add3A, %dma_start3A_22, %dma_start3A_23] : memref<32x80x128xf32, #tpu.memory_space<hbm>> -> memref<1x80x128xf32, #tpu.memory_space<hbm>>
      %dma_start3A_25 = tpu.memref_squeeze %dma_start3A_24 : memref<1x80x128xf32, #tpu.memory_space<hbm>> -> memref<80x128xf32, #tpu.memory_space<hbm>>
      tpu.enqueue_dma source(%arg5 : memref<80x128xf32, #tpu.memory_space<vmem>>) target(%dma_start3A_25 : memref<80x128xf32, #tpu.memory_space<hbm>>) target_semaphore(%run_scoped3A : memref<!tpu.dma_semaphore, #tpu.memory_space<semaphore_mem>>)
      %dma_wait3A = arith.constant 0 : i32
      %dma_wait3A_26 = arith.constant 0 : i32
      %dma_wait3A_27 = tpu.memref_slice %arg3[%add3A, %dma_wait3A, %dma_wait3A_26] : memref<32x80x128xf32, #tpu.memory_space<hbm>> -> memref<1x80x128xf32, #tpu.memory_space<hbm>>
      %dma_wait3A_28 = tpu.memref_squeeze %dma_wait3A_27 : memref<1x80x128xf32, #tpu.memory_space<hbm>> -> memref<80x128xf32, #tpu.memory_space<hbm>>
      %dma_wait3A_29 = arith.constant 0 : i32
      %dma_wait3A_30 = arith.constant 0 : i32
      %dma_wait3A_31 = tpu.memref_slice %arg3[%add3A, %dma_wait3A_29, %dma_wait3A_30] : memref<32x80x128xf32, #tpu.memory_space<hbm>> -> memref<1x80x128xf32, #tpu.memory_space<hbm>>
      %dma_wait3A_32 = tpu.memref_squeeze %dma_wait3A_31 : memref<1x80x128xf32, #tpu.memory_space<hbm>> -> memref<80x128xf32, #tpu.memory_space<hbm>>
      tpu.wait_dma2 semaphore(%run_scoped3A : memref<!tpu.dma_semaphore, #tpu.memory_space<semaphore_mem>>) src(%arg5 : memref<80x128xf32, #tpu.memory_space<vmem>>) dst(%dma_wait3A_32 : memref<80x128xf32, #tpu.memory_space<hbm>>)
      tpu.yield
    }) : () -> ()
    return
  }
}

#map = affine_map<(d0, d1) -> (0, 0)>
#map1 = affine_map<(d0, d1) -> (0, 0, 0)>
module attributes {stable_mosaic.version = 14 : i64} {
  func.func @_scatter_sc(%arg0: i32, %arg1: i32, %arg2: memref<10240x128xf32, #tpu.memory_space<hbm>>, %arg3: memref<2720x128xi32, #tpu.memory_space<hbm>>, %arg4: memref<2720x128xi32, #tpu.memory_space<hbm>>, %arg5: memref<128x128xf32, #tpu.memory_space<hbm>>, %arg6: memref<2x10240x128xf32, #tpu.memory_space<hbm>>, %arg7: memref<32x128xi32, #tpu.memory_space<vmem>>, %arg8: memref<32x128xi32, #tpu.memory_space<vmem>>, %arg9: memref<256x128xf32, #tpu.memory_space<vmem>>, %arg10: memref<2x!tpu.dma_semaphore, #tpu.memory_space<semaphore_mem>>, %arg11: memref<10240x128xf32, #tpu.memory_space<vmem_shared>>) attributes {dimension_semantics = [#tpu.dimension_semantics<core_parallel>, #tpu.dimension_semantics<subcore_parallel>], iteration_bounds = array<i64: 2, 16>, scalar_prefetch = 0 : i64, scratch_operands = 5 : i64, tpu.core_type = #tpu.core_type<sc_vector_subcore>, window_params = [{transform_indices = #map}, {transform_indices = #map}, {transform_indices = #map}, {transform_indices = #map}, {transform_indices = #map1}]} {
    "tpu.region"() ({
      %run_scoped3A = tpu.sem_alloc : memref<!tpu.dma_semaphore, #tpu.memory_space<semaphore_mem>>
      %dma_start3A = arith.constant 0 : i32
      %dma_start3A_66 = arith.constant 0 : i32
      %dma_start3A_67 = tpu.memref_slice %arg9[%dma_start3A, %dma_start3A_66] : memref<256x128xf32, #tpu.memory_space<vmem>> -> memref<128x128xf32, #tpu.memory_space<vmem>>
      %dma_start3A_68 = arith.constant 0 : i32
      %dma_start3A_69 = arith.constant 0 : i32
      %dma_start3A_70 = tpu.memref_slice %arg9[%dma_start3A_68, %dma_start3A_69] : memref<256x128xf32, #tpu.memory_space<vmem>> -> memref<128x128xf32, #tpu.memory_space<vmem>>
      tpu.enqueue_dma source(%arg5 : memref<128x128xf32, #tpu.memory_space<hbm>>) target(%dma_start3A_70 : memref<128x128xf32, #tpu.memory_space<vmem>>) target_semaphore(%run_scoped3A : memref<!tpu.dma_semaphore, #tpu.memory_space<semaphore_mem>>)
      %dma_wait3A = arith.constant 0 : i32
      %dma_wait3A_71 = arith.constant 0 : i32
      %dma_wait3A_72 = tpu.memref_slice %arg9[%dma_wait3A, %dma_wait3A_71] : memref<256x128xf32, #tpu.memory_space<vmem>> -> memref<128x128xf32, #tpu.memory_space<vmem>>
      %dma_wait3A_73 = arith.constant 0 : i32
      %dma_wait3A_74 = arith.constant 0 : i32
      %dma_wait3A_75 = tpu.memref_slice %arg9[%dma_wait3A_73, %dma_wait3A_74] : memref<256x128xf32, #tpu.memory_space<vmem>> -> memref<128x128xf32, #tpu.memory_space<vmem>>
      tpu.wait_dma2 semaphore(%run_scoped3A : memref<!tpu.dma_semaphore, #tpu.memory_space<semaphore_mem>>) src(%arg5 : memref<128x128xf32, #tpu.memory_space<hbm>>) dst(%dma_wait3A_75 : memref<128x128xf32, #tpu.memory_space<vmem>>)
      tpu.yield
    }) : () -> ()
    %mul3A = arith.constant 640 : i32
    %mul3A_0 = arith.muli %arg1, %mul3A : i32
    %add3A = arith.constant 0 : i32
    %add3A_1 = arith.addi %mul3A_0, %add3A : i32
    "tpu.region"() ({
      %run_scoped3A = tpu.sem_alloc : memref<!tpu.dma_semaphore, #tpu.memory_space<semaphore_mem>>
      %dma_start3A = arith.constant 0 : i32
      %dma_start3A_66 = arith.constant 0 : i32
      %dma_start3A_67 = tpu.memref_slice %arg9[%dma_start3A, %dma_start3A_66] : memref<256x128xf32, #tpu.memory_space<vmem>> -> memref<128x128xf32, #tpu.memory_space<vmem>>
      %dma_start3A_68 = arith.constant 0 : i32
      %dma_start3A_69 = tpu.memref_slice %arg11[%add3A_1, %dma_start3A_68] : memref<10240x128xf32, #tpu.memory_space<vmem_shared>> -> memref<128x128xf32, #tpu.memory_space<vmem_shared>>
      %dma_start3A_70 = arith.constant 0 : i32
      %dma_start3A_71 = tpu.memref_slice %arg11[%add3A_1, %dma_start3A_70] : memref<10240x128xf32, #tpu.memory_space<vmem_shared>> -> memref<128x128xf32, #tpu.memory_space<vmem_shared>>
      %dma_start3A_72 = arith.constant 0 : i32
      %dma_start3A_73 = arith.constant 0 : i32
      %dma_start3A_74 = tpu.memref_slice %arg9[%dma_start3A_72, %dma_start3A_73] : memref<256x128xf32, #tpu.memory_space<vmem>> -> memref<128x128xf32, #tpu.memory_space<vmem>>
      tpu.enqueue_dma source(%dma_start3A_74 : memref<128x128xf32, #tpu.memory_space<vmem>>) target(%dma_start3A_71 : memref<128x128xf32, #tpu.memory_space<vmem_shared>>) target_semaphore(%run_scoped3A : memref<!tpu.dma_semaphore, #tpu.memory_space<semaphore_mem>>)
      %dma_wait3A = arith.constant 0 : i32
      %dma_wait3A_75 = arith.constant 0 : i32
      %dma_wait3A_76 = tpu.memref_slice %arg9[%dma_wait3A, %dma_wait3A_75] : memref<256x128xf32, #tpu.memory_space<vmem>> -> memref<128x128xf32, #tpu.memory_space<vmem>>
      %dma_wait3A_77 = arith.constant 0 : i32
      %dma_wait3A_78 = tpu.memref_slice %arg11[%add3A_1, %dma_wait3A_77] : memref<10240x128xf32, #tpu.memory_space<vmem_shared>> -> memref<128x128xf32, #tpu.memory_space<vmem_shared>>
      %dma_wait3A_79 = arith.constant 0 : i32
      %dma_wait3A_80 = tpu.memref_slice %arg11[%add3A_1, %dma_wait3A_79] : memref<10240x128xf32, #tpu.memory_space<vmem_shared>> -> memref<128x128xf32, #tpu.memory_space<vmem_shared>>
      %dma_wait3A_81 = arith.constant 0 : i32
      %dma_wait3A_82 = arith.constant 0 : i32
      %dma_wait3A_83 = tpu.memref_slice %arg9[%dma_wait3A_81, %dma_wait3A_82] : memref<256x128xf32, #tpu.memory_space<vmem>> -> memref<128x128xf32, #tpu.memory_space<vmem>>
      tpu.wait_dma2 semaphore(%run_scoped3A : memref<!tpu.dma_semaphore, #tpu.memory_space<semaphore_mem>>) src(%dma_wait3A_83 : memref<128x128xf32, #tpu.memory_space<vmem>>) dst(%dma_wait3A_80 : memref<128x128xf32, #tpu.memory_space<vmem_shared>>)
      tpu.yield
    }) : () -> ()
    %mul3A_2 = arith.constant 640 : i32
    %mul3A_3 = arith.muli %arg1, %mul3A_2 : i32
    %add3A_4 = arith.constant 128 : i32
    %add3A_5 = arith.addi %mul3A_3, %add3A_4 : i32
    "tpu.region"() ({
      %run_scoped3A = tpu.sem_alloc : memref<!tpu.dma_semaphore, #tpu.memory_space<semaphore_mem>>
      %dma_start3A = arith.constant 0 : i32
      %dma_start3A_66 = arith.constant 0 : i32
      %dma_start3A_67 = tpu.memref_slice %arg9[%dma_start3A, %dma_start3A_66] : memref<256x128xf32, #tpu.memory_space<vmem>> -> memref<128x128xf32, #tpu.memory_space<vmem>>
      %dma_start3A_68 = arith.constant 0 : i32
      %dma_start3A_69 = tpu.memref_slice %arg11[%add3A_5, %dma_start3A_68] : memref<10240x128xf32, #tpu.memory_space<vmem_shared>> -> memref<128x128xf32, #tpu.memory_space<vmem_shared>>
      %dma_start3A_70 = arith.constant 0 : i32
      %dma_start3A_71 = tpu.memref_slice %arg11[%add3A_5, %dma_start3A_70] : memref<10240x128xf32, #tpu.memory_space<vmem_shared>> -> memref<128x128xf32, #tpu.memory_space<vmem_shared>>
      %dma_start3A_72 = arith.constant 0 : i32
      %dma_start3A_73 = arith.constant 0 : i32
      %dma_start3A_74 = tpu.memref_slice %arg9[%dma_start3A_72, %dma_start3A_73] : memref<256x128xf32, #tpu.memory_space<vmem>> -> memref<128x128xf32, #tpu.memory_space<vmem>>
      tpu.enqueue_dma source(%dma_start3A_74 : memref<128x128xf32, #tpu.memory_space<vmem>>) target(%dma_start3A_71 : memref<128x128xf32, #tpu.memory_space<vmem_shared>>) target_semaphore(%run_scoped3A : memref<!tpu.dma_semaphore, #tpu.memory_space<semaphore_mem>>)
      %dma_wait3A = arith.constant 0 : i32
      %dma_wait3A_75 = arith.constant 0 : i32
      %dma_wait3A_76 = tpu.memref_slice %arg9[%dma_wait3A, %dma_wait3A_75] : memref<256x128xf32, #tpu.memory_space<vmem>> -> memref<128x128xf32, #tpu.memory_space<vmem>>
      %dma_wait3A_77 = arith.constant 0 : i32
      %dma_wait3A_78 = tpu.memref_slice %arg11[%add3A_5, %dma_wait3A_77] : memref<10240x128xf32, #tpu.memory_space<vmem_shared>> -> memref<128x128xf32, #tpu.memory_space<vmem_shared>>
      %dma_wait3A_79 = arith.constant 0 : i32
      %dma_wait3A_80 = tpu.memref_slice %arg11[%add3A_5, %dma_wait3A_79] : memref<10240x128xf32, #tpu.memory_space<vmem_shared>> -> memref<128x128xf32, #tpu.memory_space<vmem_shared>>
      %dma_wait3A_81 = arith.constant 0 : i32
      %dma_wait3A_82 = arith.constant 0 : i32
      %dma_wait3A_83 = tpu.memref_slice %arg9[%dma_wait3A_81, %dma_wait3A_82] : memref<256x128xf32, #tpu.memory_space<vmem>> -> memref<128x128xf32, #tpu.memory_space<vmem>>
      tpu.wait_dma2 semaphore(%run_scoped3A : memref<!tpu.dma_semaphore, #tpu.memory_space<semaphore_mem>>) src(%dma_wait3A_83 : memref<128x128xf32, #tpu.memory_space<vmem>>) dst(%dma_wait3A_80 : memref<128x128xf32, #tpu.memory_space<vmem_shared>>)
      tpu.yield
    }) : () -> ()
    %mul3A_6 = arith.constant 640 : i32
    %mul3A_7 = arith.muli %arg1, %mul3A_6 : i32
    %add3A_8 = arith.constant 256 : i32
    %add3A_9 = arith.addi %mul3A_7, %add3A_8 : i32
    "tpu.region"() ({
      %run_scoped3A = tpu.sem_alloc : memref<!tpu.dma_semaphore, #tpu.memory_space<semaphore_mem>>
      %dma_start3A = arith.constant 0 : i32
      %dma_start3A_66 = arith.constant 0 : i32
      %dma_start3A_67 = tpu.memref_slice %arg9[%dma_start3A, %dma_start3A_66] : memref<256x128xf32, #tpu.memory_space<vmem>> -> memref<128x128xf32, #tpu.memory_space<vmem>>
      %dma_start3A_68 = arith.constant 0 : i32
      %dma_start3A_69 = tpu.memref_slice %arg11[%add3A_9, %dma_start3A_68] : memref<10240x128xf32, #tpu.memory_space<vmem_shared>> -> memref<128x128xf32, #tpu.memory_space<vmem_shared>>
      %dma_start3A_70 = arith.constant 0 : i32
      %dma_start3A_71 = tpu.memref_slice %arg11[%add3A_9, %dma_start3A_70] : memref<10240x128xf32, #tpu.memory_space<vmem_shared>> -> memref<128x128xf32, #tpu.memory_space<vmem_shared>>
      %dma_start3A_72 = arith.constant 0 : i32
      %dma_start3A_73 = arith.constant 0 : i32
      %dma_start3A_74 = tpu.memref_slice %arg9[%dma_start3A_72, %dma_start3A_73] : memref<256x128xf32, #tpu.memory_space<vmem>> -> memref<128x128xf32, #tpu.memory_space<vmem>>
      tpu.enqueue_dma source(%dma_start3A_74 : memref<128x128xf32, #tpu.memory_space<vmem>>) target(%dma_start3A_71 : memref<128x128xf32, #tpu.memory_space<vmem_shared>>) target_semaphore(%run_scoped3A : memref<!tpu.dma_semaphore, #tpu.memory_space<semaphore_mem>>)
      %dma_wait3A = arith.constant 0 : i32
      %dma_wait3A_75 = arith.constant 0 : i32
      %dma_wait3A_76 = tpu.memref_slice %arg9[%dma_wait3A, %dma_wait3A_75] : memref<256x128xf32, #tpu.memory_space<vmem>> -> memref<128x128xf32, #tpu.memory_space<vmem>>
      %dma_wait3A_77 = arith.constant 0 : i32
      %dma_wait3A_78 = tpu.memref_slice %arg11[%add3A_9, %dma_wait3A_77] : memref<10240x128xf32, #tpu.memory_space<vmem_shared>> -> memref<128x128xf32, #tpu.memory_space<vmem_shared>>
      %dma_wait3A_79 = arith.constant 0 : i32
      %dma_wait3A_80 = tpu.memref_slice %arg11[%add3A_9, %dma_wait3A_79] : memref<10240x128xf32, #tpu.memory_space<vmem_shared>> -> memref<128x128xf32, #tpu.memory_space<vmem_shared>>
      %dma_wait3A_81 = arith.constant 0 : i32
      %dma_wait3A_82 = arith.constant 0 : i32
      %dma_wait3A_83 = tpu.memref_slice %arg9[%dma_wait3A_81, %dma_wait3A_82] : memref<256x128xf32, #tpu.memory_space<vmem>> -> memref<128x128xf32, #tpu.memory_space<vmem>>
      tpu.wait_dma2 semaphore(%run_scoped3A : memref<!tpu.dma_semaphore, #tpu.memory_space<semaphore_mem>>) src(%dma_wait3A_83 : memref<128x128xf32, #tpu.memory_space<vmem>>) dst(%dma_wait3A_80 : memref<128x128xf32, #tpu.memory_space<vmem_shared>>)
      tpu.yield
    }) : () -> ()
    %mul3A_10 = arith.constant 640 : i32
    %mul3A_11 = arith.muli %arg1, %mul3A_10 : i32
    %add3A_12 = arith.constant 384 : i32
    %add3A_13 = arith.addi %mul3A_11, %add3A_12 : i32
    "tpu.region"() ({
      %run_scoped3A = tpu.sem_alloc : memref<!tpu.dma_semaphore, #tpu.memory_space<semaphore_mem>>
      %dma_start3A = arith.constant 0 : i32
      %dma_start3A_66 = arith.constant 0 : i32
      %dma_start3A_67 = tpu.memref_slice %arg9[%dma_start3A, %dma_start3A_66] : memref<256x128xf32, #tpu.memory_space<vmem>> -> memref<128x128xf32, #tpu.memory_space<vmem>>
      %dma_start3A_68 = arith.constant 0 : i32
      %dma_start3A_69 = tpu.memref_slice %arg11[%add3A_13, %dma_start3A_68] : memref<10240x128xf32, #tpu.memory_space<vmem_shared>> -> memref<128x128xf32, #tpu.memory_space<vmem_shared>>
      %dma_start3A_70 = arith.constant 0 : i32
      %dma_start3A_71 = tpu.memref_slice %arg11[%add3A_13, %dma_start3A_70] : memref<10240x128xf32, #tpu.memory_space<vmem_shared>> -> memref<128x128xf32, #tpu.memory_space<vmem_shared>>
      %dma_start3A_72 = arith.constant 0 : i32
      %dma_start3A_73 = arith.constant 0 : i32
      %dma_start3A_74 = tpu.memref_slice %arg9[%dma_start3A_72, %dma_start3A_73] : memref<256x128xf32, #tpu.memory_space<vmem>> -> memref<128x128xf32, #tpu.memory_space<vmem>>
      tpu.enqueue_dma source(%dma_start3A_74 : memref<128x128xf32, #tpu.memory_space<vmem>>) target(%dma_start3A_71 : memref<128x128xf32, #tpu.memory_space<vmem_shared>>) target_semaphore(%run_scoped3A : memref<!tpu.dma_semaphore, #tpu.memory_space<semaphore_mem>>)
      %dma_wait3A = arith.constant 0 : i32
      %dma_wait3A_75 = arith.constant 0 : i32
      %dma_wait3A_76 = tpu.memref_slice %arg9[%dma_wait3A, %dma_wait3A_75] : memref<256x128xf32, #tpu.memory_space<vmem>> -> memref<128x128xf32, #tpu.memory_space<vmem>>
      %dma_wait3A_77 = arith.constant 0 : i32
      %dma_wait3A_78 = tpu.memref_slice %arg11[%add3A_13, %dma_wait3A_77] : memref<10240x128xf32, #tpu.memory_space<vmem_shared>> -> memref<128x128xf32, #tpu.memory_space<vmem_shared>>
      %dma_wait3A_79 = arith.constant 0 : i32
      %dma_wait3A_80 = tpu.memref_slice %arg11[%add3A_13, %dma_wait3A_79] : memref<10240x128xf32, #tpu.memory_space<vmem_shared>> -> memref<128x128xf32, #tpu.memory_space<vmem_shared>>
      %dma_wait3A_81 = arith.constant 0 : i32
      %dma_wait3A_82 = arith.constant 0 : i32
      %dma_wait3A_83 = tpu.memref_slice %arg9[%dma_wait3A_81, %dma_wait3A_82] : memref<256x128xf32, #tpu.memory_space<vmem>> -> memref<128x128xf32, #tpu.memory_space<vmem>>
      tpu.wait_dma2 semaphore(%run_scoped3A : memref<!tpu.dma_semaphore, #tpu.memory_space<semaphore_mem>>) src(%dma_wait3A_83 : memref<128x128xf32, #tpu.memory_space<vmem>>) dst(%dma_wait3A_80 : memref<128x128xf32, #tpu.memory_space<vmem_shared>>)
      tpu.yield
    }) : () -> ()
    %mul3A_14 = arith.constant 640 : i32
    %mul3A_15 = arith.muli %arg1, %mul3A_14 : i32
    %add3A_16 = arith.constant 512 : i32
    %add3A_17 = arith.addi %mul3A_15, %add3A_16 : i32
    "tpu.region"() ({
      %run_scoped3A = tpu.sem_alloc : memref<!tpu.dma_semaphore, #tpu.memory_space<semaphore_mem>>
      %dma_start3A = arith.constant 0 : i32
      %dma_start3A_66 = arith.constant 0 : i32
      %dma_start3A_67 = tpu.memref_slice %arg9[%dma_start3A, %dma_start3A_66] : memref<256x128xf32, #tpu.memory_space<vmem>> -> memref<128x128xf32, #tpu.memory_space<vmem>>
      %dma_start3A_68 = arith.constant 0 : i32
      %dma_start3A_69 = tpu.memref_slice %arg11[%add3A_17, %dma_start3A_68] : memref<10240x128xf32, #tpu.memory_space<vmem_shared>> -> memref<128x128xf32, #tpu.memory_space<vmem_shared>>
      %dma_start3A_70 = arith.constant 0 : i32
      %dma_start3A_71 = tpu.memref_slice %arg11[%add3A_17, %dma_start3A_70] : memref<10240x128xf32, #tpu.memory_space<vmem_shared>> -> memref<128x128xf32, #tpu.memory_space<vmem_shared>>
      %dma_start3A_72 = arith.constant 0 : i32
      %dma_start3A_73 = arith.constant 0 : i32
      %dma_start3A_74 = tpu.memref_slice %arg9[%dma_start3A_72, %dma_start3A_73] : memref<256x128xf32, #tpu.memory_space<vmem>> -> memref<128x128xf32, #tpu.memory_space<vmem>>
      tpu.enqueue_dma source(%dma_start3A_74 : memref<128x128xf32, #tpu.memory_space<vmem>>) target(%dma_start3A_71 : memref<128x128xf32, #tpu.memory_space<vmem_shared>>) target_semaphore(%run_scoped3A : memref<!tpu.dma_semaphore, #tpu.memory_space<semaphore_mem>>)
      %dma_wait3A = arith.constant 0 : i32
      %dma_wait3A_75 = arith.constant 0 : i32
      %dma_wait3A_76 = tpu.memref_slice %arg9[%dma_wait3A, %dma_wait3A_75] : memref<256x128xf32, #tpu.memory_space<vmem>> -> memref<128x128xf32, #tpu.memory_space<vmem>>
      %dma_wait3A_77 = arith.constant 0 : i32
      %dma_wait3A_78 = tpu.memref_slice %arg11[%add3A_17, %dma_wait3A_77] : memref<10240x128xf32, #tpu.memory_space<vmem_shared>> -> memref<128x128xf32, #tpu.memory_space<vmem_shared>>
      %dma_wait3A_79 = arith.constant 0 : i32
      %dma_wait3A_80 = tpu.memref_slice %arg11[%add3A_17, %dma_wait3A_79] : memref<10240x128xf32, #tpu.memory_space<vmem_shared>> -> memref<128x128xf32, #tpu.memory_space<vmem_shared>>
      %dma_wait3A_81 = arith.constant 0 : i32
      %dma_wait3A_82 = arith.constant 0 : i32
      %dma_wait3A_83 = tpu.memref_slice %arg9[%dma_wait3A_81, %dma_wait3A_82] : memref<256x128xf32, #tpu.memory_space<vmem>> -> memref<128x128xf32, #tpu.memory_space<vmem>>
      tpu.wait_dma2 semaphore(%run_scoped3A : memref<!tpu.dma_semaphore, #tpu.memory_space<semaphore_mem>>) src(%dma_wait3A_83 : memref<128x128xf32, #tpu.memory_space<vmem>>) dst(%dma_wait3A_80 : memref<128x128xf32, #tpu.memory_space<vmem_shared>>)
      tpu.yield
    }) : () -> ()
    %barrier3A = arith.constant 0 : index
    tpu.barrier barrier_id(%barrier3A)
    %eq3A = arith.constant 0 : i32
    %eq3A_18 = arith.cmpi eq, %arg0, %eq3A : i32
    %convert_element_type3A = arith.extui %eq3A_18 : i1 to i32
    %cond3A = arith.constant 0 : i32
    %cond3A_19 = arith.cmpi ne, %convert_element_type3A, %cond3A : i32
    scf.if %cond3A_19 {
      %mul3A_66 = arith.constant 160 : i32
      %mul3A_67 = arith.muli %arg1, %mul3A_66 : i32
      %add3A_68 = arith.constant 0 : i32
      %add3A_69 = arith.addi %mul3A_67, %add3A_68 : i32
      "tpu.region"() ({
        %run_scoped3A = tpu.sem_alloc : memref<!tpu.dma_semaphore, #tpu.memory_space<semaphore_mem>>
        %dma_start3A_206 = arith.constant 0 : i32
        %dma_start3A_207 = tpu.memref_slice %arg3[%add3A_69, %dma_start3A_206] : memref<2720x128xi32, #tpu.memory_space<hbm>> -> memref<32x128xi32, #tpu.memory_space<hbm>>
        %dma_start3A_208 = arith.constant 0 : i32
        %dma_start3A_209 = tpu.memref_slice %arg3[%add3A_69, %dma_start3A_208] : memref<2720x128xi32, #tpu.memory_space<hbm>> -> memref<32x128xi32, #tpu.memory_space<hbm>>
        tpu.enqueue_dma source(%dma_start3A_209 : memref<32x128xi32, #tpu.memory_space<hbm>>) target(%arg7 : memref<32x128xi32, #tpu.memory_space<vmem>>) target_semaphore(%run_scoped3A : memref<!tpu.dma_semaphore, #tpu.memory_space<semaphore_mem>>)
        %dma_wait3A = arith.constant 0 : i32
        %dma_wait3A_210 = tpu.memref_slice %arg3[%add3A_69, %dma_wait3A] : memref<2720x128xi32, #tpu.memory_space<hbm>> -> memref<32x128xi32, #tpu.memory_space<hbm>>
        %dma_wait3A_211 = arith.constant 0 : i32
        %dma_wait3A_212 = tpu.memref_slice %arg3[%add3A_69, %dma_wait3A_211] : memref<2720x128xi32, #tpu.memory_space<hbm>> -> memref<32x128xi32, #tpu.memory_space<hbm>>
        tpu.wait_dma2 semaphore(%run_scoped3A : memref<!tpu.dma_semaphore, #tpu.memory_space<semaphore_mem>>) src(%dma_wait3A_212 : memref<32x128xi32, #tpu.memory_space<hbm>>) dst(%arg7 : memref<32x128xi32, #tpu.memory_space<vmem>>)
        tpu.yield
      }) : () -> ()
      "tpu.region"() ({
        %run_scoped3A = tpu.sem_alloc : memref<!tpu.dma_semaphore, #tpu.memory_space<semaphore_mem>>
        %dma_start3A_206 = arith.constant 0 : i32
        %dma_start3A_207 = tpu.memref_slice %arg4[%add3A_69, %dma_start3A_206] : memref<2720x128xi32, #tpu.memory_space<hbm>> -> memref<32x128xi32, #tpu.memory_space<hbm>>
        %dma_start3A_208 = arith.constant 0 : i32
        %dma_start3A_209 = tpu.memref_slice %arg4[%add3A_69, %dma_start3A_208] : memref<2720x128xi32, #tpu.memory_space<hbm>> -> memref<32x128xi32, #tpu.memory_space<hbm>>
        tpu.enqueue_dma source(%dma_start3A_209 : memref<32x128xi32, #tpu.memory_space<hbm>>) target(%arg8 : memref<32x128xi32, #tpu.memory_space<vmem>>) target_semaphore(%run_scoped3A : memref<!tpu.dma_semaphore, #tpu.memory_space<semaphore_mem>>)
        %dma_wait3A = arith.constant 0 : i32
        %dma_wait3A_210 = tpu.memref_slice %arg4[%add3A_69, %dma_wait3A] : memref<2720x128xi32, #tpu.memory_space<hbm>> -> memref<32x128xi32, #tpu.memory_space<hbm>>
        %dma_wait3A_211 = arith.constant 0 : i32
        %dma_wait3A_212 = tpu.memref_slice %arg4[%add3A_69, %dma_wait3A_211] : memref<2720x128xi32, #tpu.memory_space<hbm>> -> memref<32x128xi32, #tpu.memory_space<hbm>>
        tpu.wait_dma2 semaphore(%run_scoped3A : memref<!tpu.dma_semaphore, #tpu.memory_space<semaphore_mem>>) src(%dma_wait3A_212 : memref<32x128xi32, #tpu.memory_space<hbm>>) dst(%arg8 : memref<32x128xi32, #tpu.memory_space<vmem>>)
        tpu.yield
      }) : () -> ()
      %dma_start3A = arith.constant 0 : i32
      %dma_start3A_70 = arith.constant 0 : i32
      %dma_start3A_71 = arith.constant 0 : i32
      %dma_start3A_72 = arith.constant 0 : i32
      %dma_start3A_73 = tpu.memref_slice %arg9[%dma_start3A_71, %dma_start3A_72] : memref<256x128xf32, #tpu.memory_space<vmem>> -> memref<128x128xf32, #tpu.memory_space<vmem>>
      %dma_start3A_74 = arith.constant 0 : i32
      %dma_start3A_75 = tpu.memref_slice %arg7[%dma_start3A, %dma_start3A_74] : memref<32x128xi32, #tpu.memory_space<vmem>> -> memref<1x128xi32, #tpu.memory_space<vmem>>
      %dma_start3A_76 = tpu.memref_squeeze %dma_start3A_75 : memref<1x128xi32, #tpu.memory_space<vmem>> -> memref<128xi32, #tpu.memory_space<vmem>>
      %dma_start3A_77 = arith.constant 0 : i32
      %dma_start3A_78 = arith.constant 0 : i32
      %dma_start3A_79 = tpu.memref_slice %arg2[%dma_start3A_77, %dma_start3A_78] : memref<10240x128xf32, #tpu.memory_space<hbm>> -> memref<10240x128xf32, #tpu.memory_space<hbm>>
      %dma_start3A_80 = tpu.memref_slice %arg10[%dma_start3A_70] : memref<2x!tpu.dma_semaphore, #tpu.memory_space<semaphore_mem>> -> memref<1x!tpu.dma_semaphore, #tpu.memory_space<semaphore_mem>>
      %dma_start3A_81 = tpu.memref_squeeze %dma_start3A_80 : memref<1x!tpu.dma_semaphore, #tpu.memory_space<semaphore_mem>> -> memref<!tpu.dma_semaphore, #tpu.memory_space<semaphore_mem>>
      tpu.enqueue_indirect_dma source(%dma_start3A_79 : memref<10240x128xf32, #tpu.memory_space<hbm>>) target(%dma_start3A_73 : memref<128x128xf32, #tpu.memory_space<vmem>>) offsets(%dma_start3A_76 : memref<128xi32, #tpu.memory_space<vmem>>) semaphore(%dma_start3A_81 : memref<!tpu.dma_semaphore, #tpu.memory_space<semaphore_mem>>)
      %dma_start3A_82 = arith.constant 1 : i32
      %dma_start3A_83 = arith.constant 1 : i32
      %dma_start3A_84 = arith.constant 128 : i32
      %dma_start3A_85 = arith.constant 0 : i32
      %dma_start3A_86 = tpu.memref_slice %arg9[%dma_start3A_84, %dma_start3A_85] : memref<256x128xf32, #tpu.memory_space<vmem>> -> memref<128x128xf32, #tpu.memory_space<vmem>>
      %dma_start3A_87 = arith.constant 0 : i32
      %dma_start3A_88 = tpu.memref_slice %arg7[%dma_start3A_82, %dma_start3A_87] : memref<32x128xi32, #tpu.memory_space<vmem>> -> memref<1x128xi32, #tpu.memory_space<vmem>>
      %dma_start3A_89 = tpu.memref_squeeze %dma_start3A_88 : memref<1x128xi32, #tpu.memory_space<vmem>> -> memref<128xi32, #tpu.memory_space<vmem>>
      %dma_start3A_90 = arith.constant 0 : i32
      %dma_start3A_91 = arith.constant 0 : i32
      %dma_start3A_92 = tpu.memref_slice %arg2[%dma_start3A_90, %dma_start3A_91] : memref<10240x128xf32, #tpu.memory_space<hbm>> -> memref<10240x128xf32, #tpu.memory_space<hbm>>
      %dma_start3A_93 = tpu.memref_slice %arg10[%dma_start3A_83] : memref<2x!tpu.dma_semaphore, #tpu.memory_space<semaphore_mem>> -> memref<1x!tpu.dma_semaphore, #tpu.memory_space<semaphore_mem>>
      %dma_start3A_94 = tpu.memref_squeeze %dma_start3A_93 : memref<1x!tpu.dma_semaphore, #tpu.memory_space<semaphore_mem>> -> memref<!tpu.dma_semaphore, #tpu.memory_space<semaphore_mem>>
      tpu.enqueue_indirect_dma source(%dma_start3A_92 : memref<10240x128xf32, #tpu.memory_space<hbm>>) target(%dma_start3A_86 : memref<128x128xf32, #tpu.memory_space<vmem>>) offsets(%dma_start3A_89 : memref<128xi32, #tpu.memory_space<vmem>>) semaphore(%dma_start3A_94 : memref<!tpu.dma_semaphore, #tpu.memory_space<semaphore_mem>>)
      %scan3A = arith.constant 0 : i32
      %scan3A_95 = arith.constant 2 : i32
      %scan3A_96 = arith.constant 32 : i32
      %scan3A_97 = arith.addi %scan3A_95, %scan3A_96 : i32
      %scan3A_98 = arith.constant 1 : i32
      %scan3A_99 = scf.for %scan3A_206 = %scan3A_95 to %scan3A_97 step %scan3A_98 iter_args(%scan3A_207 = %scan3A) -> (i32)  : i32 {
        %jit3A = arith.constant 2 : i32
        %eq3A_208 = arith.constant 0 : i32
        %eq3A_209 = arith.cmpi eq, %jit3A, %eq3A_208 : i32
        %jit3A_210 = arith.constant 1 : i32
        %select_n3A = arith.select %eq3A_209, %jit3A_210, %jit3A : i32
        %rem3A = arith.remsi %scan3A_206, %select_n3A : i32
        %ne3A = arith.constant 0 : i32
        %ne3A_211 = arith.cmpi ne, %rem3A, %ne3A : i32
        %lt3A = arith.constant 0 : i32
        %lt3A_212 = arith.cmpi slt, %rem3A, %lt3A : i32
        %lt3A_213 = arith.constant 0 : i32
        %lt3A_214 = arith.cmpi slt, %select_n3A, %lt3A_213 : i32
        %ne3A_215 = arith.xori %lt3A_212, %lt3A_214 : i1
        %and3A = arith.andi %ne3A_215, %ne3A_211 : i1
        %add3A_216 = arith.addi %rem3A, %select_n3A : i32
        %select_n3A_217 = arith.select %and3A, %add3A_216, %rem3A : i32
        %mul3A_218 = arith.constant 128 : i32
        %mul3A_219 = arith.muli %select_n3A_217, %mul3A_218 : i32
        %jit3A_220 = arith.constant 2 : i32
        %eq3A_221 = arith.constant 0 : i32
        %eq3A_222 = arith.cmpi eq, %jit3A_220, %eq3A_221 : i32
        %jit3A_223 = arith.constant 1 : i32
        %select_n3A_224 = arith.select %eq3A_222, %jit3A_223, %jit3A_220 : i32
        %rem3A_225 = arith.remsi %scan3A_206, %select_n3A_224 : i32
        %ne3A_226 = arith.constant 0 : i32
        %ne3A_227 = arith.cmpi ne, %rem3A_225, %ne3A_226 : i32
        %lt3A_228 = arith.constant 0 : i32
        %lt3A_229 = arith.cmpi slt, %rem3A_225, %lt3A_228 : i32
        %lt3A_230 = arith.constant 0 : i32
        %lt3A_231 = arith.cmpi slt, %select_n3A_224, %lt3A_230 : i32
        %ne3A_232 = arith.xori %lt3A_229, %lt3A_231 : i1
        %and3A_233 = arith.andi %ne3A_232, %ne3A_227 : i1
        %add3A_234 = arith.addi %rem3A_225, %select_n3A_224 : i32
        %select_n3A_235 = arith.select %and3A_233, %add3A_234, %rem3A_225 : i32
        %dma_wait3A = arith.constant 0 : i32
        %dma_wait3A_236 = tpu.memref_slice %arg9[%mul3A_219, %dma_wait3A] : memref<256x128xf32, #tpu.memory_space<vmem>> -> memref<128x128xf32, #tpu.memory_space<vmem>>
        %dma_wait3A_237 = arith.constant 0 : i32
        %dma_wait3A_238 = arith.constant 0 : i32
        %dma_wait3A_239 = tpu.memref_slice %arg2[%dma_wait3A_237, %dma_wait3A_238] : memref<10240x128xf32, #tpu.memory_space<hbm>> -> memref<128x128xf32, #tpu.memory_space<hbm>>
        %dma_wait3A_240 = tpu.memref_slice %arg10[%select_n3A_235] : memref<2x!tpu.dma_semaphore, #tpu.memory_space<semaphore_mem>> -> memref<1x!tpu.dma_semaphore, #tpu.memory_space<semaphore_mem>>
        %dma_wait3A_241 = tpu.memref_squeeze %dma_wait3A_240 : memref<1x!tpu.dma_semaphore, #tpu.memory_space<semaphore_mem>> -> memref<!tpu.dma_semaphore, #tpu.memory_space<semaphore_mem>>
        %dma_wait3A_242 = arith.constant 0 : i32
        %dma_wait3A_243 = tpu.memref_slice %arg9[%mul3A_219, %dma_wait3A_242] : memref<256x128xf32, #tpu.memory_space<vmem>> -> memref<128x128xf32, #tpu.memory_space<vmem>>
        %dma_wait3A_244 = arith.constant 0 : i32
        %dma_wait3A_245 = arith.constant 0 : i32
        %dma_wait3A_246 = tpu.memref_slice %arg2[%dma_wait3A_244, %dma_wait3A_245] : memref<10240x128xf32, #tpu.memory_space<hbm>> -> memref<128x128xf32, #tpu.memory_space<hbm>>
        tpu.wait_dma2 semaphore(%dma_wait3A_241 : memref<!tpu.dma_semaphore, #tpu.memory_space<semaphore_mem>>) src(%dma_wait3A_246 : memref<128x128xf32, #tpu.memory_space<hbm>>) dst(%dma_wait3A_243 : memref<128x128xf32, #tpu.memory_space<vmem>>)
        %sub3A = arith.constant 2 : i32
        %sub3A_247 = arith.subi %scan3A_206, %sub3A : i32
        "tpu.region"() ({
          %run_scoped3A = tpu.sem_alloc : memref<!tpu.dma_semaphore, #tpu.memory_space<semaphore_mem>>
          %dma_start3A_254 = arith.constant 0 : i32
          %dma_start3A_255 = tpu.memref_slice %arg9[%mul3A_219, %dma_start3A_254] : memref<256x128xf32, #tpu.memory_space<vmem>> -> memref<128x128xf32, #tpu.memory_space<vmem>>
          %dma_start3A_256 = arith.constant 0 : i32
          %dma_start3A_257 = tpu.memref_slice %arg8[%sub3A_247, %dma_start3A_256] : memref<32x128xi32, #tpu.memory_space<vmem>> -> memref<1x128xi32, #tpu.memory_space<vmem>>
          %dma_start3A_258 = tpu.memref_squeeze %dma_start3A_257 : memref<1x128xi32, #tpu.memory_space<vmem>> -> memref<128xi32, #tpu.memory_space<vmem>>
          %dma_start3A_259 = arith.constant 0 : i32
          %dma_start3A_260 = arith.constant 0 : i32
          %dma_start3A_261 = tpu.memref_slice %arg11[%dma_start3A_259, %dma_start3A_260] : memref<10240x128xf32, #tpu.memory_space<vmem_shared>> -> memref<10240x128xf32, #tpu.memory_space<vmem_shared>>
          tpu.enqueue_indirect_dma source(%dma_start3A_255 : memref<128x128xf32, #tpu.memory_space<vmem>>) target(%dma_start3A_261 : memref<10240x128xf32, #tpu.memory_space<vmem_shared>>) offsets(%dma_start3A_258 : memref<128xi32, #tpu.memory_space<vmem>>) semaphore(%run_scoped3A : memref<!tpu.dma_semaphore, #tpu.memory_space<semaphore_mem>>) {add = true}
          %dma_wait3A_262 = arith.constant 0 : i32
          %dma_wait3A_263 = tpu.memref_slice %arg9[%mul3A_219, %dma_wait3A_262] : memref<256x128xf32, #tpu.memory_space<vmem>> -> memref<128x128xf32, #tpu.memory_space<vmem>>
          %dma_wait3A_264 = arith.constant 0 : i32
          %dma_wait3A_265 = tpu.memref_slice %arg8[%sub3A_247, %dma_wait3A_264] : memref<32x128xi32, #tpu.memory_space<vmem>> -> memref<1x128xi32, #tpu.memory_space<vmem>>
          %dma_wait3A_266 = tpu.memref_squeeze %dma_wait3A_265 : memref<1x128xi32, #tpu.memory_space<vmem>> -> memref<128xi32, #tpu.memory_space<vmem>>
          %dma_wait3A_267 = arith.constant 0 : i32
          %dma_wait3A_268 = arith.constant 0 : i32
          %dma_wait3A_269 = tpu.memref_slice %arg11[%dma_wait3A_267, %dma_wait3A_268] : memref<10240x128xf32, #tpu.memory_space<vmem_shared>> -> memref<10240x128xf32, #tpu.memory_space<vmem_shared>>
          tpu.wait_indirect_dma semaphore(%run_scoped3A : memref<!tpu.dma_semaphore, #tpu.memory_space<semaphore_mem>>) src(%dma_wait3A_263 : memref<128x128xf32, #tpu.memory_space<vmem>>) dst(%dma_wait3A_269 : memref<10240x128xf32, #tpu.memory_space<vmem_shared>>)
          tpu.yield
        }) : () -> ()
        %lt3A_248 = arith.constant 32 : i32
        %lt3A_249 = arith.cmpi slt, %scan3A_206, %lt3A_248 : i32
        %convert_element_type3A_250 = arith.extui %lt3A_249 : i1 to i32
        %cond3A_251 = arith.constant 0 : i32
        %cond3A_252 = arith.cmpi ne, %convert_element_type3A_250, %cond3A_251 : i32
        scf.if %cond3A_252 {
          %jit3A_254 = arith.constant 2 : i32
          %eq3A_255 = arith.constant 0 : i32
          %eq3A_256 = arith.cmpi eq, %jit3A_254, %eq3A_255 : i32
          %jit3A_257 = arith.constant 1 : i32
          %select_n3A_258 = arith.select %eq3A_256, %jit3A_257, %jit3A_254 : i32
          %rem3A_259 = arith.remsi %scan3A_206, %select_n3A_258 : i32
          %ne3A_260 = arith.constant 0 : i32
          %ne3A_261 = arith.cmpi ne, %rem3A_259, %ne3A_260 : i32
          %lt3A_262 = arith.constant 0 : i32
          %lt3A_263 = arith.cmpi slt, %rem3A_259, %lt3A_262 : i32
          %lt3A_264 = arith.constant 0 : i32
          %lt3A_265 = arith.cmpi slt, %select_n3A_258, %lt3A_264 : i32
          %ne3A_266 = arith.xori %lt3A_263, %lt3A_265 : i1
          %and3A_267 = arith.andi %ne3A_266, %ne3A_261 : i1
          %add3A_268 = arith.addi %rem3A_259, %select_n3A_258 : i32
          %select_n3A_269 = arith.select %and3A_267, %add3A_268, %rem3A_259 : i32
          %dma_start3A_270 = arith.constant 0 : i32
          %dma_start3A_271 = tpu.memref_slice %arg9[%mul3A_219, %dma_start3A_270] : memref<256x128xf32, #tpu.memory_space<vmem>> -> memref<128x128xf32, #tpu.memory_space<vmem>>
          %dma_start3A_272 = arith.constant 0 : i32
          %dma_start3A_273 = tpu.memref_slice %arg7[%scan3A_206, %dma_start3A_272] : memref<32x128xi32, #tpu.memory_space<vmem>> -> memref<1x128xi32, #tpu.memory_space<vmem>>
          %dma_start3A_274 = tpu.memref_squeeze %dma_start3A_273 : memref<1x128xi32, #tpu.memory_space<vmem>> -> memref<128xi32, #tpu.memory_space<vmem>>
          %dma_start3A_275 = arith.constant 0 : i32
          %dma_start3A_276 = arith.constant 0 : i32
          %dma_start3A_277 = tpu.memref_slice %arg2[%dma_start3A_275, %dma_start3A_276] : memref<10240x128xf32, #tpu.memory_space<hbm>> -> memref<10240x128xf32, #tpu.memory_space<hbm>>
          %dma_start3A_278 = tpu.memref_slice %arg10[%select_n3A_269] : memref<2x!tpu.dma_semaphore, #tpu.memory_space<semaphore_mem>> -> memref<1x!tpu.dma_semaphore, #tpu.memory_space<semaphore_mem>>
          %dma_start3A_279 = tpu.memref_squeeze %dma_start3A_278 : memref<1x!tpu.dma_semaphore, #tpu.memory_space<semaphore_mem>> -> memref<!tpu.dma_semaphore, #tpu.memory_space<semaphore_mem>>
          tpu.enqueue_indirect_dma source(%dma_start3A_277 : memref<10240x128xf32, #tpu.memory_space<hbm>>) target(%dma_start3A_271 : memref<128x128xf32, #tpu.memory_space<vmem>>) offsets(%dma_start3A_274 : memref<128xi32, #tpu.memory_space<vmem>>) semaphore(%dma_start3A_279 : memref<!tpu.dma_semaphore, #tpu.memory_space<semaphore_mem>>)
        } else {
        }
        %scan3A_253 = arith.constant 0 : i32
        scf.yield %scan3A_253 : i32
      }
      %scan3A_100 = arith.constant 32 : i32
      %add3A_101 = arith.constant 32 : i32
      %add3A_102 = arith.addi %mul3A_67, %add3A_101 : i32
      "tpu.region"() ({
        %run_scoped3A = tpu.sem_alloc : memref<!tpu.dma_semaphore, #tpu.memory_space<semaphore_mem>>
        %dma_start3A_206 = arith.constant 0 : i32
        %dma_start3A_207 = tpu.memref_slice %arg3[%add3A_102, %dma_start3A_206] : memref<2720x128xi32, #tpu.memory_space<hbm>> -> memref<32x128xi32, #tpu.memory_space<hbm>>
        %dma_start3A_208 = arith.constant 0 : i32
        %dma_start3A_209 = tpu.memref_slice %arg3[%add3A_102, %dma_start3A_208] : memref<2720x128xi32, #tpu.memory_space<hbm>> -> memref<32x128xi32, #tpu.memory_space<hbm>>
        tpu.enqueue_dma source(%dma_start3A_209 : memref<32x128xi32, #tpu.memory_space<hbm>>) target(%arg7 : memref<32x128xi32, #tpu.memory_space<vmem>>) target_semaphore(%run_scoped3A : memref<!tpu.dma_semaphore, #tpu.memory_space<semaphore_mem>>)
        %dma_wait3A = arith.constant 0 : i32
        %dma_wait3A_210 = tpu.memref_slice %arg3[%add3A_102, %dma_wait3A] : memref<2720x128xi32, #tpu.memory_space<hbm>> -> memref<32x128xi32, #tpu.memory_space<hbm>>
        %dma_wait3A_211 = arith.constant 0 : i32
        %dma_wait3A_212 = tpu.memref_slice %arg3[%add3A_102, %dma_wait3A_211] : memref<2720x128xi32, #tpu.memory_space<hbm>> -> memref<32x128xi32, #tpu.memory_space<hbm>>
        tpu.wait_dma2 semaphore(%run_scoped3A : memref<!tpu.dma_semaphore, #tpu.memory_space<semaphore_mem>>) src(%dma_wait3A_212 : memref<32x128xi32, #tpu.memory_space<hbm>>) dst(%arg7 : memref<32x128xi32, #tpu.memory_space<vmem>>)
        tpu.yield
      }) : () -> ()
      "tpu.region"() ({
        %run_scoped3A = tpu.sem_alloc : memref<!tpu.dma_semaphore, #tpu.memory_space<semaphore_mem>>
        %dma_start3A_206 = arith.constant 0 : i32
        %dma_start3A_207 = tpu.memref_slice %arg4[%add3A_102, %dma_start3A_206] : memref<2720x128xi32, #tpu.memory_space<hbm>> -> memref<32x128xi32, #tpu.memory_space<hbm>>
        %dma_start3A_208 = arith.constant 0 : i32
        %dma_start3A_209 = tpu.memref_slice %arg4[%add3A_102, %dma_start3A_208] : memref<2720x128xi32, #tpu.memory_space<hbm>> -> memref<32x128xi32, #tpu.memory_space<hbm>>
        tpu.enqueue_dma source(%dma_start3A_209 : memref<32x128xi32, #tpu.memory_space<hbm>>) target(%arg8 : memref<32x128xi32, #tpu.memory_space<vmem>>) target_semaphore(%run_scoped3A : memref<!tpu.dma_semaphore, #tpu.memory_space<semaphore_mem>>)
        %dma_wait3A = arith.constant 0 : i32
        %dma_wait3A_210 = tpu.memref_slice %arg4[%add3A_102, %dma_wait3A] : memref<2720x128xi32, #tpu.memory_space<hbm>> -> memref<32x128xi32, #tpu.memory_space<hbm>>
        %dma_wait3A_211 = arith.constant 0 : i32
        %dma_wait3A_212 = tpu.memref_slice %arg4[%add3A_102, %dma_wait3A_211] : memref<2720x128xi32, #tpu.memory_space<hbm>> -> memref<32x128xi32, #tpu.memory_space<hbm>>
        tpu.wait_dma2 semaphore(%run_scoped3A : memref<!tpu.dma_semaphore, #tpu.memory_space<semaphore_mem>>) src(%dma_wait3A_212 : memref<32x128xi32, #tpu.memory_space<hbm>>) dst(%arg8 : memref<32x128xi32, #tpu.memory_space<vmem>>)
        tpu.yield
      }) : () -> ()
      %dma_start3A_103 = arith.constant 0 : i32
      %dma_start3A_104 = arith.constant 0 : i32
      %dma_start3A_105 = arith.constant 0 : i32
      %dma_start3A_106 = arith.constant 0 : i32
      %dma_start3A_107 = tpu.memref_slice %arg9[%dma_start3A_105, %dma_start3A_106] : memref<256x128xf32, #tpu.memory_space<vmem>> -> memref<128x128xf32, #tpu.memory_space<vmem>>
      %dma_start3A_108 = arith.constant 0 : i32
      %dma_start3A_109 = tpu.memref_slice %arg7[%dma_start3A_103, %dma_start3A_108] : memref<32x128xi32, #tpu.memory_space<vmem>> -> memref<1x128xi32, #tpu.memory_space<vmem>>
      %dma_start3A_110 = tpu.memref_squeeze %dma_start3A_109 : memref<1x128xi32, #tpu.memory_space<vmem>> -> memref<128xi32, #tpu.memory_space<vmem>>
      %dma_start3A_111 = arith.constant 0 : i32
      %dma_start3A_112 = arith.constant 0 : i32
      %dma_start3A_113 = tpu.memref_slice %arg2[%dma_start3A_111, %dma_start3A_112] : memref<10240x128xf32, #tpu.memory_space<hbm>> -> memref<10240x128xf32, #tpu.memory_space<hbm>>
      %dma_start3A_114 = tpu.memref_slice %arg10[%dma_start3A_104] : memref<2x!tpu.dma_semaphore, #tpu.memory_space<semaphore_mem>> -> memref<1x!tpu.dma_semaphore, #tpu.memory_space<semaphore_mem>>
      %dma_start3A_115 = tpu.memref_squeeze %dma_start3A_114 : memref<1x!tpu.dma_semaphore, #tpu.memory_space<semaphore_mem>> -> memref<!tpu.dma_semaphore, #tpu.memory_space<semaphore_mem>>
      tpu.enqueue_indirect_dma source(%dma_start3A_113 : memref<10240x128xf32, #tpu.memory_space<hbm>>) target(%dma_start3A_107 : memref<128x128xf32, #tpu.memory_space<vmem>>) offsets(%dma_start3A_110 : memref<128xi32, #tpu.memory_space<vmem>>) semaphore(%dma_start3A_115 : memref<!tpu.dma_semaphore, #tpu.memory_space<semaphore_mem>>)
      %dma_start3A_116 = arith.constant 1 : i32
      %dma_start3A_117 = arith.constant 1 : i32
      %dma_start3A_118 = arith.constant 128 : i32
      %dma_start3A_119 = arith.constant 0 : i32
      %dma_start3A_120 = tpu.memref_slice %arg9[%dma_start3A_118, %dma_start3A_119] : memref<256x128xf32, #tpu.memory_space<vmem>> -> memref<128x128xf32, #tpu.memory_space<vmem>>
      %dma_start3A_121 = arith.constant 0 : i32
      %dma_start3A_122 = tpu.memref_slice %arg7[%dma_start3A_116, %dma_start3A_121] : memref<32x128xi32, #tpu.memory_space<vmem>> -> memref<1x128xi32, #tpu.memory_space<vmem>>
      %dma_start3A_123 = tpu.memref_squeeze %dma_start3A_122 : memref<1x128xi32, #tpu.memory_space<vmem>> -> memref<128xi32, #tpu.memory_space<vmem>>
      %dma_start3A_124 = arith.constant 0 : i32
      %dma_start3A_125 = arith.constant 0 : i32
      %dma_start3A_126 = tpu.memref_slice %arg2[%dma_start3A_124, %dma_start3A_125] : memref<10240x128xf32, #tpu.memory_space<hbm>> -> memref<10240x128xf32, #tpu.memory_space<hbm>>
      %dma_start3A_127 = tpu.memref_slice %arg10[%dma_start3A_117] : memref<2x!tpu.dma_semaphore, #tpu.memory_space<semaphore_mem>> -> memref<1x!tpu.dma_semaphore, #tpu.memory_space<semaphore_mem>>
      %dma_start3A_128 = tpu.memref_squeeze %dma_start3A_127 : memref<1x!tpu.dma_semaphore, #tpu.memory_space<semaphore_mem>> -> memref<!tpu.dma_semaphore, #tpu.memory_space<semaphore_mem>>
      tpu.enqueue_indirect_dma source(%dma_start3A_126 : memref<10240x128xf32, #tpu.memory_space<hbm>>) target(%dma_start3A_120 : memref<128x128xf32, #tpu.memory_space<vmem>>) offsets(%dma_start3A_123 : memref<128xi32, #tpu.memory_space<vmem>>) semaphore(%dma_start3A_128 : memref<!tpu.dma_semaphore, #tpu.memory_space<semaphore_mem>>)
      %scan3A_129 = arith.constant 0 : i32
      %scan3A_130 = arith.constant 2 : i32
      %scan3A_131 = arith.constant 32 : i32
      %scan3A_132 = arith.addi %scan3A_130, %scan3A_131 : i32
      %scan3A_133 = arith.constant 1 : i32
      %scan3A_134 = scf.for %scan3A_206 = %scan3A_130 to %scan3A_132 step %scan3A_133 iter_args(%scan3A_207 = %scan3A_129) -> (i32)  : i32 {
        %jit3A = arith.constant 2 : i32
        %eq3A_208 = arith.constant 0 : i32
        %eq3A_209 = arith.cmpi eq, %jit3A, %eq3A_208 : i32
        %jit3A_210 = arith.constant 1 : i32
        %select_n3A = arith.select %eq3A_209, %jit3A_210, %jit3A : i32
        %rem3A = arith.remsi %scan3A_206, %select_n3A : i32
        %ne3A = arith.constant 0 : i32
        %ne3A_211 = arith.cmpi ne, %rem3A, %ne3A : i32
        %lt3A = arith.constant 0 : i32
        %lt3A_212 = arith.cmpi slt, %rem3A, %lt3A : i32
        %lt3A_213 = arith.constant 0 : i32
        %lt3A_214 = arith.cmpi slt, %select_n3A, %lt3A_213 : i32
        %ne3A_215 = arith.xori %lt3A_212, %lt3A_214 : i1
        %and3A = arith.andi %ne3A_215, %ne3A_211 : i1
        %add3A_216 = arith.addi %rem3A, %select_n3A : i32
        %select_n3A_217 = arith.select %and3A, %add3A_216, %rem3A : i32
        %mul3A_218 = arith.constant 128 : i32
        %mul3A_219 = arith.muli %select_n3A_217, %mul3A_218 : i32
        %jit3A_220 = arith.constant 2 : i32
        %eq3A_221 = arith.constant 0 : i32
        %eq3A_222 = arith.cmpi eq, %jit3A_220, %eq3A_221 : i32
        %jit3A_223 = arith.constant 1 : i32
        %select_n3A_224 = arith.select %eq3A_222, %jit3A_223, %jit3A_220 : i32
        %rem3A_225 = arith.remsi %scan3A_206, %select_n3A_224 : i32
        %ne3A_226 = arith.constant 0 : i32
        %ne3A_227 = arith.cmpi ne, %rem3A_225, %ne3A_226 : i32
        %lt3A_228 = arith.constant 0 : i32
        %lt3A_229 = arith.cmpi slt, %rem3A_225, %lt3A_228 : i32
        %lt3A_230 = arith.constant 0 : i32
        %lt3A_231 = arith.cmpi slt, %select_n3A_224, %lt3A_230 : i32
        %ne3A_232 = arith.xori %lt3A_229, %lt3A_231 : i1
        %and3A_233 = arith.andi %ne3A_232, %ne3A_227 : i1
        %add3A_234 = arith.addi %rem3A_225, %select_n3A_224 : i32
        %select_n3A_235 = arith.select %and3A_233, %add3A_234, %rem3A_225 : i32
        %dma_wait3A = arith.constant 0 : i32
        %dma_wait3A_236 = tpu.memref_slice %arg9[%mul3A_219, %dma_wait3A] : memref<256x128xf32, #tpu.memory_space<vmem>> -> memref<128x128xf32, #tpu.memory_space<vmem>>
        %dma_wait3A_237 = arith.constant 0 : i32
        %dma_wait3A_238 = arith.constant 0 : i32
        %dma_wait3A_239 = tpu.memref_slice %arg2[%dma_wait3A_237, %dma_wait3A_238] : memref<10240x128xf32, #tpu.memory_space<hbm>> -> memref<128x128xf32, #tpu.memory_space<hbm>>
        %dma_wait3A_240 = tpu.memref_slice %arg10[%select_n3A_235] : memref<2x!tpu.dma_semaphore, #tpu.memory_space<semaphore_mem>> -> memref<1x!tpu.dma_semaphore, #tpu.memory_space<semaphore_mem>>
        %dma_wait3A_241 = tpu.memref_squeeze %dma_wait3A_240 : memref<1x!tpu.dma_semaphore, #tpu.memory_space<semaphore_mem>> -> memref<!tpu.dma_semaphore, #tpu.memory_space<semaphore_mem>>
        %dma_wait3A_242 = arith.constant 0 : i32
        %dma_wait3A_243 = tpu.memref_slice %arg9[%mul3A_219, %dma_wait3A_242] : memref<256x128xf32, #tpu.memory_space<vmem>> -> memref<128x128xf32, #tpu.memory_space<vmem>>
        %dma_wait3A_244 = arith.constant 0 : i32
        %dma_wait3A_245 = arith.constant 0 : i32
        %dma_wait3A_246 = tpu.memref_slice %arg2[%dma_wait3A_244, %dma_wait3A_245] : memref<10240x128xf32, #tpu.memory_space<hbm>> -> memref<128x128xf32, #tpu.memory_space<hbm>>
        tpu.wait_dma2 semaphore(%dma_wait3A_241 : memref<!tpu.dma_semaphore, #tpu.memory_space<semaphore_mem>>) src(%dma_wait3A_246 : memref<128x128xf32, #tpu.memory_space<hbm>>) dst(%dma_wait3A_243 : memref<128x128xf32, #tpu.memory_space<vmem>>)
        %sub3A = arith.constant 2 : i32
        %sub3A_247 = arith.subi %scan3A_206, %sub3A : i32
        "tpu.region"() ({
          %run_scoped3A = tpu.sem_alloc : memref<!tpu.dma_semaphore, #tpu.memory_space<semaphore_mem>>
          %dma_start3A_254 = arith.constant 0 : i32
          %dma_start3A_255 = tpu.memref_slice %arg9[%mul3A_219, %dma_start3A_254] : memref<256x128xf32, #tpu.memory_space<vmem>> -> memref<128x128xf32, #tpu.memory_space<vmem>>
          %dma_start3A_256 = arith.constant 0 : i32
          %dma_start3A_257 = tpu.memref_slice %arg8[%sub3A_247, %dma_start3A_256] : memref<32x128xi32, #tpu.memory_space<vmem>> -> memref<1x128xi32, #tpu.memory_space<vmem>>
          %dma_start3A_258 = tpu.memref_squeeze %dma_start3A_257 : memref<1x128xi32, #tpu.memory_space<vmem>> -> memref<128xi32, #tpu.memory_space<vmem>>
          %dma_start3A_259 = arith.constant 0 : i32
          %dma_start3A_260 = arith.constant 0 : i32
          %dma_start3A_261 = tpu.memref_slice %arg11[%dma_start3A_259, %dma_start3A_260] : memref<10240x128xf32, #tpu.memory_space<vmem_shared>> -> memref<10240x128xf32, #tpu.memory_space<vmem_shared>>
          tpu.enqueue_indirect_dma source(%dma_start3A_255 : memref<128x128xf32, #tpu.memory_space<vmem>>) target(%dma_start3A_261 : memref<10240x128xf32, #tpu.memory_space<vmem_shared>>) offsets(%dma_start3A_258 : memref<128xi32, #tpu.memory_space<vmem>>) semaphore(%run_scoped3A : memref<!tpu.dma_semaphore, #tpu.memory_space<semaphore_mem>>) {add = true}
          %dma_wait3A_262 = arith.constant 0 : i32
          %dma_wait3A_263 = tpu.memref_slice %arg9[%mul3A_219, %dma_wait3A_262] : memref<256x128xf32, #tpu.memory_space<vmem>> -> memref<128x128xf32, #tpu.memory_space<vmem>>
          %dma_wait3A_264 = arith.constant 0 : i32
          %dma_wait3A_265 = tpu.memref_slice %arg8[%sub3A_247, %dma_wait3A_264] : memref<32x128xi32, #tpu.memory_space<vmem>> -> memref<1x128xi32, #tpu.memory_space<vmem>>
          %dma_wait3A_266 = tpu.memref_squeeze %dma_wait3A_265 : memref<1x128xi32, #tpu.memory_space<vmem>> -> memref<128xi32, #tpu.memory_space<vmem>>
          %dma_wait3A_267 = arith.constant 0 : i32
          %dma_wait3A_268 = arith.constant 0 : i32
          %dma_wait3A_269 = tpu.memref_slice %arg11[%dma_wait3A_267, %dma_wait3A_268] : memref<10240x128xf32, #tpu.memory_space<vmem_shared>> -> memref<10240x128xf32, #tpu.memory_space<vmem_shared>>
          tpu.wait_indirect_dma semaphore(%run_scoped3A : memref<!tpu.dma_semaphore, #tpu.memory_space<semaphore_mem>>) src(%dma_wait3A_263 : memref<128x128xf32, #tpu.memory_space<vmem>>) dst(%dma_wait3A_269 : memref<10240x128xf32, #tpu.memory_space<vmem_shared>>)
          tpu.yield
        }) : () -> ()
        %lt3A_248 = arith.constant 32 : i32
        %lt3A_249 = arith.cmpi slt, %scan3A_206, %lt3A_248 : i32
        %convert_element_type3A_250 = arith.extui %lt3A_249 : i1 to i32
        %cond3A_251 = arith.constant 0 : i32
        %cond3A_252 = arith.cmpi ne, %convert_element_type3A_250, %cond3A_251 : i32
        scf.if %cond3A_252 {
          %jit3A_254 = arith.constant 2 : i32
          %eq3A_255 = arith.constant 0 : i32
          %eq3A_256 = arith.cmpi eq, %jit3A_254, %eq3A_255 : i32
          %jit3A_257 = arith.constant 1 : i32
          %select_n3A_258 = arith.select %eq3A_256, %jit3A_257, %jit3A_254 : i32
          %rem3A_259 = arith.remsi %scan3A_206, %select_n3A_258 : i32
          %ne3A_260 = arith.constant 0 : i32
          %ne3A_261 = arith.cmpi ne, %rem3A_259, %ne3A_260 : i32
          %lt3A_262 = arith.constant 0 : i32
          %lt3A_263 = arith.cmpi slt, %rem3A_259, %lt3A_262 : i32
          %lt3A_264 = arith.constant 0 : i32
          %lt3A_265 = arith.cmpi slt, %select_n3A_258, %lt3A_264 : i32
          %ne3A_266 = arith.xori %lt3A_263, %lt3A_265 : i1
          %and3A_267 = arith.andi %ne3A_266, %ne3A_261 : i1
          %add3A_268 = arith.addi %rem3A_259, %select_n3A_258 : i32
          %select_n3A_269 = arith.select %and3A_267, %add3A_268, %rem3A_259 : i32
          %dma_start3A_270 = arith.constant 0 : i32
          %dma_start3A_271 = tpu.memref_slice %arg9[%mul3A_219, %dma_start3A_270] : memref<256x128xf32, #tpu.memory_space<vmem>> -> memref<128x128xf32, #tpu.memory_space<vmem>>
          %dma_start3A_272 = arith.constant 0 : i32
          %dma_start3A_273 = tpu.memref_slice %arg7[%scan3A_206, %dma_start3A_272] : memref<32x128xi32, #tpu.memory_space<vmem>> -> memref<1x128xi32, #tpu.memory_space<vmem>>
          %dma_start3A_274 = tpu.memref_squeeze %dma_start3A_273 : memref<1x128xi32, #tpu.memory_space<vmem>> -> memref<128xi32, #tpu.memory_space<vmem>>
          %dma_start3A_275 = arith.constant 0 : i32
          %dma_start3A_276 = arith.constant 0 : i32
          %dma_start3A_277 = tpu.memref_slice %arg2[%dma_start3A_275, %dma_start3A_276] : memref<10240x128xf32, #tpu.memory_space<hbm>> -> memref<10240x128xf32, #tpu.memory_space<hbm>>
          %dma_start3A_278 = tpu.memref_slice %arg10[%select_n3A_269] : memref<2x!tpu.dma_semaphore, #tpu.memory_space<semaphore_mem>> -> memref<1x!tpu.dma_semaphore, #tpu.memory_space<semaphore_mem>>
          %dma_start3A_279 = tpu.memref_squeeze %dma_start3A_278 : memref<1x!tpu.dma_semaphore, #tpu.memory_space<semaphore_mem>> -> memref<!tpu.dma_semaphore, #tpu.memory_space<semaphore_mem>>
          tpu.enqueue_indirect_dma source(%dma_start3A_277 : memref<10240x128xf32, #tpu.memory_space<hbm>>) target(%dma_start3A_271 : memref<128x128xf32, #tpu.memory_space<vmem>>) offsets(%dma_start3A_274 : memref<128xi32, #tpu.memory_space<vmem>>) semaphore(%dma_start3A_279 : memref<!tpu.dma_semaphore, #tpu.memory_space<semaphore_mem>>)
        } else {
        }
        %scan3A_253 = arith.constant 0 : i32
        scf.yield %scan3A_253 : i32
      }
      %scan3A_135 = arith.constant 32 : i32
      %add3A_136 = arith.constant 64 : i32
      %add3A_137 = arith.addi %mul3A_67, %add3A_136 : i32
      "tpu.region"() ({
        %run_scoped3A = tpu.sem_alloc : memref<!tpu.dma_semaphore, #tpu.memory_space<semaphore_mem>>
        %dma_start3A_206 = arith.constant 0 : i32
        %dma_start3A_207 = tpu.memref_slice %arg3[%add3A_137, %dma_start3A_206] : memref<2720x128xi32, #tpu.memory_space<hbm>> -> memref<32x128xi32, #tpu.memory_space<hbm>>
        %dma_start3A_208 = arith.constant 0 : i32
        %dma_start3A_209 = tpu.memref_slice %arg3[%add3A_137, %dma_start3A_208] : memref<2720x128xi32, #tpu.memory_space<hbm>> -> memref<32x128xi32, #tpu.memory_space<hbm>>
        tpu.enqueue_dma source(%dma_start3A_209 : memref<32x128xi32, #tpu.memory_space<hbm>>) target(%arg7 : memref<32x128xi32, #tpu.memory_space<vmem>>) target_semaphore(%run_scoped3A : memref<!tpu.dma_semaphore, #tpu.memory_space<semaphore_mem>>)
        %dma_wait3A = arith.constant 0 : i32
        %dma_wait3A_210 = tpu.memref_slice %arg3[%add3A_137, %dma_wait3A] : memref<2720x128xi32, #tpu.memory_space<hbm>> -> memref<32x128xi32, #tpu.memory_space<hbm>>
        %dma_wait3A_211 = arith.constant 0 : i32
        %dma_wait3A_212 = tpu.memref_slice %arg3[%add3A_137, %dma_wait3A_211] : memref<2720x128xi32, #tpu.memory_space<hbm>> -> memref<32x128xi32, #tpu.memory_space<hbm>>
        tpu.wait_dma2 semaphore(%run_scoped3A : memref<!tpu.dma_semaphore, #tpu.memory_space<semaphore_mem>>) src(%dma_wait3A_212 : memref<32x128xi32, #tpu.memory_space<hbm>>) dst(%arg7 : memref<32x128xi32, #tpu.memory_space<vmem>>)
        tpu.yield
      }) : () -> ()
      "tpu.region"() ({
        %run_scoped3A = tpu.sem_alloc : memref<!tpu.dma_semaphore, #tpu.memory_space<semaphore_mem>>
        %dma_start3A_206 = arith.constant 0 : i32
        %dma_start3A_207 = tpu.memref_slice %arg4[%add3A_137, %dma_start3A_206] : memref<2720x128xi32, #tpu.memory_space<hbm>> -> memref<32x128xi32, #tpu.memory_space<hbm>>
        %dma_start3A_208 = arith.constant 0 : i32
        %dma_start3A_209 = tpu.memref_slice %arg4[%add3A_137, %dma_start3A_208] : memref<2720x128xi32, #tpu.memory_space<hbm>> -> memref<32x128xi32, #tpu.memory_space<hbm>>
        tpu.enqueue_dma source(%dma_start3A_209 : memref<32x128xi32, #tpu.memory_space<hbm>>) target(%arg8 : memref<32x128xi32, #tpu.memory_space<vmem>>) target_semaphore(%run_scoped3A : memref<!tpu.dma_semaphore, #tpu.memory_space<semaphore_mem>>)
        %dma_wait3A = arith.constant 0 : i32
        %dma_wait3A_210 = tpu.memref_slice %arg4[%add3A_137, %dma_wait3A] : memref<2720x128xi32, #tpu.memory_space<hbm>> -> memref<32x128xi32, #tpu.memory_space<hbm>>
        %dma_wait3A_211 = arith.constant 0 : i32
        %dma_wait3A_212 = tpu.memref_slice %arg4[%add3A_137, %dma_wait3A_211] : memref<2720x128xi32, #tpu.memory_space<hbm>> -> memref<32x128xi32, #tpu.memory_space<hbm>>
        tpu.wait_dma2 semaphore(%run_scoped3A : memref<!tpu.dma_semaphore, #tpu.memory_space<semaphore_mem>>) src(%dma_wait3A_212 : memref<32x128xi32, #tpu.memory_space<hbm>>) dst(%arg8 : memref<32x128xi32, #tpu.memory_space<vmem>>)
        tpu.yield
      }) : () -> ()
      %dma_start3A_138 = arith.constant 0 : i32
      %dma_start3A_139 = arith.constant 0 : i32
      %dma_start3A_140 = arith.constant 0 : i32
      %dma_start3A_141 = arith.constant 0 : i32
      %dma_start3A_142 = tpu.memref_slice %arg9[%dma_start3A_140, %dma_start3A_141] : memref<256x128xf32, #tpu.memory_space<vmem>> -> memref<128x128xf32, #tpu.memory_space<vmem>>
      %dma_start3A_143 = arith.constant 0 : i32
      %dma_start3A_144 = tpu.memref_slice %arg7[%dma_start3A_138, %dma_start3A_143] : memref<32x128xi32, #tpu.memory_space<vmem>> -> memref<1x128xi32, #tpu.memory_space<vmem>>
      %dma_start3A_145 = tpu.memref_squeeze %dma_start3A_144 : memref<1x128xi32, #tpu.memory_space<vmem>> -> memref<128xi32, #tpu.memory_space<vmem>>
      %dma_start3A_146 = arith.constant 0 : i32
      %dma_start3A_147 = arith.constant 0 : i32
      %dma_start3A_148 = tpu.memref_slice %arg2[%dma_start3A_146, %dma_start3A_147] : memref<10240x128xf32, #tpu.memory_space<hbm>> -> memref<10240x128xf32, #tpu.memory_space<hbm>>
      %dma_start3A_149 = tpu.memref_slice %arg10[%dma_start3A_139] : memref<2x!tpu.dma_semaphore, #tpu.memory_space<semaphore_mem>> -> memref<1x!tpu.dma_semaphore, #tpu.memory_space<semaphore_mem>>
      %dma_start3A_150 = tpu.memref_squeeze %dma_start3A_149 : memref<1x!tpu.dma_semaphore, #tpu.memory_space<semaphore_mem>> -> memref<!tpu.dma_semaphore, #tpu.memory_space<semaphore_mem>>
      tpu.enqueue_indirect_dma source(%dma_start3A_148 : memref<10240x128xf32, #tpu.memory_space<hbm>>) target(%dma_start3A_142 : memref<128x128xf32, #tpu.memory_space<vmem>>) offsets(%dma_start3A_145 : memref<128xi32, #tpu.memory_space<vmem>>) semaphore(%dma_start3A_150 : memref<!tpu.dma_semaphore, #tpu.memory_space<semaphore_mem>>)
      %dma_start3A_151 = arith.constant 1 : i32
      %dma_start3A_152 = arith.constant 1 : i32
      %dma_start3A_153 = arith.constant 128 : i32
      %dma_start3A_154 = arith.constant 0 : i32
      %dma_start3A_155 = tpu.memref_slice %arg9[%dma_start3A_153, %dma_start3A_154] : memref<256x128xf32, #tpu.memory_space<vmem>> -> memref<128x128xf32, #tpu.memory_space<vmem>>
      %dma_start3A_156 = arith.constant 0 : i32
      %dma_start3A_157 = tpu.memref_slice %arg7[%dma_start3A_151, %dma_start3A_156] : memref<32x128xi32, #tpu.memory_space<vmem>> -> memref<1x128xi32, #tpu.memory_space<vmem>>
      %dma_start3A_158 = tpu.memref_squeeze %dma_start3A_157 : memref<1x128xi32, #tpu.memory_space<vmem>> -> memref<128xi32, #tpu.memory_space<vmem>>
      %dma_start3A_159 = arith.constant 0 : i32
      %dma_start3A_160 = arith.constant 0 : i32
      %dma_start3A_161 = tpu.memref_slice %arg2[%dma_start3A_159, %dma_start3A_160] : memref<10240x128xf32, #tpu.memory_space<hbm>> -> memref<10240x128xf32, #tpu.memory_space<hbm>>
      %dma_start3A_162 = tpu.memref_slice %arg10[%dma_start3A_152] : memref<2x!tpu.dma_semaphore, #tpu.memory_space<semaphore_mem>> -> memref<1x!tpu.dma_semaphore, #tpu.memory_space<semaphore_mem>>
      %dma_start3A_163 = tpu.memref_squeeze %dma_start3A_162 : memref<1x!tpu.dma_semaphore, #tpu.memory_space<semaphore_mem>> -> memref<!tpu.dma_semaphore, #tpu.memory_space<semaphore_mem>>
      tpu.enqueue_indirect_dma source(%dma_start3A_161 : memref<10240x128xf32, #tpu.memory_space<hbm>>) target(%dma_start3A_155 : memref<128x128xf32, #tpu.memory_space<vmem>>) offsets(%dma_start3A_158 : memref<128xi32, #tpu.memory_space<vmem>>) semaphore(%dma_start3A_163 : memref<!tpu.dma_semaphore, #tpu.memory_space<semaphore_mem>>)
      %scan3A_164 = arith.constant 0 : i32
      %scan3A_165 = arith.constant 2 : i32
      %scan3A_166 = arith.constant 32 : i32
      %scan3A_167 = arith.addi %scan3A_165, %scan3A_166 : i32
      %scan3A_168 = arith.constant 1 : i32
      %scan3A_169 = scf.for %scan3A_206 = %scan3A_165 to %scan3A_167 step %scan3A_168 iter_args(%scan3A_207 = %scan3A_164) -> (i32)  : i32 {
        %jit3A = arith.constant 2 : i32
        %eq3A_208 = arith.constant 0 : i32
        %eq3A_209 = arith.cmpi eq, %jit3A, %eq3A_208 : i32
        %jit3A_210 = arith.constant 1 : i32
        %select_n3A = arith.select %eq3A_209, %jit3A_210, %jit3A : i32
        %rem3A = arith.remsi %scan3A_206, %select_n3A : i32
        %ne3A = arith.constant 0 : i32
        %ne3A_211 = arith.cmpi ne, %rem3A, %ne3A : i32
        %lt3A = arith.constant 0 : i32
        %lt3A_212 = arith.cmpi slt, %rem3A, %lt3A : i32
        %lt3A_213 = arith.constant 0 : i32
        %lt3A_214 = arith.cmpi slt, %select_n3A, %lt3A_213 : i32
        %ne3A_215 = arith.xori %lt3A_212, %lt3A_214 : i1
        %and3A = arith.andi %ne3A_215, %ne3A_211 : i1
        %add3A_216 = arith.addi %rem3A, %select_n3A : i32
        %select_n3A_217 = arith.select %and3A, %add3A_216, %rem3A : i32
        %mul3A_218 = arith.constant 128 : i32
        %mul3A_219 = arith.muli %select_n3A_217, %mul3A_218 : i32
        %jit3A_220 = arith.constant 2 : i32
        %eq3A_221 = arith.constant 0 : i32
        %eq3A_222 = arith.cmpi eq, %jit3A_220, %eq3A_221 : i32
        %jit3A_223 = arith.constant 1 : i32
        %select_n3A_224 = arith.select %eq3A_222, %jit3A_223, %jit3A_220 : i32
        %rem3A_225 = arith.remsi %scan3A_206, %select_n3A_224 : i32
        %ne3A_226 = arith.constant 0 : i32
        %ne3A_227 = arith.cmpi ne, %rem3A_225, %ne3A_226 : i32
        %lt3A_228 = arith.constant 0 : i32
        %lt3A_229 = arith.cmpi slt, %rem3A_225, %lt3A_228 : i32
        %lt3A_230 = arith.constant 0 : i32
        %lt3A_231 = arith.cmpi slt, %select_n3A_224, %lt3A_230 : i32
        %ne3A_232 = arith.xori %lt3A_229, %lt3A_231 : i1
        %and3A_233 = arith.andi %ne3A_232, %ne3A_227 : i1
        %add3A_234 = arith.addi %rem3A_225, %select_n3A_224 : i32
        %select_n3A_235 = arith.select %and3A_233, %add3A_234, %rem3A_225 : i32
        %dma_wait3A = arith.constant 0 : i32
        %dma_wait3A_236 = tpu.memref_slice %arg9[%mul3A_219, %dma_wait3A] : memref<256x128xf32, #tpu.memory_space<vmem>> -> memref<128x128xf32, #tpu.memory_space<vmem>>
        %dma_wait3A_237 = arith.constant 0 : i32
        %dma_wait3A_238 = arith.constant 0 : i32
        %dma_wait3A_239 = tpu.memref_slice %arg2[%dma_wait3A_237, %dma_wait3A_238] : memref<10240x128xf32, #tpu.memory_space<hbm>> -> memref<128x128xf32, #tpu.memory_space<hbm>>
        %dma_wait3A_240 = tpu.memref_slice %arg10[%select_n3A_235] : memref<2x!tpu.dma_semaphore, #tpu.memory_space<semaphore_mem>> -> memref<1x!tpu.dma_semaphore, #tpu.memory_space<semaphore_mem>>
        %dma_wait3A_241 = tpu.memref_squeeze %dma_wait3A_240 : memref<1x!tpu.dma_semaphore, #tpu.memory_space<semaphore_mem>> -> memref<!tpu.dma_semaphore, #tpu.memory_space<semaphore_mem>>
        %dma_wait3A_242 = arith.constant 0 : i32
        %dma_wait3A_243 = tpu.memref_slice %arg9[%mul3A_219, %dma_wait3A_242] : memref<256x128xf32, #tpu.memory_space<vmem>> -> memref<128x128xf32, #tpu.memory_space<vmem>>
        %dma_wait3A_244 = arith.constant 0 : i32
        %dma_wait3A_245 = arith.constant 0 : i32
        %dma_wait3A_246 = tpu.memref_slice %arg2[%dma_wait3A_244, %dma_wait3A_245] : memref<10240x128xf32, #tpu.memory_space<hbm>> -> memref<128x128xf32, #tpu.memory_space<hbm>>
        tpu.wait_dma2 semaphore(%dma_wait3A_241 : memref<!tpu.dma_semaphore, #tpu.memory_space<semaphore_mem>>) src(%dma_wait3A_246 : memref<128x128xf32, #tpu.memory_space<hbm>>) dst(%dma_wait3A_243 : memref<128x128xf32, #tpu.memory_space<vmem>>)
        %sub3A = arith.constant 2 : i32
        %sub3A_247 = arith.subi %scan3A_206, %sub3A : i32
        "tpu.region"() ({
          %run_scoped3A = tpu.sem_alloc : memref<!tpu.dma_semaphore, #tpu.memory_space<semaphore_mem>>
          %dma_start3A_254 = arith.constant 0 : i32
          %dma_start3A_255 = tpu.memref_slice %arg9[%mul3A_219, %dma_start3A_254] : memref<256x128xf32, #tpu.memory_space<vmem>> -> memref<128x128xf32, #tpu.memory_space<vmem>>
          %dma_start3A_256 = arith.constant 0 : i32
          %dma_start3A_257 = tpu.memref_slice %arg8[%sub3A_247, %dma_start3A_256] : memref<32x128xi32, #tpu.memory_space<vmem>> -> memref<1x128xi32, #tpu.memory_space<vmem>>
          %dma_start3A_258 = tpu.memref_squeeze %dma_start3A_257 : memref<1x128xi32, #tpu.memory_space<vmem>> -> memref<128xi32, #tpu.memory_space<vmem>>
          %dma_start3A_259 = arith.constant 0 : i32
          %dma_start3A_260 = arith.constant 0 : i32
          %dma_start3A_261 = tpu.memref_slice %arg11[%dma_start3A_259, %dma_start3A_260] : memref<10240x128xf32, #tpu.memory_space<vmem_shared>> -> memref<10240x128xf32, #tpu.memory_space<vmem_shared>>
          tpu.enqueue_indirect_dma source(%dma_start3A_255 : memref<128x128xf32, #tpu.memory_space<vmem>>) target(%dma_start3A_261 : memref<10240x128xf32, #tpu.memory_space<vmem_shared>>) offsets(%dma_start3A_258 : memref<128xi32, #tpu.memory_space<vmem>>) semaphore(%run_scoped3A : memref<!tpu.dma_semaphore, #tpu.memory_space<semaphore_mem>>) {add = true}
          %dma_wait3A_262 = arith.constant 0 : i32
          %dma_wait3A_263 = tpu.memref_slice %arg9[%mul3A_219, %dma_wait3A_262] : memref<256x128xf32, #tpu.memory_space<vmem>> -> memref<128x128xf32, #tpu.memory_space<vmem>>
          %dma_wait3A_264 = arith.constant 0 : i32
          %dma_wait3A_265 = tpu.memref_slice %arg8[%sub3A_247, %dma_wait3A_264] : memref<32x128xi32, #tpu.memory_space<vmem>> -> memref<1x128xi32, #tpu.memory_space<vmem>>
          %dma_wait3A_266 = tpu.memref_squeeze %dma_wait3A_265 : memref<1x128xi32, #tpu.memory_space<vmem>> -> memref<128xi32, #tpu.memory_space<vmem>>
          %dma_wait3A_267 = arith.constant 0 : i32
          %dma_wait3A_268 = arith.constant 0 : i32
          %dma_wait3A_269 = tpu.memref_slice %arg11[%dma_wait3A_267, %dma_wait3A_268] : memref<10240x128xf32, #tpu.memory_space<vmem_shared>> -> memref<10240x128xf32, #tpu.memory_space<vmem_shared>>
          tpu.wait_indirect_dma semaphore(%run_scoped3A : memref<!tpu.dma_semaphore, #tpu.memory_space<semaphore_mem>>) src(%dma_wait3A_263 : memref<128x128xf32, #tpu.memory_space<vmem>>) dst(%dma_wait3A_269 : memref<10240x128xf32, #tpu.memory_space<vmem_shared>>)
          tpu.yield
        }) : () -> ()
        %lt3A_248 = arith.constant 32 : i32
        %lt3A_249 = arith.cmpi slt, %scan3A_206, %lt3A_248 : i32
        %convert_element_type3A_250 = arith.extui %lt3A_249 : i1 to i32
        %cond3A_251 = arith.constant 0 : i32
        %cond3A_252 = arith.cmpi ne, %convert_element_type3A_250, %cond3A_251 : i32
        scf.if %cond3A_252 {
          %jit3A_254 = arith.constant 2 : i32
          %eq3A_255 = arith.constant 0 : i32
          %eq3A_256 = arith.cmpi eq, %jit3A_254, %eq3A_255 : i32
          %jit3A_257 = arith.constant 1 : i32
          %select_n3A_258 = arith.select %eq3A_256, %jit3A_257, %jit3A_254 : i32
          %rem3A_259 = arith.remsi %scan3A_206, %select_n3A_258 : i32
          %ne3A_260 = arith.constant 0 : i32
          %ne3A_261 = arith.cmpi ne, %rem3A_259, %ne3A_260 : i32
          %lt3A_262 = arith.constant 0 : i32
          %lt3A_263 = arith.cmpi slt, %rem3A_259, %lt3A_262 : i32
          %lt3A_264 = arith.constant 0 : i32
          %lt3A_265 = arith.cmpi slt, %select_n3A_258, %lt3A_264 : i32
          %ne3A_266 = arith.xori %lt3A_263, %lt3A_265 : i1
          %and3A_267 = arith.andi %ne3A_266, %ne3A_261 : i1
          %add3A_268 = arith.addi %rem3A_259, %select_n3A_258 : i32
          %select_n3A_269 = arith.select %and3A_267, %add3A_268, %rem3A_259 : i32
          %dma_start3A_270 = arith.constant 0 : i32
          %dma_start3A_271 = tpu.memref_slice %arg9[%mul3A_219, %dma_start3A_270] : memref<256x128xf32, #tpu.memory_space<vmem>> -> memref<128x128xf32, #tpu.memory_space<vmem>>
          %dma_start3A_272 = arith.constant 0 : i32
          %dma_start3A_273 = tpu.memref_slice %arg7[%scan3A_206, %dma_start3A_272] : memref<32x128xi32, #tpu.memory_space<vmem>> -> memref<1x128xi32, #tpu.memory_space<vmem>>
          %dma_start3A_274 = tpu.memref_squeeze %dma_start3A_273 : memref<1x128xi32, #tpu.memory_space<vmem>> -> memref<128xi32, #tpu.memory_space<vmem>>
          %dma_start3A_275 = arith.constant 0 : i32
          %dma_start3A_276 = arith.constant 0 : i32
          %dma_start3A_277 = tpu.memref_slice %arg2[%dma_start3A_275, %dma_start3A_276] : memref<10240x128xf32, #tpu.memory_space<hbm>> -> memref<10240x128xf32, #tpu.memory_space<hbm>>
          %dma_start3A_278 = tpu.memref_slice %arg10[%select_n3A_269] : memref<2x!tpu.dma_semaphore, #tpu.memory_space<semaphore_mem>> -> memref<1x!tpu.dma_semaphore, #tpu.memory_space<semaphore_mem>>
          %dma_start3A_279 = tpu.memref_squeeze %dma_start3A_278 : memref<1x!tpu.dma_semaphore, #tpu.memory_space<semaphore_mem>> -> memref<!tpu.dma_semaphore, #tpu.memory_space<semaphore_mem>>
          tpu.enqueue_indirect_dma source(%dma_start3A_277 : memref<10240x128xf32, #tpu.memory_space<hbm>>) target(%dma_start3A_271 : memref<128x128xf32, #tpu.memory_space<vmem>>) offsets(%dma_start3A_274 : memref<128xi32, #tpu.memory_space<vmem>>) semaphore(%dma_start3A_279 : memref<!tpu.dma_semaphore, #tpu.memory_space<semaphore_mem>>)
        } else {
        }
        %scan3A_253 = arith.constant 0 : i32
        scf.yield %scan3A_253 : i32
      }
      %scan3A_170 = arith.constant 32 : i32
      %add3A_171 = arith.constant 96 : i32
      %add3A_172 = arith.addi %mul3A_67, %add3A_171 : i32
      "tpu.region"() ({
        %run_scoped3A = tpu.sem_alloc : memref<!tpu.dma_semaphore, #tpu.memory_space<semaphore_mem>>
        %dma_start3A_206 = arith.constant 0 : i32
        %dma_start3A_207 = tpu.memref_slice %arg3[%add3A_172, %dma_start3A_206] : memref<2720x128xi32, #tpu.memory_space<hbm>> -> memref<32x128xi32, #tpu.memory_space<hbm>>
        %dma_start3A_208 = arith.constant 0 : i32
        %dma_start3A_209 = tpu.memref_slice %arg3[%add3A_172, %dma_start3A_208] : memref<2720x128xi32, #tpu.memory_space<hbm>> -> memref<32x128xi32, #tpu.memory_space<hbm>>
        tpu.enqueue_dma source(%dma_start3A_209 : memref<32x128xi32, #tpu.memory_space<hbm>>) target(%arg7 : memref<32x128xi32, #tpu.memory_space<vmem>>) target_semaphore(%run_scoped3A : memref<!tpu.dma_semaphore, #tpu.memory_space<semaphore_mem>>)
        %dma_wait3A = arith.constant 0 : i32
        %dma_wait3A_210 = tpu.memref_slice %arg3[%add3A_172, %dma_wait3A] : memref<2720x128xi32, #tpu.memory_space<hbm>> -> memref<32x128xi32, #tpu.memory_space<hbm>>
        %dma_wait3A_211 = arith.constant 0 : i32
        %dma_wait3A_212 = tpu.memref_slice %arg3[%add3A_172, %dma_wait3A_211] : memref<2720x128xi32, #tpu.memory_space<hbm>> -> memref<32x128xi32, #tpu.memory_space<hbm>>
        tpu.wait_dma2 semaphore(%run_scoped3A : memref<!tpu.dma_semaphore, #tpu.memory_space<semaphore_mem>>) src(%dma_wait3A_212 : memref<32x128xi32, #tpu.memory_space<hbm>>) dst(%arg7 : memref<32x128xi32, #tpu.memory_space<vmem>>)
        tpu.yield
      }) : () -> ()
      "tpu.region"() ({
        %run_scoped3A = tpu.sem_alloc : memref<!tpu.dma_semaphore, #tpu.memory_space<semaphore_mem>>
        %dma_start3A_206 = arith.constant 0 : i32
        %dma_start3A_207 = tpu.memref_slice %arg4[%add3A_172, %dma_start3A_206] : memref<2720x128xi32, #tpu.memory_space<hbm>> -> memref<32x128xi32, #tpu.memory_space<hbm>>
        %dma_start3A_208 = arith.constant 0 : i32
        %dma_start3A_209 = tpu.memref_slice %arg4[%add3A_172, %dma_start3A_208] : memref<2720x128xi32, #tpu.memory_space<hbm>> -> memref<32x128xi32, #tpu.memory_space<hbm>>
        tpu.enqueue_dma source(%dma_start3A_209 : memref<32x128xi32, #tpu.memory_space<hbm>>) target(%arg8 : memref<32x128xi32, #tpu.memory_space<vmem>>) target_semaphore(%run_scoped3A : memref<!tpu.dma_semaphore, #tpu.memory_space<semaphore_mem>>)
        %dma_wait3A = arith.constant 0 : i32
        %dma_wait3A_210 = tpu.memref_slice %arg4[%add3A_172, %dma_wait3A] : memref<2720x128xi32, #tpu.memory_space<hbm>> -> memref<32x128xi32, #tpu.memory_space<hbm>>
        %dma_wait3A_211 = arith.constant 0 : i32
        %dma_wait3A_212 = tpu.memref_slice %arg4[%add3A_172, %dma_wait3A_211] : memref<2720x128xi32, #tpu.memory_space<hbm>> -> memref<32x128xi32, #tpu.memory_space<hbm>>
        tpu.wait_dma2 semaphore(%run_scoped3A : memref<!tpu.dma_semaphore, #tpu.memory_space<semaphore_mem>>) src(%dma_wait3A_212 : memref<32x128xi32, #tpu.memory_space<hbm>>) dst(%arg8 : memref<32x128xi32, #tpu.memory_space<vmem>>)
        tpu.yield
      }) : () -> ()
      %dma_start3A_173 = arith.constant 0 : i32
      %dma_start3A_174 = arith.constant 0 : i32
      %dma_start3A_175 = arith.constant 0 : i32
      %dma_start3A_176 = arith.constant 0 : i32
      %dma_start3A_177 = tpu.memref_slice %arg9[%dma_start3A_175, %dma_start3A_176] : memref<256x128xf32, #tpu.memory_space<vmem>> -> memref<128x128xf32, #tpu.memory_space<vmem>>
      %dma_start3A_178 = arith.constant 0 : i32
      %dma_start3A_179 = tpu.memref_slice %arg7[%dma_start3A_173, %dma_start3A_178] : memref<32x128xi32, #tpu.memory_space<vmem>> -> memref<1x128xi32, #tpu.memory_space<vmem>>
      %dma_start3A_180 = tpu.memref_squeeze %dma_start3A_179 : memref<1x128xi32, #tpu.memory_space<vmem>> -> memref<128xi32, #tpu.memory_space<vmem>>
      %dma_start3A_181 = arith.constant 0 : i32
      %dma_start3A_182 = arith.constant 0 : i32
      %dma_start3A_183 = tpu.memref_slice %arg2[%dma_start3A_181, %dma_start3A_182] : memref<10240x128xf32, #tpu.memory_space<hbm>> -> memref<10240x128xf32, #tpu.memory_space<hbm>>
      %dma_start3A_184 = tpu.memref_slice %arg10[%dma_start3A_174] : memref<2x!tpu.dma_semaphore, #tpu.memory_space<semaphore_mem>> -> memref<1x!tpu.dma_semaphore, #tpu.memory_space<semaphore_mem>>
      %dma_start3A_185 = tpu.memref_squeeze %dma_start3A_184 : memref<1x!tpu.dma_semaphore, #tpu.memory_space<semaphore_mem>> -> memref<!tpu.dma_semaphore, #tpu.memory_space<semaphore_mem>>
      tpu.enqueue_indirect_dma source(%dma_start3A_183 : memref<10240x128xf32, #tpu.memory_space<hbm>>) target(%dma_start3A_177 : memref<128x128xf32, #tpu.memory_space<vmem>>) offsets(%dma_start3A_180 : memref<128xi32, #tpu.memory_space<vmem>>) semaphore(%dma_start3A_185 : memref<!tpu.dma_semaphore, #tpu.memory_space<semaphore_mem>>)
      %dma_start3A_186 = arith.constant 1 : i32
      %dma_start3A_187 = arith.constant 1 : i32
      %dma_start3A_188 = arith.constant 128 : i32
      %dma_start3A_189 = arith.constant 0 : i32
      %dma_start3A_190 = tpu.memref_slice %arg9[%dma_start3A_188, %dma_start3A_189] : memref<256x128xf32, #tpu.memory_space<vmem>> -> memref<128x128xf32, #tpu.memory_space<vmem>>
      %dma_start3A_191 = arith.constant 0 : i32
      %dma_start3A_192 = tpu.memref_slice %arg7[%dma_start3A_186, %dma_start3A_191] : memref<32x128xi32, #tpu.memory_space<vmem>> -> memref<1x128xi32, #tpu.memory_space<vmem>>
      %dma_start3A_193 = tpu.memref_squeeze %dma_start3A_192 : memref<1x128xi32, #tpu.memory_space<vmem>> -> memref<128xi32, #tpu.memory_space<vmem>>
      %dma_start3A_194 = arith.constant 0 : i32
      %dma_start3A_195 = arith.constant 0 : i32
      %dma_start3A_196 = tpu.memref_slice %arg2[%dma_start3A_194, %dma_start3A_195] : memref<10240x128xf32, #tpu.memory_space<hbm>> -> memref<10240x128xf32, #tpu.memory_space<hbm>>
      %dma_start3A_197 = tpu.memref_slice %arg10[%dma_start3A_187] : memref<2x!tpu.dma_semaphore, #tpu.memory_space<semaphore_mem>> -> memref<1x!tpu.dma_semaphore, #tpu.memory_space<semaphore_mem>>
      %dma_start3A_198 = tpu.memref_squeeze %dma_start3A_197 : memref<1x!tpu.dma_semaphore, #tpu.memory_space<semaphore_mem>> -> memref<!tpu.dma_semaphore, #tpu.memory_space<semaphore_mem>>
      tpu.enqueue_indirect_dma source(%dma_start3A_196 : memref<10240x128xf32, #tpu.memory_space<hbm>>) target(%dma_start3A_190 : memref<128x128xf32, #tpu.memory_space<vmem>>) offsets(%dma_start3A_193 : memref<128xi32, #tpu.memory_space<vmem>>) semaphore(%dma_start3A_198 : memref<!tpu.dma_semaphore, #tpu.memory_space<semaphore_mem>>)
      %scan3A_199 = arith.constant 0 : i32
      %scan3A_200 = arith.constant 2 : i32
      %scan3A_201 = arith.constant 32 : i32
      %scan3A_202 = arith.addi %scan3A_200, %scan3A_201 : i32
      %scan3A_203 = arith.constant 1 : i32
      %scan3A_204 = scf.for %scan3A_206 = %scan3A_200 to %scan3A_202 step %scan3A_203 iter_args(%scan3A_207 = %scan3A_199) -> (i32)  : i32 {
        %jit3A = arith.constant 2 : i32
        %eq3A_208 = arith.constant 0 : i32
        %eq3A_209 = arith.cmpi eq, %jit3A, %eq3A_208 : i32
        %jit3A_210 = arith.constant 1 : i32
        %select_n3A = arith.select %eq3A_209, %jit3A_210, %jit3A : i32
        %rem3A = arith.remsi %scan3A_206, %select_n3A : i32
        %ne3A = arith.constant 0 : i32
        %ne3A_211 = arith.cmpi ne, %rem3A, %ne3A : i32
        %lt3A = arith.constant 0 : i32
        %lt3A_212 = arith.cmpi slt, %rem3A, %lt3A : i32
        %lt3A_213 = arith.constant 0 : i32
        %lt3A_214 = arith.cmpi slt, %select_n3A, %lt3A_213 : i32
        %ne3A_215 = arith.xori %lt3A_212, %lt3A_214 : i1
        %and3A = arith.andi %ne3A_215, %ne3A_211 : i1
        %add3A_216 = arith.addi %rem3A, %select_n3A : i32
        %select_n3A_217 = arith.select %and3A, %add3A_216, %rem3A : i32
        %mul3A_218 = arith.constant 128 : i32
        %mul3A_219 = arith.muli %select_n3A_217, %mul3A_218 : i32
        %jit3A_220 = arith.constant 2 : i32
        %eq3A_221 = arith.constant 0 : i32
        %eq3A_222 = arith.cmpi eq, %jit3A_220, %eq3A_221 : i32
        %jit3A_223 = arith.constant 1 : i32
        %select_n3A_224 = arith.select %eq3A_222, %jit3A_223, %jit3A_220 : i32
        %rem3A_225 = arith.remsi %scan3A_206, %select_n3A_224 : i32
        %ne3A_226 = arith.constant 0 : i32
        %ne3A_227 = arith.cmpi ne, %rem3A_225, %ne3A_226 : i32
        %lt3A_228 = arith.constant 0 : i32
        %lt3A_229 = arith.cmpi slt, %rem3A_225, %lt3A_228 : i32
        %lt3A_230 = arith.constant 0 : i32
        %lt3A_231 = arith.cmpi slt, %select_n3A_224, %lt3A_230 : i32
        %ne3A_232 = arith.xori %lt3A_229, %lt3A_231 : i1
        %and3A_233 = arith.andi %ne3A_232, %ne3A_227 : i1
        %add3A_234 = arith.addi %rem3A_225, %select_n3A_224 : i32
        %select_n3A_235 = arith.select %and3A_233, %add3A_234, %rem3A_225 : i32
        %dma_wait3A = arith.constant 0 : i32
        %dma_wait3A_236 = tpu.memref_slice %arg9[%mul3A_219, %dma_wait3A] : memref<256x128xf32, #tpu.memory_space<vmem>> -> memref<128x128xf32, #tpu.memory_space<vmem>>
        %dma_wait3A_237 = arith.constant 0 : i32
        %dma_wait3A_238 = arith.constant 0 : i32
        %dma_wait3A_239 = tpu.memref_slice %arg2[%dma_wait3A_237, %dma_wait3A_238] : memref<10240x128xf32, #tpu.memory_space<hbm>> -> memref<128x128xf32, #tpu.memory_space<hbm>>
        %dma_wait3A_240 = tpu.memref_slice %arg10[%select_n3A_235] : memref<2x!tpu.dma_semaphore, #tpu.memory_space<semaphore_mem>> -> memref<1x!tpu.dma_semaphore, #tpu.memory_space<semaphore_mem>>
        %dma_wait3A_241 = tpu.memref_squeeze %dma_wait3A_240 : memref<1x!tpu.dma_semaphore, #tpu.memory_space<semaphore_mem>> -> memref<!tpu.dma_semaphore, #tpu.memory_space<semaphore_mem>>
        %dma_wait3A_242 = arith.constant 0 : i32
        %dma_wait3A_243 = tpu.memref_slice %arg9[%mul3A_219, %dma_wait3A_242] : memref<256x128xf32, #tpu.memory_space<vmem>> -> memref<128x128xf32, #tpu.memory_space<vmem>>
        %dma_wait3A_244 = arith.constant 0 : i32
        %dma_wait3A_245 = arith.constant 0 : i32
        %dma_wait3A_246 = tpu.memref_slice %arg2[%dma_wait3A_244, %dma_wait3A_245] : memref<10240x128xf32, #tpu.memory_space<hbm>> -> memref<128x128xf32, #tpu.memory_space<hbm>>
        tpu.wait_dma2 semaphore(%dma_wait3A_241 : memref<!tpu.dma_semaphore, #tpu.memory_space<semaphore_mem>>) src(%dma_wait3A_246 : memref<128x128xf32, #tpu.memory_space<hbm>>) dst(%dma_wait3A_243 : memref<128x128xf32, #tpu.memory_space<vmem>>)
        %sub3A = arith.constant 2 : i32
        %sub3A_247 = arith.subi %scan3A_206, %sub3A : i32
        "tpu.region"() ({
          %run_scoped3A = tpu.sem_alloc : memref<!tpu.dma_semaphore, #tpu.memory_space<semaphore_mem>>
          %dma_start3A_254 = arith.constant 0 : i32
          %dma_start3A_255 = tpu.memref_slice %arg9[%mul3A_219, %dma_start3A_254] : memref<256x128xf32, #tpu.memory_space<vmem>> -> memref<128x128xf32, #tpu.memory_space<vmem>>
          %dma_start3A_256 = arith.constant 0 : i32
          %dma_start3A_257 = tpu.memref_slice %arg8[%sub3A_247, %dma_start3A_256] : memref<32x128xi32, #tpu.memory_space<vmem>> -> memref<1x128xi32, #tpu.memory_space<vmem>>
          %dma_start3A_258 = tpu.memref_squeeze %dma_start3A_257 : memref<1x128xi32, #tpu.memory_space<vmem>> -> memref<128xi32, #tpu.memory_space<vmem>>
          %dma_start3A_259 = arith.constant 0 : i32
          %dma_start3A_260 = arith.constant 0 : i32
          %dma_start3A_261 = tpu.memref_slice %arg11[%dma_start3A_259, %dma_start3A_260] : memref<10240x128xf32, #tpu.memory_space<vmem_shared>> -> memref<10240x128xf32, #tpu.memory_space<vmem_shared>>
          tpu.enqueue_indirect_dma source(%dma_start3A_255 : memref<128x128xf32, #tpu.memory_space<vmem>>) target(%dma_start3A_261 : memref<10240x128xf32, #tpu.memory_space<vmem_shared>>) offsets(%dma_start3A_258 : memref<128xi32, #tpu.memory_space<vmem>>) semaphore(%run_scoped3A : memref<!tpu.dma_semaphore, #tpu.memory_space<semaphore_mem>>) {add = true}
          %dma_wait3A_262 = arith.constant 0 : i32
          %dma_wait3A_263 = tpu.memref_slice %arg9[%mul3A_219, %dma_wait3A_262] : memref<256x128xf32, #tpu.memory_space<vmem>> -> memref<128x128xf32, #tpu.memory_space<vmem>>
          %dma_wait3A_264 = arith.constant 0 : i32
          %dma_wait3A_265 = tpu.memref_slice %arg8[%sub3A_247, %dma_wait3A_264] : memref<32x128xi32, #tpu.memory_space<vmem>> -> memref<1x128xi32, #tpu.memory_space<vmem>>
          %dma_wait3A_266 = tpu.memref_squeeze %dma_wait3A_265 : memref<1x128xi32, #tpu.memory_space<vmem>> -> memref<128xi32, #tpu.memory_space<vmem>>
          %dma_wait3A_267 = arith.constant 0 : i32
          %dma_wait3A_268 = arith.constant 0 : i32
          %dma_wait3A_269 = tpu.memref_slice %arg11[%dma_wait3A_267, %dma_wait3A_268] : memref<10240x128xf32, #tpu.memory_space<vmem_shared>> -> memref<10240x128xf32, #tpu.memory_space<vmem_shared>>
          tpu.wait_indirect_dma semaphore(%run_scoped3A : memref<!tpu.dma_semaphore, #tpu.memory_space<semaphore_mem>>) src(%dma_wait3A_263 : memref<128x128xf32, #tpu.memory_space<vmem>>) dst(%dma_wait3A_269 : memref<10240x128xf32, #tpu.memory_space<vmem_shared>>)
          tpu.yield
        }) : () -> ()
        %lt3A_248 = arith.constant 32 : i32
        %lt3A_249 = arith.cmpi slt, %scan3A_206, %lt3A_248 : i32
        %convert_element_type3A_250 = arith.extui %lt3A_249 : i1 to i32
        %cond3A_251 = arith.constant 0 : i32
        %cond3A_252 = arith.cmpi ne, %convert_element_type3A_250, %cond3A_251 : i32
        scf.if %cond3A_252 {
          %jit3A_254 = arith.constant 2 : i32
          %eq3A_255 = arith.constant 0 : i32
          %eq3A_256 = arith.cmpi eq, %jit3A_254, %eq3A_255 : i32
          %jit3A_257 = arith.constant 1 : i32
          %select_n3A_258 = arith.select %eq3A_256, %jit3A_257, %jit3A_254 : i32
          %rem3A_259 = arith.remsi %scan3A_206, %select_n3A_258 : i32
          %ne3A_260 = arith.constant 0 : i32
          %ne3A_261 = arith.cmpi ne, %rem3A_259, %ne3A_260 : i32
          %lt3A_262 = arith.constant 0 : i32
          %lt3A_263 = arith.cmpi slt, %rem3A_259, %lt3A_262 : i32
          %lt3A_264 = arith.constant 0 : i32
          %lt3A_265 = arith.cmpi slt, %select_n3A_258, %lt3A_264 : i32
          %ne3A_266 = arith.xori %lt3A_263, %lt3A_265 : i1
          %and3A_267 = arith.andi %ne3A_266, %ne3A_261 : i1
          %add3A_268 = arith.addi %rem3A_259, %select_n3A_258 : i32
          %select_n3A_269 = arith.select %and3A_267, %add3A_268, %rem3A_259 : i32
          %dma_start3A_270 = arith.constant 0 : i32
          %dma_start3A_271 = tpu.memref_slice %arg9[%mul3A_219, %dma_start3A_270] : memref<256x128xf32, #tpu.memory_space<vmem>> -> memref<128x128xf32, #tpu.memory_space<vmem>>
          %dma_start3A_272 = arith.constant 0 : i32
          %dma_start3A_273 = tpu.memref_slice %arg7[%scan3A_206, %dma_start3A_272] : memref<32x128xi32, #tpu.memory_space<vmem>> -> memref<1x128xi32, #tpu.memory_space<vmem>>
          %dma_start3A_274 = tpu.memref_squeeze %dma_start3A_273 : memref<1x128xi32, #tpu.memory_space<vmem>> -> memref<128xi32, #tpu.memory_space<vmem>>
          %dma_start3A_275 = arith.constant 0 : i32
          %dma_start3A_276 = arith.constant 0 : i32
          %dma_start3A_277 = tpu.memref_slice %arg2[%dma_start3A_275, %dma_start3A_276] : memref<10240x128xf32, #tpu.memory_space<hbm>> -> memref<10240x128xf32, #tpu.memory_space<hbm>>
          %dma_start3A_278 = tpu.memref_slice %arg10[%select_n3A_269] : memref<2x!tpu.dma_semaphore, #tpu.memory_space<semaphore_mem>> -> memref<1x!tpu.dma_semaphore, #tpu.memory_space<semaphore_mem>>
          %dma_start3A_279 = tpu.memref_squeeze %dma_start3A_278 : memref<1x!tpu.dma_semaphore, #tpu.memory_space<semaphore_mem>> -> memref<!tpu.dma_semaphore, #tpu.memory_space<semaphore_mem>>
          tpu.enqueue_indirect_dma source(%dma_start3A_277 : memref<10240x128xf32, #tpu.memory_space<hbm>>) target(%dma_start3A_271 : memref<128x128xf32, #tpu.memory_space<vmem>>) offsets(%dma_start3A_274 : memref<128xi32, #tpu.memory_space<vmem>>) semaphore(%dma_start3A_279 : memref<!tpu.dma_semaphore, #tpu.memory_space<semaphore_mem>>)
        } else {
        }
        %scan3A_253 = arith.constant 0 : i32
        scf.yield %scan3A_253 : i32
      }
      %scan3A_205 = arith.constant 32 : i32
    } else {
    }
    %eq3A_20 = arith.constant 1 : i32
    %eq3A_21 = arith.cmpi eq, %arg0, %eq3A_20 : i32
    %convert_element_type3A_22 = arith.extui %eq3A_21 : i1 to i32
    %cond3A_23 = arith.constant 0 : i32
    %cond3A_24 = arith.cmpi ne, %convert_element_type3A_22, %cond3A_23 : i32
    scf.if %cond3A_24 {
      %mul3A_66 = arith.constant 160 : i32
      %mul3A_67 = arith.muli %arg1, %mul3A_66 : i32
      %add3A_68 = arith.constant 128 : i32
      %add3A_69 = arith.addi %mul3A_67, %add3A_68 : i32
      %add3A_70 = arith.constant 0 : i32
      %add3A_71 = arith.addi %add3A_69, %add3A_70 : i32
      "tpu.region"() ({
        %run_scoped3A = tpu.sem_alloc : memref<!tpu.dma_semaphore, #tpu.memory_space<semaphore_mem>>
        %dma_start3A_103 = arith.constant 0 : i32
        %dma_start3A_104 = tpu.memref_slice %arg3[%add3A_71, %dma_start3A_103] : memref<2720x128xi32, #tpu.memory_space<hbm>> -> memref<32x128xi32, #tpu.memory_space<hbm>>
        %dma_start3A_105 = arith.constant 0 : i32
        %dma_start3A_106 = tpu.memref_slice %arg3[%add3A_71, %dma_start3A_105] : memref<2720x128xi32, #tpu.memory_space<hbm>> -> memref<32x128xi32, #tpu.memory_space<hbm>>
        tpu.enqueue_dma source(%dma_start3A_106 : memref<32x128xi32, #tpu.memory_space<hbm>>) target(%arg7 : memref<32x128xi32, #tpu.memory_space<vmem>>) target_semaphore(%run_scoped3A : memref<!tpu.dma_semaphore, #tpu.memory_space<semaphore_mem>>)
        %dma_wait3A = arith.constant 0 : i32
        %dma_wait3A_107 = tpu.memref_slice %arg3[%add3A_71, %dma_wait3A] : memref<2720x128xi32, #tpu.memory_space<hbm>> -> memref<32x128xi32, #tpu.memory_space<hbm>>
        %dma_wait3A_108 = arith.constant 0 : i32
        %dma_wait3A_109 = tpu.memref_slice %arg3[%add3A_71, %dma_wait3A_108] : memref<2720x128xi32, #tpu.memory_space<hbm>> -> memref<32x128xi32, #tpu.memory_space<hbm>>
        tpu.wait_dma2 semaphore(%run_scoped3A : memref<!tpu.dma_semaphore, #tpu.memory_space<semaphore_mem>>) src(%dma_wait3A_109 : memref<32x128xi32, #tpu.memory_space<hbm>>) dst(%arg7 : memref<32x128xi32, #tpu.memory_space<vmem>>)
        tpu.yield
      }) : () -> ()
      "tpu.region"() ({
        %run_scoped3A = tpu.sem_alloc : memref<!tpu.dma_semaphore, #tpu.memory_space<semaphore_mem>>
        %dma_start3A_103 = arith.constant 0 : i32
        %dma_start3A_104 = tpu.memref_slice %arg4[%add3A_71, %dma_start3A_103] : memref<2720x128xi32, #tpu.memory_space<hbm>> -> memref<32x128xi32, #tpu.memory_space<hbm>>
        %dma_start3A_105 = arith.constant 0 : i32
        %dma_start3A_106 = tpu.memref_slice %arg4[%add3A_71, %dma_start3A_105] : memref<2720x128xi32, #tpu.memory_space<hbm>> -> memref<32x128xi32, #tpu.memory_space<hbm>>
        tpu.enqueue_dma source(%dma_start3A_106 : memref<32x128xi32, #tpu.memory_space<hbm>>) target(%arg8 : memref<32x128xi32, #tpu.memory_space<vmem>>) target_semaphore(%run_scoped3A : memref<!tpu.dma_semaphore, #tpu.memory_space<semaphore_mem>>)
        %dma_wait3A = arith.constant 0 : i32
        %dma_wait3A_107 = tpu.memref_slice %arg4[%add3A_71, %dma_wait3A] : memref<2720x128xi32, #tpu.memory_space<hbm>> -> memref<32x128xi32, #tpu.memory_space<hbm>>
        %dma_wait3A_108 = arith.constant 0 : i32
        %dma_wait3A_109 = tpu.memref_slice %arg4[%add3A_71, %dma_wait3A_108] : memref<2720x128xi32, #tpu.memory_space<hbm>> -> memref<32x128xi32, #tpu.memory_space<hbm>>
        tpu.wait_dma2 semaphore(%run_scoped3A : memref<!tpu.dma_semaphore, #tpu.memory_space<semaphore_mem>>) src(%dma_wait3A_109 : memref<32x128xi32, #tpu.memory_space<hbm>>) dst(%arg8 : memref<32x128xi32, #tpu.memory_space<vmem>>)
        tpu.yield
      }) : () -> ()
      %dma_start3A = arith.constant 0 : i32
      %dma_start3A_72 = arith.constant 0 : i32
      %dma_start3A_73 = arith.constant 0 : i32
      %dma_start3A_74 = arith.constant 0 : i32
      %dma_start3A_75 = tpu.memref_slice %arg9[%dma_start3A_73, %dma_start3A_74] : memref<256x128xf32, #tpu.memory_space<vmem>> -> memref<128x128xf32, #tpu.memory_space<vmem>>
      %dma_start3A_76 = arith.constant 0 : i32
      %dma_start3A_77 = tpu.memref_slice %arg7[%dma_start3A, %dma_start3A_76] : memref<32x128xi32, #tpu.memory_space<vmem>> -> memref<1x128xi32, #tpu.memory_space<vmem>>
      %dma_start3A_78 = tpu.memref_squeeze %dma_start3A_77 : memref<1x128xi32, #tpu.memory_space<vmem>> -> memref<128xi32, #tpu.memory_space<vmem>>
      %dma_start3A_79 = arith.constant 0 : i32
      %dma_start3A_80 = arith.constant 0 : i32
      %dma_start3A_81 = tpu.memref_slice %arg2[%dma_start3A_79, %dma_start3A_80] : memref<10240x128xf32, #tpu.memory_space<hbm>> -> memref<10240x128xf32, #tpu.memory_space<hbm>>
      %dma_start3A_82 = tpu.memref_slice %arg10[%dma_start3A_72] : memref<2x!tpu.dma_semaphore, #tpu.memory_space<semaphore_mem>> -> memref<1x!tpu.dma_semaphore, #tpu.memory_space<semaphore_mem>>
      %dma_start3A_83 = tpu.memref_squeeze %dma_start3A_82 : memref<1x!tpu.dma_semaphore, #tpu.memory_space<semaphore_mem>> -> memref<!tpu.dma_semaphore, #tpu.memory_space<semaphore_mem>>
      tpu.enqueue_indirect_dma source(%dma_start3A_81 : memref<10240x128xf32, #tpu.memory_space<hbm>>) target(%dma_start3A_75 : memref<128x128xf32, #tpu.memory_space<vmem>>) offsets(%dma_start3A_78 : memref<128xi32, #tpu.memory_space<vmem>>) semaphore(%dma_start3A_83 : memref<!tpu.dma_semaphore, #tpu.memory_space<semaphore_mem>>)
      %dma_start3A_84 = arith.constant 1 : i32
      %dma_start3A_85 = arith.constant 1 : i32
      %dma_start3A_86 = arith.constant 128 : i32
      %dma_start3A_87 = arith.constant 0 : i32
      %dma_start3A_88 = tpu.memref_slice %arg9[%dma_start3A_86, %dma_start3A_87] : memref<256x128xf32, #tpu.memory_space<vmem>> -> memref<128x128xf32, #tpu.memory_space<vmem>>
      %dma_start3A_89 = arith.constant 0 : i32
      %dma_start3A_90 = tpu.memref_slice %arg7[%dma_start3A_84, %dma_start3A_89] : memref<32x128xi32, #tpu.memory_space<vmem>> -> memref<1x128xi32, #tpu.memory_space<vmem>>
      %dma_start3A_91 = tpu.memref_squeeze %dma_start3A_90 : memref<1x128xi32, #tpu.memory_space<vmem>> -> memref<128xi32, #tpu.memory_space<vmem>>
      %dma_start3A_92 = arith.constant 0 : i32
      %dma_start3A_93 = arith.constant 0 : i32
      %dma_start3A_94 = tpu.memref_slice %arg2[%dma_start3A_92, %dma_start3A_93] : memref<10240x128xf32, #tpu.memory_space<hbm>> -> memref<10240x128xf32, #tpu.memory_space<hbm>>
      %dma_start3A_95 = tpu.memref_slice %arg10[%dma_start3A_85] : memref<2x!tpu.dma_semaphore, #tpu.memory_space<semaphore_mem>> -> memref<1x!tpu.dma_semaphore, #tpu.memory_space<semaphore_mem>>
      %dma_start3A_96 = tpu.memref_squeeze %dma_start3A_95 : memref<1x!tpu.dma_semaphore, #tpu.memory_space<semaphore_mem>> -> memref<!tpu.dma_semaphore, #tpu.memory_space<semaphore_mem>>
      tpu.enqueue_indirect_dma source(%dma_start3A_94 : memref<10240x128xf32, #tpu.memory_space<hbm>>) target(%dma_start3A_88 : memref<128x128xf32, #tpu.memory_space<vmem>>) offsets(%dma_start3A_91 : memref<128xi32, #tpu.memory_space<vmem>>) semaphore(%dma_start3A_96 : memref<!tpu.dma_semaphore, #tpu.memory_space<semaphore_mem>>)
      %scan3A = arith.constant 0 : i32
      %scan3A_97 = arith.constant 2 : i32
      %scan3A_98 = arith.constant 32 : i32
      %scan3A_99 = arith.addi %scan3A_97, %scan3A_98 : i32
      %scan3A_100 = arith.constant 1 : i32
      %scan3A_101 = scf.for %scan3A_103 = %scan3A_97 to %scan3A_99 step %scan3A_100 iter_args(%scan3A_104 = %scan3A) -> (i32)  : i32 {
        %jit3A = arith.constant 2 : i32
        %eq3A_105 = arith.constant 0 : i32
        %eq3A_106 = arith.cmpi eq, %jit3A, %eq3A_105 : i32
        %jit3A_107 = arith.constant 1 : i32
        %select_n3A = arith.select %eq3A_106, %jit3A_107, %jit3A : i32
        %rem3A = arith.remsi %scan3A_103, %select_n3A : i32
        %ne3A = arith.constant 0 : i32
        %ne3A_108 = arith.cmpi ne, %rem3A, %ne3A : i32
        %lt3A = arith.constant 0 : i32
        %lt3A_109 = arith.cmpi slt, %rem3A, %lt3A : i32
        %lt3A_110 = arith.constant 0 : i32
        %lt3A_111 = arith.cmpi slt, %select_n3A, %lt3A_110 : i32
        %ne3A_112 = arith.xori %lt3A_109, %lt3A_111 : i1
        %and3A = arith.andi %ne3A_112, %ne3A_108 : i1
        %add3A_113 = arith.addi %rem3A, %select_n3A : i32
        %select_n3A_114 = arith.select %and3A, %add3A_113, %rem3A : i32
        %mul3A_115 = arith.constant 128 : i32
        %mul3A_116 = arith.muli %select_n3A_114, %mul3A_115 : i32
        %jit3A_117 = arith.constant 2 : i32
        %eq3A_118 = arith.constant 0 : i32
        %eq3A_119 = arith.cmpi eq, %jit3A_117, %eq3A_118 : i32
        %jit3A_120 = arith.constant 1 : i32
        %select_n3A_121 = arith.select %eq3A_119, %jit3A_120, %jit3A_117 : i32
        %rem3A_122 = arith.remsi %scan3A_103, %select_n3A_121 : i32
        %ne3A_123 = arith.constant 0 : i32
        %ne3A_124 = arith.cmpi ne, %rem3A_122, %ne3A_123 : i32
        %lt3A_125 = arith.constant 0 : i32
        %lt3A_126 = arith.cmpi slt, %rem3A_122, %lt3A_125 : i32
        %lt3A_127 = arith.constant 0 : i32
        %lt3A_128 = arith.cmpi slt, %select_n3A_121, %lt3A_127 : i32
        %ne3A_129 = arith.xori %lt3A_126, %lt3A_128 : i1
        %and3A_130 = arith.andi %ne3A_129, %ne3A_124 : i1
        %add3A_131 = arith.addi %rem3A_122, %select_n3A_121 : i32
        %select_n3A_132 = arith.select %and3A_130, %add3A_131, %rem3A_122 : i32
        %dma_wait3A = arith.constant 0 : i32
        %dma_wait3A_133 = tpu.memref_slice %arg9[%mul3A_116, %dma_wait3A] : memref<256x128xf32, #tpu.memory_space<vmem>> -> memref<128x128xf32, #tpu.memory_space<vmem>>
        %dma_wait3A_134 = arith.constant 0 : i32
        %dma_wait3A_135 = arith.constant 0 : i32
        %dma_wait3A_136 = tpu.memref_slice %arg2[%dma_wait3A_134, %dma_wait3A_135] : memref<10240x128xf32, #tpu.memory_space<hbm>> -> memref<128x128xf32, #tpu.memory_space<hbm>>
        %dma_wait3A_137 = tpu.memref_slice %arg10[%select_n3A_132] : memref<2x!tpu.dma_semaphore, #tpu.memory_space<semaphore_mem>> -> memref<1x!tpu.dma_semaphore, #tpu.memory_space<semaphore_mem>>
        %dma_wait3A_138 = tpu.memref_squeeze %dma_wait3A_137 : memref<1x!tpu.dma_semaphore, #tpu.memory_space<semaphore_mem>> -> memref<!tpu.dma_semaphore, #tpu.memory_space<semaphore_mem>>
        %dma_wait3A_139 = arith.constant 0 : i32
        %dma_wait3A_140 = tpu.memref_slice %arg9[%mul3A_116, %dma_wait3A_139] : memref<256x128xf32, #tpu.memory_space<vmem>> -> memref<128x128xf32, #tpu.memory_space<vmem>>
        %dma_wait3A_141 = arith.constant 0 : i32
        %dma_wait3A_142 = arith.constant 0 : i32
        %dma_wait3A_143 = tpu.memref_slice %arg2[%dma_wait3A_141, %dma_wait3A_142] : memref<10240x128xf32, #tpu.memory_space<hbm>> -> memref<128x128xf32, #tpu.memory_space<hbm>>
        tpu.wait_dma2 semaphore(%dma_wait3A_138 : memref<!tpu.dma_semaphore, #tpu.memory_space<semaphore_mem>>) src(%dma_wait3A_143 : memref<128x128xf32, #tpu.memory_space<hbm>>) dst(%dma_wait3A_140 : memref<128x128xf32, #tpu.memory_space<vmem>>)
        %sub3A = arith.constant 2 : i32
        %sub3A_144 = arith.subi %scan3A_103, %sub3A : i32
        "tpu.region"() ({
          %run_scoped3A = tpu.sem_alloc : memref<!tpu.dma_semaphore, #tpu.memory_space<semaphore_mem>>
          %dma_start3A_151 = arith.constant 0 : i32
          %dma_start3A_152 = tpu.memref_slice %arg9[%mul3A_116, %dma_start3A_151] : memref<256x128xf32, #tpu.memory_space<vmem>> -> memref<128x128xf32, #tpu.memory_space<vmem>>
          %dma_start3A_153 = arith.constant 0 : i32
          %dma_start3A_154 = tpu.memref_slice %arg8[%sub3A_144, %dma_start3A_153] : memref<32x128xi32, #tpu.memory_space<vmem>> -> memref<1x128xi32, #tpu.memory_space<vmem>>
          %dma_start3A_155 = tpu.memref_squeeze %dma_start3A_154 : memref<1x128xi32, #tpu.memory_space<vmem>> -> memref<128xi32, #tpu.memory_space<vmem>>
          %dma_start3A_156 = arith.constant 0 : i32
          %dma_start3A_157 = arith.constant 0 : i32
          %dma_start3A_158 = tpu.memref_slice %arg11[%dma_start3A_156, %dma_start3A_157] : memref<10240x128xf32, #tpu.memory_space<vmem_shared>> -> memref<10240x128xf32, #tpu.memory_space<vmem_shared>>
          tpu.enqueue_indirect_dma source(%dma_start3A_152 : memref<128x128xf32, #tpu.memory_space<vmem>>) target(%dma_start3A_158 : memref<10240x128xf32, #tpu.memory_space<vmem_shared>>) offsets(%dma_start3A_155 : memref<128xi32, #tpu.memory_space<vmem>>) semaphore(%run_scoped3A : memref<!tpu.dma_semaphore, #tpu.memory_space<semaphore_mem>>) {add = true}
          %dma_wait3A_159 = arith.constant 0 : i32
          %dma_wait3A_160 = tpu.memref_slice %arg9[%mul3A_116, %dma_wait3A_159] : memref<256x128xf32, #tpu.memory_space<vmem>> -> memref<128x128xf32, #tpu.memory_space<vmem>>
          %dma_wait3A_161 = arith.constant 0 : i32
          %dma_wait3A_162 = tpu.memref_slice %arg8[%sub3A_144, %dma_wait3A_161] : memref<32x128xi32, #tpu.memory_space<vmem>> -> memref<1x128xi32, #tpu.memory_space<vmem>>
          %dma_wait3A_163 = tpu.memref_squeeze %dma_wait3A_162 : memref<1x128xi32, #tpu.memory_space<vmem>> -> memref<128xi32, #tpu.memory_space<vmem>>
          %dma_wait3A_164 = arith.constant 0 : i32
          %dma_wait3A_165 = arith.constant 0 : i32
          %dma_wait3A_166 = tpu.memref_slice %arg11[%dma_wait3A_164, %dma_wait3A_165] : memref<10240x128xf32, #tpu.memory_space<vmem_shared>> -> memref<10240x128xf32, #tpu.memory_space<vmem_shared>>
          tpu.wait_indirect_dma semaphore(%run_scoped3A : memref<!tpu.dma_semaphore, #tpu.memory_space<semaphore_mem>>) src(%dma_wait3A_160 : memref<128x128xf32, #tpu.memory_space<vmem>>) dst(%dma_wait3A_166 : memref<10240x128xf32, #tpu.memory_space<vmem_shared>>)
          tpu.yield
        }) : () -> ()
        %lt3A_145 = arith.constant 32 : i32
        %lt3A_146 = arith.cmpi slt, %scan3A_103, %lt3A_145 : i32
        %convert_element_type3A_147 = arith.extui %lt3A_146 : i1 to i32
        %cond3A_148 = arith.constant 0 : i32
        %cond3A_149 = arith.cmpi ne, %convert_element_type3A_147, %cond3A_148 : i32
        scf.if %cond3A_149 {
          %jit3A_151 = arith.constant 2 : i32
          %eq3A_152 = arith.constant 0 : i32
          %eq3A_153 = arith.cmpi eq, %jit3A_151, %eq3A_152 : i32
          %jit3A_154 = arith.constant 1 : i32
          %select_n3A_155 = arith.select %eq3A_153, %jit3A_154, %jit3A_151 : i32
          %rem3A_156 = arith.remsi %scan3A_103, %select_n3A_155 : i32
          %ne3A_157 = arith.constant 0 : i32
          %ne3A_158 = arith.cmpi ne, %rem3A_156, %ne3A_157 : i32
          %lt3A_159 = arith.constant 0 : i32
          %lt3A_160 = arith.cmpi slt, %rem3A_156, %lt3A_159 : i32
          %lt3A_161 = arith.constant 0 : i32
          %lt3A_162 = arith.cmpi slt, %select_n3A_155, %lt3A_161 : i32
          %ne3A_163 = arith.xori %lt3A_160, %lt3A_162 : i1
          %and3A_164 = arith.andi %ne3A_163, %ne3A_158 : i1
          %add3A_165 = arith.addi %rem3A_156, %select_n3A_155 : i32
          %select_n3A_166 = arith.select %and3A_164, %add3A_165, %rem3A_156 : i32
          %dma_start3A_167 = arith.constant 0 : i32
          %dma_start3A_168 = tpu.memref_slice %arg9[%mul3A_116, %dma_start3A_167] : memref<256x128xf32, #tpu.memory_space<vmem>> -> memref<128x128xf32, #tpu.memory_space<vmem>>
          %dma_start3A_169 = arith.constant 0 : i32
          %dma_start3A_170 = tpu.memref_slice %arg7[%scan3A_103, %dma_start3A_169] : memref<32x128xi32, #tpu.memory_space<vmem>> -> memref<1x128xi32, #tpu.memory_space<vmem>>
          %dma_start3A_171 = tpu.memref_squeeze %dma_start3A_170 : memref<1x128xi32, #tpu.memory_space<vmem>> -> memref<128xi32, #tpu.memory_space<vmem>>
          %dma_start3A_172 = arith.constant 0 : i32
          %dma_start3A_173 = arith.constant 0 : i32
          %dma_start3A_174 = tpu.memref_slice %arg2[%dma_start3A_172, %dma_start3A_173] : memref<10240x128xf32, #tpu.memory_space<hbm>> -> memref<10240x128xf32, #tpu.memory_space<hbm>>
          %dma_start3A_175 = tpu.memref_slice %arg10[%select_n3A_166] : memref<2x!tpu.dma_semaphore, #tpu.memory_space<semaphore_mem>> -> memref<1x!tpu.dma_semaphore, #tpu.memory_space<semaphore_mem>>
          %dma_start3A_176 = tpu.memref_squeeze %dma_start3A_175 : memref<1x!tpu.dma_semaphore, #tpu.memory_space<semaphore_mem>> -> memref<!tpu.dma_semaphore, #tpu.memory_space<semaphore_mem>>
          tpu.enqueue_indirect_dma source(%dma_start3A_174 : memref<10240x128xf32, #tpu.memory_space<hbm>>) target(%dma_start3A_168 : memref<128x128xf32, #tpu.memory_space<vmem>>) offsets(%dma_start3A_171 : memref<128xi32, #tpu.memory_space<vmem>>) semaphore(%dma_start3A_176 : memref<!tpu.dma_semaphore, #tpu.memory_space<semaphore_mem>>)
        } else {
        }
        %scan3A_150 = arith.constant 0 : i32
        scf.yield %scan3A_150 : i32
      }
      %scan3A_102 = arith.constant 32 : i32
    } else {
    }
    %barrier3A_25 = arith.constant 0 : index
    tpu.barrier barrier_id(%barrier3A_25)
    %mul3A_26 = arith.constant 640 : i32
    %mul3A_27 = arith.muli %arg1, %mul3A_26 : i32
    %add3A_28 = arith.constant 0 : i32
    %add3A_29 = arith.addi %mul3A_27, %add3A_28 : i32
    "tpu.region"() ({
      %run_scoped3A = tpu.sem_alloc : memref<!tpu.dma_semaphore, #tpu.memory_space<semaphore_mem>>
      %dma_start3A = arith.constant 0 : i32
      %dma_start3A_66 = arith.constant 0 : i32
      %dma_start3A_67 = tpu.memref_slice %arg9[%dma_start3A, %dma_start3A_66] : memref<256x128xf32, #tpu.memory_space<vmem>> -> memref<128x128xf32, #tpu.memory_space<vmem>>
      %dma_start3A_68 = arith.constant 0 : i32
      %dma_start3A_69 = tpu.memref_slice %arg11[%add3A_29, %dma_start3A_68] : memref<10240x128xf32, #tpu.memory_space<vmem_shared>> -> memref<128x128xf32, #tpu.memory_space<vmem_shared>>
      %dma_start3A_70 = arith.constant 0 : i32
      %dma_start3A_71 = arith.constant 0 : i32
      %dma_start3A_72 = tpu.memref_slice %arg9[%dma_start3A_70, %dma_start3A_71] : memref<256x128xf32, #tpu.memory_space<vmem>> -> memref<128x128xf32, #tpu.memory_space<vmem>>
      %dma_start3A_73 = arith.constant 0 : i32
      %dma_start3A_74 = tpu.memref_slice %arg11[%add3A_29, %dma_start3A_73] : memref<10240x128xf32, #tpu.memory_space<vmem_shared>> -> memref<128x128xf32, #tpu.memory_space<vmem_shared>>
      tpu.enqueue_dma source(%dma_start3A_74 : memref<128x128xf32, #tpu.memory_space<vmem_shared>>) target(%dma_start3A_72 : memref<128x128xf32, #tpu.memory_space<vmem>>) target_semaphore(%run_scoped3A : memref<!tpu.dma_semaphore, #tpu.memory_space<semaphore_mem>>)
      %dma_wait3A = arith.constant 0 : i32
      %dma_wait3A_75 = arith.constant 0 : i32
      %dma_wait3A_76 = tpu.memref_slice %arg9[%dma_wait3A, %dma_wait3A_75] : memref<256x128xf32, #tpu.memory_space<vmem>> -> memref<128x128xf32, #tpu.memory_space<vmem>>
      %dma_wait3A_77 = arith.constant 0 : i32
      %dma_wait3A_78 = tpu.memref_slice %arg11[%add3A_29, %dma_wait3A_77] : memref<10240x128xf32, #tpu.memory_space<vmem_shared>> -> memref<128x128xf32, #tpu.memory_space<vmem_shared>>
      %dma_wait3A_79 = arith.constant 0 : i32
      %dma_wait3A_80 = arith.constant 0 : i32
      %dma_wait3A_81 = tpu.memref_slice %arg9[%dma_wait3A_79, %dma_wait3A_80] : memref<256x128xf32, #tpu.memory_space<vmem>> -> memref<128x128xf32, #tpu.memory_space<vmem>>
      %dma_wait3A_82 = arith.constant 0 : i32
      %dma_wait3A_83 = tpu.memref_slice %arg11[%add3A_29, %dma_wait3A_82] : memref<10240x128xf32, #tpu.memory_space<vmem_shared>> -> memref<128x128xf32, #tpu.memory_space<vmem_shared>>
      tpu.wait_dma2 semaphore(%run_scoped3A : memref<!tpu.dma_semaphore, #tpu.memory_space<semaphore_mem>>) src(%dma_wait3A_83 : memref<128x128xf32, #tpu.memory_space<vmem_shared>>) dst(%dma_wait3A_81 : memref<128x128xf32, #tpu.memory_space<vmem>>)
      tpu.yield
    }) : () -> ()
    %mul3A_30 = arith.constant 640 : i32
    %mul3A_31 = arith.muli %arg1, %mul3A_30 : i32
    %add3A_32 = arith.constant 0 : i32
    %add3A_33 = arith.addi %mul3A_31, %add3A_32 : i32
    "tpu.region"() ({
      %run_scoped3A = tpu.sem_alloc : memref<!tpu.dma_semaphore, #tpu.memory_space<semaphore_mem>>
      %dma_start3A = arith.constant 0 : i32
      %dma_start3A_66 = arith.constant 0 : i32
      %dma_start3A_67 = tpu.memref_slice %arg9[%dma_start3A, %dma_start3A_66] : memref<256x128xf32, #tpu.memory_space<vmem>> -> memref<128x128xf32, #tpu.memory_space<vmem>>
      %dma_start3A_68 = arith.constant 0 : i32
      %dma_start3A_69 = tpu.memref_slice %arg6[%arg0, %add3A_33, %dma_start3A_68] : memref<2x10240x128xf32, #tpu.memory_space<hbm>> -> memref<1x128x128xf32, #tpu.memory_space<hbm>>
      %dma_start3A_70 = tpu.memref_squeeze %dma_start3A_69 : memref<1x128x128xf32, #tpu.memory_space<hbm>> -> memref<128x128xf32, #tpu.memory_space<hbm>>
      %dma_start3A_71 = arith.constant 0 : i32
      %dma_start3A_72 = tpu.memref_slice %arg6[%arg0, %add3A_33, %dma_start3A_71] : memref<2x10240x128xf32, #tpu.memory_space<hbm>> -> memref<1x128x128xf32, #tpu.memory_space<hbm>>
      %dma_start3A_73 = tpu.memref_squeeze %dma_start3A_72 : memref<1x128x128xf32, #tpu.memory_space<hbm>> -> memref<128x128xf32, #tpu.memory_space<hbm>>
      %dma_start3A_74 = arith.constant 0 : i32
      %dma_start3A_75 = arith.constant 0 : i32
      %dma_start3A_76 = tpu.memref_slice %arg9[%dma_start3A_74, %dma_start3A_75] : memref<256x128xf32, #tpu.memory_space<vmem>> -> memref<128x128xf32, #tpu.memory_space<vmem>>
      tpu.enqueue_dma source(%dma_start3A_76 : memref<128x128xf32, #tpu.memory_space<vmem>>) target(%dma_start3A_73 : memref<128x128xf32, #tpu.memory_space<hbm>>) target_semaphore(%run_scoped3A : memref<!tpu.dma_semaphore, #tpu.memory_space<semaphore_mem>>)
      %dma_wait3A = arith.constant 0 : i32
      %dma_wait3A_77 = arith.constant 0 : i32
      %dma_wait3A_78 = tpu.memref_slice %arg9[%dma_wait3A, %dma_wait3A_77] : memref<256x128xf32, #tpu.memory_space<vmem>> -> memref<128x128xf32, #tpu.memory_space<vmem>>
      %dma_wait3A_79 = arith.constant 0 : i32
      %dma_wait3A_80 = tpu.memref_slice %arg6[%arg0, %add3A_33, %dma_wait3A_79] : memref<2x10240x128xf32, #tpu.memory_space<hbm>> -> memref<1x128x128xf32, #tpu.memory_space<hbm>>
      %dma_wait3A_81 = tpu.memref_squeeze %dma_wait3A_80 : memref<1x128x128xf32, #tpu.memory_space<hbm>> -> memref<128x128xf32, #tpu.memory_space<hbm>>
      %dma_wait3A_82 = arith.constant 0 : i32
      %dma_wait3A_83 = tpu.memref_slice %arg6[%arg0, %add3A_33, %dma_wait3A_82] : memref<2x10240x128xf32, #tpu.memory_space<hbm>> -> memref<1x128x128xf32, #tpu.memory_space<hbm>>
      %dma_wait3A_84 = tpu.memref_squeeze %dma_wait3A_83 : memref<1x128x128xf32, #tpu.memory_space<hbm>> -> memref<128x128xf32, #tpu.memory_space<hbm>>
      %dma_wait3A_85 = arith.constant 0 : i32
      %dma_wait3A_86 = arith.constant 0 : i32
      %dma_wait3A_87 = tpu.memref_slice %arg9[%dma_wait3A_85, %dma_wait3A_86] : memref<256x128xf32, #tpu.memory_space<vmem>> -> memref<128x128xf32, #tpu.memory_space<vmem>>
      tpu.wait_dma2 semaphore(%run_scoped3A : memref<!tpu.dma_semaphore, #tpu.memory_space<semaphore_mem>>) src(%dma_wait3A_87 : memref<128x128xf32, #tpu.memory_space<vmem>>) dst(%dma_wait3A_84 : memref<128x128xf32, #tpu.memory_space<hbm>>)
      tpu.yield
    }) : () -> ()
    %mul3A_34 = arith.constant 640 : i32
    %mul3A_35 = arith.muli %arg1, %mul3A_34 : i32
    %add3A_36 = arith.constant 128 : i32
    %add3A_37 = arith.addi %mul3A_35, %add3A_36 : i32
    "tpu.region"() ({
      %run_scoped3A = tpu.sem_alloc : memref<!tpu.dma_semaphore, #tpu.memory_space<semaphore_mem>>
      %dma_start3A = arith.constant 0 : i32
      %dma_start3A_66 = arith.constant 0 : i32
      %dma_start3A_67 = tpu.memref_slice %arg9[%dma_start3A, %dma_start3A_66] : memref<256x128xf32, #tpu.memory_space<vmem>> -> memref<128x128xf32, #tpu.memory_space<vmem>>
      %dma_start3A_68 = arith.constant 0 : i32
      %dma_start3A_69 = tpu.memref_slice %arg11[%add3A_37, %dma_start3A_68] : memref<10240x128xf32, #tpu.memory_space<vmem_shared>> -> memref<128x128xf32, #tpu.memory_space<vmem_shared>>
      %dma_start3A_70 = arith.constant 0 : i32
      %dma_start3A_71 = arith.constant 0 : i32
      %dma_start3A_72 = tpu.memref_slice %arg9[%dma_start3A_70, %dma_start3A_71] : memref<256x128xf32, #tpu.memory_space<vmem>> -> memref<128x128xf32, #tpu.memory_space<vmem>>
      %dma_start3A_73 = arith.constant 0 : i32
      %dma_start3A_74 = tpu.memref_slice %arg11[%add3A_37, %dma_start3A_73] : memref<10240x128xf32, #tpu.memory_space<vmem_shared>> -> memref<128x128xf32, #tpu.memory_space<vmem_shared>>
      tpu.enqueue_dma source(%dma_start3A_74 : memref<128x128xf32, #tpu.memory_space<vmem_shared>>) target(%dma_start3A_72 : memref<128x128xf32, #tpu.memory_space<vmem>>) target_semaphore(%run_scoped3A : memref<!tpu.dma_semaphore, #tpu.memory_space<semaphore_mem>>)
      %dma_wait3A = arith.constant 0 : i32
      %dma_wait3A_75 = arith.constant 0 : i32
      %dma_wait3A_76 = tpu.memref_slice %arg9[%dma_wait3A, %dma_wait3A_75] : memref<256x128xf32, #tpu.memory_space<vmem>> -> memref<128x128xf32, #tpu.memory_space<vmem>>
      %dma_wait3A_77 = arith.constant 0 : i32
      %dma_wait3A_78 = tpu.memref_slice %arg11[%add3A_37, %dma_wait3A_77] : memref<10240x128xf32, #tpu.memory_space<vmem_shared>> -> memref<128x128xf32, #tpu.memory_space<vmem_shared>>
      %dma_wait3A_79 = arith.constant 0 : i32
      %dma_wait3A_80 = arith.constant 0 : i32
      %dma_wait3A_81 = tpu.memref_slice %arg9[%dma_wait3A_79, %dma_wait3A_80] : memref<256x128xf32, #tpu.memory_space<vmem>> -> memref<128x128xf32, #tpu.memory_space<vmem>>
      %dma_wait3A_82 = arith.constant 0 : i32
      %dma_wait3A_83 = tpu.memref_slice %arg11[%add3A_37, %dma_wait3A_82] : memref<10240x128xf32, #tpu.memory_space<vmem_shared>> -> memref<128x128xf32, #tpu.memory_space<vmem_shared>>
      tpu.wait_dma2 semaphore(%run_scoped3A : memref<!tpu.dma_semaphore, #tpu.memory_space<semaphore_mem>>) src(%dma_wait3A_83 : memref<128x128xf32, #tpu.memory_space<vmem_shared>>) dst(%dma_wait3A_81 : memref<128x128xf32, #tpu.memory_space<vmem>>)
      tpu.yield
    }) : () -> ()
    %mul3A_38 = arith.constant 640 : i32
    %mul3A_39 = arith.muli %arg1, %mul3A_38 : i32
    %add3A_40 = arith.constant 128 : i32
    %add3A_41 = arith.addi %mul3A_39, %add3A_40 : i32
    "tpu.region"() ({
      %run_scoped3A = tpu.sem_alloc : memref<!tpu.dma_semaphore, #tpu.memory_space<semaphore_mem>>
      %dma_start3A = arith.constant 0 : i32
      %dma_start3A_66 = arith.constant 0 : i32
      %dma_start3A_67 = tpu.memref_slice %arg9[%dma_start3A, %dma_start3A_66] : memref<256x128xf32, #tpu.memory_space<vmem>> -> memref<128x128xf32, #tpu.memory_space<vmem>>
      %dma_start3A_68 = arith.constant 0 : i32
      %dma_start3A_69 = tpu.memref_slice %arg6[%arg0, %add3A_41, %dma_start3A_68] : memref<2x10240x128xf32, #tpu.memory_space<hbm>> -> memref<1x128x128xf32, #tpu.memory_space<hbm>>
      %dma_start3A_70 = tpu.memref_squeeze %dma_start3A_69 : memref<1x128x128xf32, #tpu.memory_space<hbm>> -> memref<128x128xf32, #tpu.memory_space<hbm>>
      %dma_start3A_71 = arith.constant 0 : i32
      %dma_start3A_72 = tpu.memref_slice %arg6[%arg0, %add3A_41, %dma_start3A_71] : memref<2x10240x128xf32, #tpu.memory_space<hbm>> -> memref<1x128x128xf32, #tpu.memory_space<hbm>>
      %dma_start3A_73 = tpu.memref_squeeze %dma_start3A_72 : memref<1x128x128xf32, #tpu.memory_space<hbm>> -> memref<128x128xf32, #tpu.memory_space<hbm>>
      %dma_start3A_74 = arith.constant 0 : i32
      %dma_start3A_75 = arith.constant 0 : i32
      %dma_start3A_76 = tpu.memref_slice %arg9[%dma_start3A_74, %dma_start3A_75] : memref<256x128xf32, #tpu.memory_space<vmem>> -> memref<128x128xf32, #tpu.memory_space<vmem>>
      tpu.enqueue_dma source(%dma_start3A_76 : memref<128x128xf32, #tpu.memory_space<vmem>>) target(%dma_start3A_73 : memref<128x128xf32, #tpu.memory_space<hbm>>) target_semaphore(%run_scoped3A : memref<!tpu.dma_semaphore, #tpu.memory_space<semaphore_mem>>)
      %dma_wait3A = arith.constant 0 : i32
      %dma_wait3A_77 = arith.constant 0 : i32
      %dma_wait3A_78 = tpu.memref_slice %arg9[%dma_wait3A, %dma_wait3A_77] : memref<256x128xf32, #tpu.memory_space<vmem>> -> memref<128x128xf32, #tpu.memory_space<vmem>>
      %dma_wait3A_79 = arith.constant 0 : i32
      %dma_wait3A_80 = tpu.memref_slice %arg6[%arg0, %add3A_41, %dma_wait3A_79] : memref<2x10240x128xf32, #tpu.memory_space<hbm>> -> memref<1x128x128xf32, #tpu.memory_space<hbm>>
      %dma_wait3A_81 = tpu.memref_squeeze %dma_wait3A_80 : memref<1x128x128xf32, #tpu.memory_space<hbm>> -> memref<128x128xf32, #tpu.memory_space<hbm>>
      %dma_wait3A_82 = arith.constant 0 : i32
      %dma_wait3A_83 = tpu.memref_slice %arg6[%arg0, %add3A_41, %dma_wait3A_82] : memref<2x10240x128xf32, #tpu.memory_space<hbm>> -> memref<1x128x128xf32, #tpu.memory_space<hbm>>
      %dma_wait3A_84 = tpu.memref_squeeze %dma_wait3A_83 : memref<1x128x128xf32, #tpu.memory_space<hbm>> -> memref<128x128xf32, #tpu.memory_space<hbm>>
      %dma_wait3A_85 = arith.constant 0 : i32
      %dma_wait3A_86 = arith.constant 0 : i32
      %dma_wait3A_87 = tpu.memref_slice %arg9[%dma_wait3A_85, %dma_wait3A_86] : memref<256x128xf32, #tpu.memory_space<vmem>> -> memref<128x128xf32, #tpu.memory_space<vmem>>
      tpu.wait_dma2 semaphore(%run_scoped3A : memref<!tpu.dma_semaphore, #tpu.memory_space<semaphore_mem>>) src(%dma_wait3A_87 : memref<128x128xf32, #tpu.memory_space<vmem>>) dst(%dma_wait3A_84 : memref<128x128xf32, #tpu.memory_space<hbm>>)
      tpu.yield
    }) : () -> ()
    %mul3A_42 = arith.constant 640 : i32
    %mul3A_43 = arith.muli %arg1, %mul3A_42 : i32
    %add3A_44 = arith.constant 256 : i32
    %add3A_45 = arith.addi %mul3A_43, %add3A_44 : i32
    "tpu.region"() ({
      %run_scoped3A = tpu.sem_alloc : memref<!tpu.dma_semaphore, #tpu.memory_space<semaphore_mem>>
      %dma_start3A = arith.constant 0 : i32
      %dma_start3A_66 = arith.constant 0 : i32
      %dma_start3A_67 = tpu.memref_slice %arg9[%dma_start3A, %dma_start3A_66] : memref<256x128xf32, #tpu.memory_space<vmem>> -> memref<128x128xf32, #tpu.memory_space<vmem>>
      %dma_start3A_68 = arith.constant 0 : i32
      %dma_start3A_69 = tpu.memref_slice %arg11[%add3A_45, %dma_start3A_68] : memref<10240x128xf32, #tpu.memory_space<vmem_shared>> -> memref<128x128xf32, #tpu.memory_space<vmem_shared>>
      %dma_start3A_70 = arith.constant 0 : i32
      %dma_start3A_71 = arith.constant 0 : i32
      %dma_start3A_72 = tpu.memref_slice %arg9[%dma_start3A_70, %dma_start3A_71] : memref<256x128xf32, #tpu.memory_space<vmem>> -> memref<128x128xf32, #tpu.memory_space<vmem>>
      %dma_start3A_73 = arith.constant 0 : i32
      %dma_start3A_74 = tpu.memref_slice %arg11[%add3A_45, %dma_start3A_73] : memref<10240x128xf32, #tpu.memory_space<vmem_shared>> -> memref<128x128xf32, #tpu.memory_space<vmem_shared>>
      tpu.enqueue_dma source(%dma_start3A_74 : memref<128x128xf32, #tpu.memory_space<vmem_shared>>) target(%dma_start3A_72 : memref<128x128xf32, #tpu.memory_space<vmem>>) target_semaphore(%run_scoped3A : memref<!tpu.dma_semaphore, #tpu.memory_space<semaphore_mem>>)
      %dma_wait3A = arith.constant 0 : i32
      %dma_wait3A_75 = arith.constant 0 : i32
      %dma_wait3A_76 = tpu.memref_slice %arg9[%dma_wait3A, %dma_wait3A_75] : memref<256x128xf32, #tpu.memory_space<vmem>> -> memref<128x128xf32, #tpu.memory_space<vmem>>
      %dma_wait3A_77 = arith.constant 0 : i32
      %dma_wait3A_78 = tpu.memref_slice %arg11[%add3A_45, %dma_wait3A_77] : memref<10240x128xf32, #tpu.memory_space<vmem_shared>> -> memref<128x128xf32, #tpu.memory_space<vmem_shared>>
      %dma_wait3A_79 = arith.constant 0 : i32
      %dma_wait3A_80 = arith.constant 0 : i32
      %dma_wait3A_81 = tpu.memref_slice %arg9[%dma_wait3A_79, %dma_wait3A_80] : memref<256x128xf32, #tpu.memory_space<vmem>> -> memref<128x128xf32, #tpu.memory_space<vmem>>
      %dma_wait3A_82 = arith.constant 0 : i32
      %dma_wait3A_83 = tpu.memref_slice %arg11[%add3A_45, %dma_wait3A_82] : memref<10240x128xf32, #tpu.memory_space<vmem_shared>> -> memref<128x128xf32, #tpu.memory_space<vmem_shared>>
      tpu.wait_dma2 semaphore(%run_scoped3A : memref<!tpu.dma_semaphore, #tpu.memory_space<semaphore_mem>>) src(%dma_wait3A_83 : memref<128x128xf32, #tpu.memory_space<vmem_shared>>) dst(%dma_wait3A_81 : memref<128x128xf32, #tpu.memory_space<vmem>>)
      tpu.yield
    }) : () -> ()
    %mul3A_46 = arith.constant 640 : i32
    %mul3A_47 = arith.muli %arg1, %mul3A_46 : i32
    %add3A_48 = arith.constant 256 : i32
    %add3A_49 = arith.addi %mul3A_47, %add3A_48 : i32
    "tpu.region"() ({
      %run_scoped3A = tpu.sem_alloc : memref<!tpu.dma_semaphore, #tpu.memory_space<semaphore_mem>>
      %dma_start3A = arith.constant 0 : i32
      %dma_start3A_66 = arith.constant 0 : i32
      %dma_start3A_67 = tpu.memref_slice %arg9[%dma_start3A, %dma_start3A_66] : memref<256x128xf32, #tpu.memory_space<vmem>> -> memref<128x128xf32, #tpu.memory_space<vmem>>
      %dma_start3A_68 = arith.constant 0 : i32
      %dma_start3A_69 = tpu.memref_slice %arg6[%arg0, %add3A_49, %dma_start3A_68] : memref<2x10240x128xf32, #tpu.memory_space<hbm>> -> memref<1x128x128xf32, #tpu.memory_space<hbm>>
      %dma_start3A_70 = tpu.memref_squeeze %dma_start3A_69 : memref<1x128x128xf32, #tpu.memory_space<hbm>> -> memref<128x128xf32, #tpu.memory_space<hbm>>
      %dma_start3A_71 = arith.constant 0 : i32
      %dma_start3A_72 = tpu.memref_slice %arg6[%arg0, %add3A_49, %dma_start3A_71] : memref<2x10240x128xf32, #tpu.memory_space<hbm>> -> memref<1x128x128xf32, #tpu.memory_space<hbm>>
      %dma_start3A_73 = tpu.memref_squeeze %dma_start3A_72 : memref<1x128x128xf32, #tpu.memory_space<hbm>> -> memref<128x128xf32, #tpu.memory_space<hbm>>
      %dma_start3A_74 = arith.constant 0 : i32
      %dma_start3A_75 = arith.constant 0 : i32
      %dma_start3A_76 = tpu.memref_slice %arg9[%dma_start3A_74, %dma_start3A_75] : memref<256x128xf32, #tpu.memory_space<vmem>> -> memref<128x128xf32, #tpu.memory_space<vmem>>
      tpu.enqueue_dma source(%dma_start3A_76 : memref<128x128xf32, #tpu.memory_space<vmem>>) target(%dma_start3A_73 : memref<128x128xf32, #tpu.memory_space<hbm>>) target_semaphore(%run_scoped3A : memref<!tpu.dma_semaphore, #tpu.memory_space<semaphore_mem>>)
      %dma_wait3A = arith.constant 0 : i32
      %dma_wait3A_77 = arith.constant 0 : i32
      %dma_wait3A_78 = tpu.memref_slice %arg9[%dma_wait3A, %dma_wait3A_77] : memref<256x128xf32, #tpu.memory_space<vmem>> -> memref<128x128xf32, #tpu.memory_space<vmem>>
      %dma_wait3A_79 = arith.constant 0 : i32
      %dma_wait3A_80 = tpu.memref_slice %arg6[%arg0, %add3A_49, %dma_wait3A_79] : memref<2x10240x128xf32, #tpu.memory_space<hbm>> -> memref<1x128x128xf32, #tpu.memory_space<hbm>>
      %dma_wait3A_81 = tpu.memref_squeeze %dma_wait3A_80 : memref<1x128x128xf32, #tpu.memory_space<hbm>> -> memref<128x128xf32, #tpu.memory_space<hbm>>
      %dma_wait3A_82 = arith.constant 0 : i32
      %dma_wait3A_83 = tpu.memref_slice %arg6[%arg0, %add3A_49, %dma_wait3A_82] : memref<2x10240x128xf32, #tpu.memory_space<hbm>> -> memref<1x128x128xf32, #tpu.memory_space<hbm>>
      %dma_wait3A_84 = tpu.memref_squeeze %dma_wait3A_83 : memref<1x128x128xf32, #tpu.memory_space<hbm>> -> memref<128x128xf32, #tpu.memory_space<hbm>>
      %dma_wait3A_85 = arith.constant 0 : i32
      %dma_wait3A_86 = arith.constant 0 : i32
      %dma_wait3A_87 = tpu.memref_slice %arg9[%dma_wait3A_85, %dma_wait3A_86] : memref<256x128xf32, #tpu.memory_space<vmem>> -> memref<128x128xf32, #tpu.memory_space<vmem>>
      tpu.wait_dma2 semaphore(%run_scoped3A : memref<!tpu.dma_semaphore, #tpu.memory_space<semaphore_mem>>) src(%dma_wait3A_87 : memref<128x128xf32, #tpu.memory_space<vmem>>) dst(%dma_wait3A_84 : memref<128x128xf32, #tpu.memory_space<hbm>>)
      tpu.yield
    }) : () -> ()
    %mul3A_50 = arith.constant 640 : i32
    %mul3A_51 = arith.muli %arg1, %mul3A_50 : i32
    %add3A_52 = arith.constant 384 : i32
    %add3A_53 = arith.addi %mul3A_51, %add3A_52 : i32
    "tpu.region"() ({
      %run_scoped3A = tpu.sem_alloc : memref<!tpu.dma_semaphore, #tpu.memory_space<semaphore_mem>>
      %dma_start3A = arith.constant 0 : i32
      %dma_start3A_66 = arith.constant 0 : i32
      %dma_start3A_67 = tpu.memref_slice %arg9[%dma_start3A, %dma_start3A_66] : memref<256x128xf32, #tpu.memory_space<vmem>> -> memref<128x128xf32, #tpu.memory_space<vmem>>
      %dma_start3A_68 = arith.constant 0 : i32
      %dma_start3A_69 = tpu.memref_slice %arg11[%add3A_53, %dma_start3A_68] : memref<10240x128xf32, #tpu.memory_space<vmem_shared>> -> memref<128x128xf32, #tpu.memory_space<vmem_shared>>
      %dma_start3A_70 = arith.constant 0 : i32
      %dma_start3A_71 = arith.constant 0 : i32
      %dma_start3A_72 = tpu.memref_slice %arg9[%dma_start3A_70, %dma_start3A_71] : memref<256x128xf32, #tpu.memory_space<vmem>> -> memref<128x128xf32, #tpu.memory_space<vmem>>
      %dma_start3A_73 = arith.constant 0 : i32
      %dma_start3A_74 = tpu.memref_slice %arg11[%add3A_53, %dma_start3A_73] : memref<10240x128xf32, #tpu.memory_space<vmem_shared>> -> memref<128x128xf32, #tpu.memory_space<vmem_shared>>
      tpu.enqueue_dma source(%dma_start3A_74 : memref<128x128xf32, #tpu.memory_space<vmem_shared>>) target(%dma_start3A_72 : memref<128x128xf32, #tpu.memory_space<vmem>>) target_semaphore(%run_scoped3A : memref<!tpu.dma_semaphore, #tpu.memory_space<semaphore_mem>>)
      %dma_wait3A = arith.constant 0 : i32
      %dma_wait3A_75 = arith.constant 0 : i32
      %dma_wait3A_76 = tpu.memref_slice %arg9[%dma_wait3A, %dma_wait3A_75] : memref<256x128xf32, #tpu.memory_space<vmem>> -> memref<128x128xf32, #tpu.memory_space<vmem>>
      %dma_wait3A_77 = arith.constant 0 : i32
      %dma_wait3A_78 = tpu.memref_slice %arg11[%add3A_53, %dma_wait3A_77] : memref<10240x128xf32, #tpu.memory_space<vmem_shared>> -> memref<128x128xf32, #tpu.memory_space<vmem_shared>>
      %dma_wait3A_79 = arith.constant 0 : i32
      %dma_wait3A_80 = arith.constant 0 : i32
      %dma_wait3A_81 = tpu.memref_slice %arg9[%dma_wait3A_79, %dma_wait3A_80] : memref<256x128xf32, #tpu.memory_space<vmem>> -> memref<128x128xf32, #tpu.memory_space<vmem>>
      %dma_wait3A_82 = arith.constant 0 : i32
      %dma_wait3A_83 = tpu.memref_slice %arg11[%add3A_53, %dma_wait3A_82] : memref<10240x128xf32, #tpu.memory_space<vmem_shared>> -> memref<128x128xf32, #tpu.memory_space<vmem_shared>>
      tpu.wait_dma2 semaphore(%run_scoped3A : memref<!tpu.dma_semaphore, #tpu.memory_space<semaphore_mem>>) src(%dma_wait3A_83 : memref<128x128xf32, #tpu.memory_space<vmem_shared>>) dst(%dma_wait3A_81 : memref<128x128xf32, #tpu.memory_space<vmem>>)
      tpu.yield
    }) : () -> ()
    %mul3A_54 = arith.constant 640 : i32
    %mul3A_55 = arith.muli %arg1, %mul3A_54 : i32
    %add3A_56 = arith.constant 384 : i32
    %add3A_57 = arith.addi %mul3A_55, %add3A_56 : i32
    "tpu.region"() ({
      %run_scoped3A = tpu.sem_alloc : memref<!tpu.dma_semaphore, #tpu.memory_space<semaphore_mem>>
      %dma_start3A = arith.constant 0 : i32
      %dma_start3A_66 = arith.constant 0 : i32
      %dma_start3A_67 = tpu.memref_slice %arg9[%dma_start3A, %dma_start3A_66] : memref<256x128xf32, #tpu.memory_space<vmem>> -> memref<128x128xf32, #tpu.memory_space<vmem>>
      %dma_start3A_68 = arith.constant 0 : i32
      %dma_start3A_69 = tpu.memref_slice %arg6[%arg0, %add3A_57, %dma_start3A_68] : memref<2x10240x128xf32, #tpu.memory_space<hbm>> -> memref<1x128x128xf32, #tpu.memory_space<hbm>>
      %dma_start3A_70 = tpu.memref_squeeze %dma_start3A_69 : memref<1x128x128xf32, #tpu.memory_space<hbm>> -> memref<128x128xf32, #tpu.memory_space<hbm>>
      %dma_start3A_71 = arith.constant 0 : i32
      %dma_start3A_72 = tpu.memref_slice %arg6[%arg0, %add3A_57, %dma_start3A_71] : memref<2x10240x128xf32, #tpu.memory_space<hbm>> -> memref<1x128x128xf32, #tpu.memory_space<hbm>>
      %dma_start3A_73 = tpu.memref_squeeze %dma_start3A_72 : memref<1x128x128xf32, #tpu.memory_space<hbm>> -> memref<128x128xf32, #tpu.memory_space<hbm>>
      %dma_start3A_74 = arith.constant 0 : i32
      %dma_start3A_75 = arith.constant 0 : i32
      %dma_start3A_76 = tpu.memref_slice %arg9[%dma_start3A_74, %dma_start3A_75] : memref<256x128xf32, #tpu.memory_space<vmem>> -> memref<128x128xf32, #tpu.memory_space<vmem>>
      tpu.enqueue_dma source(%dma_start3A_76 : memref<128x128xf32, #tpu.memory_space<vmem>>) target(%dma_start3A_73 : memref<128x128xf32, #tpu.memory_space<hbm>>) target_semaphore(%run_scoped3A : memref<!tpu.dma_semaphore, #tpu.memory_space<semaphore_mem>>)
      %dma_wait3A = arith.constant 0 : i32
      %dma_wait3A_77 = arith.constant 0 : i32
      %dma_wait3A_78 = tpu.memref_slice %arg9[%dma_wait3A, %dma_wait3A_77] : memref<256x128xf32, #tpu.memory_space<vmem>> -> memref<128x128xf32, #tpu.memory_space<vmem>>
      %dma_wait3A_79 = arith.constant 0 : i32
      %dma_wait3A_80 = tpu.memref_slice %arg6[%arg0, %add3A_57, %dma_wait3A_79] : memref<2x10240x128xf32, #tpu.memory_space<hbm>> -> memref<1x128x128xf32, #tpu.memory_space<hbm>>
      %dma_wait3A_81 = tpu.memref_squeeze %dma_wait3A_80 : memref<1x128x128xf32, #tpu.memory_space<hbm>> -> memref<128x128xf32, #tpu.memory_space<hbm>>
      %dma_wait3A_82 = arith.constant 0 : i32
      %dma_wait3A_83 = tpu.memref_slice %arg6[%arg0, %add3A_57, %dma_wait3A_82] : memref<2x10240x128xf32, #tpu.memory_space<hbm>> -> memref<1x128x128xf32, #tpu.memory_space<hbm>>
      %dma_wait3A_84 = tpu.memref_squeeze %dma_wait3A_83 : memref<1x128x128xf32, #tpu.memory_space<hbm>> -> memref<128x128xf32, #tpu.memory_space<hbm>>
      %dma_wait3A_85 = arith.constant 0 : i32
      %dma_wait3A_86 = arith.constant 0 : i32
      %dma_wait3A_87 = tpu.memref_slice %arg9[%dma_wait3A_85, %dma_wait3A_86] : memref<256x128xf32, #tpu.memory_space<vmem>> -> memref<128x128xf32, #tpu.memory_space<vmem>>
      tpu.wait_dma2 semaphore(%run_scoped3A : memref<!tpu.dma_semaphore, #tpu.memory_space<semaphore_mem>>) src(%dma_wait3A_87 : memref<128x128xf32, #tpu.memory_space<vmem>>) dst(%dma_wait3A_84 : memref<128x128xf32, #tpu.memory_space<hbm>>)
      tpu.yield
    }) : () -> ()
    %mul3A_58 = arith.constant 640 : i32
    %mul3A_59 = arith.muli %arg1, %mul3A_58 : i32
    %add3A_60 = arith.constant 512 : i32
    %add3A_61 = arith.addi %mul3A_59, %add3A_60 : i32
    "tpu.region"() ({
      %run_scoped3A = tpu.sem_alloc : memref<!tpu.dma_semaphore, #tpu.memory_space<semaphore_mem>>
      %dma_start3A = arith.constant 0 : i32
      %dma_start3A_66 = arith.constant 0 : i32
      %dma_start3A_67 = tpu.memref_slice %arg9[%dma_start3A, %dma_start3A_66] : memref<256x128xf32, #tpu.memory_space<vmem>> -> memref<128x128xf32, #tpu.memory_space<vmem>>
      %dma_start3A_68 = arith.constant 0 : i32
      %dma_start3A_69 = tpu.memref_slice %arg11[%add3A_61, %dma_start3A_68] : memref<10240x128xf32, #tpu.memory_space<vmem_shared>> -> memref<128x128xf32, #tpu.memory_space<vmem_shared>>
      %dma_start3A_70 = arith.constant 0 : i32
      %dma_start3A_71 = arith.constant 0 : i32
      %dma_start3A_72 = tpu.memref_slice %arg9[%dma_start3A_70, %dma_start3A_71] : memref<256x128xf32, #tpu.memory_space<vmem>> -> memref<128x128xf32, #tpu.memory_space<vmem>>
      %dma_start3A_73 = arith.constant 0 : i32
      %dma_start3A_74 = tpu.memref_slice %arg11[%add3A_61, %dma_start3A_73] : memref<10240x128xf32, #tpu.memory_space<vmem_shared>> -> memref<128x128xf32, #tpu.memory_space<vmem_shared>>
      tpu.enqueue_dma source(%dma_start3A_74 : memref<128x128xf32, #tpu.memory_space<vmem_shared>>) target(%dma_start3A_72 : memref<128x128xf32, #tpu.memory_space<vmem>>) target_semaphore(%run_scoped3A : memref<!tpu.dma_semaphore, #tpu.memory_space<semaphore_mem>>)
      %dma_wait3A = arith.constant 0 : i32
      %dma_wait3A_75 = arith.constant 0 : i32
      %dma_wait3A_76 = tpu.memref_slice %arg9[%dma_wait3A, %dma_wait3A_75] : memref<256x128xf32, #tpu.memory_space<vmem>> -> memref<128x128xf32, #tpu.memory_space<vmem>>
      %dma_wait3A_77 = arith.constant 0 : i32
      %dma_wait3A_78 = tpu.memref_slice %arg11[%add3A_61, %dma_wait3A_77] : memref<10240x128xf32, #tpu.memory_space<vmem_shared>> -> memref<128x128xf32, #tpu.memory_space<vmem_shared>>
      %dma_wait3A_79 = arith.constant 0 : i32
      %dma_wait3A_80 = arith.constant 0 : i32
      %dma_wait3A_81 = tpu.memref_slice %arg9[%dma_wait3A_79, %dma_wait3A_80] : memref<256x128xf32, #tpu.memory_space<vmem>> -> memref<128x128xf32, #tpu.memory_space<vmem>>
      %dma_wait3A_82 = arith.constant 0 : i32
      %dma_wait3A_83 = tpu.memref_slice %arg11[%add3A_61, %dma_wait3A_82] : memref<10240x128xf32, #tpu.memory_space<vmem_shared>> -> memref<128x128xf32, #tpu.memory_space<vmem_shared>>
      tpu.wait_dma2 semaphore(%run_scoped3A : memref<!tpu.dma_semaphore, #tpu.memory_space<semaphore_mem>>) src(%dma_wait3A_83 : memref<128x128xf32, #tpu.memory_space<vmem_shared>>) dst(%dma_wait3A_81 : memref<128x128xf32, #tpu.memory_space<vmem>>)
      tpu.yield
    }) : () -> ()
    %mul3A_62 = arith.constant 640 : i32
    %mul3A_63 = arith.muli %arg1, %mul3A_62 : i32
    %add3A_64 = arith.constant 512 : i32
    %add3A_65 = arith.addi %mul3A_63, %add3A_64 : i32
    "tpu.region"() ({
      %run_scoped3A = tpu.sem_alloc : memref<!tpu.dma_semaphore, #tpu.memory_space<semaphore_mem>>
      %dma_start3A = arith.constant 0 : i32
      %dma_start3A_66 = arith.constant 0 : i32
      %dma_start3A_67 = tpu.memref_slice %arg9[%dma_start3A, %dma_start3A_66] : memref<256x128xf32, #tpu.memory_space<vmem>> -> memref<128x128xf32, #tpu.memory_space<vmem>>
      %dma_start3A_68 = arith.constant 0 : i32
      %dma_start3A_69 = tpu.memref_slice %arg6[%arg0, %add3A_65, %dma_start3A_68] : memref<2x10240x128xf32, #tpu.memory_space<hbm>> -> memref<1x128x128xf32, #tpu.memory_space<hbm>>
      %dma_start3A_70 = tpu.memref_squeeze %dma_start3A_69 : memref<1x128x128xf32, #tpu.memory_space<hbm>> -> memref<128x128xf32, #tpu.memory_space<hbm>>
      %dma_start3A_71 = arith.constant 0 : i32
      %dma_start3A_72 = tpu.memref_slice %arg6[%arg0, %add3A_65, %dma_start3A_71] : memref<2x10240x128xf32, #tpu.memory_space<hbm>> -> memref<1x128x128xf32, #tpu.memory_space<hbm>>
      %dma_start3A_73 = tpu.memref_squeeze %dma_start3A_72 : memref<1x128x128xf32, #tpu.memory_space<hbm>> -> memref<128x128xf32, #tpu.memory_space<hbm>>
      %dma_start3A_74 = arith.constant 0 : i32
      %dma_start3A_75 = arith.constant 0 : i32
      %dma_start3A_76 = tpu.memref_slice %arg9[%dma_start3A_74, %dma_start3A_75] : memref<256x128xf32, #tpu.memory_space<vmem>> -> memref<128x128xf32, #tpu.memory_space<vmem>>
      tpu.enqueue_dma source(%dma_start3A_76 : memref<128x128xf32, #tpu.memory_space<vmem>>) target(%dma_start3A_73 : memref<128x128xf32, #tpu.memory_space<hbm>>) target_semaphore(%run_scoped3A : memref<!tpu.dma_semaphore, #tpu.memory_space<semaphore_mem>>)
      %dma_wait3A = arith.constant 0 : i32
      %dma_wait3A_77 = arith.constant 0 : i32
      %dma_wait3A_78 = tpu.memref_slice %arg9[%dma_wait3A, %dma_wait3A_77] : memref<256x128xf32, #tpu.memory_space<vmem>> -> memref<128x128xf32, #tpu.memory_space<vmem>>
      %dma_wait3A_79 = arith.constant 0 : i32
      %dma_wait3A_80 = tpu.memref_slice %arg6[%arg0, %add3A_65, %dma_wait3A_79] : memref<2x10240x128xf32, #tpu.memory_space<hbm>> -> memref<1x128x128xf32, #tpu.memory_space<hbm>>
      %dma_wait3A_81 = tpu.memref_squeeze %dma_wait3A_80 : memref<1x128x128xf32, #tpu.memory_space<hbm>> -> memref<128x128xf32, #tpu.memory_space<hbm>>
      %dma_wait3A_82 = arith.constant 0 : i32
      %dma_wait3A_83 = tpu.memref_slice %arg6[%arg0, %add3A_65, %dma_wait3A_82] : memref<2x10240x128xf32, #tpu.memory_space<hbm>> -> memref<1x128x128xf32, #tpu.memory_space<hbm>>
      %dma_wait3A_84 = tpu.memref_squeeze %dma_wait3A_83 : memref<1x128x128xf32, #tpu.memory_space<hbm>> -> memref<128x128xf32, #tpu.memory_space<hbm>>
      %dma_wait3A_85 = arith.constant 0 : i32
      %dma_wait3A_86 = arith.constant 0 : i32
      %dma_wait3A_87 = tpu.memref_slice %arg9[%dma_wait3A_85, %dma_wait3A_86] : memref<256x128xf32, #tpu.memory_space<vmem>> -> memref<128x128xf32, #tpu.memory_space<vmem>>
      tpu.wait_dma2 semaphore(%run_scoped3A : memref<!tpu.dma_semaphore, #tpu.memory_space<semaphore_mem>>) src(%dma_wait3A_87 : memref<128x128xf32, #tpu.memory_space<vmem>>) dst(%dma_wait3A_84 : memref<128x128xf32, #tpu.memory_space<hbm>>)
      tpu.yield
    }) : () -> ()
    return
  }
}

#map = affine_map<(d0, d1) -> (0, 0)>
module attributes {stable_mosaic.version = 14 : i64} {
  func.func @_edge_sc(%arg0: i32, %arg1: i32, %arg2: memref<80x128xf32, #tpu.memory_space<hbm>>, %arg3: memref<2720x128xi32, #tpu.memory_space<hbm>>, %arg4: memref<2720x128xi32, #tpu.memory_space<hbm>>, %arg5: memref<2560x128xf32, #tpu.memory_space<hbm>>, %arg6: memref<80x128xi32, #tpu.memory_space<vmem>>, %arg7: memref<80x128xi32, #tpu.memory_space<vmem>>, %arg8: memref<80x128xf32, #tpu.memory_space<vmem>>, %arg9: memref<80x128xf32, #tpu.memory_space<vmem>>) attributes {dimension_semantics = [#tpu.dimension_semantics<core_parallel>, #tpu.dimension_semantics<subcore_parallel>], iteration_bounds = array<i64: 2, 16>, scalar_prefetch = 0 : i64, scratch_operands = 4 : i64, tpu.core_type = #tpu.core_type<sc_vector_subcore>, window_params = [{transform_indices = #map}, {transform_indices = #map}, {transform_indices = #map}, {transform_indices = #map}]} {
    %mul3A = arith.constant 16 : i32
    %mul3A_0 = arith.muli %arg0, %mul3A : i32
    %add3A = arith.addi %mul3A_0, %arg1 : i32
    "tpu.region"() ({
      %run_scoped3A = tpu.sem_alloc : memref<!tpu.dma_semaphore, #tpu.memory_space<semaphore_mem>>
      tpu.enqueue_dma source(%arg2 : memref<80x128xf32, #tpu.memory_space<hbm>>) target(%arg8 : memref<80x128xf32, #tpu.memory_space<vmem>>) target_semaphore(%run_scoped3A : memref<!tpu.dma_semaphore, #tpu.memory_space<semaphore_mem>>)
      tpu.wait_dma2 semaphore(%run_scoped3A : memref<!tpu.dma_semaphore, #tpu.memory_space<semaphore_mem>>) src(%arg2 : memref<80x128xf32, #tpu.memory_space<hbm>>) dst(%arg8 : memref<80x128xf32, #tpu.memory_space<vmem>>)
      tpu.yield
    }) : () -> ()
    %mul3A_1 = arith.constant 80 : i32
    %mul3A_2 = arith.muli %add3A, %mul3A_1 : i32
    "tpu.region"() ({
      %run_scoped3A = tpu.sem_alloc : memref<!tpu.dma_semaphore, #tpu.memory_space<semaphore_mem>>
      %dma_start3A = arith.constant 0 : i32
      %dma_start3A_13 = tpu.memref_slice %arg3[%mul3A_2, %dma_start3A] : memref<2720x128xi32, #tpu.memory_space<hbm>> -> memref<80x128xi32, #tpu.memory_space<hbm>>
      %dma_start3A_14 = arith.constant 0 : i32
      %dma_start3A_15 = tpu.memref_slice %arg3[%mul3A_2, %dma_start3A_14] : memref<2720x128xi32, #tpu.memory_space<hbm>> -> memref<80x128xi32, #tpu.memory_space<hbm>>
      tpu.enqueue_dma source(%dma_start3A_15 : memref<80x128xi32, #tpu.memory_space<hbm>>) target(%arg6 : memref<80x128xi32, #tpu.memory_space<vmem>>) target_semaphore(%run_scoped3A : memref<!tpu.dma_semaphore, #tpu.memory_space<semaphore_mem>>)
      %dma_wait3A = arith.constant 0 : i32
      %dma_wait3A_16 = tpu.memref_slice %arg3[%mul3A_2, %dma_wait3A] : memref<2720x128xi32, #tpu.memory_space<hbm>> -> memref<80x128xi32, #tpu.memory_space<hbm>>
      %dma_wait3A_17 = arith.constant 0 : i32
      %dma_wait3A_18 = tpu.memref_slice %arg3[%mul3A_2, %dma_wait3A_17] : memref<2720x128xi32, #tpu.memory_space<hbm>> -> memref<80x128xi32, #tpu.memory_space<hbm>>
      tpu.wait_dma2 semaphore(%run_scoped3A : memref<!tpu.dma_semaphore, #tpu.memory_space<semaphore_mem>>) src(%dma_wait3A_18 : memref<80x128xi32, #tpu.memory_space<hbm>>) dst(%arg6 : memref<80x128xi32, #tpu.memory_space<vmem>>)
      tpu.yield
    }) : () -> ()
    %mul3A_3 = arith.constant 80 : i32
    %mul3A_4 = arith.muli %add3A, %mul3A_3 : i32
    "tpu.region"() ({
      %run_scoped3A = tpu.sem_alloc : memref<!tpu.dma_semaphore, #tpu.memory_space<semaphore_mem>>
      %dma_start3A = arith.constant 0 : i32
      %dma_start3A_13 = tpu.memref_slice %arg4[%mul3A_4, %dma_start3A] : memref<2720x128xi32, #tpu.memory_space<hbm>> -> memref<80x128xi32, #tpu.memory_space<hbm>>
      %dma_start3A_14 = arith.constant 0 : i32
      %dma_start3A_15 = tpu.memref_slice %arg4[%mul3A_4, %dma_start3A_14] : memref<2720x128xi32, #tpu.memory_space<hbm>> -> memref<80x128xi32, #tpu.memory_space<hbm>>
      tpu.enqueue_dma source(%dma_start3A_15 : memref<80x128xi32, #tpu.memory_space<hbm>>) target(%arg7 : memref<80x128xi32, #tpu.memory_space<vmem>>) target_semaphore(%run_scoped3A : memref<!tpu.dma_semaphore, #tpu.memory_space<semaphore_mem>>)
      %dma_wait3A = arith.constant 0 : i32
      %dma_wait3A_16 = tpu.memref_slice %arg4[%mul3A_4, %dma_wait3A] : memref<2720x128xi32, #tpu.memory_space<hbm>> -> memref<80x128xi32, #tpu.memory_space<hbm>>
      %dma_wait3A_17 = arith.constant 0 : i32
      %dma_wait3A_18 = tpu.memref_slice %arg4[%mul3A_4, %dma_wait3A_17] : memref<2720x128xi32, #tpu.memory_space<hbm>> -> memref<80x128xi32, #tpu.memory_space<hbm>>
      tpu.wait_dma2 semaphore(%run_scoped3A : memref<!tpu.dma_semaphore, #tpu.memory_space<semaphore_mem>>) src(%dma_wait3A_18 : memref<80x128xi32, #tpu.memory_space<hbm>>) dst(%arg7 : memref<80x128xi32, #tpu.memory_space<vmem>>)
      tpu.yield
    }) : () -> ()
    %scan3A = arith.constant 0 : i32
    %scan3A_5 = arith.constant 0 : i32
    %scan3A_6 = arith.constant 80 : i32
    %scan3A_7 = arith.addi %scan3A_5, %scan3A_6 : i32
    %scan3A_8 = arith.constant 1 : i32
    %scan3A_9 = scf.for %scan3A_13 = %scan3A_5 to %scan3A_7 step %scan3A_8 iter_args(%scan3A_14 = %scan3A) -> (i32)  : i32 {
      %get3A = arith.index_cast %scan3A_13 : i32 to index
      %get3A_15 = arith.constant 0 : index
      %get3A_16 = tpu.vector_load %arg6[%get3A, %get3A_15] {strides = array<i32>} : memref<80x128xi32, #tpu.memory_space<vmem>>, vector<16xi32>,
      %get3A_17 = arith.index_cast %scan3A_13 : i32 to index
      %get3A_18 = arith.constant 0 : index
      %get3A_19 = tpu.vector_load %arg7[%get3A_17, %get3A_18] {strides = array<i32>} : memref<80x128xi32, #tpu.memory_space<vmem>>, vector<16xi32>,
      %jit3A = arith.constant 128 : i32
      %div3A = vector.broadcast %jit3A : i32 to vector<16xi32>
      %div3A_20 = arith.divsi %get3A_16, %div3A : vector<16xi32>
      %sign3A = arith.constant 0 : i32
      %sign3A_21 = vector.broadcast %sign3A : i32 to vector<16xi32>
      %sign3A_22 = arith.cmpi sgt, %get3A_16, %sign3A_21 : vector<16xi32>
      %sign3A_23 = arith.extui %sign3A_22 : vector<16xi1> to vector<16xi32>
      %sign3A_24 = arith.constant 0 : i32
      %sign3A_25 = vector.broadcast %sign3A_24 : i32 to vector<16xi32>
      %sign3A_26 = arith.cmpi slt, %get3A_16, %sign3A_25 : vector<16xi32>
      %sign3A_27 = arith.extui %sign3A_26 : vector<16xi1> to vector<16xi32>
      %sign3A_28 = arith.subi %sign3A_23, %sign3A_27 : vector<16xi32>
      %sign3A_29 = arith.constant 0 : i32
      %sign3A_30 = arith.cmpi sgt, %jit3A, %sign3A_29 : i32
      %sign3A_31 = arith.extui %sign3A_30 : i1 to i32
      %sign3A_32 = arith.constant 0 : i32
      %sign3A_33 = arith.cmpi slt, %jit3A, %sign3A_32 : i32
      %sign3A_34 = arith.extui %sign3A_33 : i1 to i32
      %sign3A_35 = arith.subi %sign3A_31, %sign3A_34 : i32
      %ne3A = vector.broadcast %sign3A_35 : i32 to vector<16xi32>
      %ne3A_36 = arith.cmpi ne, %sign3A_28, %ne3A : vector<16xi32>
      %rem3A = vector.broadcast %jit3A : i32 to vector<16xi32>
      %rem3A_37 = arith.remsi %get3A_16, %rem3A : vector<16xi32>
      %ne3A_38 = arith.constant 0 : i32
      %ne3A_39 = vector.broadcast %ne3A_38 : i32 to vector<16xi32>
      %ne3A_40 = arith.cmpi ne, %rem3A_37, %ne3A_39 : vector<16xi32>
      %and3A = arith.andi %ne3A_36, %ne3A_40 : vector<16xi1>
      %sub3A = arith.constant 1 : i32
      %sub3A_41 = vector.broadcast %sub3A : i32 to vector<16xi32>
      %sub3A_42 = arith.subi %div3A_20, %sub3A_41 : vector<16xi32>
      %select_n3A = arith.select %and3A, %sub3A_42, %div3A_20 : vector<16xi1>, vector<16xi32>
      %jit3A_43 = arith.constant 128 : i32
      %eq3A = arith.constant 0 : i32
      %eq3A_44 = arith.cmpi eq, %jit3A_43, %eq3A : i32
      %jit3A_45 = arith.constant 1 : i32
      %select_n3A_46 = arith.select %eq3A_44, %jit3A_45, %jit3A_43 : i32
      %rem3A_47 = vector.broadcast %select_n3A_46 : i32 to vector<16xi32>
      %rem3A_48 = arith.remsi %get3A_16, %rem3A_47 : vector<16xi32>
      %ne3A_49 = arith.constant 0 : i32
      %ne3A_50 = vector.broadcast %ne3A_49 : i32 to vector<16xi32>
      %ne3A_51 = arith.cmpi ne, %rem3A_48, %ne3A_50 : vector<16xi32>
      %lt3A = arith.constant 0 : i32
      %lt3A_52 = vector.broadcast %lt3A : i32 to vector<16xi32>
      %lt3A_53 = arith.cmpi slt, %rem3A_48, %lt3A_52 : vector<16xi32>
      %lt3A_54 = arith.constant 0 : i32
      %lt3A_55 = arith.cmpi slt, %select_n3A_46, %lt3A_54 : i32
      %ne3A_56 = vector.broadcast %lt3A_55 : i1 to vector<16xi1>
      %ne3A_57 = vector.broadcast %ne3A_56 : vector<16xi1> to vector<16xi1>
      %ne3A_58 = arith.xori %lt3A_53, %ne3A_57 : vector<16xi1>
      %and3A_59 = arith.andi %ne3A_58, %ne3A_51 : vector<16xi1>
      %add3A_60 = vector.broadcast %select_n3A_46 : i32 to vector<16xi32>
      %add3A_61 = arith.addi %rem3A_48, %add3A_60 : vector<16xi32>
      %select_n3A_62 = arith.select %and3A_59, %add3A_61, %rem3A_48 : vector<16xi1>, vector<16xi32>
      %gather3A = tpu.vector_load_idx %arg8[%select_n3A, %select_n3A_62] : memref<80x128xf32, #tpu.memory_space<vmem>>[vector<16xi32>, vector<16xi32>], vector<16xf32>,
      %jit3A_63 = arith.constant 128 : i32
      %div3A_64 = vector.broadcast %jit3A_63 : i32 to vector<16xi32>
      %div3A_65 = arith.divsi %get3A_19, %div3A_64 : vector<16xi32>
      %sign3A_66 = arith.constant 0 : i32
      %sign3A_67 = vector.broadcast %sign3A_66 : i32 to vector<16xi32>
      %sign3A_68 = arith.cmpi sgt, %get3A_19, %sign3A_67 : vector<16xi32>
      %sign3A_69 = arith.extui %sign3A_68 : vector<16xi1> to vector<16xi32>
      %sign3A_70 = arith.constant 0 : i32
      %sign3A_71 = vector.broadcast %sign3A_70 : i32 to vector<16xi32>
      %sign3A_72 = arith.cmpi slt, %get3A_19, %sign3A_71 : vector<16xi32>
      %sign3A_73 = arith.extui %sign3A_72 : vector<16xi1> to vector<16xi32>
      %sign3A_74 = arith.subi %sign3A_69, %sign3A_73 : vector<16xi32>
      %sign3A_75 = arith.constant 0 : i32
      %sign3A_76 = arith.cmpi sgt, %jit3A_63, %sign3A_75 : i32
      %sign3A_77 = arith.extui %sign3A_76 : i1 to i32
      %sign3A_78 = arith.constant 0 : i32
      %sign3A_79 = arith.cmpi slt, %jit3A_63, %sign3A_78 : i32
      %sign3A_80 = arith.extui %sign3A_79 : i1 to i32
      %sign3A_81 = arith.subi %sign3A_77, %sign3A_80 : i32
      %ne3A_82 = vector.broadcast %sign3A_81 : i32 to vector<16xi32>
      %ne3A_83 = arith.cmpi ne, %sign3A_74, %ne3A_82 : vector<16xi32>
      %rem3A_84 = vector.broadcast %jit3A_63 : i32 to vector<16xi32>
      %rem3A_85 = arith.remsi %get3A_19, %rem3A_84 : vector<16xi32>
      %ne3A_86 = arith.constant 0 : i32
      %ne3A_87 = vector.broadcast %ne3A_86 : i32 to vector<16xi32>
      %ne3A_88 = arith.cmpi ne, %rem3A_85, %ne3A_87 : vector<16xi32>
      %and3A_89 = arith.andi %ne3A_83, %ne3A_88 : vector<16xi1>
      %sub3A_90 = arith.constant 1 : i32
      %sub3A_91 = vector.broadcast %sub3A_90 : i32 to vector<16xi32>
      %sub3A_92 = arith.subi %div3A_65, %sub3A_91 : vector<16xi32>
      %select_n3A_93 = arith.select %and3A_89, %sub3A_92, %div3A_65 : vector<16xi1>, vector<16xi32>
      %jit3A_94 = arith.constant 128 : i32
      %eq3A_95 = arith.constant 0 : i32
      %eq3A_96 = arith.cmpi eq, %jit3A_94, %eq3A_95 : i32
      %jit3A_97 = arith.constant 1 : i32
      %select_n3A_98 = arith.select %eq3A_96, %jit3A_97, %jit3A_94 : i32
      %rem3A_99 = vector.broadcast %select_n3A_98 : i32 to vector<16xi32>
      %rem3A_100 = arith.remsi %get3A_19, %rem3A_99 : vector<16xi32>
      %ne3A_101 = arith.constant 0 : i32
      %ne3A_102 = vector.broadcast %ne3A_101 : i32 to vector<16xi32>
      %ne3A_103 = arith.cmpi ne, %rem3A_100, %ne3A_102 : vector<16xi32>
      %lt3A_104 = arith.constant 0 : i32
      %lt3A_105 = vector.broadcast %lt3A_104 : i32 to vector<16xi32>
      %lt3A_106 = arith.cmpi slt, %rem3A_100, %lt3A_105 : vector<16xi32>
      %lt3A_107 = arith.constant 0 : i32
      %lt3A_108 = arith.cmpi slt, %select_n3A_98, %lt3A_107 : i32
      %ne3A_109 = vector.broadcast %lt3A_108 : i1 to vector<16xi1>
      %ne3A_110 = vector.broadcast %ne3A_109 : vector<16xi1> to vector<16xi1>
      %ne3A_111 = arith.xori %lt3A_106, %ne3A_110 : vector<16xi1>
      %and3A_112 = arith.andi %ne3A_111, %ne3A_103 : vector<16xi1>
      %add3A_113 = vector.broadcast %select_n3A_98 : i32 to vector<16xi32>
      %add3A_114 = arith.addi %rem3A_100, %add3A_113 : vector<16xi32>
      %select_n3A_115 = arith.select %and3A_112, %add3A_114, %rem3A_100 : vector<16xi1>, vector<16xi32>
      %gather3A_116 = tpu.vector_load_idx %arg8[%select_n3A_93, %select_n3A_115] : memref<80x128xf32, #tpu.memory_space<vmem>>[vector<16xi32>, vector<16xi32>], vector<16xf32>,
      %add3A_117 = arith.addf %gather3A, %gather3A_116 : vector<16xf32>
      %mul3A_118 = arith.constant 5.000000e-01 : f32
      %mul3A_119 = vector.broadcast %mul3A_118 : f32 to vector<16xf32>
      %mul3A_120 = arith.mulf %add3A_117, %mul3A_119 : vector<16xf32>
      %swap3A = arith.index_cast %scan3A_13 : i32 to index
      %swap3A_121 = arith.constant 0 : index
      %swap3A_122 = tpu.vector_load %arg9[%swap3A, %swap3A_121] {strides = array<i32>} : memref<80x128xf32, #tpu.memory_space<vmem>>, vector<16xf32>,
      tpu.vector_store %arg9[%swap3A, %swap3A_121], %mul3A_120 {strides = array<i32>} : memref<80x128xf32, #tpu.memory_space<vmem>>, vector<16xf32>,
      %get3A_123 = arith.index_cast %scan3A_13 : i32 to index
      %get3A_124 = arith.constant 16 : index
      %get3A_125 = tpu.vector_load %arg6[%get3A_123, %get3A_124] {strides = array<i32>} : memref<80x128xi32, #tpu.memory_space<vmem>>, vector<16xi32>,
      %get3A_126 = arith.index_cast %scan3A_13 : i32 to index
      %get3A_127 = arith.constant 16 : index
      %get3A_128 = tpu.vector_load %arg7[%get3A_126, %get3A_127] {strides = array<i32>} : memref<80x128xi32, #tpu.memory_space<vmem>>, vector<16xi32>,
      %jit3A_129 = arith.constant 128 : i32
      %div3A_130 = vector.broadcast %jit3A_129 : i32 to vector<16xi32>
      %div3A_131 = arith.divsi %get3A_125, %div3A_130 : vector<16xi32>
      %sign3A_132 = arith.constant 0 : i32
      %sign3A_133 = vector.broadcast %sign3A_132 : i32 to vector<16xi32>
      %sign3A_134 = arith.cmpi sgt, %get3A_125, %sign3A_133 : vector<16xi32>
      %sign3A_135 = arith.extui %sign3A_134 : vector<16xi1> to vector<16xi32>
      %sign3A_136 = arith.constant 0 : i32
      %sign3A_137 = vector.broadcast %sign3A_136 : i32 to vector<16xi32>
      %sign3A_138 = arith.cmpi slt, %get3A_125, %sign3A_137 : vector<16xi32>
      %sign3A_139 = arith.extui %sign3A_138 : vector<16xi1> to vector<16xi32>
      %sign3A_140 = arith.subi %sign3A_135, %sign3A_139 : vector<16xi32>
      %sign3A_141 = arith.constant 0 : i32
      %sign3A_142 = arith.cmpi sgt, %jit3A_129, %sign3A_141 : i32
      %sign3A_143 = arith.extui %sign3A_142 : i1 to i32
      %sign3A_144 = arith.constant 0 : i32
      %sign3A_145 = arith.cmpi slt, %jit3A_129, %sign3A_144 : i32
      %sign3A_146 = arith.extui %sign3A_145 : i1 to i32
      %sign3A_147 = arith.subi %sign3A_143, %sign3A_146 : i32
      %ne3A_148 = vector.broadcast %sign3A_147 : i32 to vector<16xi32>
      %ne3A_149 = arith.cmpi ne, %sign3A_140, %ne3A_148 : vector<16xi32>
      %rem3A_150 = vector.broadcast %jit3A_129 : i32 to vector<16xi32>
      %rem3A_151 = arith.remsi %get3A_125, %rem3A_150 : vector<16xi32>
      %ne3A_152 = arith.constant 0 : i32
      %ne3A_153 = vector.broadcast %ne3A_152 : i32 to vector<16xi32>
      %ne3A_154 = arith.cmpi ne, %rem3A_151, %ne3A_153 : vector<16xi32>
      %and3A_155 = arith.andi %ne3A_149, %ne3A_154 : vector<16xi1>
      %sub3A_156 = arith.constant 1 : i32
      %sub3A_157 = vector.broadcast %sub3A_156 : i32 to vector<16xi32>
      %sub3A_158 = arith.subi %div3A_131, %sub3A_157 : vector<16xi32>
      %select_n3A_159 = arith.select %and3A_155, %sub3A_158, %div3A_131 : vector<16xi1>, vector<16xi32>
      %jit3A_160 = arith.constant 128 : i32
      %eq3A_161 = arith.constant 0 : i32
      %eq3A_162 = arith.cmpi eq, %jit3A_160, %eq3A_161 : i32
      %jit3A_163 = arith.constant 1 : i32
      %select_n3A_164 = arith.select %eq3A_162, %jit3A_163, %jit3A_160 : i32
      %rem3A_165 = vector.broadcast %select_n3A_164 : i32 to vector<16xi32>
      %rem3A_166 = arith.remsi %get3A_125, %rem3A_165 : vector<16xi32>
      %ne3A_167 = arith.constant 0 : i32
      %ne3A_168 = vector.broadcast %ne3A_167 : i32 to vector<16xi32>
      %ne3A_169 = arith.cmpi ne, %rem3A_166, %ne3A_168 : vector<16xi32>
      %lt3A_170 = arith.constant 0 : i32
      %lt3A_171 = vector.broadcast %lt3A_170 : i32 to vector<16xi32>
      %lt3A_172 = arith.cmpi slt, %rem3A_166, %lt3A_171 : vector<16xi32>
      %lt3A_173 = arith.constant 0 : i32
      %lt3A_174 = arith.cmpi slt, %select_n3A_164, %lt3A_173 : i32
      %ne3A_175 = vector.broadcast %lt3A_174 : i1 to vector<16xi1>
      %ne3A_176 = vector.broadcast %ne3A_175 : vector<16xi1> to vector<16xi1>
      %ne3A_177 = arith.xori %lt3A_172, %ne3A_176 : vector<16xi1>
      %and3A_178 = arith.andi %ne3A_177, %ne3A_169 : vector<16xi1>
      %add3A_179 = vector.broadcast %select_n3A_164 : i32 to vector<16xi32>
      %add3A_180 = arith.addi %rem3A_166, %add3A_179 : vector<16xi32>
      %select_n3A_181 = arith.select %and3A_178, %add3A_180, %rem3A_166 : vector<16xi1>, vector<16xi32>
      %gather3A_182 = tpu.vector_load_idx %arg8[%select_n3A_159, %select_n3A_181] : memref<80x128xf32, #tpu.memory_space<vmem>>[vector<16xi32>, vector<16xi32>], vector<16xf32>,
      %jit3A_183 = arith.constant 128 : i32
      %div3A_184 = vector.broadcast %jit3A_183 : i32 to vector<16xi32>
      %div3A_185 = arith.divsi %get3A_128, %div3A_184 : vector<16xi32>
      %sign3A_186 = arith.constant 0 : i32
      %sign3A_187 = vector.broadcast %sign3A_186 : i32 to vector<16xi32>
      %sign3A_188 = arith.cmpi sgt, %get3A_128, %sign3A_187 : vector<16xi32>
      %sign3A_189 = arith.extui %sign3A_188 : vector<16xi1> to vector<16xi32>
      %sign3A_190 = arith.constant 0 : i32
      %sign3A_191 = vector.broadcast %sign3A_190 : i32 to vector<16xi32>
      %sign3A_192 = arith.cmpi slt, %get3A_128, %sign3A_191 : vector<16xi32>
      %sign3A_193 = arith.extui %sign3A_192 : vector<16xi1> to vector<16xi32>
      %sign3A_194 = arith.subi %sign3A_189, %sign3A_193 : vector<16xi32>
      %sign3A_195 = arith.constant 0 : i32
      %sign3A_196 = arith.cmpi sgt, %jit3A_183, %sign3A_195 : i32
      %sign3A_197 = arith.extui %sign3A_196 : i1 to i32
      %sign3A_198 = arith.constant 0 : i32
      %sign3A_199 = arith.cmpi slt, %jit3A_183, %sign3A_198 : i32
      %sign3A_200 = arith.extui %sign3A_199 : i1 to i32
      %sign3A_201 = arith.subi %sign3A_197, %sign3A_200 : i32
      %ne3A_202 = vector.broadcast %sign3A_201 : i32 to vector<16xi32>
      %ne3A_203 = arith.cmpi ne, %sign3A_194, %ne3A_202 : vector<16xi32>
      %rem3A_204 = vector.broadcast %jit3A_183 : i32 to vector<16xi32>
      %rem3A_205 = arith.remsi %get3A_128, %rem3A_204 : vector<16xi32>
      %ne3A_206 = arith.constant 0 : i32
      %ne3A_207 = vector.broadcast %ne3A_206 : i32 to vector<16xi32>
      %ne3A_208 = arith.cmpi ne, %rem3A_205, %ne3A_207 : vector<16xi32>
      %and3A_209 = arith.andi %ne3A_203, %ne3A_208 : vector<16xi1>
      %sub3A_210 = arith.constant 1 : i32
      %sub3A_211 = vector.broadcast %sub3A_210 : i32 to vector<16xi32>
      %sub3A_212 = arith.subi %div3A_185, %sub3A_211 : vector<16xi32>
      %select_n3A_213 = arith.select %and3A_209, %sub3A_212, %div3A_185 : vector<16xi1>, vector<16xi32>
      %jit3A_214 = arith.constant 128 : i32
      %eq3A_215 = arith.constant 0 : i32
      %eq3A_216 = arith.cmpi eq, %jit3A_214, %eq3A_215 : i32
      %jit3A_217 = arith.constant 1 : i32
      %select_n3A_218 = arith.select %eq3A_216, %jit3A_217, %jit3A_214 : i32
      %rem3A_219 = vector.broadcast %select_n3A_218 : i32 to vector<16xi32>
      %rem3A_220 = arith.remsi %get3A_128, %rem3A_219 : vector<16xi32>
      %ne3A_221 = arith.constant 0 : i32
      %ne3A_222 = vector.broadcast %ne3A_221 : i32 to vector<16xi32>
      %ne3A_223 = arith.cmpi ne, %rem3A_220, %ne3A_222 : vector<16xi32>
      %lt3A_224 = arith.constant 0 : i32
      %lt3A_225 = vector.broadcast %lt3A_224 : i32 to vector<16xi32>
      %lt3A_226 = arith.cmpi slt, %rem3A_220, %lt3A_225 : vector<16xi32>
      %lt3A_227 = arith.constant 0 : i32
      %lt3A_228 = arith.cmpi slt, %select_n3A_218, %lt3A_227 : i32
      %ne3A_229 = vector.broadcast %lt3A_228 : i1 to vector<16xi1>
      %ne3A_230 = vector.broadcast %ne3A_229 : vector<16xi1> to vector<16xi1>
      %ne3A_231 = arith.xori %lt3A_226, %ne3A_230 : vector<16xi1>
      %and3A_232 = arith.andi %ne3A_231, %ne3A_223 : vector<16xi1>
      %add3A_233 = vector.broadcast %select_n3A_218 : i32 to vector<16xi32>
      %add3A_234 = arith.addi %rem3A_220, %add3A_233 : vector<16xi32>
      %select_n3A_235 = arith.select %and3A_232, %add3A_234, %rem3A_220 : vector<16xi1>, vector<16xi32>
      %gather3A_236 = tpu.vector_load_idx %arg8[%select_n3A_213, %select_n3A_235] : memref<80x128xf32, #tpu.memory_space<vmem>>[vector<16xi32>, vector<16xi32>], vector<16xf32>,
      %add3A_237 = arith.addf %gather3A_182, %gather3A_236 : vector<16xf32>
      %mul3A_238 = arith.constant 5.000000e-01 : f32
      %mul3A_239 = vector.broadcast %mul3A_238 : f32 to vector<16xf32>
      %mul3A_240 = arith.mulf %add3A_237, %mul3A_239 : vector<16xf32>
      %swap3A_241 = arith.index_cast %scan3A_13 : i32 to index
      %swap3A_242 = arith.constant 16 : index
      %swap3A_243 = tpu.vector_load %arg9[%swap3A_241, %swap3A_242] {strides = array<i32>} : memref<80x128xf32, #tpu.memory_space<vmem>>, vector<16xf32>,
      tpu.vector_store %arg9[%swap3A_241, %swap3A_242], %mul3A_240 {strides = array<i32>} : memref<80x128xf32, #tpu.memory_space<vmem>>, vector<16xf32>,
      %get3A_244 = arith.index_cast %scan3A_13 : i32 to index
      %get3A_245 = arith.constant 32 : index
      %get3A_246 = tpu.vector_load %arg6[%get3A_244, %get3A_245] {strides = array<i32>} : memref<80x128xi32, #tpu.memory_space<vmem>>, vector<16xi32>,
      %get3A_247 = arith.index_cast %scan3A_13 : i32 to index
      %get3A_248 = arith.constant 32 : index
      %get3A_249 = tpu.vector_load %arg7[%get3A_247, %get3A_248] {strides = array<i32>} : memref<80x128xi32, #tpu.memory_space<vmem>>, vector<16xi32>,
      %jit3A_250 = arith.constant 128 : i32
      %div3A_251 = vector.broadcast %jit3A_250 : i32 to vector<16xi32>
      %div3A_252 = arith.divsi %get3A_246, %div3A_251 : vector<16xi32>
      %sign3A_253 = arith.constant 0 : i32
      %sign3A_254 = vector.broadcast %sign3A_253 : i32 to vector<16xi32>
      %sign3A_255 = arith.cmpi sgt, %get3A_246, %sign3A_254 : vector<16xi32>
      %sign3A_256 = arith.extui %sign3A_255 : vector<16xi1> to vector<16xi32>
      %sign3A_257 = arith.constant 0 : i32
      %sign3A_258 = vector.broadcast %sign3A_257 : i32 to vector<16xi32>
      %sign3A_259 = arith.cmpi slt, %get3A_246, %sign3A_258 : vector<16xi32>
      %sign3A_260 = arith.extui %sign3A_259 : vector<16xi1> to vector<16xi32>
      %sign3A_261 = arith.subi %sign3A_256, %sign3A_260 : vector<16xi32>
      %sign3A_262 = arith.constant 0 : i32
      %sign3A_263 = arith.cmpi sgt, %jit3A_250, %sign3A_262 : i32
      %sign3A_264 = arith.extui %sign3A_263 : i1 to i32
      %sign3A_265 = arith.constant 0 : i32
      %sign3A_266 = arith.cmpi slt, %jit3A_250, %sign3A_265 : i32
      %sign3A_267 = arith.extui %sign3A_266 : i1 to i32
      %sign3A_268 = arith.subi %sign3A_264, %sign3A_267 : i32
      %ne3A_269 = vector.broadcast %sign3A_268 : i32 to vector<16xi32>
      %ne3A_270 = arith.cmpi ne, %sign3A_261, %ne3A_269 : vector<16xi32>
      %rem3A_271 = vector.broadcast %jit3A_250 : i32 to vector<16xi32>
      %rem3A_272 = arith.remsi %get3A_246, %rem3A_271 : vector<16xi32>
      %ne3A_273 = arith.constant 0 : i32
      %ne3A_274 = vector.broadcast %ne3A_273 : i32 to vector<16xi32>
      %ne3A_275 = arith.cmpi ne, %rem3A_272, %ne3A_274 : vector<16xi32>
      %and3A_276 = arith.andi %ne3A_270, %ne3A_275 : vector<16xi1>
      %sub3A_277 = arith.constant 1 : i32
      %sub3A_278 = vector.broadcast %sub3A_277 : i32 to vector<16xi32>
      %sub3A_279 = arith.subi %div3A_252, %sub3A_278 : vector<16xi32>
      %select_n3A_280 = arith.select %and3A_276, %sub3A_279, %div3A_252 : vector<16xi1>, vector<16xi32>
      %jit3A_281 = arith.constant 128 : i32
      %eq3A_282 = arith.constant 0 : i32
      %eq3A_283 = arith.cmpi eq, %jit3A_281, %eq3A_282 : i32
      %jit3A_284 = arith.constant 1 : i32
      %select_n3A_285 = arith.select %eq3A_283, %jit3A_284, %jit3A_281 : i32
      %rem3A_286 = vector.broadcast %select_n3A_285 : i32 to vector<16xi32>
      %rem3A_287 = arith.remsi %get3A_246, %rem3A_286 : vector<16xi32>
      %ne3A_288 = arith.constant 0 : i32
      %ne3A_289 = vector.broadcast %ne3A_288 : i32 to vector<16xi32>
      %ne3A_290 = arith.cmpi ne, %rem3A_287, %ne3A_289 : vector<16xi32>
      %lt3A_291 = arith.constant 0 : i32
      %lt3A_292 = vector.broadcast %lt3A_291 : i32 to vector<16xi32>
      %lt3A_293 = arith.cmpi slt, %rem3A_287, %lt3A_292 : vector<16xi32>
      %lt3A_294 = arith.constant 0 : i32
      %lt3A_295 = arith.cmpi slt, %select_n3A_285, %lt3A_294 : i32
      %ne3A_296 = vector.broadcast %lt3A_295 : i1 to vector<16xi1>
      %ne3A_297 = vector.broadcast %ne3A_296 : vector<16xi1> to vector<16xi1>
      %ne3A_298 = arith.xori %lt3A_293, %ne3A_297 : vector<16xi1>
      %and3A_299 = arith.andi %ne3A_298, %ne3A_290 : vector<16xi1>
      %add3A_300 = vector.broadcast %select_n3A_285 : i32 to vector<16xi32>
      %add3A_301 = arith.addi %rem3A_287, %add3A_300 : vector<16xi32>
      %select_n3A_302 = arith.select %and3A_299, %add3A_301, %rem3A_287 : vector<16xi1>, vector<16xi32>
      %gather3A_303 = tpu.vector_load_idx %arg8[%select_n3A_280, %select_n3A_302] : memref<80x128xf32, #tpu.memory_space<vmem>>[vector<16xi32>, vector<16xi32>], vector<16xf32>,
      %jit3A_304 = arith.constant 128 : i32
      %div3A_305 = vector.broadcast %jit3A_304 : i32 to vector<16xi32>
      %div3A_306 = arith.divsi %get3A_249, %div3A_305 : vector<16xi32>
      %sign3A_307 = arith.constant 0 : i32
      %sign3A_308 = vector.broadcast %sign3A_307 : i32 to vector<16xi32>
      %sign3A_309 = arith.cmpi sgt, %get3A_249, %sign3A_308 : vector<16xi32>
      %sign3A_310 = arith.extui %sign3A_309 : vector<16xi1> to vector<16xi32>
      %sign3A_311 = arith.constant 0 : i32
      %sign3A_312 = vector.broadcast %sign3A_311 : i32 to vector<16xi32>
      %sign3A_313 = arith.cmpi slt, %get3A_249, %sign3A_312 : vector<16xi32>
      %sign3A_314 = arith.extui %sign3A_313 : vector<16xi1> to vector<16xi32>
      %sign3A_315 = arith.subi %sign3A_310, %sign3A_314 : vector<16xi32>
      %sign3A_316 = arith.constant 0 : i32
      %sign3A_317 = arith.cmpi sgt, %jit3A_304, %sign3A_316 : i32
      %sign3A_318 = arith.extui %sign3A_317 : i1 to i32
      %sign3A_319 = arith.constant 0 : i32
      %sign3A_320 = arith.cmpi slt, %jit3A_304, %sign3A_319 : i32
      %sign3A_321 = arith.extui %sign3A_320 : i1 to i32
      %sign3A_322 = arith.subi %sign3A_318, %sign3A_321 : i32
      %ne3A_323 = vector.broadcast %sign3A_322 : i32 to vector<16xi32>
      %ne3A_324 = arith.cmpi ne, %sign3A_315, %ne3A_323 : vector<16xi32>
      %rem3A_325 = vector.broadcast %jit3A_304 : i32 to vector<16xi32>
      %rem3A_326 = arith.remsi %get3A_249, %rem3A_325 : vector<16xi32>
      %ne3A_327 = arith.constant 0 : i32
      %ne3A_328 = vector.broadcast %ne3A_327 : i32 to vector<16xi32>
      %ne3A_329 = arith.cmpi ne, %rem3A_326, %ne3A_328 : vector<16xi32>
      %and3A_330 = arith.andi %ne3A_324, %ne3A_329 : vector<16xi1>
      %sub3A_331 = arith.constant 1 : i32
      %sub3A_332 = vector.broadcast %sub3A_331 : i32 to vector<16xi32>
      %sub3A_333 = arith.subi %div3A_306, %sub3A_332 : vector<16xi32>
      %select_n3A_334 = arith.select %and3A_330, %sub3A_333, %div3A_306 : vector<16xi1>, vector<16xi32>
      %jit3A_335 = arith.constant 128 : i32
      %eq3A_336 = arith.constant 0 : i32
      %eq3A_337 = arith.cmpi eq, %jit3A_335, %eq3A_336 : i32
      %jit3A_338 = arith.constant 1 : i32
      %select_n3A_339 = arith.select %eq3A_337, %jit3A_338, %jit3A_335 : i32
      %rem3A_340 = vector.broadcast %select_n3A_339 : i32 to vector<16xi32>
      %rem3A_341 = arith.remsi %get3A_249, %rem3A_340 : vector<16xi32>
      %ne3A_342 = arith.constant 0 : i32
      %ne3A_343 = vector.broadcast %ne3A_342 : i32 to vector<16xi32>
      %ne3A_344 = arith.cmpi ne, %rem3A_341, %ne3A_343 : vector<16xi32>
      %lt3A_345 = arith.constant 0 : i32
      %lt3A_346 = vector.broadcast %lt3A_345 : i32 to vector<16xi32>
      %lt3A_347 = arith.cmpi slt, %rem3A_341, %lt3A_346 : vector<16xi32>
      %lt3A_348 = arith.constant 0 : i32
      %lt3A_349 = arith.cmpi slt, %select_n3A_339, %lt3A_348 : i32
      %ne3A_350 = vector.broadcast %lt3A_349 : i1 to vector<16xi1>
      %ne3A_351 = vector.broadcast %ne3A_350 : vector<16xi1> to vector<16xi1>
      %ne3A_352 = arith.xori %lt3A_347, %ne3A_351 : vector<16xi1>
      %and3A_353 = arith.andi %ne3A_352, %ne3A_344 : vector<16xi1>
      %add3A_354 = vector.broadcast %select_n3A_339 : i32 to vector<16xi32>
      %add3A_355 = arith.addi %rem3A_341, %add3A_354 : vector<16xi32>
      %select_n3A_356 = arith.select %and3A_353, %add3A_355, %rem3A_341 : vector<16xi1>, vector<16xi32>
      %gather3A_357 = tpu.vector_load_idx %arg8[%select_n3A_334, %select_n3A_356] : memref<80x128xf32, #tpu.memory_space<vmem>>[vector<16xi32>, vector<16xi32>], vector<16xf32>,
      %add3A_358 = arith.addf %gather3A_303, %gather3A_357 : vector<16xf32>
      %mul3A_359 = arith.constant 5.000000e-01 : f32
      %mul3A_360 = vector.broadcast %mul3A_359 : f32 to vector<16xf32>
      %mul3A_361 = arith.mulf %add3A_358, %mul3A_360 : vector<16xf32>
      %swap3A_362 = arith.index_cast %scan3A_13 : i32 to index
      %swap3A_363 = arith.constant 32 : index
      %swap3A_364 = tpu.vector_load %arg9[%swap3A_362, %swap3A_363] {strides = array<i32>} : memref<80x128xf32, #tpu.memory_space<vmem>>, vector<16xf32>,
      tpu.vector_store %arg9[%swap3A_362, %swap3A_363], %mul3A_361 {strides = array<i32>} : memref<80x128xf32, #tpu.memory_space<vmem>>, vector<16xf32>,
      %get3A_365 = arith.index_cast %scan3A_13 : i32 to index
      %get3A_366 = arith.constant 48 : index
      %get3A_367 = tpu.vector_load %arg6[%get3A_365, %get3A_366] {strides = array<i32>} : memref<80x128xi32, #tpu.memory_space<vmem>>, vector<16xi32>,
      %get3A_368 = arith.index_cast %scan3A_13 : i32 to index
      %get3A_369 = arith.constant 48 : index
      %get3A_370 = tpu.vector_load %arg7[%get3A_368, %get3A_369] {strides = array<i32>} : memref<80x128xi32, #tpu.memory_space<vmem>>, vector<16xi32>,
      %jit3A_371 = arith.constant 128 : i32
      %div3A_372 = vector.broadcast %jit3A_371 : i32 to vector<16xi32>
      %div3A_373 = arith.divsi %get3A_367, %div3A_372 : vector<16xi32>
      %sign3A_374 = arith.constant 0 : i32
      %sign3A_375 = vector.broadcast %sign3A_374 : i32 to vector<16xi32>
      %sign3A_376 = arith.cmpi sgt, %get3A_367, %sign3A_375 : vector<16xi32>
      %sign3A_377 = arith.extui %sign3A_376 : vector<16xi1> to vector<16xi32>
      %sign3A_378 = arith.constant 0 : i32
      %sign3A_379 = vector.broadcast %sign3A_378 : i32 to vector<16xi32>
      %sign3A_380 = arith.cmpi slt, %get3A_367, %sign3A_379 : vector<16xi32>
      %sign3A_381 = arith.extui %sign3A_380 : vector<16xi1> to vector<16xi32>
      %sign3A_382 = arith.subi %sign3A_377, %sign3A_381 : vector<16xi32>
      %sign3A_383 = arith.constant 0 : i32
      %sign3A_384 = arith.cmpi sgt, %jit3A_371, %sign3A_383 : i32
      %sign3A_385 = arith.extui %sign3A_384 : i1 to i32
      %sign3A_386 = arith.constant 0 : i32
      %sign3A_387 = arith.cmpi slt, %jit3A_371, %sign3A_386 : i32
      %sign3A_388 = arith.extui %sign3A_387 : i1 to i32
      %sign3A_389 = arith.subi %sign3A_385, %sign3A_388 : i32
      %ne3A_390 = vector.broadcast %sign3A_389 : i32 to vector<16xi32>
      %ne3A_391 = arith.cmpi ne, %sign3A_382, %ne3A_390 : vector<16xi32>
      %rem3A_392 = vector.broadcast %jit3A_371 : i32 to vector<16xi32>
      %rem3A_393 = arith.remsi %get3A_367, %rem3A_392 : vector<16xi32>
      %ne3A_394 = arith.constant 0 : i32
      %ne3A_395 = vector.broadcast %ne3A_394 : i32 to vector<16xi32>
      %ne3A_396 = arith.cmpi ne, %rem3A_393, %ne3A_395 : vector<16xi32>
      %and3A_397 = arith.andi %ne3A_391, %ne3A_396 : vector<16xi1>
      %sub3A_398 = arith.constant 1 : i32
      %sub3A_399 = vector.broadcast %sub3A_398 : i32 to vector<16xi32>
      %sub3A_400 = arith.subi %div3A_373, %sub3A_399 : vector<16xi32>
      %select_n3A_401 = arith.select %and3A_397, %sub3A_400, %div3A_373 : vector<16xi1>, vector<16xi32>
      %jit3A_402 = arith.constant 128 : i32
      %eq3A_403 = arith.constant 0 : i32
      %eq3A_404 = arith.cmpi eq, %jit3A_402, %eq3A_403 : i32
      %jit3A_405 = arith.constant 1 : i32
      %select_n3A_406 = arith.select %eq3A_404, %jit3A_405, %jit3A_402 : i32
      %rem3A_407 = vector.broadcast %select_n3A_406 : i32 to vector<16xi32>
      %rem3A_408 = arith.remsi %get3A_367, %rem3A_407 : vector<16xi32>
      %ne3A_409 = arith.constant 0 : i32
      %ne3A_410 = vector.broadcast %ne3A_409 : i32 to vector<16xi32>
      %ne3A_411 = arith.cmpi ne, %rem3A_408, %ne3A_410 : vector<16xi32>
      %lt3A_412 = arith.constant 0 : i32
      %lt3A_413 = vector.broadcast %lt3A_412 : i32 to vector<16xi32>
      %lt3A_414 = arith.cmpi slt, %rem3A_408, %lt3A_413 : vector<16xi32>
      %lt3A_415 = arith.constant 0 : i32
      %lt3A_416 = arith.cmpi slt, %select_n3A_406, %lt3A_415 : i32
      %ne3A_417 = vector.broadcast %lt3A_416 : i1 to vector<16xi1>
      %ne3A_418 = vector.broadcast %ne3A_417 : vector<16xi1> to vector<16xi1>
      %ne3A_419 = arith.xori %lt3A_414, %ne3A_418 : vector<16xi1>
      %and3A_420 = arith.andi %ne3A_419, %ne3A_411 : vector<16xi1>
      %add3A_421 = vector.broadcast %select_n3A_406 : i32 to vector<16xi32>
      %add3A_422 = arith.addi %rem3A_408, %add3A_421 : vector<16xi32>
      %select_n3A_423 = arith.select %and3A_420, %add3A_422, %rem3A_408 : vector<16xi1>, vector<16xi32>
      %gather3A_424 = tpu.vector_load_idx %arg8[%select_n3A_401, %select_n3A_423] : memref<80x128xf32, #tpu.memory_space<vmem>>[vector<16xi32>, vector<16xi32>], vector<16xf32>,
      %jit3A_425 = arith.constant 128 : i32
      %div3A_426 = vector.broadcast %jit3A_425 : i32 to vector<16xi32>
      %div3A_427 = arith.divsi %get3A_370, %div3A_426 : vector<16xi32>
      %sign3A_428 = arith.constant 0 : i32
      %sign3A_429 = vector.broadcast %sign3A_428 : i32 to vector<16xi32>
      %sign3A_430 = arith.cmpi sgt, %get3A_370, %sign3A_429 : vector<16xi32>
      %sign3A_431 = arith.extui %sign3A_430 : vector<16xi1> to vector<16xi32>
      %sign3A_432 = arith.constant 0 : i32
      %sign3A_433 = vector.broadcast %sign3A_432 : i32 to vector<16xi32>
      %sign3A_434 = arith.cmpi slt, %get3A_370, %sign3A_433 : vector<16xi32>
      %sign3A_435 = arith.extui %sign3A_434 : vector<16xi1> to vector<16xi32>
      %sign3A_436 = arith.subi %sign3A_431, %sign3A_435 : vector<16xi32>
      %sign3A_437 = arith.constant 0 : i32
      %sign3A_438 = arith.cmpi sgt, %jit3A_425, %sign3A_437 : i32
      %sign3A_439 = arith.extui %sign3A_438 : i1 to i32
      %sign3A_440 = arith.constant 0 : i32
      %sign3A_441 = arith.cmpi slt, %jit3A_425, %sign3A_440 : i32
      %sign3A_442 = arith.extui %sign3A_441 : i1 to i32
      %sign3A_443 = arith.subi %sign3A_439, %sign3A_442 : i32
      %ne3A_444 = vector.broadcast %sign3A_443 : i32 to vector<16xi32>
      %ne3A_445 = arith.cmpi ne, %sign3A_436, %ne3A_444 : vector<16xi32>
      %rem3A_446 = vector.broadcast %jit3A_425 : i32 to vector<16xi32>
      %rem3A_447 = arith.remsi %get3A_370, %rem3A_446 : vector<16xi32>
      %ne3A_448 = arith.constant 0 : i32
      %ne3A_449 = vector.broadcast %ne3A_448 : i32 to vector<16xi32>
      %ne3A_450 = arith.cmpi ne, %rem3A_447, %ne3A_449 : vector<16xi32>
      %and3A_451 = arith.andi %ne3A_445, %ne3A_450 : vector<16xi1>
      %sub3A_452 = arith.constant 1 : i32
      %sub3A_453 = vector.broadcast %sub3A_452 : i32 to vector<16xi32>
      %sub3A_454 = arith.subi %div3A_427, %sub3A_453 : vector<16xi32>
      %select_n3A_455 = arith.select %and3A_451, %sub3A_454, %div3A_427 : vector<16xi1>, vector<16xi32>
      %jit3A_456 = arith.constant 128 : i32
      %eq3A_457 = arith.constant 0 : i32
      %eq3A_458 = arith.cmpi eq, %jit3A_456, %eq3A_457 : i32
      %jit3A_459 = arith.constant 1 : i32
      %select_n3A_460 = arith.select %eq3A_458, %jit3A_459, %jit3A_456 : i32
      %rem3A_461 = vector.broadcast %select_n3A_460 : i32 to vector<16xi32>
      %rem3A_462 = arith.remsi %get3A_370, %rem3A_461 : vector<16xi32>
      %ne3A_463 = arith.constant 0 : i32
      %ne3A_464 = vector.broadcast %ne3A_463 : i32 to vector<16xi32>
      %ne3A_465 = arith.cmpi ne, %rem3A_462, %ne3A_464 : vector<16xi32>
      %lt3A_466 = arith.constant 0 : i32
      %lt3A_467 = vector.broadcast %lt3A_466 : i32 to vector<16xi32>
      %lt3A_468 = arith.cmpi slt, %rem3A_462, %lt3A_467 : vector<16xi32>
      %lt3A_469 = arith.constant 0 : i32
      %lt3A_470 = arith.cmpi slt, %select_n3A_460, %lt3A_469 : i32
      %ne3A_471 = vector.broadcast %lt3A_470 : i1 to vector<16xi1>
      %ne3A_472 = vector.broadcast %ne3A_471 : vector<16xi1> to vector<16xi1>
      %ne3A_473 = arith.xori %lt3A_468, %ne3A_472 : vector<16xi1>
      %and3A_474 = arith.andi %ne3A_473, %ne3A_465 : vector<16xi1>
      %add3A_475 = vector.broadcast %select_n3A_460 : i32 to vector<16xi32>
      %add3A_476 = arith.addi %rem3A_462, %add3A_475 : vector<16xi32>
      %select_n3A_477 = arith.select %and3A_474, %add3A_476, %rem3A_462 : vector<16xi1>, vector<16xi32>
      %gather3A_478 = tpu.vector_load_idx %arg8[%select_n3A_455, %select_n3A_477] : memref<80x128xf32, #tpu.memory_space<vmem>>[vector<16xi32>, vector<16xi32>], vector<16xf32>,
      %add3A_479 = arith.addf %gather3A_424, %gather3A_478 : vector<16xf32>
      %mul3A_480 = arith.constant 5.000000e-01 : f32
      %mul3A_481 = vector.broadcast %mul3A_480 : f32 to vector<16xf32>
      %mul3A_482 = arith.mulf %add3A_479, %mul3A_481 : vector<16xf32>
      %swap3A_483 = arith.index_cast %scan3A_13 : i32 to index
      %swap3A_484 = arith.constant 48 : index
      %swap3A_485 = tpu.vector_load %arg9[%swap3A_483, %swap3A_484] {strides = array<i32>} : memref<80x128xf32, #tpu.memory_space<vmem>>, vector<16xf32>,
      tpu.vector_store %arg9[%swap3A_483, %swap3A_484], %mul3A_482 {strides = array<i32>} : memref<80x128xf32, #tpu.memory_space<vmem>>, vector<16xf32>,
      %get3A_486 = arith.index_cast %scan3A_13 : i32 to index
      %get3A_487 = arith.constant 64 : index
      %get3A_488 = tpu.vector_load %arg6[%get3A_486, %get3A_487] {strides = array<i32>} : memref<80x128xi32, #tpu.memory_space<vmem>>, vector<16xi32>,
      %get3A_489 = arith.index_cast %scan3A_13 : i32 to index
      %get3A_490 = arith.constant 64 : index
      %get3A_491 = tpu.vector_load %arg7[%get3A_489, %get3A_490] {strides = array<i32>} : memref<80x128xi32, #tpu.memory_space<vmem>>, vector<16xi32>,
      %jit3A_492 = arith.constant 128 : i32
      %div3A_493 = vector.broadcast %jit3A_492 : i32 to vector<16xi32>
      %div3A_494 = arith.divsi %get3A_488, %div3A_493 : vector<16xi32>
      %sign3A_495 = arith.constant 0 : i32
      %sign3A_496 = vector.broadcast %sign3A_495 : i32 to vector<16xi32>
      %sign3A_497 = arith.cmpi sgt, %get3A_488, %sign3A_496 : vector<16xi32>
      %sign3A_498 = arith.extui %sign3A_497 : vector<16xi1> to vector<16xi32>
      %sign3A_499 = arith.constant 0 : i32
      %sign3A_500 = vector.broadcast %sign3A_499 : i32 to vector<16xi32>
      %sign3A_501 = arith.cmpi slt, %get3A_488, %sign3A_500 : vector<16xi32>
      %sign3A_502 = arith.extui %sign3A_501 : vector<16xi1> to vector<16xi32>
      %sign3A_503 = arith.subi %sign3A_498, %sign3A_502 : vector<16xi32>
      %sign3A_504 = arith.constant 0 : i32
      %sign3A_505 = arith.cmpi sgt, %jit3A_492, %sign3A_504 : i32
      %sign3A_506 = arith.extui %sign3A_505 : i1 to i32
      %sign3A_507 = arith.constant 0 : i32
      %sign3A_508 = arith.cmpi slt, %jit3A_492, %sign3A_507 : i32
      %sign3A_509 = arith.extui %sign3A_508 : i1 to i32
      %sign3A_510 = arith.subi %sign3A_506, %sign3A_509 : i32
      %ne3A_511 = vector.broadcast %sign3A_510 : i32 to vector<16xi32>
      %ne3A_512 = arith.cmpi ne, %sign3A_503, %ne3A_511 : vector<16xi32>
      %rem3A_513 = vector.broadcast %jit3A_492 : i32 to vector<16xi32>
      %rem3A_514 = arith.remsi %get3A_488, %rem3A_513 : vector<16xi32>
      %ne3A_515 = arith.constant 0 : i32
      %ne3A_516 = vector.broadcast %ne3A_515 : i32 to vector<16xi32>
      %ne3A_517 = arith.cmpi ne, %rem3A_514, %ne3A_516 : vector<16xi32>
      %and3A_518 = arith.andi %ne3A_512, %ne3A_517 : vector<16xi1>
      %sub3A_519 = arith.constant 1 : i32
      %sub3A_520 = vector.broadcast %sub3A_519 : i32 to vector<16xi32>
      %sub3A_521 = arith.subi %div3A_494, %sub3A_520 : vector<16xi32>
      %select_n3A_522 = arith.select %and3A_518, %sub3A_521, %div3A_494 : vector<16xi1>, vector<16xi32>
      %jit3A_523 = arith.constant 128 : i32
      %eq3A_524 = arith.constant 0 : i32
      %eq3A_525 = arith.cmpi eq, %jit3A_523, %eq3A_524 : i32
      %jit3A_526 = arith.constant 1 : i32
      %select_n3A_527 = arith.select %eq3A_525, %jit3A_526, %jit3A_523 : i32
      %rem3A_528 = vector.broadcast %select_n3A_527 : i32 to vector<16xi32>
      %rem3A_529 = arith.remsi %get3A_488, %rem3A_528 : vector<16xi32>
      %ne3A_530 = arith.constant 0 : i32
      %ne3A_531 = vector.broadcast %ne3A_530 : i32 to vector<16xi32>
      %ne3A_532 = arith.cmpi ne, %rem3A_529, %ne3A_531 : vector<16xi32>
      %lt3A_533 = arith.constant 0 : i32
      %lt3A_534 = vector.broadcast %lt3A_533 : i32 to vector<16xi32>
      %lt3A_535 = arith.cmpi slt, %rem3A_529, %lt3A_534 : vector<16xi32>
      %lt3A_536 = arith.constant 0 : i32
      %lt3A_537 = arith.cmpi slt, %select_n3A_527, %lt3A_536 : i32
      %ne3A_538 = vector.broadcast %lt3A_537 : i1 to vector<16xi1>
      %ne3A_539 = vector.broadcast %ne3A_538 : vector<16xi1> to vector<16xi1>
      %ne3A_540 = arith.xori %lt3A_535, %ne3A_539 : vector<16xi1>
      %and3A_541 = arith.andi %ne3A_540, %ne3A_532 : vector<16xi1>
      %add3A_542 = vector.broadcast %select_n3A_527 : i32 to vector<16xi32>
      %add3A_543 = arith.addi %rem3A_529, %add3A_542 : vector<16xi32>
      %select_n3A_544 = arith.select %and3A_541, %add3A_543, %rem3A_529 : vector<16xi1>, vector<16xi32>
      %gather3A_545 = tpu.vector_load_idx %arg8[%select_n3A_522, %select_n3A_544] : memref<80x128xf32, #tpu.memory_space<vmem>>[vector<16xi32>, vector<16xi32>], vector<16xf32>,
      %jit3A_546 = arith.constant 128 : i32
      %div3A_547 = vector.broadcast %jit3A_546 : i32 to vector<16xi32>
      %div3A_548 = arith.divsi %get3A_491, %div3A_547 : vector<16xi32>
      %sign3A_549 = arith.constant 0 : i32
      %sign3A_550 = vector.broadcast %sign3A_549 : i32 to vector<16xi32>
      %sign3A_551 = arith.cmpi sgt, %get3A_491, %sign3A_550 : vector<16xi32>
      %sign3A_552 = arith.extui %sign3A_551 : vector<16xi1> to vector<16xi32>
      %sign3A_553 = arith.constant 0 : i32
      %sign3A_554 = vector.broadcast %sign3A_553 : i32 to vector<16xi32>
      %sign3A_555 = arith.cmpi slt, %get3A_491, %sign3A_554 : vector<16xi32>
      %sign3A_556 = arith.extui %sign3A_555 : vector<16xi1> to vector<16xi32>
      %sign3A_557 = arith.subi %sign3A_552, %sign3A_556 : vector<16xi32>
      %sign3A_558 = arith.constant 0 : i32
      %sign3A_559 = arith.cmpi sgt, %jit3A_546, %sign3A_558 : i32
      %sign3A_560 = arith.extui %sign3A_559 : i1 to i32
      %sign3A_561 = arith.constant 0 : i32
      %sign3A_562 = arith.cmpi slt, %jit3A_546, %sign3A_561 : i32
      %sign3A_563 = arith.extui %sign3A_562 : i1 to i32
      %sign3A_564 = arith.subi %sign3A_560, %sign3A_563 : i32
      %ne3A_565 = vector.broadcast %sign3A_564 : i32 to vector<16xi32>
      %ne3A_566 = arith.cmpi ne, %sign3A_557, %ne3A_565 : vector<16xi32>
      %rem3A_567 = vector.broadcast %jit3A_546 : i32 to vector<16xi32>
      %rem3A_568 = arith.remsi %get3A_491, %rem3A_567 : vector<16xi32>
      %ne3A_569 = arith.constant 0 : i32
      %ne3A_570 = vector.broadcast %ne3A_569 : i32 to vector<16xi32>
      %ne3A_571 = arith.cmpi ne, %rem3A_568, %ne3A_570 : vector<16xi32>
      %and3A_572 = arith.andi %ne3A_566, %ne3A_571 : vector<16xi1>
      %sub3A_573 = arith.constant 1 : i32
      %sub3A_574 = vector.broadcast %sub3A_573 : i32 to vector<16xi32>
      %sub3A_575 = arith.subi %div3A_548, %sub3A_574 : vector<16xi32>
      %select_n3A_576 = arith.select %and3A_572, %sub3A_575, %div3A_548 : vector<16xi1>, vector<16xi32>
      %jit3A_577 = arith.constant 128 : i32
      %eq3A_578 = arith.constant 0 : i32
      %eq3A_579 = arith.cmpi eq, %jit3A_577, %eq3A_578 : i32
      %jit3A_580 = arith.constant 1 : i32
      %select_n3A_581 = arith.select %eq3A_579, %jit3A_580, %jit3A_577 : i32
      %rem3A_582 = vector.broadcast %select_n3A_581 : i32 to vector<16xi32>
      %rem3A_583 = arith.remsi %get3A_491, %rem3A_582 : vector<16xi32>
      %ne3A_584 = arith.constant 0 : i32
      %ne3A_585 = vector.broadcast %ne3A_584 : i32 to vector<16xi32>
      %ne3A_586 = arith.cmpi ne, %rem3A_583, %ne3A_585 : vector<16xi32>
      %lt3A_587 = arith.constant 0 : i32
      %lt3A_588 = vector.broadcast %lt3A_587 : i32 to vector<16xi32>
      %lt3A_589 = arith.cmpi slt, %rem3A_583, %lt3A_588 : vector<16xi32>
      %lt3A_590 = arith.constant 0 : i32
      %lt3A_591 = arith.cmpi slt, %select_n3A_581, %lt3A_590 : i32
      %ne3A_592 = vector.broadcast %lt3A_591 : i1 to vector<16xi1>
      %ne3A_593 = vector.broadcast %ne3A_592 : vector<16xi1> to vector<16xi1>
      %ne3A_594 = arith.xori %lt3A_589, %ne3A_593 : vector<16xi1>
      %and3A_595 = arith.andi %ne3A_594, %ne3A_586 : vector<16xi1>
      %add3A_596 = vector.broadcast %select_n3A_581 : i32 to vector<16xi32>
      %add3A_597 = arith.addi %rem3A_583, %add3A_596 : vector<16xi32>
      %select_n3A_598 = arith.select %and3A_595, %add3A_597, %rem3A_583 : vector<16xi1>, vector<16xi32>
      %gather3A_599 = tpu.vector_load_idx %arg8[%select_n3A_576, %select_n3A_598] : memref<80x128xf32, #tpu.memory_space<vmem>>[vector<16xi32>, vector<16xi32>], vector<16xf32>,
      %add3A_600 = arith.addf %gather3A_545, %gather3A_599 : vector<16xf32>
      %mul3A_601 = arith.constant 5.000000e-01 : f32
      %mul3A_602 = vector.broadcast %mul3A_601 : f32 to vector<16xf32>
      %mul3A_603 = arith.mulf %add3A_600, %mul3A_602 : vector<16xf32>
      %swap3A_604 = arith.index_cast %scan3A_13 : i32 to index
      %swap3A_605 = arith.constant 64 : index
      %swap3A_606 = tpu.vector_load %arg9[%swap3A_604, %swap3A_605] {strides = array<i32>} : memref<80x128xf32, #tpu.memory_space<vmem>>, vector<16xf32>,
      tpu.vector_store %arg9[%swap3A_604, %swap3A_605], %mul3A_603 {strides = array<i32>} : memref<80x128xf32, #tpu.memory_space<vmem>>, vector<16xf32>,
      %get3A_607 = arith.index_cast %scan3A_13 : i32 to index
      %get3A_608 = arith.constant 80 : index
      %get3A_609 = tpu.vector_load %arg6[%get3A_607, %get3A_608] {strides = array<i32>} : memref<80x128xi32, #tpu.memory_space<vmem>>, vector<16xi32>,
      %get3A_610 = arith.index_cast %scan3A_13 : i32 to index
      %get3A_611 = arith.constant 80 : index
      %get3A_612 = tpu.vector_load %arg7[%get3A_610, %get3A_611] {strides = array<i32>} : memref<80x128xi32, #tpu.memory_space<vmem>>, vector<16xi32>,
      %jit3A_613 = arith.constant 128 : i32
      %div3A_614 = vector.broadcast %jit3A_613 : i32 to vector<16xi32>
      %div3A_615 = arith.divsi %get3A_609, %div3A_614 : vector<16xi32>
      %sign3A_616 = arith.constant 0 : i32
      %sign3A_617 = vector.broadcast %sign3A_616 : i32 to vector<16xi32>
      %sign3A_618 = arith.cmpi sgt, %get3A_609, %sign3A_617 : vector<16xi32>
      %sign3A_619 = arith.extui %sign3A_618 : vector<16xi1> to vector<16xi32>
      %sign3A_620 = arith.constant 0 : i32
      %sign3A_621 = vector.broadcast %sign3A_620 : i32 to vector<16xi32>
      %sign3A_622 = arith.cmpi slt, %get3A_609, %sign3A_621 : vector<16xi32>
      %sign3A_623 = arith.extui %sign3A_622 : vector<16xi1> to vector<16xi32>
      %sign3A_624 = arith.subi %sign3A_619, %sign3A_623 : vector<16xi32>
      %sign3A_625 = arith.constant 0 : i32
      %sign3A_626 = arith.cmpi sgt, %jit3A_613, %sign3A_625 : i32
      %sign3A_627 = arith.extui %sign3A_626 : i1 to i32
      %sign3A_628 = arith.constant 0 : i32
      %sign3A_629 = arith.cmpi slt, %jit3A_613, %sign3A_628 : i32
      %sign3A_630 = arith.extui %sign3A_629 : i1 to i32
      %sign3A_631 = arith.subi %sign3A_627, %sign3A_630 : i32
      %ne3A_632 = vector.broadcast %sign3A_631 : i32 to vector<16xi32>
      %ne3A_633 = arith.cmpi ne, %sign3A_624, %ne3A_632 : vector<16xi32>
      %rem3A_634 = vector.broadcast %jit3A_613 : i32 to vector<16xi32>
      %rem3A_635 = arith.remsi %get3A_609, %rem3A_634 : vector<16xi32>
      %ne3A_636 = arith.constant 0 : i32
      %ne3A_637 = vector.broadcast %ne3A_636 : i32 to vector<16xi32>
      %ne3A_638 = arith.cmpi ne, %rem3A_635, %ne3A_637 : vector<16xi32>
      %and3A_639 = arith.andi %ne3A_633, %ne3A_638 : vector<16xi1>
      %sub3A_640 = arith.constant 1 : i32
      %sub3A_641 = vector.broadcast %sub3A_640 : i32 to vector<16xi32>
      %sub3A_642 = arith.subi %div3A_615, %sub3A_641 : vector<16xi32>
      %select_n3A_643 = arith.select %and3A_639, %sub3A_642, %div3A_615 : vector<16xi1>, vector<16xi32>
      %jit3A_644 = arith.constant 128 : i32
      %eq3A_645 = arith.constant 0 : i32
      %eq3A_646 = arith.cmpi eq, %jit3A_644, %eq3A_645 : i32
      %jit3A_647 = arith.constant 1 : i32
      %select_n3A_648 = arith.select %eq3A_646, %jit3A_647, %jit3A_644 : i32
      %rem3A_649 = vector.broadcast %select_n3A_648 : i32 to vector<16xi32>
      %rem3A_650 = arith.remsi %get3A_609, %rem3A_649 : vector<16xi32>
      %ne3A_651 = arith.constant 0 : i32
      %ne3A_652 = vector.broadcast %ne3A_651 : i32 to vector<16xi32>
      %ne3A_653 = arith.cmpi ne, %rem3A_650, %ne3A_652 : vector<16xi32>
      %lt3A_654 = arith.constant 0 : i32
      %lt3A_655 = vector.broadcast %lt3A_654 : i32 to vector<16xi32>
      %lt3A_656 = arith.cmpi slt, %rem3A_650, %lt3A_655 : vector<16xi32>
      %lt3A_657 = arith.constant 0 : i32
      %lt3A_658 = arith.cmpi slt, %select_n3A_648, %lt3A_657 : i32
      %ne3A_659 = vector.broadcast %lt3A_658 : i1 to vector<16xi1>
      %ne3A_660 = vector.broadcast %ne3A_659 : vector<16xi1> to vector<16xi1>
      %ne3A_661 = arith.xori %lt3A_656, %ne3A_660 : vector<16xi1>
      %and3A_662 = arith.andi %ne3A_661, %ne3A_653 : vector<16xi1>
      %add3A_663 = vector.broadcast %select_n3A_648 : i32 to vector<16xi32>
      %add3A_664 = arith.addi %rem3A_650, %add3A_663 : vector<16xi32>
      %select_n3A_665 = arith.select %and3A_662, %add3A_664, %rem3A_650 : vector<16xi1>, vector<16xi32>
      %gather3A_666 = tpu.vector_load_idx %arg8[%select_n3A_643, %select_n3A_665] : memref<80x128xf32, #tpu.memory_space<vmem>>[vector<16xi32>, vector<16xi32>], vector<16xf32>,
      %jit3A_667 = arith.constant 128 : i32
      %div3A_668 = vector.broadcast %jit3A_667 : i32 to vector<16xi32>
      %div3A_669 = arith.divsi %get3A_612, %div3A_668 : vector<16xi32>
      %sign3A_670 = arith.constant 0 : i32
      %sign3A_671 = vector.broadcast %sign3A_670 : i32 to vector<16xi32>
      %sign3A_672 = arith.cmpi sgt, %get3A_612, %sign3A_671 : vector<16xi32>
      %sign3A_673 = arith.extui %sign3A_672 : vector<16xi1> to vector<16xi32>
      %sign3A_674 = arith.constant 0 : i32
      %sign3A_675 = vector.broadcast %sign3A_674 : i32 to vector<16xi32>
      %sign3A_676 = arith.cmpi slt, %get3A_612, %sign3A_675 : vector<16xi32>
      %sign3A_677 = arith.extui %sign3A_676 : vector<16xi1> to vector<16xi32>
      %sign3A_678 = arith.subi %sign3A_673, %sign3A_677 : vector<16xi32>
      %sign3A_679 = arith.constant 0 : i32
      %sign3A_680 = arith.cmpi sgt, %jit3A_667, %sign3A_679 : i32
      %sign3A_681 = arith.extui %sign3A_680 : i1 to i32
      %sign3A_682 = arith.constant 0 : i32
      %sign3A_683 = arith.cmpi slt, %jit3A_667, %sign3A_682 : i32
      %sign3A_684 = arith.extui %sign3A_683 : i1 to i32
      %sign3A_685 = arith.subi %sign3A_681, %sign3A_684 : i32
      %ne3A_686 = vector.broadcast %sign3A_685 : i32 to vector<16xi32>
      %ne3A_687 = arith.cmpi ne, %sign3A_678, %ne3A_686 : vector<16xi32>
      %rem3A_688 = vector.broadcast %jit3A_667 : i32 to vector<16xi32>
      %rem3A_689 = arith.remsi %get3A_612, %rem3A_688 : vector<16xi32>
      %ne3A_690 = arith.constant 0 : i32
      %ne3A_691 = vector.broadcast %ne3A_690 : i32 to vector<16xi32>
      %ne3A_692 = arith.cmpi ne, %rem3A_689, %ne3A_691 : vector<16xi32>
      %and3A_693 = arith.andi %ne3A_687, %ne3A_692 : vector<16xi1>
      %sub3A_694 = arith.constant 1 : i32
      %sub3A_695 = vector.broadcast %sub3A_694 : i32 to vector<16xi32>
      %sub3A_696 = arith.subi %div3A_669, %sub3A_695 : vector<16xi32>
      %select_n3A_697 = arith.select %and3A_693, %sub3A_696, %div3A_669 : vector<16xi1>, vector<16xi32>
      %jit3A_698 = arith.constant 128 : i32
      %eq3A_699 = arith.constant 0 : i32
      %eq3A_700 = arith.cmpi eq, %jit3A_698, %eq3A_699 : i32
      %jit3A_701 = arith.constant 1 : i32
      %select_n3A_702 = arith.select %eq3A_700, %jit3A_701, %jit3A_698 : i32
      %rem3A_703 = vector.broadcast %select_n3A_702 : i32 to vector<16xi32>
      %rem3A_704 = arith.remsi %get3A_612, %rem3A_703 : vector<16xi32>
      %ne3A_705 = arith.constant 0 : i32
      %ne3A_706 = vector.broadcast %ne3A_705 : i32 to vector<16xi32>
      %ne3A_707 = arith.cmpi ne, %rem3A_704, %ne3A_706 : vector<16xi32>
      %lt3A_708 = arith.constant 0 : i32
      %lt3A_709 = vector.broadcast %lt3A_708 : i32 to vector<16xi32>
      %lt3A_710 = arith.cmpi slt, %rem3A_704, %lt3A_709 : vector<16xi32>
      %lt3A_711 = arith.constant 0 : i32
      %lt3A_712 = arith.cmpi slt, %select_n3A_702, %lt3A_711 : i32
      %ne3A_713 = vector.broadcast %lt3A_712 : i1 to vector<16xi1>
      %ne3A_714 = vector.broadcast %ne3A_713 : vector<16xi1> to vector<16xi1>
      %ne3A_715 = arith.xori %lt3A_710, %ne3A_714 : vector<16xi1>
      %and3A_716 = arith.andi %ne3A_715, %ne3A_707 : vector<16xi1>
      %add3A_717 = vector.broadcast %select_n3A_702 : i32 to vector<16xi32>
      %add3A_718 = arith.addi %rem3A_704, %add3A_717 : vector<16xi32>
      %select_n3A_719 = arith.select %and3A_716, %add3A_718, %rem3A_704 : vector<16xi1>, vector<16xi32>
      %gather3A_720 = tpu.vector_load_idx %arg8[%select_n3A_697, %select_n3A_719] : memref<80x128xf32, #tpu.memory_space<vmem>>[vector<16xi32>, vector<16xi32>], vector<16xf32>,
      %add3A_721 = arith.addf %gather3A_666, %gather3A_720 : vector<16xf32>
      %mul3A_722 = arith.constant 5.000000e-01 : f32
      %mul3A_723 = vector.broadcast %mul3A_722 : f32 to vector<16xf32>
      %mul3A_724 = arith.mulf %add3A_721, %mul3A_723 : vector<16xf32>
      %swap3A_725 = arith.index_cast %scan3A_13 : i32 to index
      %swap3A_726 = arith.constant 80 : index
      %swap3A_727 = tpu.vector_load %arg9[%swap3A_725, %swap3A_726] {strides = array<i32>} : memref<80x128xf32, #tpu.memory_space<vmem>>, vector<16xf32>,
      tpu.vector_store %arg9[%swap3A_725, %swap3A_726], %mul3A_724 {strides = array<i32>} : memref<80x128xf32, #tpu.memory_space<vmem>>, vector<16xf32>,
      %get3A_728 = arith.index_cast %scan3A_13 : i32 to index
      %get3A_729 = arith.constant 96 : index
      %get3A_730 = tpu.vector_load %arg6[%get3A_728, %get3A_729] {strides = array<i32>} : memref<80x128xi32, #tpu.memory_space<vmem>>, vector<16xi32>,
      %get3A_731 = arith.index_cast %scan3A_13 : i32 to index
      %get3A_732 = arith.constant 96 : index
      %get3A_733 = tpu.vector_load %arg7[%get3A_731, %get3A_732] {strides = array<i32>} : memref<80x128xi32, #tpu.memory_space<vmem>>, vector<16xi32>,
      %jit3A_734 = arith.constant 128 : i32
      %div3A_735 = vector.broadcast %jit3A_734 : i32 to vector<16xi32>
      %div3A_736 = arith.divsi %get3A_730, %div3A_735 : vector<16xi32>
      %sign3A_737 = arith.constant 0 : i32
      %sign3A_738 = vector.broadcast %sign3A_737 : i32 to vector<16xi32>
      %sign3A_739 = arith.cmpi sgt, %get3A_730, %sign3A_738 : vector<16xi32>
      %sign3A_740 = arith.extui %sign3A_739 : vector<16xi1> to vector<16xi32>
      %sign3A_741 = arith.constant 0 : i32
      %sign3A_742 = vector.broadcast %sign3A_741 : i32 to vector<16xi32>
      %sign3A_743 = arith.cmpi slt, %get3A_730, %sign3A_742 : vector<16xi32>
      %sign3A_744 = arith.extui %sign3A_743 : vector<16xi1> to vector<16xi32>
      %sign3A_745 = arith.subi %sign3A_740, %sign3A_744 : vector<16xi32>
      %sign3A_746 = arith.constant 0 : i32
      %sign3A_747 = arith.cmpi sgt, %jit3A_734, %sign3A_746 : i32
      %sign3A_748 = arith.extui %sign3A_747 : i1 to i32
      %sign3A_749 = arith.constant 0 : i32
      %sign3A_750 = arith.cmpi slt, %jit3A_734, %sign3A_749 : i32
      %sign3A_751 = arith.extui %sign3A_750 : i1 to i32
      %sign3A_752 = arith.subi %sign3A_748, %sign3A_751 : i32
      %ne3A_753 = vector.broadcast %sign3A_752 : i32 to vector<16xi32>
      %ne3A_754 = arith.cmpi ne, %sign3A_745, %ne3A_753 : vector<16xi32>
      %rem3A_755 = vector.broadcast %jit3A_734 : i32 to vector<16xi32>
      %rem3A_756 = arith.remsi %get3A_730, %rem3A_755 : vector<16xi32>
      %ne3A_757 = arith.constant 0 : i32
      %ne3A_758 = vector.broadcast %ne3A_757 : i32 to vector<16xi32>
      %ne3A_759 = arith.cmpi ne, %rem3A_756, %ne3A_758 : vector<16xi32>
      %and3A_760 = arith.andi %ne3A_754, %ne3A_759 : vector<16xi1>
      %sub3A_761 = arith.constant 1 : i32
      %sub3A_762 = vector.broadcast %sub3A_761 : i32 to vector<16xi32>
      %sub3A_763 = arith.subi %div3A_736, %sub3A_762 : vector<16xi32>
      %select_n3A_764 = arith.select %and3A_760, %sub3A_763, %div3A_736 : vector<16xi1>, vector<16xi32>
      %jit3A_765 = arith.constant 128 : i32
      %eq3A_766 = arith.constant 0 : i32
      %eq3A_767 = arith.cmpi eq, %jit3A_765, %eq3A_766 : i32
      %jit3A_768 = arith.constant 1 : i32
      %select_n3A_769 = arith.select %eq3A_767, %jit3A_768, %jit3A_765 : i32
      %rem3A_770 = vector.broadcast %select_n3A_769 : i32 to vector<16xi32>
      %rem3A_771 = arith.remsi %get3A_730, %rem3A_770 : vector<16xi32>
      %ne3A_772 = arith.constant 0 : i32
      %ne3A_773 = vector.broadcast %ne3A_772 : i32 to vector<16xi32>
      %ne3A_774 = arith.cmpi ne, %rem3A_771, %ne3A_773 : vector<16xi32>
      %lt3A_775 = arith.constant 0 : i32
      %lt3A_776 = vector.broadcast %lt3A_775 : i32 to vector<16xi32>
      %lt3A_777 = arith.cmpi slt, %rem3A_771, %lt3A_776 : vector<16xi32>
      %lt3A_778 = arith.constant 0 : i32
      %lt3A_779 = arith.cmpi slt, %select_n3A_769, %lt3A_778 : i32
      %ne3A_780 = vector.broadcast %lt3A_779 : i1 to vector<16xi1>
      %ne3A_781 = vector.broadcast %ne3A_780 : vector<16xi1> to vector<16xi1>
      %ne3A_782 = arith.xori %lt3A_777, %ne3A_781 : vector<16xi1>
      %and3A_783 = arith.andi %ne3A_782, %ne3A_774 : vector<16xi1>
      %add3A_784 = vector.broadcast %select_n3A_769 : i32 to vector<16xi32>
      %add3A_785 = arith.addi %rem3A_771, %add3A_784 : vector<16xi32>
      %select_n3A_786 = arith.select %and3A_783, %add3A_785, %rem3A_771 : vector<16xi1>, vector<16xi32>
      %gather3A_787 = tpu.vector_load_idx %arg8[%select_n3A_764, %select_n3A_786] : memref<80x128xf32, #tpu.memory_space<vmem>>[vector<16xi32>, vector<16xi32>], vector<16xf32>,
      %jit3A_788 = arith.constant 128 : i32
      %div3A_789 = vector.broadcast %jit3A_788 : i32 to vector<16xi32>
      %div3A_790 = arith.divsi %get3A_733, %div3A_789 : vector<16xi32>
      %sign3A_791 = arith.constant 0 : i32
      %sign3A_792 = vector.broadcast %sign3A_791 : i32 to vector<16xi32>
      %sign3A_793 = arith.cmpi sgt, %get3A_733, %sign3A_792 : vector<16xi32>
      %sign3A_794 = arith.extui %sign3A_793 : vector<16xi1> to vector<16xi32>
      %sign3A_795 = arith.constant 0 : i32
      %sign3A_796 = vector.broadcast %sign3A_795 : i32 to vector<16xi32>
      %sign3A_797 = arith.cmpi slt, %get3A_733, %sign3A_796 : vector<16xi32>
      %sign3A_798 = arith.extui %sign3A_797 : vector<16xi1> to vector<16xi32>
      %sign3A_799 = arith.subi %sign3A_794, %sign3A_798 : vector<16xi32>
      %sign3A_800 = arith.constant 0 : i32
      %sign3A_801 = arith.cmpi sgt, %jit3A_788, %sign3A_800 : i32
      %sign3A_802 = arith.extui %sign3A_801 : i1 to i32
      %sign3A_803 = arith.constant 0 : i32
      %sign3A_804 = arith.cmpi slt, %jit3A_788, %sign3A_803 : i32
      %sign3A_805 = arith.extui %sign3A_804 : i1 to i32
      %sign3A_806 = arith.subi %sign3A_802, %sign3A_805 : i32
      %ne3A_807 = vector.broadcast %sign3A_806 : i32 to vector<16xi32>
      %ne3A_808 = arith.cmpi ne, %sign3A_799, %ne3A_807 : vector<16xi32>
      %rem3A_809 = vector.broadcast %jit3A_788 : i32 to vector<16xi32>
      %rem3A_810 = arith.remsi %get3A_733, %rem3A_809 : vector<16xi32>
      %ne3A_811 = arith.constant 0 : i32
      %ne3A_812 = vector.broadcast %ne3A_811 : i32 to vector<16xi32>
      %ne3A_813 = arith.cmpi ne, %rem3A_810, %ne3A_812 : vector<16xi32>
      %and3A_814 = arith.andi %ne3A_808, %ne3A_813 : vector<16xi1>
      %sub3A_815 = arith.constant 1 : i32
      %sub3A_816 = vector.broadcast %sub3A_815 : i32 to vector<16xi32>
      %sub3A_817 = arith.subi %div3A_790, %sub3A_816 : vector<16xi32>
      %select_n3A_818 = arith.select %and3A_814, %sub3A_817, %div3A_790 : vector<16xi1>, vector<16xi32>
      %jit3A_819 = arith.constant 128 : i32
      %eq3A_820 = arith.constant 0 : i32
      %eq3A_821 = arith.cmpi eq, %jit3A_819, %eq3A_820 : i32
      %jit3A_822 = arith.constant 1 : i32
      %select_n3A_823 = arith.select %eq3A_821, %jit3A_822, %jit3A_819 : i32
      %rem3A_824 = vector.broadcast %select_n3A_823 : i32 to vector<16xi32>
      %rem3A_825 = arith.remsi %get3A_733, %rem3A_824 : vector<16xi32>
      %ne3A_826 = arith.constant 0 : i32
      %ne3A_827 = vector.broadcast %ne3A_826 : i32 to vector<16xi32>
      %ne3A_828 = arith.cmpi ne, %rem3A_825, %ne3A_827 : vector<16xi32>
      %lt3A_829 = arith.constant 0 : i32
      %lt3A_830 = vector.broadcast %lt3A_829 : i32 to vector<16xi32>
      %lt3A_831 = arith.cmpi slt, %rem3A_825, %lt3A_830 : vector<16xi32>
      %lt3A_832 = arith.constant 0 : i32
      %lt3A_833 = arith.cmpi slt, %select_n3A_823, %lt3A_832 : i32
      %ne3A_834 = vector.broadcast %lt3A_833 : i1 to vector<16xi1>
      %ne3A_835 = vector.broadcast %ne3A_834 : vector<16xi1> to vector<16xi1>
      %ne3A_836 = arith.xori %lt3A_831, %ne3A_835 : vector<16xi1>
      %and3A_837 = arith.andi %ne3A_836, %ne3A_828 : vector<16xi1>
      %add3A_838 = vector.broadcast %select_n3A_823 : i32 to vector<16xi32>
      %add3A_839 = arith.addi %rem3A_825, %add3A_838 : vector<16xi32>
      %select_n3A_840 = arith.select %and3A_837, %add3A_839, %rem3A_825 : vector<16xi1>, vector<16xi32>
      %gather3A_841 = tpu.vector_load_idx %arg8[%select_n3A_818, %select_n3A_840] : memref<80x128xf32, #tpu.memory_space<vmem>>[vector<16xi32>, vector<16xi32>], vector<16xf32>,
      %add3A_842 = arith.addf %gather3A_787, %gather3A_841 : vector<16xf32>
      %mul3A_843 = arith.constant 5.000000e-01 : f32
      %mul3A_844 = vector.broadcast %mul3A_843 : f32 to vector<16xf32>
      %mul3A_845 = arith.mulf %add3A_842, %mul3A_844 : vector<16xf32>
      %swap3A_846 = arith.index_cast %scan3A_13 : i32 to index
      %swap3A_847 = arith.constant 96 : index
      %swap3A_848 = tpu.vector_load %arg9[%swap3A_846, %swap3A_847] {strides = array<i32>} : memref<80x128xf32, #tpu.memory_space<vmem>>, vector<16xf32>,
      tpu.vector_store %arg9[%swap3A_846, %swap3A_847], %mul3A_845 {strides = array<i32>} : memref<80x128xf32, #tpu.memory_space<vmem>>, vector<16xf32>,
      %get3A_849 = arith.index_cast %scan3A_13 : i32 to index
      %get3A_850 = arith.constant 112 : index
      %get3A_851 = tpu.vector_load %arg6[%get3A_849, %get3A_850] {strides = array<i32>} : memref<80x128xi32, #tpu.memory_space<vmem>>, vector<16xi32>,
      %get3A_852 = arith.index_cast %scan3A_13 : i32 to index
      %get3A_853 = arith.constant 112 : index
      %get3A_854 = tpu.vector_load %arg7[%get3A_852, %get3A_853] {strides = array<i32>} : memref<80x128xi32, #tpu.memory_space<vmem>>, vector<16xi32>,
      %jit3A_855 = arith.constant 128 : i32
      %div3A_856 = vector.broadcast %jit3A_855 : i32 to vector<16xi32>
      %div3A_857 = arith.divsi %get3A_851, %div3A_856 : vector<16xi32>
      %sign3A_858 = arith.constant 0 : i32
      %sign3A_859 = vector.broadcast %sign3A_858 : i32 to vector<16xi32>
      %sign3A_860 = arith.cmpi sgt, %get3A_851, %sign3A_859 : vector<16xi32>
      %sign3A_861 = arith.extui %sign3A_860 : vector<16xi1> to vector<16xi32>
      %sign3A_862 = arith.constant 0 : i32
      %sign3A_863 = vector.broadcast %sign3A_862 : i32 to vector<16xi32>
      %sign3A_864 = arith.cmpi slt, %get3A_851, %sign3A_863 : vector<16xi32>
      %sign3A_865 = arith.extui %sign3A_864 : vector<16xi1> to vector<16xi32>
      %sign3A_866 = arith.subi %sign3A_861, %sign3A_865 : vector<16xi32>
      %sign3A_867 = arith.constant 0 : i32
      %sign3A_868 = arith.cmpi sgt, %jit3A_855, %sign3A_867 : i32
      %sign3A_869 = arith.extui %sign3A_868 : i1 to i32
      %sign3A_870 = arith.constant 0 : i32
      %sign3A_871 = arith.cmpi slt, %jit3A_855, %sign3A_870 : i32
      %sign3A_872 = arith.extui %sign3A_871 : i1 to i32
      %sign3A_873 = arith.subi %sign3A_869, %sign3A_872 : i32
      %ne3A_874 = vector.broadcast %sign3A_873 : i32 to vector<16xi32>
      %ne3A_875 = arith.cmpi ne, %sign3A_866, %ne3A_874 : vector<16xi32>
      %rem3A_876 = vector.broadcast %jit3A_855 : i32 to vector<16xi32>
      %rem3A_877 = arith.remsi %get3A_851, %rem3A_876 : vector<16xi32>
      %ne3A_878 = arith.constant 0 : i32
      %ne3A_879 = vector.broadcast %ne3A_878 : i32 to vector<16xi32>
      %ne3A_880 = arith.cmpi ne, %rem3A_877, %ne3A_879 : vector<16xi32>
      %and3A_881 = arith.andi %ne3A_875, %ne3A_880 : vector<16xi1>
      %sub3A_882 = arith.constant 1 : i32
      %sub3A_883 = vector.broadcast %sub3A_882 : i32 to vector<16xi32>
      %sub3A_884 = arith.subi %div3A_857, %sub3A_883 : vector<16xi32>
      %select_n3A_885 = arith.select %and3A_881, %sub3A_884, %div3A_857 : vector<16xi1>, vector<16xi32>
      %jit3A_886 = arith.constant 128 : i32
      %eq3A_887 = arith.constant 0 : i32
      %eq3A_888 = arith.cmpi eq, %jit3A_886, %eq3A_887 : i32
      %jit3A_889 = arith.constant 1 : i32
      %select_n3A_890 = arith.select %eq3A_888, %jit3A_889, %jit3A_886 : i32
      %rem3A_891 = vector.broadcast %select_n3A_890 : i32 to vector<16xi32>
      %rem3A_892 = arith.remsi %get3A_851, %rem3A_891 : vector<16xi32>
      %ne3A_893 = arith.constant 0 : i32
      %ne3A_894 = vector.broadcast %ne3A_893 : i32 to vector<16xi32>
      %ne3A_895 = arith.cmpi ne, %rem3A_892, %ne3A_894 : vector<16xi32>
      %lt3A_896 = arith.constant 0 : i32
      %lt3A_897 = vector.broadcast %lt3A_896 : i32 to vector<16xi32>
      %lt3A_898 = arith.cmpi slt, %rem3A_892, %lt3A_897 : vector<16xi32>
      %lt3A_899 = arith.constant 0 : i32
      %lt3A_900 = arith.cmpi slt, %select_n3A_890, %lt3A_899 : i32
      %ne3A_901 = vector.broadcast %lt3A_900 : i1 to vector<16xi1>
      %ne3A_902 = vector.broadcast %ne3A_901 : vector<16xi1> to vector<16xi1>
      %ne3A_903 = arith.xori %lt3A_898, %ne3A_902 : vector<16xi1>
      %and3A_904 = arith.andi %ne3A_903, %ne3A_895 : vector<16xi1>
      %add3A_905 = vector.broadcast %select_n3A_890 : i32 to vector<16xi32>
      %add3A_906 = arith.addi %rem3A_892, %add3A_905 : vector<16xi32>
      %select_n3A_907 = arith.select %and3A_904, %add3A_906, %rem3A_892 : vector<16xi1>, vector<16xi32>
      %gather3A_908 = tpu.vector_load_idx %arg8[%select_n3A_885, %select_n3A_907] : memref<80x128xf32, #tpu.memory_space<vmem>>[vector<16xi32>, vector<16xi32>], vector<16xf32>,
      %jit3A_909 = arith.constant 128 : i32
      %div3A_910 = vector.broadcast %jit3A_909 : i32 to vector<16xi32>
      %div3A_911 = arith.divsi %get3A_854, %div3A_910 : vector<16xi32>
      %sign3A_912 = arith.constant 0 : i32
      %sign3A_913 = vector.broadcast %sign3A_912 : i32 to vector<16xi32>
      %sign3A_914 = arith.cmpi sgt, %get3A_854, %sign3A_913 : vector<16xi32>
      %sign3A_915 = arith.extui %sign3A_914 : vector<16xi1> to vector<16xi32>
      %sign3A_916 = arith.constant 0 : i32
      %sign3A_917 = vector.broadcast %sign3A_916 : i32 to vector<16xi32>
      %sign3A_918 = arith.cmpi slt, %get3A_854, %sign3A_917 : vector<16xi32>
      %sign3A_919 = arith.extui %sign3A_918 : vector<16xi1> to vector<16xi32>
      %sign3A_920 = arith.subi %sign3A_915, %sign3A_919 : vector<16xi32>
      %sign3A_921 = arith.constant 0 : i32
      %sign3A_922 = arith.cmpi sgt, %jit3A_909, %sign3A_921 : i32
      %sign3A_923 = arith.extui %sign3A_922 : i1 to i32
      %sign3A_924 = arith.constant 0 : i32
      %sign3A_925 = arith.cmpi slt, %jit3A_909, %sign3A_924 : i32
      %sign3A_926 = arith.extui %sign3A_925 : i1 to i32
      %sign3A_927 = arith.subi %sign3A_923, %sign3A_926 : i32
      %ne3A_928 = vector.broadcast %sign3A_927 : i32 to vector<16xi32>
      %ne3A_929 = arith.cmpi ne, %sign3A_920, %ne3A_928 : vector<16xi32>
      %rem3A_930 = vector.broadcast %jit3A_909 : i32 to vector<16xi32>
      %rem3A_931 = arith.remsi %get3A_854, %rem3A_930 : vector<16xi32>
      %ne3A_932 = arith.constant 0 : i32
      %ne3A_933 = vector.broadcast %ne3A_932 : i32 to vector<16xi32>
      %ne3A_934 = arith.cmpi ne, %rem3A_931, %ne3A_933 : vector<16xi32>
      %and3A_935 = arith.andi %ne3A_929, %ne3A_934 : vector<16xi1>
      %sub3A_936 = arith.constant 1 : i32
      %sub3A_937 = vector.broadcast %sub3A_936 : i32 to vector<16xi32>
      %sub3A_938 = arith.subi %div3A_911, %sub3A_937 : vector<16xi32>
      %select_n3A_939 = arith.select %and3A_935, %sub3A_938, %div3A_911 : vector<16xi1>, vector<16xi32>
      %jit3A_940 = arith.constant 128 : i32
      %eq3A_941 = arith.constant 0 : i32
      %eq3A_942 = arith.cmpi eq, %jit3A_940, %eq3A_941 : i32
      %jit3A_943 = arith.constant 1 : i32
      %select_n3A_944 = arith.select %eq3A_942, %jit3A_943, %jit3A_940 : i32
      %rem3A_945 = vector.broadcast %select_n3A_944 : i32 to vector<16xi32>
      %rem3A_946 = arith.remsi %get3A_854, %rem3A_945 : vector<16xi32>
      %ne3A_947 = arith.constant 0 : i32
      %ne3A_948 = vector.broadcast %ne3A_947 : i32 to vector<16xi32>
      %ne3A_949 = arith.cmpi ne, %rem3A_946, %ne3A_948 : vector<16xi32>
      %lt3A_950 = arith.constant 0 : i32
      %lt3A_951 = vector.broadcast %lt3A_950 : i32 to vector<16xi32>
      %lt3A_952 = arith.cmpi slt, %rem3A_946, %lt3A_951 : vector<16xi32>
      %lt3A_953 = arith.constant 0 : i32
      %lt3A_954 = arith.cmpi slt, %select_n3A_944, %lt3A_953 : i32
      %ne3A_955 = vector.broadcast %lt3A_954 : i1 to vector<16xi1>
      %ne3A_956 = vector.broadcast %ne3A_955 : vector<16xi1> to vector<16xi1>
      %ne3A_957 = arith.xori %lt3A_952, %ne3A_956 : vector<16xi1>
      %and3A_958 = arith.andi %ne3A_957, %ne3A_949 : vector<16xi1>
      %add3A_959 = vector.broadcast %select_n3A_944 : i32 to vector<16xi32>
      %add3A_960 = arith.addi %rem3A_946, %add3A_959 : vector<16xi32>
      %select_n3A_961 = arith.select %and3A_958, %add3A_960, %rem3A_946 : vector<16xi1>, vector<16xi32>
      %gather3A_962 = tpu.vector_load_idx %arg8[%select_n3A_939, %select_n3A_961] : memref<80x128xf32, #tpu.memory_space<vmem>>[vector<16xi32>, vector<16xi32>], vector<16xf32>,
      %add3A_963 = arith.addf %gather3A_908, %gather3A_962 : vector<16xf32>
      %mul3A_964 = arith.constant 5.000000e-01 : f32
      %mul3A_965 = vector.broadcast %mul3A_964 : f32 to vector<16xf32>
      %mul3A_966 = arith.mulf %add3A_963, %mul3A_965 : vector<16xf32>
      %swap3A_967 = arith.index_cast %scan3A_13 : i32 to index
      %swap3A_968 = arith.constant 112 : index
      %swap3A_969 = tpu.vector_load %arg9[%swap3A_967, %swap3A_968] {strides = array<i32>} : memref<80x128xf32, #tpu.memory_space<vmem>>, vector<16xf32>,
      tpu.vector_store %arg9[%swap3A_967, %swap3A_968], %mul3A_966 {strides = array<i32>} : memref<80x128xf32, #tpu.memory_space<vmem>>, vector<16xf32>,
      %scan3A_970 = arith.constant 0 : i32
      scf.yield %scan3A_970 : i32
    }
    %scan3A_10 = arith.constant 80 : i32
    %mul3A_11 = arith.constant 80 : i32
    %mul3A_12 = arith.muli %add3A, %mul3A_11 : i32
    "tpu.region"() ({
      %run_scoped3A = tpu.sem_alloc : memref<!tpu.dma_semaphore, #tpu.memory_space<semaphore_mem>>
      %dma_start3A = arith.constant 0 : i32
      %dma_start3A_13 = tpu.memref_slice %arg5[%mul3A_12, %dma_start3A] : memref<2560x128xf32, #tpu.memory_space<hbm>> -> memref<80x128xf32, #tpu.memory_space<hbm>>
      %dma_start3A_14 = arith.constant 0 : i32
      %dma_start3A_15 = tpu.memref_slice %arg5[%mul3A_12, %dma_start3A_14] : memref<2560x128xf32, #tpu.memory_space<hbm>> -> memref<80x128xf32, #tpu.memory_space<hbm>>
      tpu.enqueue_dma source(%arg9 : memref<80x128xf32, #tpu.memory_space<vmem>>) target(%dma_start3A_15 : memref<80x128xf32, #tpu.memory_space<hbm>>) target_semaphore(%run_scoped3A : memref<!tpu.dma_semaphore, #tpu.memory_space<semaphore_mem>>)
      %dma_wait3A = arith.constant 0 : i32
      %dma_wait3A_16 = tpu.memref_slice %arg5[%mul3A_12, %dma_wait3A] : memref<2560x128xf32, #tpu.memory_space<hbm>> -> memref<80x128xf32, #tpu.memory_space<hbm>>
      %dma_wait3A_17 = arith.constant 0 : i32
      %dma_wait3A_18 = tpu.memref_slice %arg5[%mul3A_12, %dma_wait3A_17] : memref<2560x128xf32, #tpu.memory_space<hbm>> -> memref<80x128xf32, #tpu.memory_space<hbm>>
      tpu.wait_dma2 semaphore(%run_scoped3A : memref<!tpu.dma_semaphore, #tpu.memory_space<semaphore_mem>>) src(%arg9 : memref<80x128xf32, #tpu.memory_space<vmem>>) dst(%dma_wait3A_18 : memref<80x128xf32, #tpu.memory_space<hbm>>)
      tpu.yield
    }) : () -> ()
    return
  }
}

module attributes {stable_mosaic.version = 14 : i64} {
  func.func @_mm1_body(%arg0: i32, %arg1: memref<1280x128xf32, #tpu.memory_space<vmem>>, %arg2: memref<128x128xf32, #tpu.memory_space<vmem>>, %arg3: memref<32x1280xf32, #tpu.memory_space<vmem>>, %arg4: memref<1280x128xf32, #tpu.memory_space<vmem>>, %arg5: memref<1280x1xf32, #tpu.memory_space<vmem>>) attributes {dimension_semantics = [#tpu.dimension_semantics<arbitrary>], iteration_bounds = array<i64: 8>, scalar_prefetch = 0 : i64, scratch_operands = 0 : i64, tpu.core_type = #tpu.core_type<tc>, window_params = [{transform_indices = @transform_0, window_bounds = array<i64: 1280, 128>}, {pipeline_mode = #tpu.pipeline_mode<synchronous>, transform_indices = @transform_1, window_bounds = array<i64: 128, 128>}, {transform_indices = @transform_2, window_bounds = array<i64: 32, 1280>}, {transform_indices = @transform_3, window_bounds = array<i64: 1280, 128>}, {transform_indices = @transform_4, window_bounds = array<i64: 1280, 1>}]} {
    %get3A = arith.constant 0 : index
    %get3A_0 = arith.constant 0 : index
    %get3A_1 = vector.load %arg3[%get3A, %get3A_0] : memref<32x1280xf32, #tpu.memory_space<vmem>>, vector<32x1280xf32>
    %reduce_sum3A = arith.constant dense<0.000000e+00> : vector<1280xf32>
    %reduce_sum3A_2 = vector.multi_reduction <add>, %get3A_1, %reduce_sum3A [0] : vector<32x1280xf32> to vector<1280xf32>
    %add3A = arith.constant 1.000000e+00 : f32
    %add3A_3 = vector.broadcast %add3A : f32 to vector<1280xf32>
    %add3A_4 = arith.addf %reduce_sum3A_2, %add3A_3 : vector<1280xf32>
    %rsqrt3A = math.rsqrt %add3A_4 : vector<1280xf32>
    %broadcast_in_dim3A = vector.shape_cast %rsqrt3A : vector<1280xf32> to vector<1280x1xf32>
    %get3A_5 = arith.constant 0 : index
    %get3A_6 = arith.constant 0 : index
    %get3A_7 = vector.load %arg1[%get3A_5, %get3A_6] : memref<1280x128xf32, #tpu.memory_space<vmem>>, vector<1280x128xf32>
    %get3A_8 = arith.constant 0 : index
    %get3A_9 = arith.constant 0 : index
    %get3A_10 = vector.load %arg2[%get3A_8, %get3A_9] : memref<128x128xf32, #tpu.memory_space<vmem>>, vector<128x128xf32>
    %dot_general3A = arith.constant dense<0.000000e+00> : vector<1280x128xf32>
    %dot_general3A_11 = tpu.matmul %get3A_7, %get3A_10, %dot_general3A {dimension_numbers = #tpu.dot_dimension_numbers<[1], [0], [0], [1], [0, 0, 1, 1], [], []>, precision = #tpu.contract_precision<fp32>, transpose_lhs_hint = false} : vector<1280x128xf32>, vector<128x128xf32>, vector<1280x128xf32> -> vector<1280x128xf32>
    %mul3A = vector.broadcast %broadcast_in_dim3A : vector<1280x1xf32> to vector<1280x128xf32>
    %mul3A_12 = arith.mulf %mul3A, %dot_general3A_11 : vector<1280x128xf32>
    %swap3A = arith.constant 0 : index
    %swap3A_13 = arith.constant 0 : index
    %swap3A_14 = vector.load %arg4[%swap3A, %swap3A_13] : memref<1280x128xf32, #tpu.memory_space<vmem>>, vector<1280x128xf32>
    tpu.vector_store %arg4[%swap3A, %swap3A_13], %mul3A_12 {strides = array<i32>} : memref<1280x128xf32, #tpu.memory_space<vmem>>, vector<1280x128xf32>,
    %swap3A_15 = arith.constant 0 : index
    %swap3A_16 = arith.constant 0 : index
    %swap3A_17 = vector.load %arg5[%swap3A_15, %swap3A_16] : memref<1280x1xf32, #tpu.memory_space<vmem>>, vector<1280x1xf32>
    tpu.vector_store %arg5[%swap3A_15, %swap3A_16], %broadcast_in_dim3A {strides = array<i32>} : memref<1280x1xf32, #tpu.memory_space<vmem>>, vector<1280x1xf32>,
    return
  }
  func.func @transform_0(%arg0: i32) -> (i32, i32) {
    %c0_i32 = arith.constant 0 : i32
    %c0_i32_0 = arith.constant 0 : i32
    return %arg0, %c0_i32 : i32, i32
  }
  func.func @transform_1(%arg0: i32) -> (i32, i32) {
    %c0_i32 = arith.constant 0 : i32
    %c0_i32_0 = arith.constant 0 : i32
    %c0_i32_1 = arith.constant 0 : i32
    return %c0_i32, %c0_i32_0 : i32, i32
  }
  func.func @transform_2(%arg0: i32) -> (i32, i32) {
    %c0_i32 = arith.constant 0 : i32
    %c0_i32_0 = arith.constant 0 : i32
    return %c0_i32, %arg0 : i32, i32
  }
  func.func @transform_3(%arg0: i32) -> (i32, i32) {
    %c0_i32 = arith.constant 0 : i32
    %c0_i32_0 = arith.constant 0 : i32
    return %arg0, %c0_i32 : i32, i32
  }
  func.func @transform_4(%arg0: i32) -> (i32, i32) {
    %c0_i32 = arith.constant 0 : i32
    %c0_i32_0 = arith.constant 0 : i32
    return %arg0, %c0_i32 : i32, i32
  }
}

module attributes {stable_mosaic.version = 14 : i64} {
  func.func @_mm2_body(%arg0: i32, %arg1: memref<2x1280x128xf32, #tpu.memory_space<vmem>>, %arg2: memref<1280x128xf32, #tpu.memory_space<vmem>>, %arg3: memref<1280x1xf32, #tpu.memory_space<vmem>>, %arg4: memref<1x128xf32, #tpu.memory_space<vmem>>, %arg5: memref<128x128xf32, #tpu.memory_space<vmem>>, %arg6: memref<1280x128xf32, #tpu.memory_space<vmem>>) attributes {dimension_semantics = [#tpu.dimension_semantics<arbitrary>], iteration_bounds = array<i64: 8>, scalar_prefetch = 0 : i64, scratch_operands = 0 : i64, tpu.core_type = #tpu.core_type<tc>, window_params = [{transform_indices = @transform_0, window_bounds = array<i64: 2, 1280, 128>}, {transform_indices = @transform_1, window_bounds = array<i64: 1280, 128>}, {transform_indices = @transform_2, window_bounds = array<i64: 1280, 1>}, {pipeline_mode = #tpu.pipeline_mode<synchronous>, transform_indices = @transform_3, window_bounds = array<i64: 1, 128>}, {pipeline_mode = #tpu.pipeline_mode<synchronous>, transform_indices = @transform_4, window_bounds = array<i64: 128, 128>}, {transform_indices = @transform_5, window_bounds = array<i64: 1280, 128>}]} {
    %get3A = arith.constant 0 : index
    %get3A_0 = arith.constant 0 : index
    %get3A_1 = arith.constant 0 : index
    %get3A_2 = vector.load %arg1[%get3A, %get3A_0, %get3A_1] : memref<2x1280x128xf32, #tpu.memory_space<vmem>>, vector<1x1280x128xf32>
    %get3A_3 = vector.shape_cast %get3A_2 : vector<1x1280x128xf32> to vector<1280x128xf32>
    %get3A_4 = arith.constant 1 : index
    %get3A_5 = arith.constant 0 : index
    %get3A_6 = arith.constant 0 : index
    %get3A_7 = vector.load %arg1[%get3A_4, %get3A_5, %get3A_6] : memref<2x1280x128xf32, #tpu.memory_space<vmem>>, vector<1x1280x128xf32>
    %get3A_8 = vector.shape_cast %get3A_7 : vector<1x1280x128xf32> to vector<1280x128xf32>
    %add3A = arith.addf %get3A_3, %get3A_8 : vector<1280x128xf32>
    %get3A_9 = arith.constant 0 : index
    %get3A_10 = arith.constant 0 : index
    %get3A_11 = vector.load %arg2[%get3A_9, %get3A_10] : memref<1280x128xf32, #tpu.memory_space<vmem>>, vector<1280x128xf32>
    %add3A_12 = arith.addf %add3A, %get3A_11 : vector<1280x128xf32>
    %get3A_13 = arith.constant 0 : index
    %get3A_14 = arith.constant 0 : index
    %get3A_15 = vector.load %arg3[%get3A_13, %get3A_14] : memref<1280x1xf32, #tpu.memory_space<vmem>>, vector<1280x1xf32>
    %mul3A = vector.broadcast %get3A_15 : vector<1280x1xf32> to vector<1280x128xf32>
    %mul3A_16 = arith.mulf %mul3A, %add3A_12 : vector<1280x128xf32>
    %get3A_17 = arith.constant 0 : index
    %get3A_18 = arith.constant 0 : index
    %get3A_19 = vector.load %arg4[%get3A_17, %get3A_18] : memref<1x128xf32, #tpu.memory_space<vmem>>, vector<1x128xf32>
    %add3A_20 = vector.broadcast %get3A_19 : vector<1x128xf32> to vector<1280x128xf32>
    %add3A_21 = arith.addf %mul3A_16, %add3A_20 : vector<1280x128xf32>
    %max3A = arith.constant 0.000000e+00 : f32
    %max3A_22 = vector.broadcast %max3A : f32 to vector<1280x128xf32>
    %max3A_23 = arith.maximumf %add3A_21, %max3A_22 : vector<1280x128xf32>
    %get3A_24 = arith.constant 0 : index
    %get3A_25 = arith.constant 0 : index
    %get3A_26 = vector.load %arg3[%get3A_24, %get3A_25] : memref<1280x1xf32, #tpu.memory_space<vmem>>, vector<1280x1xf32>
    %get3A_27 = arith.constant 0 : index
    %get3A_28 = arith.constant 0 : index
    %get3A_29 = vector.load %arg5[%get3A_27, %get3A_28] : memref<128x128xf32, #tpu.memory_space<vmem>>, vector<128x128xf32>
    %dot_general3A = arith.constant dense<0.000000e+00> : vector<1280x128xf32>
    %dot_general3A_30 = tpu.matmul %max3A_23, %get3A_29, %dot_general3A {dimension_numbers = #tpu.dot_dimension_numbers<[1], [0], [0], [1], [0, 0, 1, 1], [], []>, precision = #tpu.contract_precision<fp32>, transpose_lhs_hint = false} : vector<1280x128xf32>, vector<128x128xf32>, vector<1280x128xf32> -> vector<1280x128xf32>
    %mul3A_31 = vector.broadcast %get3A_26 : vector<1280x1xf32> to vector<1280x128xf32>
    %mul3A_32 = arith.mulf %mul3A_31, %dot_general3A_30 : vector<1280x128xf32>
    %swap3A = arith.constant 0 : index
    %swap3A_33 = arith.constant 0 : index
    %swap3A_34 = vector.load %arg6[%swap3A, %swap3A_33] : memref<1280x128xf32, #tpu.memory_space<vmem>>, vector<1280x128xf32>
    tpu.vector_store %arg6[%swap3A, %swap3A_33], %mul3A_32 {strides = array<i32>} : memref<1280x128xf32, #tpu.memory_space<vmem>>, vector<1280x128xf32>,
    return
  }
  func.func @transform_0(%arg0: i32) -> (i32, i32, i32) {
    %c0_i32 = arith.constant 0 : i32
    %c0_i32_0 = arith.constant 0 : i32
    %c0_i32_1 = arith.constant 0 : i32
    return %c0_i32, %arg0, %c0_i32_0 : i32, i32, i32
  }
  func.func @transform_1(%arg0: i32) -> (i32, i32) {
    %c0_i32 = arith.constant 0 : i32
    %c0_i32_0 = arith.constant 0 : i32
    return %arg0, %c0_i32 : i32, i32
  }
  func.func @transform_2(%arg0: i32) -> (i32, i32) {
    %c0_i32 = arith.constant 0 : i32
    %c0_i32_0 = arith.constant 0 : i32
    return %arg0, %c0_i32 : i32, i32
  }
  func.func @transform_3(%arg0: i32) -> (i32, i32) {
    %c0_i32 = arith.constant 0 : i32
    %c0_i32_0 = arith.constant 0 : i32
    %c0_i32_1 = arith.constant 0 : i32
    return %c0_i32, %c0_i32_0 : i32, i32
  }
  func.func @transform_4(%arg0: i32) -> (i32, i32) {
    %c0_i32 = arith.constant 0 : i32
    %c0_i32_0 = arith.constant 0 : i32
    %c0_i32_1 = arith.constant 0 : i32
    return %c0_i32, %c0_i32_0 : i32, i32
  }
  func.func @transform_5(%arg0: i32) -> (i32, i32) {
    %c0_i32 = arith.constant 0 : i32
    %c0_i32_0 = arith.constant 0 : i32
    return %arg0, %c0_i32 : i32, i32
  }
}

module attributes {stable_mosaic.version = 14 : i64} {
  func.func @_mm3_body(%arg0: i32, %arg1: memref<2x1280x128xf32, #tpu.memory_space<vmem>>, %arg2: memref<1280x128xf32, #tpu.memory_space<vmem>>, %arg3: memref<1280x1xf32, #tpu.memory_space<vmem>>, %arg4: memref<1x128xf32, #tpu.memory_space<vmem>>, %arg5: memref<128x1xf32, #tpu.memory_space<vmem>>, %arg6: memref<1x1xf32, #tpu.memory_space<vmem>>, %arg7: memref<1280x128xf32, #tpu.memory_space<vmem>>, %arg8: memref<1280x1xf32, #tpu.memory_space<vmem>>) attributes {dimension_semantics = [#tpu.dimension_semantics<arbitrary>], iteration_bounds = array<i64: 8>, scalar_prefetch = 0 : i64, scratch_operands = 0 : i64, tpu.core_type = #tpu.core_type<tc>, window_params = [{transform_indices = @transform_0, window_bounds = array<i64: 2, 1280, 128>}, {transform_indices = @transform_1, window_bounds = array<i64: 1280, 128>}, {transform_indices = @transform_2, window_bounds = array<i64: 1280, 1>}, {pipeline_mode = #tpu.pipeline_mode<synchronous>, transform_indices = @transform_3, window_bounds = array<i64: 1, 128>}, {pipeline_mode = #tpu.pipeline_mode<synchronous>, transform_indices = @transform_4, window_bounds = array<i64: 128, 1>}, {pipeline_mode = #tpu.pipeline_mode<synchronous>, transform_indices = @transform_5, window_bounds = array<i64: 1, 1>}, {transform_indices = @transform_6, window_bounds = array<i64: 1280, 128>}, {transform_indices = @transform_7, window_bounds = array<i64: 1280, 1>}]} {
    %get3A = arith.constant 0 : index
    %get3A_0 = arith.constant 0 : index
    %get3A_1 = arith.constant 0 : index
    %get3A_2 = vector.load %arg1[%get3A, %get3A_0, %get3A_1] : memref<2x1280x128xf32, #tpu.memory_space<vmem>>, vector<1x1280x128xf32>
    %get3A_3 = vector.shape_cast %get3A_2 : vector<1x1280x128xf32> to vector<1280x128xf32>
    %get3A_4 = arith.constant 1 : index
    %get3A_5 = arith.constant 0 : index
    %get3A_6 = arith.constant 0 : index
    %get3A_7 = vector.load %arg1[%get3A_4, %get3A_5, %get3A_6] : memref<2x1280x128xf32, #tpu.memory_space<vmem>>, vector<1x1280x128xf32>
    %get3A_8 = vector.shape_cast %get3A_7 : vector<1x1280x128xf32> to vector<1280x128xf32>
    %add3A = arith.addf %get3A_3, %get3A_8 : vector<1280x128xf32>
    %get3A_9 = arith.constant 0 : index
    %get3A_10 = arith.constant 0 : index
    %get3A_11 = vector.load %arg2[%get3A_9, %get3A_10] : memref<1280x128xf32, #tpu.memory_space<vmem>>, vector<1280x128xf32>
    %add3A_12 = arith.addf %add3A, %get3A_11 : vector<1280x128xf32>
    %get3A_13 = arith.constant 0 : index
    %get3A_14 = arith.constant 0 : index
    %get3A_15 = vector.load %arg3[%get3A_13, %get3A_14] : memref<1280x1xf32, #tpu.memory_space<vmem>>, vector<1280x1xf32>
    %mul3A = vector.broadcast %get3A_15 : vector<1280x1xf32> to vector<1280x128xf32>
    %mul3A_16 = arith.mulf %mul3A, %add3A_12 : vector<1280x128xf32>
    %get3A_17 = arith.constant 0 : index
    %get3A_18 = arith.constant 0 : index
    %get3A_19 = vector.load %arg4[%get3A_17, %get3A_18] : memref<1x128xf32, #tpu.memory_space<vmem>>, vector<1x128xf32>
    %add3A_20 = vector.broadcast %get3A_19 : vector<1x128xf32> to vector<1280x128xf32>
    %add3A_21 = arith.addf %mul3A_16, %add3A_20 : vector<1280x128xf32>
    %max3A = arith.constant 0.000000e+00 : f32
    %max3A_22 = vector.broadcast %max3A : f32 to vector<1280x128xf32>
    %max3A_23 = arith.maximumf %add3A_21, %max3A_22 : vector<1280x128xf32>
    %swap3A = arith.constant 0 : index
    %swap3A_24 = arith.constant 0 : index
    %swap3A_25 = vector.load %arg7[%swap3A, %swap3A_24] : memref<1280x128xf32, #tpu.memory_space<vmem>>, vector<1280x128xf32>
    tpu.vector_store %arg7[%swap3A, %swap3A_24], %max3A_23 {strides = array<i32>} : memref<1280x128xf32, #tpu.memory_space<vmem>>, vector<1280x128xf32>,
    %get3A_26 = arith.constant 0 : index
    %get3A_27 = arith.constant 0 : index
    %get3A_28 = vector.load %arg5[%get3A_26, %get3A_27] : memref<128x1xf32, #tpu.memory_space<vmem>>, vector<128x1xf32>
    %dot_general3A = arith.constant dense<0.000000e+00> : vector<1280x1xf32>
    %dot_general3A_29 = tpu.matmul %max3A_23, %get3A_28, %dot_general3A {dimension_numbers = #tpu.dot_dimension_numbers<[1], [0], [0], [1], [0, 0, 1, 1], [], []>, precision = #tpu.contract_precision<fp32>, transpose_lhs_hint = false} : vector<1280x128xf32>, vector<128x1xf32>, vector<1280x1xf32> -> vector<1280x1xf32>
    %get3A_30 = arith.constant 0 : index
    %get3A_31 = arith.constant 0 : index
    %get3A_32 = vector.load %arg6[%get3A_30, %get3A_31] : memref<1x1xf32, #tpu.memory_space<vmem>>, vector<1x1xf32>
    %add3A_33 = vector.broadcast %get3A_32 : vector<1x1xf32> to vector<1280x1xf32>
    %add3A_34 = arith.addf %dot_general3A_29, %add3A_33 : vector<1280x1xf32>
    %swap3A_35 = arith.constant 0 : index
    %swap3A_36 = arith.constant 0 : index
    %swap3A_37 = vector.load %arg8[%swap3A_35, %swap3A_36] : memref<1280x1xf32, #tpu.memory_space<vmem>>, vector<1280x1xf32>
    tpu.vector_store %arg8[%swap3A_35, %swap3A_36], %add3A_34 {strides = array<i32>} : memref<1280x1xf32, #tpu.memory_space<vmem>>, vector<1280x1xf32>,
    return
  }
  func.func @transform_0(%arg0: i32) -> (i32, i32, i32) {
    %c0_i32 = arith.constant 0 : i32
    %c0_i32_0 = arith.constant 0 : i32
    %c0_i32_1 = arith.constant 0 : i32
    return %c0_i32, %arg0, %c0_i32_0 : i32, i32, i32
  }
  func.func @transform_1(%arg0: i32) -> (i32, i32) {
    %c0_i32 = arith.constant 0 : i32
    %c0_i32_0 = arith.constant 0 : i32
    return %arg0, %c0_i32 : i32, i32
  }
  func.func @transform_2(%arg0: i32) -> (i32, i32) {
    %c0_i32 = arith.constant 0 : i32
    %c0_i32_0 = arith.constant 0 : i32
    return %arg0, %c0_i32 : i32, i32
  }
  func.func @transform_3(%arg0: i32) -> (i32, i32) {
    %c0_i32 = arith.constant 0 : i32
    %c0_i32_0 = arith.constant 0 : i32
    %c0_i32_1 = arith.constant 0 : i32
    return %c0_i32, %c0_i32_0 : i32, i32
  }
  func.func @transform_4(%arg0: i32) -> (i32, i32) {
    %c0_i32 = arith.constant 0 : i32
    %c0_i32_0 = arith.constant 0 : i32
    %c0_i32_1 = arith.constant 0 : i32
    return %c0_i32, %c0_i32_0 : i32, i32
  }
  func.func @transform_5(%arg0: i32) -> (i32, i32) {
    %c0_i32 = arith.constant 0 : i32
    %c0_i32_0 = arith.constant 0 : i32
    %c0_i32_1 = arith.constant 0 : i32
    return %c0_i32, %c0_i32_0 : i32, i32
  }
  func.func @transform_6(%arg0: i32) -> (i32, i32) {
    %c0_i32 = arith.constant 0 : i32
    %c0_i32_0 = arith.constant 0 : i32
    return %arg0, %c0_i32 : i32, i32
  }
  func.func @transform_7(%arg0: i32) -> (i32, i32) {
    %c0_i32 = arith.constant 0 : i32
    %c0_i32_0 = arith.constant 0 : i32
    return %arg0, %c0_i32 : i32, i32
  }
}

</mosaic_0001>

<sc_bundles>
// kernel: kernel.12.cloned.1.call-start
scs
__scs_entry_jumppad:
0x0: {  	(pc) =	sbr.rel $0x88, $3  }
0x1: {  	(tag) =	ssettag $0x0;
	lr =	simm.s32 $0x1  }
0x2: {  	[smem:$0x3F99] =	sst lr;
	_ =	strace $0xD0000000  }
0x3: {  	_ = 	snop  }
0x4: {  	_ = 	snop  }
0x5: {  	_ = 	snop  }
0x6: {  	_ = 	snop  }
0x7: {  	_ = 	snop  }
__scs_overlays_trampoline_lowered:
0x8: {  	[smem:$0x3FA8] =	sst s0  }
0x9: {  	[smem:$0x3FA9] =	sst s1  }
0xa: {  	[smem:$0x3FAA] =	sst s2  }
0xb: {  	[smem:$0x3FAB] =	sst s3  }
0xc: {  	[smem:$0x3FAC] =	sst s4  }
0xd: {  	[smem:$0x3FAD] =	sst s5  }
0xe: {  	[smem:$0x3FAE] =	sst s6  }
0xf: {  	[smem:$0x3FAF] =	sst s7  }
0x10: {  	[smem:$0x3FB0] =	sst s8  }
0x11: {  	[smem:$0x3FB1] =	sst s9;
	s0 =	simm.s32 @!p0 $0x0  }
0x12: {  	s1 =	sld [smem:$0x3F97];
	s0 =	simm.s32 @p0 $0x1  }
0x13: {  	[smem:$0x3FB2] =	sst s0;
	s0 =	simm.s32 @!p1 $0x0  }
0x14: {  	s2 =	sld [smem:$0x3F96];
	s0 =	simm.s32 @p1 $0x1  }
0x15: {  	[smem:$0x3FB3] =	sst s0;
	s0 =	simm.s32 @!p2 $0x0  }
0x16: {  	s3 =	sld [smem:$0x3FDB];
	s0 =	simm.s32 @p2 $0x1  }
0x17: {  	s4 =	simm.s32 $0x1BF5;
	[smem:$0x3FB5] =	sst s0  }
0x18: {  	s0 =	sld [smem:$0x3F98];
	_ =	swait.ge [sflag:s4], $0x0  }
0x19: {  	s7 =	sld [smem:$0x3F99]  }
0x1a: {  	s8 =	sadd.s32 $0xFFFFE003, lr  }
0x1b: {  	s9 =	sadd.s32 $0xFFFFFEF7, lr;
	s5 =	simm.s32 $0xFFFFFFFF;
	p2 =	slt.u32 s8, $0xFFFFF086  }
0x1c: {  	p1 =	slt.u32 s9, $0xF7A;
	s5 =	simm.s32 @!p2 $0x0  }
0x1d: {  	s5 =	simm.s32 @p1 $0x1;
	p0 =	seq.s32 s7, s2  }
0x1e: {  	s7 =	smul.u32 @!p0 $0xF7A, s2;
	p2 =	seq.s32 @!p0 s5, $0x0  }
0x1f: {  	s9 =	smul.u32 $0xF7A, s1;
	s8 =	simm.s32 @!p0 $0x1BF5;
	p2 =	por !p2, p0  }
0x20: {  	[sflag:s8] =	ssyncset.s32 @!p0 $0xFFFFF086;
	s6 =	sadd.s32 @!p0 s3, s7;
	s7 =	simm.s32 @!p0 $0x108  }
0x21: {  	s3 =	sadd.s32 s3, s9;
	s6 =	sadd.s32 @!p0 $0x88, s6;
	s7 =	simm.s32 @p2 $0x1082  }
0x22: {  	[simem:s7], [sflag:s8] =	dma.local @!p0 [hbm:s6], $0xF7A  }
0x23: {  	s9 =	sor.u32 $0xD0000000, s2;
	s6 =	simm.s32 $0x108;
	_ =	swait.ge @!p0 [sflag:s8], $0x0  }
0x24: {  	s3 =	sadd.s32 $0x88, s3;
	s6 =	simm.s32 @!p1 $0x1082;
	[sflag:s4] =	ssyncset.s32 $0xFFFFF086  }
0x25: {  	[simem:s6], [sflag:s4] =	dma.local [hbm:s3], $0xF7A  }
0x26: {  	[smem:$0x3F99] =	sst s1;
	(tag) =	ssettag s2;
	_ =	strace s9  }
0x27: {  	s1 =	sld [smem:$0x3FA9]  }
0x28: {  	s2 =	sld [smem:$0x3FAA]  }
0x29: {  	s4 =	sld [smem:$0x3FAC]  }
0x2a: {  	p0 =	seq.s32 s5, $0x0;
	s5 =	sld [smem:$0x3FAD]  }
0x2b: {  	s6 =	sld [smem:$0x3FAE]  }
0x2c: {  	s7 =	sld [smem:$0x3FAF]  }
0x2d: {  	s3 =	simm.s32 $0x108;
	s8 =	sld [smem:$0x3FB0]  }
0x2e: {  	s3 =	simm.s32 @!p0 $0x1082;
	s9 =	sld [smem:$0x3FB1]  }
0x2f: {  	lr =	sadd.s32 s0, s3;
	s0 =	sld [smem:$0x3FA8]  }
0x30: {  	s3 =	sld [smem:$0x3FAB]  }
0x31: {  	[smem:$0x3FB4] =	sst s10  }
0x32: {  	s10 =	sld [smem:$0x3FB2];
	_ =	sdelay $0x3  }
0x33: {  	p0 =	seq.s32 s10, $0x1;
	s10 =	sld [smem:$0x3FB4];
	_ =	sdelay $0x3  }
0x34: {  	[smem:$0x3FB4] =	sst s10  }
0x35: {  	s10 =	sld [smem:$0x3FB3];
	_ =	sdelay $0x3  }
0x36: {  	p1 =	seq.s32 s10, $0x1;
	s10 =	sld [smem:$0x3FB4];
	_ =	sdelay $0x3  }
0x37: {  	[smem:$0x3FB4] =	sst s10  }
0x38: {  	s10 =	sld [smem:$0x3FB5]  }
0x39: {  	_ = 	snop;
	(pc) =	sbr.ind lr, $3  }
0x3a: {  	_ = 	snop  }
0x3b: {  	_ = 	snop  }
0x3c: {  	p2 =	seq.s32 s10, $0x1;
	s10 =	sld [smem:$0x3FB4]  }
0x3d: {  	_ =	shalt  }
0x3e: {  	_ =	shalt  }
0x3f: {  	_ =	shalt  }
0x40: {  	_ =	shalt  }
0x41: {  	_ =	shalt  }
0x42: {  	_ =	shalt  }
0x43: {  	_ =	shalt  }
0x44: {  	_ =	shalt  }
0x45: {  	_ =	shalt  }
0x46: {  	_ =	shalt  }
0x47: {  	_ =	shalt  }
0x48: {  	_ =	shalt  }
0x49: {  	_ =	shalt  }
0x4a: {  	_ =	shalt  }
0x4b: {  	_ =	shalt  }
0x4c: {  	_ =	shalt  }
0x4d: {  	_ =	shalt  }
0x4e: {  	_ =	shalt  }
0x4f: {  	_ =	shalt  }
0x50: {  	_ =	shalt  }
0x51: {  	_ =	shalt  }
0x52: {  	_ =	shalt  }
0x53: {  	_ =	shalt  }
0x54: {  	_ =	shalt  }
0x55: {  	_ =	shalt  }
0x56: {  	_ =	shalt  }
0x57: {  	_ =	shalt  }
0x58: {  	_ =	shalt  }
0x59: {  	_ =	shalt  }
0x5a: {  	_ =	shalt  }
0x5b: {  	_ =	shalt  }
0x5c: {  	_ =	shalt  }
0x5d: {  	_ =	shalt  }
0x5e: {  	_ =	shalt  }
0x5f: {  	_ =	shalt  }
0x60: {  	_ =	shalt  }
0x61: {  	_ =	shalt  }
0x62: {  	_ =	shalt  }
0x63: {  	_ =	shalt  }
0x64: {  	_ =	shalt  }
0x65: {  	_ =	shalt  }
0x66: {  	_ =	shalt  }
0x67: {  	_ =	shalt  }
0x68: {  	_ =	shalt  }
0x69: {  	_ =	shalt  }
0x6a: {  	_ =	shalt  }
0x6b: {  	_ =	shalt  }
0x6c: {  	_ =	shalt  }
0x6d: {  	_ =	shalt  }
0x6e: {  	_ =	shalt  }
0x6f: {  	_ =	shalt  }
0x70: {  	_ =	shalt  }
0x71: {  	_ =	shalt  }
0x72: {  	_ =	shalt  }
0x73: {  	_ =	shalt  }
0x74: {  	_ =	shalt  }
0x75: {  	_ =	shalt  }
0x76: {  	_ =	shalt  }
0x77: {  	_ =	shalt  }
0x78: {  	_ =	shalt  }
0x79: {  	_ =	shalt  }
0x7a: {  	_ =	shalt  }
0x7b: {  	_ =	shalt  }
0x7c: {  	_ =	shalt  }
0x7d: {  	_ =	shalt  }
0x7e: {  	_ =	shalt  }
0x7f: {  	_ =	shalt  }
0x80: {  	_ =	shalt  }
0x81: {  	_ =	shalt  }
0x82: {  	_ =	shalt  }
0x83: {  	_ =	shalt  }
0x84: {  	_ =	shalt  }
0x85: {  	_ =	shalt  }
0x86: {  	_ =	shalt  }
0x87: {  	_ =	shalt  }
.Lfunc_end0:
.L_simem_size_0:
called_computation.1_lowered:
.L_overlay_start_0:
0x88: {  	s2 =	sld [smem:$0x3FD9]  }
0x89: {  	s3 =	sld [smem:$0x3FFE];
	_ =	sdelay $0x1  }
0x8a: {  	s1 =	srdreg.scid  }
0x8b: {  	s0 =	sand.u32 $0x1, s1  }
0x8c: {  	s14 =	sshll.u32 s0, $0xA;
	s2 =	sadd.s32 s3, s2  }
0x8d: {  	s2 =	sadd.s32 s2, s14  }
0x8e: {  	[smem:$0x3FC0] =	sst s2  }
0x8f: {  	_ = 	snop  }
0x90: {  	s2 =	sld [smem:$0x3FD0];
	_ =	sdelay $0x2  }
0x91: {  	s15 =	simm.s32 $0xA;
	s4 =	simm.s32 $0x10  }
0x92: {  	[smem:s4], [sflag:s15] =	dma.local [hbm:s2], $0x1  }
0x93: {  	_ =	swait.eq [sflag:s15], $0x1  }
0x94: {  	[sflag:s15] =	ssyncset.done $0x0  }
0x95: {  	[sflag:s15] =	ssyncadd.s32 $0xFFFFFFFF  }
0x96: {  	s16 =	sld [smem:$0x11];
	(tm) =	ssettm $0x1  }
0x97: {  	s17 =	sld [smem:$0x3FFB];
	_ =	sdelay $0x3  }
0x98: {  	_ =	strace s17  }
0x99: {  	s3 =	sld [smem:$0x3FFC];
	_ =	sdelay $0x3  }
0x9a: {  	_ =	strace s3  }
0x9b: {  	s3 =	sld [smem:$0x3FFD];
	_ =	sdelay $0x3  }
0x9c: {  	_ =	strace s3  }
0x9d: {  	_ =	strace $0x8FFFFFFF  }
0x9e: {  	s18 =	sld [smem:$0x3FDB];
	_ =	sdelay $0x1  }
0x9f: {  	s19 =	simm.s32 $_scs_section_size  }
0xa0: {  	s5 =	simm.s32 $_size__tile_overlayer_lowered;
	s6 =	simm.s32 $_tile_overlayer_lowered  }
0xa1: {  	s22 =	simm.s32 $0x1BFF;
	s21 =	sshll.u32 s6, $0x1;
	s3 =	sadd.s32 s19, s18  }
0xa2: {  	s7 =	simm.s32 $0x0;
	s20 =	sshll.u32 s5, $0x1;
	s5 =	sadd.s32 s21, s3  }
0xa3: {  	[timem:s7], [sflag:s22] =	dma.local [hbm:s5], s20  }
0xa4: {  	_ =	swait.ge [sflag:s22], s20  }
0xa5: {  	s4 =	ssub.s32 $0x0, s20;
	[sflag:s22] =	ssyncset.done $0x0  }
0xa6: {  	[sflag:s22] =	ssyncadd.s32 s4;
	_ =	sdelay $0x1  }
0xa7: {  	s23 =	simm.s32 $0x1B8B  }
0xa8: {  	_ =	swait.ge [sflag:s23], $0x1  }
0xa9: {  	[sflag:s23] =	ssyncset.done $0x0  }
0xaa: {  	s25 =	simm.s32 $0x1B8E;
	s24 =	sld [smem:$0x3FFE];
	[sflag:s23] =	ssyncadd.s32 $0xFFFFFFFF  }
0xab: {  	s26 =	simm.s32 $execute0_lowered;
	[smem:$0x3FD2] =	sst s25  }
0xac: {  	s5 =	sshll.u32 s26, $0x1;
	_ =	strace $0x80000049;
	[dreg:$0x1] =	wrdreg $0xFFFFFFFF  }
0xad: {  	s28 =	simm.s32 $_size_execute0_lowered;
	s3 =	sadd.s32 s3, s5;
	[dreg:$0x0] =	wrdreg $0x0  }
0xae: {  	s5 =	sshll.u32 s28, $0x1;
	[dreg:$0x2] =	wrdreg s3  }
0xaf: {  	[dreg:$0x3] =	wrdreg s5  }
0xb0: {  	[dreg:$0x4] =	wrdreg $0xC0  }
0xb1: {  	_ =	task [dreg:s7], $0x5FFFF  }
0xb2: {  	[dreg:$0x1] =	wrdreg $0xFFFFFFFF  }
0xb3: {  	[dreg:$0x0] =	wrdreg $0x60  }
0xb4: {  	[dreg:$0x2] =	wrdreg s24  }
0xb5: {  	[dreg:$0x3] =	wrdreg s16  }
0xb6: {  	[dreg:$0x4] =	wrdreg $0xA0000  }
0xb7: {  	[dreg:$0x5] =	wrdreg $0x9  }
0xb8: {  	_ =	task.clear_ibuf [dreg:s7], $0x6FFFF;
	_ =	strace $0x90000049  }
0xb9: {  	s29 =	simm.s32 $0x9;
	_ =	strace $0x8000004B  }
0xba: {  	_ =	swait.ge [sflag:s29], $0x1  }
0xbb: {  	[sflag:s29] =	ssyncadd.s32 $0xFFFFFFFF  }
0xbc: {  	_ =	strace $0x9000004B  }
0xbd: {  	_ =	sfence  }
0xbe: {  	s30 =	sld [smem:$0x0];
	_ =	sdelay $0x2  }
0xbf: {  	s31 =	sshll.u32 s1, $0xD;
	s1 =	sshrl.u32 s1, $0x2  }
0xc0: {  	s3 =	sand.u32 $0x4000, s31;
	s1 =	sadd.s32 s1, s30  }
0xc1: {  	s0 =	sor.u32 s3, s0;
	s1 =	sshll.u32 s1, $0x11  }
0xc2: {  	s0 =	sor.u32 s1, s0  }
0xc3: {  	s0 =	sadd.s32 $0x8F2B, s0  }
0xc4: {  	[sflag:s0] =	ssyncadd.remote.s32 $0x1  }
0xc5: {  	_ =	sfence.sel $0xFFFF  }
0xc6: {  	[dreg:$0x0] =	wrdreg $0xFFFFFFFF;
	(pc) =	sbr.abs _section_cstart, $3  }
0xc7: {  	[dreg:$0x1] =	wrdreg $0xFFFFFFFF  }
0xc8: {  	_ =	task.clear_ibuf [dreg:s7], $0x2FFFF;
	_ =	strace $0x9FFFFFFF  }
0xc9: {  	(tm) =	ssettm $0x7FFFFFFF  }
tec
execute0_lowered:
.L_overlay_start_1:
0x0: {  	(tag) =	ssettag $0x1  }
0x1: {  	s0 =	rddreg [dreg:$0x0]  }
0x2: {  	s1 =	rddreg [dreg:$0x2]  }
0x3: {  	s3 =	simm.s32 $0x0;
	s2 =	srdreg.scid;
	s18 =	stileid.u32  }
0x4: {  	s28 =	simm.s32 $0x2000;
	s29 =	simm.s32 $0x3;
	s30 =	simm.s32 $0x80  }
0x5: {  	s31 =	simm.s32 $0x6000;
	[smem:$0x7FF] =	sst s3;
	s7 =	smul.u32 $0x14000, s18  }
0x6: {  	s4 =	sadd.s32 $0x2800, s0;
	s2 =	sand.u32 $0x1, s2;
	s10 =	smul.u32 $0xA00, s18  }
0x7: {  	s5 =	sadd.s32 $0xD200, s0;
	s8 =	sadd.s32 $0x3FC00, s0;
	s11 =	smul.u32 $0x5000, s18  }
0x8: {  	s6 =	ssub.s32 $0x2, s2;
	p0 =	seq.s32 s2, $0x1;
	s2 =	smul.u32 $0x140000, s2  }
0x9: {  	s9 =	sshrl.u32 s6, $0x1;
	s17 =	sadd.s32 $0x8000, s7;
	s24 =	sadd.s32 $0xC000, s7  }
0xa: {  	s25 =	sadd.s32 $0x10000, s7;
	s12 =	sadd.s32 s4, s10;
	s11 =	sshrl.u32 s11, $0x3  }
0xb: {  	s10 =	sadd.s32 s5, s10;
	s6 =	ssub.s32 s6, s9;
	[dreg:$0x4] =	wrdreg s12  }
0xc: {  	s9 =	sadd.s32 $0x4000, s7;
	[dreg:$0x5] =	wrdreg s10;
	s20 =	sadd.s32 $0x200, s11  }
0xd: {  	s21 =	sadd.s32 $0x400, s11;
	s26 =	sadd.s32 $0x600, s11;
	s13 =	sadd.s32 s4, s20  }
0xe: {  	s14 =	sadd.s32 $0x800, s11;
	s10 =	sadd.s32 s5, s20;
	[dreg:$0x6] =	wrdreg s13  }
0xf: {  	s15 =	sadd.s32 s7, s2;
	s22 =	sadd.s32 s4, s21;
	[dreg:$0x7] =	wrdreg s10  }
0x10: {  	s19 =	sadd.s32 s2, s17;
	s23 =	sadd.s32 s5, s21;
	[dreg:$0x8] =	wrdreg s22  }
0x11: {  	s16 =	sadd.s32 s2, s9;
	s21 =	sshrl.u32 s19, $0x3;
	[dreg:$0x9] =	wrdreg s23  }
0x12: {  	s13 =	sadd.s32 s4, s26;
	s10 =	sadd.s32 s5, s26;
	s4 =	sadd.s32 s4, s14  }
0x13: {  	s20 =	sshrl.u32 s16, $0x3;
	s16 =	sadd.s32 s8, s21;
	s22 =	sadd.s32 s2, s24  }
0x14: {  	s2 =	sadd.s32 s2, s25;
	s23 =	smul.u32 $0x50000, s18;
	[dreg:$0xa] =	wrdreg s13  }
0x15: {  	s24 =	sadd.s32 s24, s1;
	s25 =	sadd.s32 s25, s1;
	[dreg:$0xb] =	wrdreg s10  }
0x16: {  	[dreg:$0xc] =	wrdreg s4;
	s13 =	sadd.s32 s5, s14;
	s4 =	sshrl.u32 s15, $0x3  }
.Ltmp0:
0x17: {  	s15 =	sadd.s32 s8, s20;
	s2 =	sshrl.u32 s2, $0x3;
	(pc) =	sbr.rel .LBB2_1-.Ltmp0, $4  }
0x18: {  	s20 =	sadd.s32 $0x17C00, s0;
	s14 =	sadd.s32 s8, s4;
	s4 =	sshrl.u32 s22, $0x3  }
0x19: {  	s19 =	sadd.s32 s8, s2;
	_ =	strace $0x8000004A;
	s26 =	sshrl.u32 s23, $0x2  }
0x1a: {  	s22 =	sadd.s32 s9, s1;
	s23 =	sadd.s32 s17, s1;
	s17 =	simm.s32 $0x0  }
0x1b: {  	s18 =	sadd.s32 s8, s4;
	s21 =	sadd.s32 s26, s1;
	s26 =	smax.u32 s6, $0x1  }
.LBB2_13:
0x1c: {  	[tilespmem:s10], [sflag:s4] =	stream.indirect.gather @!p2 [hbm4b:s20+s11], $0x80, s0, s11, $0xb8;
	[tilespmem:$0x1E000] =	vst v63  }
0x1d: {  	s0 =	sadd.s32 $0x1, s6  }
0x1e: {  	_ =	swait.ge [sflag:s0], $0x4000  }
0x1f: {  	[sflag:s0] =	ssyncset.done $0x0  }
0x20: {  	s4 =	sor.u32 $0x2000, s9;
	[sflag:s0] =	ssyncadd.s32 $0xFFFFC000  }
0x21: {  	[spmem:s1] =	stream.indirect.scatter.add.f32 [tilespmem:s4], [sflag:$0x3], $0x80, s7, s30, $0xb8;
	[tilespmem:$0x1E000] =	vst v63  }
0x22: {  	_ =	swait.ge [sflag:s29], $0x4000  }
0x23: {  	p1 =	sgt.u32 s2, $0x1F;
	[sflag:s29] =	ssyncset.done $0x0  }
0x24: {  	s2 =	simm.s32 @!p1 $0x80;
	[sflag:s29] =	ssyncadd.s32 $0xFFFFC000  }
0x25: {  	[tilespmem:s4], [sflag:s0] =	stream.indirect.gather @!p1 [hbm4b:s20+s2], $0x80, s5, s2, $0xb8;
	[tilespmem:$0x1E000] =	vst v63  }
.LBB2_14:
0x26: {  	[bflag:$0x0] =	sbarrier.arrive $0xFFFF  }
0x27: {  	[tilespmem:s28], [sflag:$0x3] =	stream.linear.gather [spmem:s21], $0x4000, $0x38;
	[tilespmem:$0x1E000] =	vst v63  }
0x28: {  	_ =	swait.ge [sflag:s29], $0x4000  }
0x29: {  	[sflag:s29] =	ssyncset.done $0x0  }
0x2a: {  	[sflag:s29] =	ssyncadd.s32 $0xFFFFC000  }
0x2b: {  	[hbm4b:s14+s3] =	stream.linear.scatter [tilespmem:s28], [sflag:$0x3], $0x4000, $0x38;
	[tilespmem:$0x1E000] =	vst v63  }
0x2c: {  	_ =	swait.ge [sflag:s29], $0x4000  }
0x2d: {  	[sflag:s29] =	ssyncset.done $0x0  }
0x2e: {  	[sflag:s29] =	ssyncadd.s32 $0xFFFFC000  }
0x2f: {  	[tilespmem:s28], [sflag:$0x3] =	stream.linear.gather [spmem:s22], $0x4000, $0x38;
	[tilespmem:$0x1E000] =	vst v63  }
0x30: {  	_ =	swait.ge [sflag:s29], $0x4000  }
0x31: {  	[sflag:s29] =	ssyncset.done $0x0  }
0x32: {  	[sflag:s29] =	ssyncadd.s32 $0xFFFFC000  }
0x33: {  	[hbm4b:s15+s3] =	stream.linear.scatter [tilespmem:s28], [sflag:$0x3], $0x4000, $0x38;
	[tilespmem:$0x1E000] =	vst v63  }
0x34: {  	_ =	swait.ge [sflag:s29], $0x4000  }
0x35: {  	[sflag:s29] =	ssyncset.done $0x0  }
0x36: {  	[sflag:s29] =	ssyncadd.s32 $0xFFFFC000  }
0x37: {  	[tilespmem:s28], [sflag:$0x3] =	stream.linear.gather [spmem:s23], $0x4000, $0x38;
	[tilespmem:$0x1E000] =	vst v63  }
0x38: {  	_ =	swait.ge [sflag:s29], $0x4000  }
0x39: {  	[sflag:s29] =	ssyncset.done $0x0  }
0x3a: {  	[sflag:s29] =	ssyncadd.s32 $0xFFFFC000  }
0x3b: {  	[hbm4b:s16+s3] =	stream.linear.scatter [tilespmem:s28], [sflag:$0x3], $0x4000, $0x38;
	[tilespmem:$0x1E000] =	vst v63  }
0x3c: {  	_ =	swait.ge [sflag:s29], $0x4000  }
0x3d: {  	[sflag:s29] =	ssyncset.done $0x0  }
0x3e: {  	[sflag:s29] =	ssyncadd.s32 $0xFFFFC000  }
0x3f: {  	[tilespmem:s28], [sflag:$0x3] =	stream.linear.gather [spmem:s24], $0x4000, $0x38;
	[tilespmem:$0x1E000] =	vst v63  }
0x40: {  	_ =	swait.ge [sflag:s29], $0x4000  }
0x41: {  	[sflag:s29] =	ssyncset.done $0x0  }
0x42: {  	[sflag:s29] =	ssyncadd.s32 $0xFFFFC000  }
0x43: {  	[hbm4b:s18+s3] =	stream.linear.scatter [tilespmem:s28], [sflag:$0x3], $0x4000, $0x38;
	[tilespmem:$0x1E000] =	vst v63  }
0x44: {  	_ =	swait.ge [sflag:s29], $0x4000  }
0x45: {  	[sflag:s29] =	ssyncset.done $0x0  }
0x46: {  	[sflag:s29] =	ssyncadd.s32 $0xFFFFC000  }
0x47: {  	[tilespmem:s28], [sflag:$0x3] =	stream.linear.gather [spmem:s25], $0x4000, $0x38;
	[tilespmem:$0x1E000] =	vst v63  }
0x48: {  	s17 =	sadd.s32 $0x1, s17;
	_ =	swait.ge [sflag:s29], $0x4000  }
0x49: {  	p1 =	sne.s32 s17, s26;
	[sflag:s29] =	ssyncset.done $0x0  }
.Ltmp1:
0x4a: {  	[sflag:s29] =	ssyncadd.s32 $0xFFFFC000;
	(pc) =	sbr.rel @!p1 .LBB2_15-.Ltmp1, $4  }
0x4b: {  	[hbm4b:s19+s3] =	stream.linear.scatter [tilespmem:s28], [sflag:$0x3], $0x4000, $0x38;
	[tilespmem:$0x1E000] =	vst v63  }
0x4c: {  	_ =	swait.ge [sflag:s29], $0x4000  }
0x4d: {  	[sflag:s29] =	ssyncset.done $0x0  }
0x4e: {  	[sflag:s29] =	ssyncadd.s32 $0xFFFFC000  }
.LBB2_1:
0x4f: {  	s0 =	rddreg [dreg:$0x1]  }
0x50: {  	[tilespmem:s28], [sflag:$0x3] =	stream.linear.gather [hbm4b:s0+s3], $0x4000, $0x38;
	[tilespmem:$0x1E000] =	vst v63  }
0x51: {  	_ =	swait.ge [sflag:s29], $0x4000  }
0x52: {  	[sflag:s29] =	ssyncset.done $0x0  }
0x53: {  	[sflag:s29] =	ssyncadd.s32 $0xFFFFC000  }
0x54: {  	[spmem:s21] =	stream.linear.scatter [tilespmem:s28], [sflag:$0x3], $0x4000, $0x38;
	[tilespmem:$0x1E000] =	vst v63  }
0x55: {  	_ =	swait.ge [sflag:s29], $0x4000  }
0x56: {  	[sflag:s29] =	ssyncset.done $0x0  }
0x57: {  	[sflag:s29] =	ssyncadd.s32 $0xFFFFC000  }
0x58: {  	[spmem:s22] =	stream.linear.scatter [tilespmem:s28], [sflag:$0x3], $0x4000, $0x38;
	[tilespmem:$0x1E000] =	vst v63  }
0x59: {  	_ =	swait.ge [sflag:s29], $0x4000  }
0x5a: {  	[sflag:s29] =	ssyncset.done $0x0  }
0x5b: {  	[sflag:s29] =	ssyncadd.s32 $0xFFFFC000  }
0x5c: {  	[spmem:s23] =	stream.linear.scatter [tilespmem:s28], [sflag:$0x3], $0x4000, $0x38;
	[tilespmem:$0x1E000] =	vst v63  }
0x5d: {  	_ =	swait.ge [sflag:s29], $0x4000  }
0x5e: {  	[sflag:s29] =	ssyncset.done $0x0  }
0x5f: {  	[sflag:s29] =	ssyncadd.s32 $0xFFFFC000  }
0x60: {  	[spmem:s24] =	stream.linear.scatter [tilespmem:s28], [sflag:$0x3], $0x4000, $0x38;
	[tilespmem:$0x1E000] =	vst v63  }
0x61: {  	_ =	swait.ge [sflag:s29], $0x4000  }
0x62: {  	[sflag:s29] =	ssyncset.done $0x0  }
0x63: {  	[sflag:s29] =	ssyncadd.s32 $0xFFFFC000  }
0x64: {  	[spmem:s25] =	stream.linear.scatter [tilespmem:s28], [sflag:$0x3], $0x4000, $0x38;
	[tilespmem:$0x1E000] =	vst v63  }
.Ltmp2:
0x65: {  	_ =	swait.ge [sflag:s29], $0x4000;
	(pc) =	sbr.rel @!p0 .LBB2_2-.Ltmp2, $3  }
0x66: {  	[sflag:s29] =	ssyncset.done $0x0  }
0x67: {  	[sflag:s29] =	ssyncadd.s32 $0xFFFFC000  }
0x68: {  	[bflag:$0x0] =	sbarrier.arrive $0xFFFF;
	_ =	sdelay $0x1  }
0x69: {  	s0 =	rddreg [dreg:$0xc]  }
0x6a: {  	[tilespmem:s3], [sflag:$0x3] =	stream.linear.gather [hbm4b:s0+s3], $0x1000, $0x38;
	[tilespmem:$0x1E000] =	vst v63  }
0x6b: {  	_ =	swait.ge [sflag:s29], $0x1000  }
0x6c: {  	[sflag:s29] =	ssyncset.done $0x0  }
0x6d: {  	s5 =	simm.s32 $0x1000;
	[sflag:s29] =	ssyncadd.s32 $0xFFFFF000  }
0x6e: {  	[tilespmem:s5], [sflag:$0x3] =	stream.linear.gather [hbm4b:s13+s3], $0x1000, $0x38;
	[tilespmem:$0x1E000] =	vst v63  }
0x6f: {  	_ =	swait.ge [sflag:s29], $0x1000  }
0x70: {  	s12 =	simm.s32 $0x2;
	[sflag:s29] =	ssyncset.done $0x0  }
0x71: {  	s6 =	sand.u32 $0x1, s12;
	[sflag:s29] =	ssyncadd.s32 $0xFFFFF000  }
0x72: {  	[tilespmem:s28], [sflag:$0x1] =	stream.indirect.gather [hbm4b:s20+s30], $0x80, s3, s30, $0xb8;
	[tilespmem:$0x1E000] =	vst v63  }
0x73: {  	s4 =	sadd.s32 $0x1, s6  }
0x74: {  	[tilespmem:s31], [sflag:$0x2] =	stream.indirect.gather [hbm4b:s20+s30], $0x80, s30, s30, $0xb8;
	[tilespmem:$0x1E000] =	vst v63  }
0x75: {  	s2 =	simm.s32 $0x3;
	_ =	swait.ge [sflag:s4], $0x4000  }
0x76: {  	s8 =	simm.s32 $0x4;
	s7 =	sshll.u32 s6, $0xE;
	[sflag:s4] =	ssyncset.done $0x0  }
0x77: {  	p2 =	por $0x0, $0x0;
	s10 =	sor.u32 $0x2000, s7;
	[sflag:s4] =	ssyncadd.s32 $0xFFFFC000  }
0x78: {  	[spmem:s1] =	stream.indirect.scatter.add.f32 [tilespmem:s10], [sflag:$0x3], $0x80, s5, s30, $0xb8;
	[tilespmem:$0x1E000] =	vst v63  }
0x79: {  	s0 =	simm.s32 $0x100;
	s6 =	sand.u32 $0x1, s2;
	_ =	swait.ge [sflag:s29], $0x4000  }
0x7a: {  	s11 =	simm.s32 @!p2 $0x80;
	s9 =	sshll.u32 s6, $0xE;
	[sflag:s29] =	ssyncset.done $0x0  }
0x7b: {  	s7 =	simm.s32 $0x1080;
	s5 =	simm.s32 $0x180;
	[sflag:s29] =	ssyncadd.s32 $0xFFFFC000  }
.LBB2_12:
0x7c: {  	[tilespmem:s10], [sflag:s4] =	stream.indirect.gather @!p2 [hbm4b:s20+s11], $0x80, s0, s11, $0xb8;
	[tilespmem:$0x1E000] =	vst v63  }
0x7d: {  	s11 =	smov.u32 s2;
	s2 =	smov.u32 s8;
	s0 =	smov.u32 s5  }
0x7e: {  	s8 =	sadd.s32 $0x1, s8;
	s4 =	sadd.s32 $0x1, s6;
	s6 =	sand.u32 $0x1, s2  }
0x7f: {  	p1 =	sne.s32 s8, $0x22;
	s12 =	sshll.u32 s6, $0xE;
	_ =	swait.ge [sflag:s4], $0x4000  }
0x80: {  	[sflag:s4] =	ssyncset.done $0x0  }
.Ltmp3:
0x81: {  	s10 =	sor.u32 $0x2000, s9;
	[sflag:s4] =	ssyncadd.s32 $0xFFFFC000;
	(pc) =	sbr.rel @p1 .LBB2_12-.Ltmp3, $4  }
0x82: {  	[spmem:s1] =	stream.indirect.scatter.add.f32 [tilespmem:s10], [sflag:$0x3], $0x80, s7, s30, $0xb8;
	[tilespmem:$0x1E000] =	vst v63  }
0x83: {  	s9 =	smov.u32 s12;
	_ =	swait.ge [sflag:s29], $0x4000  }
0x84: {  	p2 =	sgt.u32 s11, $0x1F;
	s7 =	sadd.s32 $0x80, s7;
	[sflag:s29] =	ssyncset.done $0x0  }
0x85: {  	s5 =	sadd.s32 $0x80, s5;
	s11 =	simm.s32 @!p2 $0x80;
	[sflag:s29] =	ssyncadd.s32 $0xFFFFC000  }
.Ltmp4:
0x86: {  	_ = 	snop;
	(pc) =	sbr.rel .LBB2_13-.Ltmp4, $1  }
0x87: {  	_ =	sdelay $0x3  }
.LBB2_2:
0x88: {  	s0 =	rddreg [dreg:$0x4]  }
0x89: {  	[tilespmem:s3], [sflag:$0x3] =	stream.linear.gather [hbm4b:s0+s3], $0x1000, $0x38;
	[tilespmem:$0x1E000] =	vst v63  }
0x8a: {  	_ =	swait.ge [sflag:s29], $0x1000  }
0x8b: {  	[sflag:s29] =	ssyncset.done $0x0  }
0x8c: {  	s5 =	simm.s32 $0x1000;
	s11 =	rddreg [dreg:$0x5];
	[sflag:s29] =	ssyncadd.s32 $0xFFFFF000  }
0x8d: {  	[tilespmem:s5], [sflag:$0x3] =	stream.linear.gather [hbm4b:s11+s3], $0x1000, $0x38;
	[tilespmem:$0x1E000] =	vst v63  }
0x8e: {  	_ =	swait.ge [sflag:s29], $0x1000  }
0x8f: {  	s12 =	simm.s32 $0x2;
	[sflag:s29] =	ssyncset.done $0x0  }
0x90: {  	s6 =	sand.u32 $0x1, s12;
	[sflag:s29] =	ssyncadd.s32 $0xFFFFF000  }
0x91: {  	[tilespmem:s28], [sflag:$0x1] =	stream.indirect.gather [hbm4b:s20+s30], $0x80, s3, s30, $0xb8;
	[tilespmem:$0x1E000] =	vst v63  }
0x92: {  	s4 =	sadd.s32 $0x1, s6  }
0x93: {  	[tilespmem:s31], [sflag:$0x2] =	stream.indirect.gather [hbm4b:s20+s30], $0x80, s30, s30, $0xb8;
	[tilespmem:$0x1E000] =	vst v63  }
0x94: {  	s2 =	simm.s32 $0x3;
	_ =	swait.ge [sflag:s4], $0x4000  }
0x95: {  	s8 =	simm.s32 $0x4;
	s7 =	sshll.u32 s6, $0xE;
	[sflag:s4] =	ssyncset.done $0x0  }
0x96: {  	p2 =	por $0x0, $0x0;
	s10 =	sor.u32 $0x2000, s7;
	[sflag:s4] =	ssyncadd.s32 $0xFFFFC000  }
0x97: {  	[spmem:s1] =	stream.indirect.scatter.add.f32 [tilespmem:s10], [sflag:$0x3], $0x80, s5, s30, $0xb8;
	[tilespmem:$0x1E000] =	vst v63  }
0x98: {  	s0 =	simm.s32 $0x100;
	s6 =	sand.u32 $0x1, s2;
	_ =	swait.ge [sflag:s29], $0x4000  }
0x99: {  	s9 =	sshll.u32 s6, $0xE;
	s7 =	simm.s32 $0x1080;
	[sflag:s29] =	ssyncset.done $0x0  }
0x9a: {  	s11 =	simm.s32 @!p2 $0x80;
	s5 =	simm.s32 $0x180;
	[sflag:s29] =	ssyncadd.s32 $0xFFFFC000  }
.LBB2_3:
0x9b: {  	[tilespmem:s10], [sflag:s4] =	stream.indirect.gather @!p2 [hbm4b:s20+s11], $0x80, s0, s11, $0xb8;
	[tilespmem:$0x1E000] =	vst v63  }
0x9c: {  	s11 =	smov.u32 s2;
	s2 =	smov.u32 s8;
	s0 =	smov.u32 s5  }
0x9d: {  	s8 =	sadd.s32 $0x1, s8;
	s4 =	sadd.s32 $0x1, s6;
	s6 =	sand.u32 $0x1, s2  }
0x9e: {  	p1 =	sne.s32 s8, $0x22;
	s12 =	sshll.u32 s6, $0xE;
	_ =	swait.ge [sflag:s4], $0x4000  }
0x9f: {  	[sflag:s4] =	ssyncset.done $0x0  }
.Ltmp5:
0xa0: {  	s10 =	sor.u32 $0x2000, s9;
	[sflag:s4] =	ssyncadd.s32 $0xFFFFC000;
	(pc) =	sbr.rel @p1 .LBB2_3-.Ltmp5, $4  }
0xa1: {  	[spmem:s1] =	stream.indirect.scatter.add.f32 [tilespmem:s10], [sflag:$0x3], $0x80, s7, s30, $0xb8;
	[tilespmem:$0x1E000] =	vst v63  }
0xa2: {  	s9 =	smov.u32 s12;
	_ =	swait.ge [sflag:s29], $0x4000  }
0xa3: {  	p2 =	sgt.u32 s11, $0x1F;
	s7 =	sadd.s32 $0x80, s7;
	[sflag:s29] =	ssyncset.done $0x0  }
0xa4: {  	s5 =	sadd.s32 $0x80, s5;
	s11 =	simm.s32 @!p2 $0x80;
	[sflag:s29] =	ssyncadd.s32 $0xFFFFC000  }
0xa5: {  	[tilespmem:s10], [sflag:s4] =	stream.indirect.gather @!p2 [hbm4b:s20+s11], $0x80, s0, s11, $0xb8;
	[tilespmem:$0x1E000] =	vst v63  }
0xa6: {  	s0 =	sadd.s32 $0x1, s6  }
0xa7: {  	_ =	swait.ge [sflag:s0], $0x4000  }
0xa8: {  	[sflag:s0] =	ssyncset.done $0x0  }
0xa9: {  	s4 =	sor.u32 $0x2000, s9;
	[sflag:s0] =	ssyncadd.s32 $0xFFFFC000  }
0xaa: {  	[spmem:s1] =	stream.indirect.scatter.add.f32 [tilespmem:s4], [sflag:$0x3], $0x80, s7, s30, $0xb8;
	[tilespmem:$0x1E000] =	vst v63  }
0xab: {  	_ =	swait.ge [sflag:s29], $0x4000  }
0xac: {  	p1 =	sgt.u32 s2, $0x1F;
	[sflag:s29] =	ssyncset.done $0x0  }
0xad: {  	s2 =	simm.s32 @!p1 $0x80;
	[sflag:s29] =	ssyncadd.s32 $0xFFFFC000  }
0xae: {  	[tilespmem:s4], [sflag:s0] =	stream.indirect.gather @!p1 [hbm4b:s20+s2], $0x80, s5, s2, $0xb8;
	[tilespmem:$0x1E000] =	vst v63  }
0xaf: {  	s7 =	rddreg [dreg:$0x6]  }
0xb0: {  	[tilespmem:s3], [sflag:$0x3] =	stream.linear.gather [hbm4b:s7+s3], $0x1000, $0x38;
	[tilespmem:$0x1E000] =	vst v63  }
0xb1: {  	_ =	swait.ge [sflag:s29], $0x1000  }
0xb2: {  	[sflag:s29] =	ssyncset.done $0x0  }
0xb3: {  	s8 =	simm.s32 $0x1000;
	s9 =	rddreg [dreg:$0x7];
	[sflag:s29] =	ssyncadd.s32 $0xFFFFF000  }
0xb4: {  	[tilespmem:s8], [sflag:$0x3] =	stream.linear.gather [hbm4b:s9+s3], $0x1000, $0x38;
	[tilespmem:$0x1E000] =	vst v63  }
0xb5: {  	_ =	swait.ge [sflag:s29], $0x1000  }
0xb6: {  	s10 =	simm.s32 $0x2;
	[sflag:s29] =	ssyncset.done $0x0  }
0xb7: {  	s11 =	sand.u32 $0x1, s10;
	[sflag:s29] =	ssyncadd.s32 $0xFFFFF000  }
0xb8: {  	[tilespmem:s28], [sflag:$0x1] =	stream.indirect.gather [hbm4b:s20+s30], $0x80, s3, s30, $0xb8;
	[tilespmem:$0x1E000] =	vst v63  }
0xb9: {  	s4 =	sadd.s32 $0x1, s11  }
0xba: {  	[tilespmem:s31], [sflag:$0x2] =	stream.indirect.gather [hbm4b:s20+s30], $0x80, s30, s30, $0xb8;
	[tilespmem:$0x1E000] =	vst v63  }
0xbb: {  	s12 =	sshll.u32 s11, $0xE;
	_ =	swait.ge [sflag:s4], $0x4000  }
0xbc: {  	p2 =	por $0x0, $0x0;
	s10 =	sor.u32 $0x2000, s12;
	[sflag:s4] =	ssyncset.done $0x0  }
0xbd: {  	s0 =	simm.s32 $0x100;
	s2 =	simm.s32 $0x3;
	[sflag:s4] =	ssyncadd.s32 $0xFFFFC000  }
0xbe: {  	[spmem:s1] =	stream.indirect.scatter.add.f32 [tilespmem:s10], [sflag:$0x3], $0x80, s8, s30, $0xb8;
	[tilespmem:$0x1E000] =	vst v63  }
0xbf: {  	s11 =	simm.s32 @!p2 $0x80;
	s5 =	simm.s32 $0x180;
	_ =	swait.ge [sflag:s29], $0x4000  }
0xc0: {  	s6 =	sand.u32 $0x1, s2;
	s7 =	simm.s32 $0x1080;
	[sflag:s29] =	ssyncset.done $0x0  }
0xc1: {  	s9 =	sshll.u32 s6, $0xE;
	s8 =	simm.s32 $0x4;
	[sflag:s29] =	ssyncadd.s32 $0xFFFFC000  }
.LBB2_5:
0xc2: {  	[tilespmem:s10], [sflag:s4] =	stream.indirect.gather @!p2 [hbm4b:s20+s11], $0x80, s0, s11, $0xb8;
	[tilespmem:$0x1E000] =	vst v63  }
0xc3: {  	s11 =	smov.u32 s2;
	s2 =	smov.u32 s8;
	s0 =	smov.u32 s5  }
0xc4: {  	s8 =	sadd.s32 $0x1, s8;
	s4 =	sadd.s32 $0x1, s6;
	s6 =	sand.u32 $0x1, s2  }
0xc5: {  	p1 =	sne.s32 s8, $0x22;
	s12 =	sshll.u32 s6, $0xE;
	_ =	swait.ge [sflag:s4], $0x4000  }
0xc6: {  	[sflag:s4] =	ssyncset.done $0x0  }
.Ltmp6:
0xc7: {  	s10 =	sor.u32 $0x2000, s9;
	[sflag:s4] =	ssyncadd.s32 $0xFFFFC000;
	(pc) =	sbr.rel @p1 .LBB2_5-.Ltmp6, $4  }
0xc8: {  	[spmem:s1] =	stream.indirect.scatter.add.f32 [tilespmem:s10], [sflag:$0x3], $0x80, s7, s30, $0xb8;
	[tilespmem:$0x1E000] =	vst v63  }
0xc9: {  	s9 =	smov.u32 s12;
	_ =	swait.ge [sflag:s29], $0x4000  }
0xca: {  	p2 =	sgt.u32 s11, $0x1F;
	s7 =	sadd.s32 $0x80, s7;
	[sflag:s29] =	ssyncset.done $0x0  }
0xcb: {  	s5 =	sadd.s32 $0x80, s5;
	s11 =	simm.s32 @!p2 $0x80;
	[sflag:s29] =	ssyncadd.s32 $0xFFFFC000  }
0xcc: {  	[tilespmem:s10], [sflag:s4] =	stream.indirect.gather @!p2 [hbm4b:s20+s11], $0x80, s0, s11, $0xb8;
	[tilespmem:$0x1E000] =	vst v63  }
0xcd: {  	s0 =	sadd.s32 $0x1, s6  }
0xce: {  	_ =	swait.ge [sflag:s0], $0x4000  }
0xcf: {  	[sflag:s0] =	ssyncset.done $0x0  }
0xd0: {  	s4 =	sor.u32 $0x2000, s9;
	[sflag:s0] =	ssyncadd.s32 $0xFFFFC000  }
0xd1: {  	[spmem:s1] =	stream.indirect.scatter.add.f32 [tilespmem:s4], [sflag:$0x3], $0x80, s7, s30, $0xb8;
	[tilespmem:$0x1E000] =	vst v63  }
0xd2: {  	_ =	swait.ge [sflag:s29], $0x4000  }
0xd3: {  	p1 =	sgt.u32 s2, $0x1F;
	[sflag:s29] =	ssyncset.done $0x0  }
0xd4: {  	s2 =	simm.s32 @!p1 $0x80;
	[sflag:s29] =	ssyncadd.s32 $0xFFFFC000  }
0xd5: {  	[tilespmem:s4], [sflag:s0] =	stream.indirect.gather @!p1 [hbm4b:s20+s2], $0x80, s5, s2, $0xb8;
	[tilespmem:$0x1E000] =	vst v63  }
0xd6: {  	s7 =	rddreg [dreg:$0x8]  }
0xd7: {  	[tilespmem:s3], [sflag:$0x3] =	stream.linear.gather [hbm4b:s7+s3], $0x1000, $0x38;
	[tilespmem:$0x1E000] =	vst v63  }
0xd8: {  	_ =	swait.ge [sflag:s29], $0x1000  }
0xd9: {  	[sflag:s29] =	ssyncset.done $0x0  }
0xda: {  	s8 =	simm.s32 $0x1000;
	s9 =	rddreg [dreg:$0x9];
	[sflag:s29] =	ssyncadd.s32 $0xFFFFF000  }
0xdb: {  	[tilespmem:s8], [sflag:$0x3] =	stream.linear.gather [hbm4b:s9+s3], $0x1000, $0x38;
	[tilespmem:$0x1E000] =	vst v63  }
0xdc: {  	_ =	swait.ge [sflag:s29], $0x1000  }
0xdd: {  	s10 =	simm.s32 $0x2;
	[sflag:s29] =	ssyncset.done $0x0  }
0xde: {  	s11 =	sand.u32 $0x1, s10;
	[sflag:s29] =	ssyncadd.s32 $0xFFFFF000  }
0xdf: {  	[tilespmem:s28], [sflag:$0x1] =	stream.indirect.gather [hbm4b:s20+s30], $0x80, s3, s30, $0xb8;
	[tilespmem:$0x1E000] =	vst v63  }
0xe0: {  	s4 =	sadd.s32 $0x1, s11  }
0xe1: {  	[tilespmem:s31], [sflag:$0x2] =	stream.indirect.gather [hbm4b:s20+s30], $0x80, s30, s30, $0xb8;
	[tilespmem:$0x1E000] =	vst v63  }
0xe2: {  	s12 =	sshll.u32 s11, $0xE;
	_ =	swait.ge [sflag:s4], $0x4000  }
0xe3: {  	p2 =	por $0x0, $0x0;
	s10 =	sor.u32 $0x2000, s12;
	[sflag:s4] =	ssyncset.done $0x0  }
0xe4: {  	s0 =	simm.s32 $0x100;
	s2 =	simm.s32 $0x3;
	[sflag:s4] =	ssyncadd.s32 $0xFFFFC000  }
0xe5: {  	[spmem:s1] =	stream.indirect.scatter.add.f32 [tilespmem:s10], [sflag:$0x3], $0x80, s8, s30, $0xb8;
	[tilespmem:$0x1E000] =	vst v63  }
0xe6: {  	s11 =	simm.s32 @!p2 $0x80;
	s5 =	simm.s32 $0x180;
	_ =	swait.ge [sflag:s29], $0x4000  }
0xe7: {  	s6 =	sand.u32 $0x1, s2;
	s7 =	simm.s32 $0x1080;
	[sflag:s29] =	ssyncset.done $0x0  }
0xe8: {  	s9 =	sshll.u32 s6, $0xE;
	s8 =	simm.s32 $0x4;
	[sflag:s29] =	ssyncadd.s32 $0xFFFFC000  }
.LBB2_7:
0xe9: {  	[tilespmem:s10], [sflag:s4] =	stream.indirect.gather @!p2 [hbm4b:s20+s11], $0x80, s0, s11, $0xb8;
	[tilespmem:$0x1E000] =	vst v63  }
0xea: {  	s11 =	smov.u32 s2;
	s2 =	smov.u32 s8;
	s0 =	smov.u32 s5  }
0xeb: {  	s8 =	sadd.s32 $0x1, s8;
	s4 =	sadd.s32 $0x1, s6;
	s6 =	sand.u32 $0x1, s2  }
0xec: {  	p1 =	sne.s32 s8, $0x22;
	s12 =	sshll.u32 s6, $0xE;
	_ =	swait.ge [sflag:s4], $0x4000  }
0xed: {  	[sflag:s4] =	ssyncset.done $0x0  }
.Ltmp7:
0xee: {  	s10 =	sor.u32 $0x2000, s9;
	[sflag:s4] =	ssyncadd.s32 $0xFFFFC000;
	(pc) =	sbr.rel @p1 .LBB2_7-.Ltmp7, $4  }
0xef: {  	[spmem:s1] =	stream.indirect.scatter.add.f32 [tilespmem:s10], [sflag:$0x3], $0x80, s7, s30, $0xb8;
	[tilespmem:$0x1E000] =	vst v63  }
0xf0: {  	s9 =	smov.u32 s12;
	_ =	swait.ge [sflag:s29], $0x4000  }
0xf1: {  	p2 =	sgt.u32 s11, $0x1F;
	s7 =	sadd.s32 $0x80, s7;
	[sflag:s29] =	ssyncset.done $0x0  }
0xf2: {  	s5 =	sadd.s32 $0x80, s5;
	s11 =	simm.s32 @!p2 $0x80;
	[sflag:s29] =	ssyncadd.s32 $0xFFFFC000  }
0xf3: {  	[tilespmem:s10], [sflag:s4] =	stream.indirect.gather @!p2 [hbm4b:s20+s11], $0x80, s0, s11, $0xb8;
	[tilespmem:$0x1E000] =	vst v63  }
0xf4: {  	s0 =	sadd.s32 $0x1, s6  }
0xf5: {  	_ =	swait.ge [sflag:s0], $0x4000  }
0xf6: {  	[sflag:s0] =	ssyncset.done $0x0  }
0xf7: {  	s4 =	sor.u32 $0x2000, s9;
	[sflag:s0] =	ssyncadd.s32 $0xFFFFC000  }
0xf8: {  	[spmem:s1] =	stream.indirect.scatter.add.f32 [tilespmem:s4], [sflag:$0x3], $0x80, s7, s30, $0xb8;
	[tilespmem:$0x1E000] =	vst v63  }
0xf9: {  	_ =	swait.ge [sflag:s29], $0x4000  }
0xfa: {  	p1 =	sgt.u32 s2, $0x1F;
	[sflag:s29] =	ssyncset.done $0x0  }
0xfb: {  	s2 =	simm.s32 @!p1 $0x80;
	[sflag:s29] =	ssyncadd.s32 $0xFFFFC000  }
0xfc: {  	[tilespmem:s4], [sflag:s0] =	stream.indirect.gather @!p1 [hbm4b:s20+s2], $0x80, s5, s2, $0xb8;
	[tilespmem:$0x1E000] =	vst v63  }
0xfd: {  	s7 =	rddreg [dreg:$0xa]  }
0xfe: {  	[tilespmem:s3], [sflag:$0x3] =	stream.linear.gather [hbm4b:s7+s3], $0x1000, $0x38;
	[tilespmem:$0x1E000] =	vst v63  }
0xff: {  	_ =	swait.ge [sflag:s29], $0x1000  }
0x100: {  	[sflag:s29] =	ssyncset.done $0x0  }
0x101: {  	s8 =	simm.s32 $0x1000;
	s9 =	rddreg [dreg:$0xb];
	[sflag:s29] =	ssyncadd.s32 $0xFFFFF000  }
0x102: {  	[tilespmem:s8], [sflag:$0x3] =	stream.linear.gather [hbm4b:s9+s3], $0x1000, $0x38;
	[tilespmem:$0x1E000] =	vst v63  }
0x103: {  	_ =	swait.ge [sflag:s29], $0x1000  }
0x104: {  	s10 =	simm.s32 $0x2;
	[sflag:s29] =	ssyncset.done $0x0  }
0x105: {  	s11 =	sand.u32 $0x1, s10;
	[sflag:s29] =	ssyncadd.s32 $0xFFFFF000  }
0x106: {  	[tilespmem:s28], [sflag:$0x1] =	stream.indirect.gather [hbm4b:s20+s30], $0x80, s3, s30, $0xb8;
	[tilespmem:$0x1E000] =	vst v63  }
0x107: {  	s4 =	sadd.s32 $0x1, s11  }
0x108: {  	[tilespmem:s31], [sflag:$0x2] =	stream.indirect.gather [hbm4b:s20+s30], $0x80, s30, s30, $0xb8;
	[tilespmem:$0x1E000] =	vst v63  }
0x109: {  	s12 =	sshll.u32 s11, $0xE;
	_ =	swait.ge [sflag:s4], $0x4000  }
0x10a: {  	p2 =	por $0x0, $0x0;
	s10 =	sor.u32 $0x2000, s12;
	[sflag:s4] =	ssyncset.done $0x0  }
0x10b: {  	s0 =	simm.s32 $0x100;
	s2 =	simm.s32 $0x3;
	[sflag:s4] =	ssyncadd.s32 $0xFFFFC000  }
0x10c: {  	[spmem:s1] =	stream.indirect.scatter.add.f32 [tilespmem:s10], [sflag:$0x3], $0x80, s8, s30, $0xb8;
	[tilespmem:$0x1E000] =	vst v63  }
0x10d: {  	s11 =	simm.s32 @!p2 $0x80;
	s5 =	simm.s32 $0x180;
	_ =	swait.ge [sflag:s29], $0x4000  }
0x10e: {  	s6 =	sand.u32 $0x1, s2;
	s7 =	simm.s32 $0x1080;
	[sflag:s29] =	ssyncset.done $0x0  }
0x10f: {  	s9 =	sshll.u32 s6, $0xE;
	s8 =	simm.s32 $0x4;
	[sflag:s29] =	ssyncadd.s32 $0xFFFFC000  }
.LBB2_9:
0x110: {  	[tilespmem:s10], [sflag:s4] =	stream.indirect.gather @!p2 [hbm4b:s20+s11], $0x80, s0, s11, $0xb8;
	[tilespmem:$0x1E000] =	vst v63  }
0x111: {  	s11 =	smov.u32 s2;
	s2 =	smov.u32 s8;
	s0 =	smov.u32 s5  }
0x112: {  	s8 =	sadd.s32 $0x1, s8;
	s4 =	sadd.s32 $0x1, s6;
	s6 =	sand.u32 $0x1, s2  }
0x113: {  	p1 =	seq.s32 s8, $0x22;
	s12 =	sshll.u32 s6, $0xE;
	_ =	swait.ge [sflag:s4], $0x4000  }
0x114: {  	[sflag:s4] =	ssyncset.done $0x0  }
.Ltmp8:
0x115: {  	s10 =	sor.u32 $0x2000, s9;
	[sflag:s4] =	ssyncadd.s32 $0xFFFFC000;
	(pc) =	sbr.rel @!p1 .LBB2_9-.Ltmp8, $4  }
0x116: {  	[spmem:s1] =	stream.indirect.scatter.add.f32 [tilespmem:s10], [sflag:$0x3], $0x80, s7, s30, $0xb8;
	[tilespmem:$0x1E000] =	vst v63  }
0x117: {  	s9 =	smov.u32 s12;
	_ =	swait.ge [sflag:s29], $0x4000  }
0x118: {  	p2 =	sgt.u32 s11, $0x1F;
	s7 =	sadd.s32 $0x80, s7;
	[sflag:s29] =	ssyncset.done $0x0  }
0x119: {  	s5 =	sadd.s32 $0x80, s5;
	s11 =	simm.s32 @!p2 $0x80;
	[sflag:s29] =	ssyncadd.s32 $0xFFFFC000  }
0x11a: {  	[tilespmem:s10], [sflag:s4] =	stream.indirect.gather @!p2 [hbm4b:s20+s11], $0x80, s0, s11, $0xb8;
	[tilespmem:$0x1E000] =	vst v63  }
0x11b: {  	s0 =	sadd.s32 $0x1, s6  }
0x11c: {  	_ =	swait.ge [sflag:s0], $0x4000  }
0x11d: {  	[sflag:s0] =	ssyncset.done $0x0  }
0x11e: {  	s4 =	sor.u32 $0x2000, s9;
	[sflag:s0] =	ssyncadd.s32 $0xFFFFC000  }
0x11f: {  	[spmem:s1] =	stream.indirect.scatter.add.f32 [tilespmem:s4], [sflag:$0x3], $0x80, s7, s30, $0xb8;
	[tilespmem:$0x1E000] =	vst v63  }
.Ltmp9:
0x120: {  	_ = 	snop;
	(pc) =	sbr.rel .LBB2_14-.Ltmp9, $4  }
0x121: {  	_ =	swait.ge [sflag:s29], $0x4000  }
0x122: {  	p1 =	sgt.u32 s2, $0x1F;
	[sflag:s29] =	ssyncset.done $0x0  }
0x123: {  	s2 =	simm.s32 @!p1 $0x80;
	[sflag:s29] =	ssyncadd.s32 $0xFFFFC000  }
0x124: {  	[tilespmem:s4], [sflag:s0] =	stream.indirect.gather @!p1 [hbm4b:s20+s2], $0x80, s5, s2, $0xb8;
	[tilespmem:$0x1E000] =	vst v63  }
.LBB2_15:
0x125: {  	_ =	sfence.sel $0x180000  }
0x126: {  	[bflag:$0x0] =	sbarrier.arrive $0xFFFF  }
0x127: {  	_ =	strace $0x9000004A  }
0x128: {  	s0 =	stileid.u32;
	[bflag:$0x2] =	sbarrier.arrive $0xFFFF  }
0x129: {  	p0 =	sne.s32 s0, $0x0;
	s0 =	rddreg [dreg:$0x3]  }
0x12a: {  	s0 =	sadd.s32 @!p0 $0x100000, s0  }
0x12b: {  	[sflag:s0] =	ssyncadd.tile.s32 @!p0 $0x1;
	_ =	shalt  }
.Lfunc_end2:
_tile_overlayer_lowered:
.L_overlay_start_2:
0x12c: {  	(tag) =	ssettag $0x2  }
0x12d: {  	s0 =	rddreg [dreg:$0x0];
	s2 =	stileid.u32  }
0x12e: {  	s1 =	rddreg [dreg:$0x1];
	p0 =	sne.s32 s2, $0x0  }
0x12f: {  	s3 =	rddreg [dreg:$0x2];
	[bflag:$0x3] =	sbarrier.arrive $0xFFFF;
	s2 =	simm.s32 @!p0 $0x1C03  }
0x130: {  	[timem:s3], [sflag:s2] =	dma.local @!p0 [hbm:s0], s1  }
0x131: {  	s0 =	simm.s32 @!p0 $0x3  }
0x132: {  	_ =	swait.ge @!p0 [sflag:s0], s1  }
0x133: {  	s1 =	ssub.s32 @!p0 $0x0, s1;
	[sflag:s0] =	ssyncset.done @!p0 $0x0  }
0x134: {  	[sflag:s0] =	ssyncadd.s32 @!p0 s1  }
0x135: {  	[bflag:$0x3] =	sbarrier.arrive $0xFFFF  }
0x136: {  	_ =	shalt  }

// kernel: kernel.15.cloned.1.call-start
scs
__scs_entry_jumppad:
0x0: {  	(pc) =	sbr.rel $0x88, $3  }
0x1: {  	(tag) =	ssettag $0x0;
	lr =	simm.s32 $0x1  }
0x2: {  	[smem:$0x3F99] =	sst lr;
	_ =	strace $0xD0000000  }
0x3: {  	_ = 	snop  }
0x4: {  	_ = 	snop  }
0x5: {  	_ = 	snop  }
0x6: {  	_ = 	snop  }
0x7: {  	_ = 	snop  }
__scs_overlays_trampoline_lowered:
0x8: {  	[smem:$0x3FA8] =	sst s0  }
0x9: {  	[smem:$0x3FA9] =	sst s1  }
0xa: {  	[smem:$0x3FAA] =	sst s2  }
0xb: {  	[smem:$0x3FAB] =	sst s3  }
0xc: {  	[smem:$0x3FAC] =	sst s4  }
0xd: {  	[smem:$0x3FAD] =	sst s5  }
0xe: {  	[smem:$0x3FAE] =	sst s6  }
0xf: {  	[smem:$0x3FAF] =	sst s7  }
0x10: {  	[smem:$0x3FB0] =	sst s8  }
0x11: {  	[smem:$0x3FB1] =	sst s9;
	s0 =	simm.s32 @!p0 $0x0  }
0x12: {  	s1 =	sld [smem:$0x3F97];
	s0 =	simm.s32 @p0 $0x1  }
0x13: {  	[smem:$0x3FB2] =	sst s0;
	s0 =	simm.s32 @!p1 $0x0  }
0x14: {  	s2 =	sld [smem:$0x3F96];
	s0 =	simm.s32 @p1 $0x1  }
0x15: {  	[smem:$0x3FB3] =	sst s0;
	s0 =	simm.s32 @!p2 $0x0  }
0x16: {  	s3 =	sld [smem:$0x3FDB];
	s0 =	simm.s32 @p2 $0x1  }
0x17: {  	s4 =	simm.s32 $0x1BF5;
	[smem:$0x3FB5] =	sst s0  }
0x18: {  	s0 =	sld [smem:$0x3F98];
	_ =	swait.ge [sflag:s4], $0x0  }
0x19: {  	s7 =	sld [smem:$0x3F99]  }
0x1a: {  	s8 =	sadd.s32 $0xFFFFE003, lr  }
0x1b: {  	s9 =	sadd.s32 $0xFFFFFEF7, lr;
	s5 =	simm.s32 $0xFFFFFFFF;
	p2 =	slt.u32 s8, $0xFFFFF086  }
0x1c: {  	p1 =	slt.u32 s9, $0xF7A;
	s5 =	simm.s32 @!p2 $0x0  }
0x1d: {  	s5 =	simm.s32 @p1 $0x1;
	p0 =	seq.s32 s7, s2  }
0x1e: {  	s7 =	smul.u32 @!p0 $0xF7A, s2;
	p2 =	seq.s32 @!p0 s5, $0x0  }
0x1f: {  	s9 =	smul.u32 $0xF7A, s1;
	s8 =	simm.s32 @!p0 $0x1BF5;
	p2 =	por !p2, p0  }
0x20: {  	[sflag:s8] =	ssyncset.s32 @!p0 $0xFFFFF086;
	s6 =	sadd.s32 @!p0 s3, s7;
	s7 =	simm.s32 @!p0 $0x108  }
0x21: {  	s3 =	sadd.s32 s3, s9;
	s6 =	sadd.s32 @!p0 $0x88, s6;
	s7 =	simm.s32 @p2 $0x1082  }
0x22: {  	[simem:s7], [sflag:s8] =	dma.local @!p0 [hbm:s6], $0xF7A  }
0x23: {  	s9 =	sor.u32 $0xD0000000, s2;
	s6 =	simm.s32 $0x108;
	_ =	swait.ge @!p0 [sflag:s8], $0x0  }
0x24: {  	s3 =	sadd.s32 $0x88, s3;
	s6 =	simm.s32 @!p1 $0x1082;
	[sflag:s4] =	ssyncset.s32 $0xFFFFF086  }
0x25: {  	[simem:s6], [sflag:s4] =	dma.local [hbm:s3], $0xF7A  }
0x26: {  	[smem:$0x3F99] =	sst s1;
	(tag) =	ssettag s2;
	_ =	strace s9  }
0x27: {  	s1 =	sld [smem:$0x3FA9]  }
0x28: {  	s2 =	sld [smem:$0x3FAA]  }
0x29: {  	s4 =	sld [smem:$0x3FAC]  }
0x2a: {  	p0 =	seq.s32 s5, $0x0;
	s5 =	sld [smem:$0x3FAD]  }
0x2b: {  	s6 =	sld [smem:$0x3FAE]  }
0x2c: {  	s7 =	sld [smem:$0x3FAF]  }
0x2d: {  	s3 =	simm.s32 $0x108;
	s8 =	sld [smem:$0x3FB0]  }
0x2e: {  	s3 =	simm.s32 @!p0 $0x1082;
	s9 =	sld [smem:$0x3FB1]  }
0x2f: {  	lr =	sadd.s32 s0, s3;
	s0 =	sld [smem:$0x3FA8]  }
0x30: {  	s3 =	sld [smem:$0x3FAB]  }
0x31: {  	[smem:$0x3FB4] =	sst s10  }
0x32: {  	s10 =	sld [smem:$0x3FB2];
	_ =	sdelay $0x3  }
0x33: {  	p0 =	seq.s32 s10, $0x1;
	s10 =	sld [smem:$0x3FB4];
	_ =	sdelay $0x3  }
0x34: {  	[smem:$0x3FB4] =	sst s10  }
0x35: {  	s10 =	sld [smem:$0x3FB3];
	_ =	sdelay $0x3  }
0x36: {  	p1 =	seq.s32 s10, $0x1;
	s10 =	sld [smem:$0x3FB4];
	_ =	sdelay $0x3  }
0x37: {  	[smem:$0x3FB4] =	sst s10  }
0x38: {  	s10 =	sld [smem:$0x3FB5]  }
0x39: {  	_ = 	snop;
	(pc) =	sbr.ind lr, $3  }
0x3a: {  	_ = 	snop  }
0x3b: {  	_ = 	snop  }
0x3c: {  	p2 =	seq.s32 s10, $0x1;
	s10 =	sld [smem:$0x3FB4]  }
0x3d: {  	_ =	shalt  }
0x3e: {  	_ =	shalt  }
0x3f: {  	_ =	shalt  }
0x40: {  	_ =	shalt  }
0x41: {  	_ =	shalt  }
0x42: {  	_ =	shalt  }
0x43: {  	_ =	shalt  }
0x44: {  	_ =	shalt  }
0x45: {  	_ =	shalt  }
0x46: {  	_ =	shalt  }
0x47: {  	_ =	shalt  }
0x48: {  	_ =	shalt  }
0x49: {  	_ =	shalt  }
0x4a: {  	_ =	shalt  }
0x4b: {  	_ =	shalt  }
0x4c: {  	_ =	shalt  }
0x4d: {  	_ =	shalt  }
0x4e: {  	_ =	shalt  }
0x4f: {  	_ =	shalt  }
0x50: {  	_ =	shalt  }
0x51: {  	_ =	shalt  }
0x52: {  	_ =	shalt  }
0x53: {  	_ =	shalt  }
0x54: {  	_ =	shalt  }
0x55: {  	_ =	shalt  }
0x56: {  	_ =	shalt  }
0x57: {  	_ =	shalt  }
0x58: {  	_ =	shalt  }
0x59: {  	_ =	shalt  }
0x5a: {  	_ =	shalt  }
0x5b: {  	_ =	shalt  }
0x5c: {  	_ =	shalt  }
0x5d: {  	_ =	shalt  }
0x5e: {  	_ =	shalt  }
0x5f: {  	_ =	shalt  }
0x60: {  	_ =	shalt  }
0x61: {  	_ =	shalt  }
0x62: {  	_ =	shalt  }
0x63: {  	_ =	shalt  }
0x64: {  	_ =	shalt  }
0x65: {  	_ =	shalt  }
0x66: {  	_ =	shalt  }
0x67: {  	_ =	shalt  }
0x68: {  	_ =	shalt  }
0x69: {  	_ =	shalt  }
0x6a: {  	_ =	shalt  }
0x6b: {  	_ =	shalt  }
0x6c: {  	_ =	shalt  }
0x6d: {  	_ =	shalt  }
0x6e: {  	_ =	shalt  }
0x6f: {  	_ =	shalt  }
0x70: {  	_ =	shalt  }
0x71: {  	_ =	shalt  }
0x72: {  	_ =	shalt  }
0x73: {  	_ =	shalt  }
0x74: {  	_ =	shalt  }
0x75: {  	_ =	shalt  }
0x76: {  	_ =	shalt  }
0x77: {  	_ =	shalt  }
0x78: {  	_ =	shalt  }
0x79: {  	_ =	shalt  }
0x7a: {  	_ =	shalt  }
0x7b: {  	_ =	shalt  }
0x7c: {  	_ =	shalt  }
0x7d: {  	_ =	shalt  }
0x7e: {  	_ =	shalt  }
0x7f: {  	_ =	shalt  }
0x80: {  	_ =	shalt  }
0x81: {  	_ =	shalt  }
0x82: {  	_ =	shalt  }
0x83: {  	_ =	shalt  }
0x84: {  	_ =	shalt  }
0x85: {  	_ =	shalt  }
0x86: {  	_ =	shalt  }
0x87: {  	_ =	shalt  }
.Lfunc_end0:
.L_simem_size_0:
called_computation.2_lowered:
.L_overlay_start_0:
0x88: {  	s2 =	sld [smem:$0x3FD9]  }
0x89: {  	s3 =	sld [smem:$0x3FFE];
	_ =	sdelay $0x1  }
0x8a: {  	s1 =	srdreg.scid  }
0x8b: {  	s0 =	sand.u32 $0x1, s1  }
0x8c: {  	s14 =	sshll.u32 s0, $0xA;
	s2 =	sadd.s32 s3, s2  }
0x8d: {  	s2 =	sadd.s32 s2, s14  }
0x8e: {  	[smem:$0x3FC0] =	sst s2  }
0x8f: {  	_ = 	snop  }
0x90: {  	s2 =	sld [smem:$0x3FD0];
	_ =	sdelay $0x2  }
0x91: {  	s15 =	simm.s32 $0xA;
	s4 =	simm.s32 $0x10  }
0x92: {  	[smem:s4], [sflag:s15] =	dma.local [hbm:s2], $0x1  }
0x93: {  	_ =	swait.eq [sflag:s15], $0x1  }
0x94: {  	[sflag:s15] =	ssyncset.done $0x0  }
0x95: {  	[sflag:s15] =	ssyncadd.s32 $0xFFFFFFFF  }
0x96: {  	s16 =	sld [smem:$0x11];
	(tm) =	ssettm $0x1  }
0x97: {  	s17 =	sld [smem:$0x3FFB];
	_ =	sdelay $0x3  }
0x98: {  	_ =	strace s17  }
0x99: {  	s3 =	sld [smem:$0x3FFC];
	_ =	sdelay $0x3  }
0x9a: {  	_ =	strace s3  }
0x9b: {  	s3 =	sld [smem:$0x3FFD];
	_ =	sdelay $0x3  }
0x9c: {  	_ =	strace s3  }
0x9d: {  	_ =	strace $0x8FFFFFFF  }
0x9e: {  	s18 =	sld [smem:$0x3FDB];
	_ =	sdelay $0x1  }
0x9f: {  	s19 =	simm.s32 $_scs_section_size  }
0xa0: {  	s5 =	simm.s32 $_size__tile_overlayer_lowered;
	s6 =	simm.s32 $_tile_overlayer_lowered  }
0xa1: {  	s22 =	simm.s32 $0x1BFF;
	s21 =	sshll.u32 s6, $0x1;
	s3 =	sadd.s32 s19, s18  }
0xa2: {  	s7 =	simm.s32 $0x0;
	s20 =	sshll.u32 s5, $0x1;
	s5 =	sadd.s32 s21, s3  }
0xa3: {  	[timem:s7], [sflag:s22] =	dma.local [hbm:s5], s20  }
0xa4: {  	_ =	swait.ge [sflag:s22], s20  }
0xa5: {  	s4 =	ssub.s32 $0x0, s20;
	[sflag:s22] =	ssyncset.done $0x0  }
0xa6: {  	[sflag:s22] =	ssyncadd.s32 s4;
	_ =	sdelay $0x1  }
0xa7: {  	s23 =	simm.s32 $0x1B8B  }
0xa8: {  	_ =	swait.ge [sflag:s23], $0x1  }
0xa9: {  	[sflag:s23] =	ssyncset.done $0x0  }
0xaa: {  	s25 =	simm.s32 $0x1B8E;
	s24 =	sld [smem:$0x3FFE];
	[sflag:s23] =	ssyncadd.s32 $0xFFFFFFFF  }
0xab: {  	s26 =	simm.s32 $execute0_lowered;
	[smem:$0x3FD2] =	sst s25  }
0xac: {  	s5 =	sshll.u32 s26, $0x1;
	_ =	strace $0x8000004C;
	[dreg:$0x1] =	wrdreg $0xFFFFFFFF  }
0xad: {  	s28 =	simm.s32 $_size_execute0_lowered;
	s3 =	sadd.s32 s3, s5;
	[dreg:$0x0] =	wrdreg $0x0  }
0xae: {  	s5 =	sshll.u32 s28, $0x1;
	[dreg:$0x2] =	wrdreg s3  }
0xaf: {  	[dreg:$0x3] =	wrdreg s5  }
0xb0: {  	[dreg:$0x4] =	wrdreg $0xC0  }
0xb1: {  	_ =	task [dreg:s7], $0x5FFFF  }
0xb2: {  	[dreg:$0x1] =	wrdreg $0xFFFFFFFF  }
0xb3: {  	[dreg:$0x0] =	wrdreg $0x60  }
0xb4: {  	[dreg:$0x2] =	wrdreg s24  }
0xb5: {  	[dreg:$0x3] =	wrdreg s16  }
0xb6: {  	[dreg:$0x4] =	wrdreg $0xA0000  }
0xb7: {  	[dreg:$0x5] =	wrdreg $0x9  }
0xb8: {  	_ =	task.clear_ibuf [dreg:s7], $0x6FFFF;
	_ =	strace $0x9000004C  }
0xb9: {  	s29 =	simm.s32 $0x9;
	_ =	strace $0x8000004E  }
0xba: {  	_ =	swait.ge [sflag:s29], $0x1  }
0xbb: {  	[sflag:s29] =	ssyncadd.s32 $0xFFFFFFFF  }
0xbc: {  	_ =	strace $0x9000004E  }
0xbd: {  	_ =	sfence  }
0xbe: {  	s30 =	sld [smem:$0x0];
	_ =	sdelay $0x2  }
0xbf: {  	s31 =	sshll.u32 s1, $0xD;
	s1 =	sshrl.u32 s1, $0x2  }
0xc0: {  	s3 =	sand.u32 $0x4000, s31;
	s1 =	sadd.s32 s1, s30  }
0xc1: {  	s0 =	sor.u32 s3, s0;
	s1 =	sshll.u32 s1, $0x11  }
0xc2: {  	s0 =	sor.u32 s1, s0  }
0xc3: {  	s0 =	sadd.s32 $0x8F2B, s0  }
0xc4: {  	[sflag:s0] =	ssyncadd.remote.s32 $0x1  }
0xc5: {  	_ =	sfence.sel $0xFFFF  }
0xc6: {  	[dreg:$0x0] =	wrdreg $0xFFFFFFFF;
	(pc) =	sbr.abs _section_cstart, $3  }
0xc7: {  	[dreg:$0x1] =	wrdreg $0xFFFFFFFF  }
0xc8: {  	_ =	task.clear_ibuf [dreg:s7], $0x2FFFF;
	_ =	strace $0x9FFFFFFF  }
0xc9: {  	(tm) =	ssettm $0x7FFFFFFF  }
tec
execute0_lowered:
.L_overlay_start_1:
0x0: {  	(tag) =	ssettag $0x1  }
0x1: {  	s0 =	rddreg [dreg:$0x0]  }
0x2: {  	s1 =	rddreg [dreg:$0x2]  }
0x3: {  	s3 =	simm.s32 $0x0;
	s2 =	srdreg.scid;
	s18 =	stileid.u32  }
0x4: {  	s28 =	simm.s32 $0x2000;
	s29 =	simm.s32 $0x3;
	s30 =	simm.s32 $0x80  }
0x5: {  	s31 =	simm.s32 $0x6000;
	[smem:$0x7FF] =	sst s3;
	s7 =	smul.u32 $0x14000, s18  }
0x6: {  	s4 =	sadd.s32 $0x2800, s0;
	s2 =	sand.u32 $0x1, s2;
	s10 =	smul.u32 $0xA00, s18  }
0x7: {  	s5 =	sadd.s32 $0xD200, s0;
	s8 =	sadd.s32 $0x3FC00, s0;
	s11 =	smul.u32 $0x5000, s18  }
0x8: {  	s6 =	ssub.s32 $0x2, s2;
	p0 =	seq.s32 s2, $0x1;
	s2 =	smul.u32 $0x140000, s2  }
0x9: {  	s9 =	sshrl.u32 s6, $0x1;
	s17 =	sadd.s32 $0x8000, s7;
	s24 =	sadd.s32 $0xC000, s7  }
0xa: {  	s25 =	sadd.s32 $0x10000, s7;
	s12 =	sadd.s32 s4, s10;
	s11 =	sshrl.u32 s11, $0x3  }
0xb: {  	s10 =	sadd.s32 s5, s10;
	s6 =	ssub.s32 s6, s9;
	[dreg:$0x4] =	wrdreg s12  }
0xc: {  	s9 =	sadd.s32 $0x4000, s7;
	[dreg:$0x5] =	wrdreg s10;
	s20 =	sadd.s32 $0x200, s11  }
0xd: {  	s21 =	sadd.s32 $0x400, s11;
	s26 =	sadd.s32 $0x600, s11;
	s13 =	sadd.s32 s4, s20  }
0xe: {  	s14 =	sadd.s32 $0x800, s11;
	s10 =	sadd.s32 s5, s20;
	[dreg:$0x6] =	wrdreg s13  }
0xf: {  	s15 =	sadd.s32 s7, s2;
	s22 =	sadd.s32 s4, s21;
	[dreg:$0x7] =	wrdreg s10  }
0x10: {  	s19 =	sadd.s32 s2, s17;
	s23 =	sadd.s32 s5, s21;
	[dreg:$0x8] =	wrdreg s22  }
0x11: {  	s16 =	sadd.s32 s2, s9;
	s21 =	sshrl.u32 s19, $0x3;
	[dreg:$0x9] =	wrdreg s23  }
0x12: {  	s13 =	sadd.s32 s4, s26;
	s10 =	sadd.s32 s5, s26;
	s4 =	sadd.s32 s4, s14  }
0x13: {  	s20 =	sshrl.u32 s16, $0x3;
	s16 =	sadd.s32 s8, s21;
	s22 =	sadd.s32 s2, s24  }
0x14: {  	s2 =	sadd.s32 s2, s25;
	s23 =	smul.u32 $0x50000, s18;
	[dreg:$0xa] =	wrdreg s13  }
0x15: {  	s24 =	sadd.s32 s24, s1;
	s25 =	sadd.s32 s25, s1;
	[dreg:$0xb] =	wrdreg s10  }
0x16: {  	[dreg:$0xc] =	wrdreg s4;
	s13 =	sadd.s32 s5, s14;
	s4 =	sshrl.u32 s15, $0x3  }
.Ltmp0:
0x17: {  	s15 =	sadd.s32 s8, s20;
	s2 =	sshrl.u32 s2, $0x3;
	(pc) =	sbr.rel .LBB2_1-.Ltmp0, $4  }
0x18: {  	s20 =	sadd.s32 $0x17C00, s0;
	s14 =	sadd.s32 s8, s4;
	s4 =	sshrl.u32 s22, $0x3  }
0x19: {  	s19 =	sadd.s32 s8, s2;
	_ =	strace $0x8000004D;
	s26 =	sshrl.u32 s23, $0x2  }
0x1a: {  	s22 =	sadd.s32 s9, s1;
	s23 =	sadd.s32 s17, s1;
	s17 =	simm.s32 $0x0  }
0x1b: {  	s18 =	sadd.s32 s8, s4;
	s21 =	sadd.s32 s26, s1;
	s26 =	smax.u32 s6, $0x1  }
.LBB2_13:
0x1c: {  	[tilespmem:s10], [sflag:s4] =	stream.indirect.gather @!p2 [hbm4b:s20+s11], $0x80, s0, s11, $0xb8;
	[tilespmem:$0x1E000] =	vst v63  }
0x1d: {  	s0 =	sadd.s32 $0x1, s6  }
0x1e: {  	_ =	swait.ge [sflag:s0], $0x4000  }
0x1f: {  	[sflag:s0] =	ssyncset.done $0x0  }
0x20: {  	s4 =	sor.u32 $0x2000, s9;
	[sflag:s0] =	ssyncadd.s32 $0xFFFFC000  }
0x21: {  	[spmem:s1] =	stream.indirect.scatter.add.f32 [tilespmem:s4], [sflag:$0x3], $0x80, s7, s30, $0xb8;
	[tilespmem:$0x1E000] =	vst v63  }
0x22: {  	_ =	swait.ge [sflag:s29], $0x4000  }
0x23: {  	p1 =	sgt.u32 s2, $0x1F;
	[sflag:s29] =	ssyncset.done $0x0  }
0x24: {  	s2 =	simm.s32 @!p1 $0x80;
	[sflag:s29] =	ssyncadd.s32 $0xFFFFC000  }
0x25: {  	[tilespmem:s4], [sflag:s0] =	stream.indirect.gather @!p1 [hbm4b:s20+s2], $0x80, s5, s2, $0xb8;
	[tilespmem:$0x1E000] =	vst v63  }
.LBB2_14:
0x26: {  	[bflag:$0x0] =	sbarrier.arrive $0xFFFF  }
0x27: {  	[tilespmem:s28], [sflag:$0x3] =	stream.linear.gather [spmem:s21], $0x4000, $0x38;
	[tilespmem:$0x1E000] =	vst v63  }
0x28: {  	_ =	swait.ge [sflag:s29], $0x4000  }
0x29: {  	[sflag:s29] =	ssyncset.done $0x0  }
0x2a: {  	[sflag:s29] =	ssyncadd.s32 $0xFFFFC000  }
0x2b: {  	[hbm4b:s14+s3] =	stream.linear.scatter [tilespmem:s28], [sflag:$0x3], $0x4000, $0x38;
	[tilespmem:$0x1E000] =	vst v63  }
0x2c: {  	_ =	swait.ge [sflag:s29], $0x4000  }
0x2d: {  	[sflag:s29] =	ssyncset.done $0x0  }
0x2e: {  	[sflag:s29] =	ssyncadd.s32 $0xFFFFC000  }
0x2f: {  	[tilespmem:s28], [sflag:$0x3] =	stream.linear.gather [spmem:s22], $0x4000, $0x38;
	[tilespmem:$0x1E000] =	vst v63  }
0x30: {  	_ =	swait.ge [sflag:s29], $0x4000  }
0x31: {  	[sflag:s29] =	ssyncset.done $0x0  }
0x32: {  	[sflag:s29] =	ssyncadd.s32 $0xFFFFC000  }
0x33: {  	[hbm4b:s15+s3] =	stream.linear.scatter [tilespmem:s28], [sflag:$0x3], $0x4000, $0x38;
	[tilespmem:$0x1E000] =	vst v63  }
0x34: {  	_ =	swait.ge [sflag:s29], $0x4000  }
0x35: {  	[sflag:s29] =	ssyncset.done $0x0  }
0x36: {  	[sflag:s29] =	ssyncadd.s32 $0xFFFFC000  }
0x37: {  	[tilespmem:s28], [sflag:$0x3] =	stream.linear.gather [spmem:s23], $0x4000, $0x38;
	[tilespmem:$0x1E000] =	vst v63  }
0x38: {  	_ =	swait.ge [sflag:s29], $0x4000  }
0x39: {  	[sflag:s29] =	ssyncset.done $0x0  }
0x3a: {  	[sflag:s29] =	ssyncadd.s32 $0xFFFFC000  }
0x3b: {  	[hbm4b:s16+s3] =	stream.linear.scatter [tilespmem:s28], [sflag:$0x3], $0x4000, $0x38;
	[tilespmem:$0x1E000] =	vst v63  }
0x3c: {  	_ =	swait.ge [sflag:s29], $0x4000  }
0x3d: {  	[sflag:s29] =	ssyncset.done $0x0  }
0x3e: {  	[sflag:s29] =	ssyncadd.s32 $0xFFFFC000  }
0x3f: {  	[tilespmem:s28], [sflag:$0x3] =	stream.linear.gather [spmem:s24], $0x4000, $0x38;
	[tilespmem:$0x1E000] =	vst v63  }
0x40: {  	_ =	swait.ge [sflag:s29], $0x4000  }
0x41: {  	[sflag:s29] =	ssyncset.done $0x0  }
0x42: {  	[sflag:s29] =	ssyncadd.s32 $0xFFFFC000  }
0x43: {  	[hbm4b:s18+s3] =	stream.linear.scatter [tilespmem:s28], [sflag:$0x3], $0x4000, $0x38;
	[tilespmem:$0x1E000] =	vst v63  }
0x44: {  	_ =	swait.ge [sflag:s29], $0x4000  }
0x45: {  	[sflag:s29] =	ssyncset.done $0x0  }
0x46: {  	[sflag:s29] =	ssyncadd.s32 $0xFFFFC000  }
0x47: {  	[tilespmem:s28], [sflag:$0x3] =	stream.linear.gather [spmem:s25], $0x4000, $0x38;
	[tilespmem:$0x1E000] =	vst v63  }
0x48: {  	s17 =	sadd.s32 $0x1, s17;
	_ =	swait.ge [sflag:s29], $0x4000  }
0x49: {  	p1 =	sne.s32 s17, s26;
	[sflag:s29] =	ssyncset.done $0x0  }
.Ltmp1:
0x4a: {  	[sflag:s29] =	ssyncadd.s32 $0xFFFFC000;
	(pc) =	sbr.rel @!p1 .LBB2_15-.Ltmp1, $4  }
0x4b: {  	[hbm4b:s19+s3] =	stream.linear.scatter [tilespmem:s28], [sflag:$0x3], $0x4000, $0x38;
	[tilespmem:$0x1E000] =	vst v63  }
0x4c: {  	_ =	swait.ge [sflag:s29], $0x4000  }
0x4d: {  	[sflag:s29] =	ssyncset.done $0x0  }
0x4e: {  	[sflag:s29] =	ssyncadd.s32 $0xFFFFC000  }
.LBB2_1:
0x4f: {  	s0 =	rddreg [dreg:$0x1]  }
0x50: {  	[tilespmem:s28], [sflag:$0x3] =	stream.linear.gather [hbm4b:s0+s3], $0x4000, $0x38;
	[tilespmem:$0x1E000] =	vst v63  }
0x51: {  	_ =	swait.ge [sflag:s29], $0x4000  }
0x52: {  	[sflag:s29] =	ssyncset.done $0x0  }
0x53: {  	[sflag:s29] =	ssyncadd.s32 $0xFFFFC000  }
0x54: {  	[spmem:s21] =	stream.linear.scatter [tilespmem:s28], [sflag:$0x3], $0x4000, $0x38;
	[tilespmem:$0x1E000] =	vst v63  }
0x55: {  	_ =	swait.ge [sflag:s29], $0x4000  }
0x56: {  	[sflag:s29] =	ssyncset.done $0x0  }
0x57: {  	[sflag:s29] =	ssyncadd.s32 $0xFFFFC000  }
0x58: {  	[spmem:s22] =	stream.linear.scatter [tilespmem:s28], [sflag:$0x3], $0x4000, $0x38;
	[tilespmem:$0x1E000] =	vst v63  }
0x59: {  	_ =	swait.ge [sflag:s29], $0x4000  }
0x5a: {  	[sflag:s29] =	ssyncset.done $0x0  }
0x5b: {  	[sflag:s29] =	ssyncadd.s32 $0xFFFFC000  }
0x5c: {  	[spmem:s23] =	stream.linear.scatter [tilespmem:s28], [sflag:$0x3], $0x4000, $0x38;
	[tilespmem:$0x1E000] =	vst v63  }
0x5d: {  	_ =	swait.ge [sflag:s29], $0x4000  }
0x5e: {  	[sflag:s29] =	ssyncset.done $0x0  }
0x5f: {  	[sflag:s29] =	ssyncadd.s32 $0xFFFFC000  }
0x60: {  	[spmem:s24] =	stream.linear.scatter [tilespmem:s28], [sflag:$0x3], $0x4000, $0x38;
	[tilespmem:$0x1E000] =	vst v63  }
0x61: {  	_ =	swait.ge [sflag:s29], $0x4000  }
0x62: {  	[sflag:s29] =	ssyncset.done $0x0  }
0x63: {  	[sflag:s29] =	ssyncadd.s32 $0xFFFFC000  }
0x64: {  	[spmem:s25] =	stream.linear.scatter [tilespmem:s28], [sflag:$0x3], $0x4000, $0x38;
	[tilespmem:$0x1E000] =	vst v63  }
.Ltmp2:
0x65: {  	_ =	swait.ge [sflag:s29], $0x4000;
	(pc) =	sbr.rel @!p0 .LBB2_2-.Ltmp2, $3  }
0x66: {  	[sflag:s29] =	ssyncset.done $0x0  }
0x67: {  	[sflag:s29] =	ssyncadd.s32 $0xFFFFC000  }
0x68: {  	[bflag:$0x0] =	sbarrier.arrive $0xFFFF;
	_ =	sdelay $0x1  }
0x69: {  	s0 =	rddreg [dreg:$0xc]  }
0x6a: {  	[tilespmem:s3], [sflag:$0x3] =	stream.linear.gather [hbm4b:s0+s3], $0x1000, $0x38;
	[tilespmem:$0x1E000] =	vst v63  }
0x6b: {  	_ =	swait.ge [sflag:s29], $0x1000  }
0x6c: {  	[sflag:s29] =	ssyncset.done $0x0  }
0x6d: {  	s5 =	simm.s32 $0x1000;
	[sflag:s29] =	ssyncadd.s32 $0xFFFFF000  }
0x6e: {  	[tilespmem:s5], [sflag:$0x3] =	stream.linear.gather [hbm4b:s13+s3], $0x1000, $0x38;
	[tilespmem:$0x1E000] =	vst v63  }
0x6f: {  	_ =	swait.ge [sflag:s29], $0x1000  }
0x70: {  	s12 =	simm.s32 $0x2;
	[sflag:s29] =	ssyncset.done $0x0  }
0x71: {  	s6 =	sand.u32 $0x1, s12;
	[sflag:s29] =	ssyncadd.s32 $0xFFFFF000  }
0x72: {  	[tilespmem:s28], [sflag:$0x1] =	stream.indirect.gather [hbm4b:s20+s30], $0x80, s3, s30, $0xb8;
	[tilespmem:$0x1E000] =	vst v63  }
0x73: {  	s4 =	sadd.s32 $0x1, s6  }
0x74: {  	[tilespmem:s31], [sflag:$0x2] =	stream.indirect.gather [hbm4b:s20+s30], $0x80, s30, s30, $0xb8;
	[tilespmem:$0x1E000] =	vst v63  }
0x75: {  	s2 =	simm.s32 $0x3;
	_ =	swait.ge [sflag:s4], $0x4000  }
0x76: {  	s8 =	simm.s32 $0x4;
	s7 =	sshll.u32 s6, $0xE;
	[sflag:s4] =	ssyncset.done $0x0  }
0x77: {  	p2 =	por $0x0, $0x0;
	s10 =	sor.u32 $0x2000, s7;
	[sflag:s4] =	ssyncadd.s32 $0xFFFFC000  }
0x78: {  	[spmem:s1] =	stream.indirect.scatter.add.f32 [tilespmem:s10], [sflag:$0x3], $0x80, s5, s30, $0xb8;
	[tilespmem:$0x1E000] =	vst v63  }
0x79: {  	s0 =	simm.s32 $0x100;
	s6 =	sand.u32 $0x1, s2;
	_ =	swait.ge [sflag:s29], $0x4000  }
0x7a: {  	s11 =	simm.s32 @!p2 $0x80;
	s9 =	sshll.u32 s6, $0xE;
	[sflag:s29] =	ssyncset.done $0x0  }
0x7b: {  	s7 =	simm.s32 $0x1080;
	s5 =	simm.s32 $0x180;
	[sflag:s29] =	ssyncadd.s32 $0xFFFFC000  }
.LBB2_12:
0x7c: {  	[tilespmem:s10], [sflag:s4] =	stream.indirect.gather @!p2 [hbm4b:s20+s11], $0x80, s0, s11, $0xb8;
	[tilespmem:$0x1E000] =	vst v63  }
0x7d: {  	s11 =	smov.u32 s2;
	s2 =	smov.u32 s8;
	s0 =	smov.u32 s5  }
0x7e: {  	s8 =	sadd.s32 $0x1, s8;
	s4 =	sadd.s32 $0x1, s6;
	s6 =	sand.u32 $0x1, s2  }
0x7f: {  	p1 =	sne.s32 s8, $0x22;
	s12 =	sshll.u32 s6, $0xE;
	_ =	swait.ge [sflag:s4], $0x4000  }
0x80: {  	[sflag:s4] =	ssyncset.done $0x0  }
.Ltmp3:
0x81: {  	s10 =	sor.u32 $0x2000, s9;
	[sflag:s4] =	ssyncadd.s32 $0xFFFFC000;
	(pc) =	sbr.rel @p1 .LBB2_12-.Ltmp3, $4  }
0x82: {  	[spmem:s1] =	stream.indirect.scatter.add.f32 [tilespmem:s10], [sflag:$0x3], $0x80, s7, s30, $0xb8;
	[tilespmem:$0x1E000] =	vst v63  }
0x83: {  	s9 =	smov.u32 s12;
	_ =	swait.ge [sflag:s29], $0x4000  }
0x84: {  	p2 =	sgt.u32 s11, $0x1F;
	s7 =	sadd.s32 $0x80, s7;
	[sflag:s29] =	ssyncset.done $0x0  }
0x85: {  	s5 =	sadd.s32 $0x80, s5;
	s11 =	simm.s32 @!p2 $0x80;
	[sflag:s29] =	ssyncadd.s32 $0xFFFFC000  }
.Ltmp4:
0x86: {  	_ = 	snop;
	(pc) =	sbr.rel .LBB2_13-.Ltmp4, $1  }
0x87: {  	_ =	sdelay $0x3  }
.LBB2_2:
0x88: {  	s0 =	rddreg [dreg:$0x4]  }
0x89: {  	[tilespmem:s3], [sflag:$0x3] =	stream.linear.gather [hbm4b:s0+s3], $0x1000, $0x38;
	[tilespmem:$0x1E000] =	vst v63  }
0x8a: {  	_ =	swait.ge [sflag:s29], $0x1000  }
0x8b: {  	[sflag:s29] =	ssyncset.done $0x0  }
0x8c: {  	s5 =	simm.s32 $0x1000;
	s11 =	rddreg [dreg:$0x5];
	[sflag:s29] =	ssyncadd.s32 $0xFFFFF000  }
0x8d: {  	[tilespmem:s5], [sflag:$0x3] =	stream.linear.gather [hbm4b:s11+s3], $0x1000, $0x38;
	[tilespmem:$0x1E000] =	vst v63  }
0x8e: {  	_ =	swait.ge [sflag:s29], $0x1000  }
0x8f: {  	s12 =	simm.s32 $0x2;
	[sflag:s29] =	ssyncset.done $0x0  }
0x90: {  	s6 =	sand.u32 $0x1, s12;
	[sflag:s29] =	ssyncadd.s32 $0xFFFFF000  }
0x91: {  	[tilespmem:s28], [sflag:$0x1] =	stream.indirect.gather [hbm4b:s20+s30], $0x80, s3, s30, $0xb8;
	[tilespmem:$0x1E000] =	vst v63  }
0x92: {  	s4 =	sadd.s32 $0x1, s6  }
0x93: {  	[tilespmem:s31], [sflag:$0x2] =	stream.indirect.gather [hbm4b:s20+s30], $0x80, s30, s30, $0xb8;
	[tilespmem:$0x1E000] =	vst v63  }
0x94: {  	s2 =	simm.s32 $0x3;
	_ =	swait.ge [sflag:s4], $0x4000  }
0x95: {  	s8 =	simm.s32 $0x4;
	s7 =	sshll.u32 s6, $0xE;
	[sflag:s4] =	ssyncset.done $0x0  }
0x96: {  	p2 =	por $0x0, $0x0;
	s10 =	sor.u32 $0x2000, s7;
	[sflag:s4] =	ssyncadd.s32 $0xFFFFC000  }
0x97: {  	[spmem:s1] =	stream.indirect.scatter.add.f32 [tilespmem:s10], [sflag:$0x3], $0x80, s5, s30, $0xb8;
	[tilespmem:$0x1E000] =	vst v63  }
0x98: {  	s0 =	simm.s32 $0x100;
	s6 =	sand.u32 $0x1, s2;
	_ =	swait.ge [sflag:s29], $0x4000  }
0x99: {  	s9 =	sshll.u32 s6, $0xE;
	s7 =	simm.s32 $0x1080;
	[sflag:s29] =	ssyncset.done $0x0  }
0x9a: {  	s11 =	simm.s32 @!p2 $0x80;
	s5 =	simm.s32 $0x180;
	[sflag:s29] =	ssyncadd.s32 $0xFFFFC000  }
.LBB2_3:
0x9b: {  	[tilespmem:s10], [sflag:s4] =	stream.indirect.gather @!p2 [hbm4b:s20+s11], $0x80, s0, s11, $0xb8;
	[tilespmem:$0x1E000] =	vst v63  }
0x9c: {  	s11 =	smov.u32 s2;
	s2 =	smov.u32 s8;
	s0 =	smov.u32 s5  }
0x9d: {  	s8 =	sadd.s32 $0x1, s8;
	s4 =	sadd.s32 $0x1, s6;
	s6 =	sand.u32 $0x1, s2  }
0x9e: {  	p1 =	sne.s32 s8, $0x22;
	s12 =	sshll.u32 s6, $0xE;
	_ =	swait.ge [sflag:s4], $0x4000  }
0x9f: {  	[sflag:s4] =	ssyncset.done $0x0  }
.Ltmp5:
0xa0: {  	s10 =	sor.u32 $0x2000, s9;
	[sflag:s4] =	ssyncadd.s32 $0xFFFFC000;
	(pc) =	sbr.rel @p1 .LBB2_3-.Ltmp5, $4  }
0xa1: {  	[spmem:s1] =	stream.indirect.scatter.add.f32 [tilespmem:s10], [sflag:$0x3], $0x80, s7, s30, $0xb8;
	[tilespmem:$0x1E000] =	vst v63  }
0xa2: {  	s9 =	smov.u32 s12;
	_ =	swait.ge [sflag:s29], $0x4000  }
0xa3: {  	p2 =	sgt.u32 s11, $0x1F;
	s7 =	sadd.s32 $0x80, s7;
	[sflag:s29] =	ssyncset.done $0x0  }
0xa4: {  	s5 =	sadd.s32 $0x80, s5;
	s11 =	simm.s32 @!p2 $0x80;
	[sflag:s29] =	ssyncadd.s32 $0xFFFFC000  }
0xa5: {  	[tilespmem:s10], [sflag:s4] =	stream.indirect.gather @!p2 [hbm4b:s20+s11], $0x80, s0, s11, $0xb8;
	[tilespmem:$0x1E000] =	vst v63  }
0xa6: {  	s0 =	sadd.s32 $0x1, s6  }
0xa7: {  	_ =	swait.ge [sflag:s0], $0x4000  }
0xa8: {  	[sflag:s0] =	ssyncset.done $0x0  }
0xa9: {  	s4 =	sor.u32 $0x2000, s9;
	[sflag:s0] =	ssyncadd.s32 $0xFFFFC000  }
0xaa: {  	[spmem:s1] =	stream.indirect.scatter.add.f32 [tilespmem:s4], [sflag:$0x3], $0x80, s7, s30, $0xb8;
	[tilespmem:$0x1E000] =	vst v63  }
0xab: {  	_ =	swait.ge [sflag:s29], $0x4000  }
0xac: {  	p1 =	sgt.u32 s2, $0x1F;
	[sflag:s29] =	ssyncset.done $0x0  }
0xad: {  	s2 =	simm.s32 @!p1 $0x80;
	[sflag:s29] =	ssyncadd.s32 $0xFFFFC000  }
0xae: {  	[tilespmem:s4], [sflag:s0] =	stream.indirect.gather @!p1 [hbm4b:s20+s2], $0x80, s5, s2, $0xb8;
	[tilespmem:$0x1E000] =	vst v63  }
0xaf: {  	s7 =	rddreg [dreg:$0x6]  }
0xb0: {  	[tilespmem:s3], [sflag:$0x3] =	stream.linear.gather [hbm4b:s7+s3], $0x1000, $0x38;
	[tilespmem:$0x1E000] =	vst v63  }
0xb1: {  	_ =	swait.ge [sflag:s29], $0x1000  }
0xb2: {  	[sflag:s29] =	ssyncset.done $0x0  }
0xb3: {  	s8 =	simm.s32 $0x1000;
	s9 =	rddreg [dreg:$0x7];
	[sflag:s29] =	ssyncadd.s32 $0xFFFFF000  }
0xb4: {  	[tilespmem:s8], [sflag:$0x3] =	stream.linear.gather [hbm4b:s9+s3], $0x1000, $0x38;
	[tilespmem:$0x1E000] =	vst v63  }
0xb5: {  	_ =	swait.ge [sflag:s29], $0x1000  }
0xb6: {  	s10 =	simm.s32 $0x2;
	[sflag:s29] =	ssyncset.done $0x0  }
0xb7: {  	s11 =	sand.u32 $0x1, s10;
	[sflag:s29] =	ssyncadd.s32 $0xFFFFF000  }
0xb8: {  	[tilespmem:s28], [sflag:$0x1] =	stream.indirect.gather [hbm4b:s20+s30], $0x80, s3, s30, $0xb8;
	[tilespmem:$0x1E000] =	vst v63  }
0xb9: {  	s4 =	sadd.s32 $0x1, s11  }
0xba: {  	[tilespmem:s31], [sflag:$0x2] =	stream.indirect.gather [hbm4b:s20+s30], $0x80, s30, s30, $0xb8;
	[tilespmem:$0x1E000] =	vst v63  }
0xbb: {  	s12 =	sshll.u32 s11, $0xE;
	_ =	swait.ge [sflag:s4], $0x4000  }
0xbc: {  	p2 =	por $0x0, $0x0;
	s10 =	sor.u32 $0x2000, s12;
	[sflag:s4] =	ssyncset.done $0x0  }
0xbd: {  	s0 =	simm.s32 $0x100;
	s2 =	simm.s32 $0x3;
	[sflag:s4] =	ssyncadd.s32 $0xFFFFC000  }
0xbe: {  	[spmem:s1] =	stream.indirect.scatter.add.f32 [tilespmem:s10], [sflag:$0x3], $0x80, s8, s30, $0xb8;
	[tilespmem:$0x1E000] =	vst v63  }
0xbf: {  	s11 =	simm.s32 @!p2 $0x80;
	s5 =	simm.s32 $0x180;
	_ =	swait.ge [sflag:s29], $0x4000  }
0xc0: {  	s6 =	sand.u32 $0x1, s2;
	s7 =	simm.s32 $0x1080;
	[sflag:s29] =	ssyncset.done $0x0  }
0xc1: {  	s9 =	sshll.u32 s6, $0xE;
	s8 =	simm.s32 $0x4;
	[sflag:s29] =	ssyncadd.s32 $0xFFFFC000  }
.LBB2_5:
0xc2: {  	[tilespmem:s10], [sflag:s4] =	stream.indirect.gather @!p2 [hbm4b:s20+s11], $0x80, s0, s11, $0xb8;
	[tilespmem:$0x1E000] =	vst v63  }
0xc3: {  	s11 =	smov.u32 s2;
	s2 =	smov.u32 s8;
	s0 =	smov.u32 s5  }
0xc4: {  	s8 =	sadd.s32 $0x1, s8;
	s4 =	sadd.s32 $0x1, s6;
	s6 =	sand.u32 $0x1, s2  }
0xc5: {  	p1 =	sne.s32 s8, $0x22;
	s12 =	sshll.u32 s6, $0xE;
	_ =	swait.ge [sflag:s4], $0x4000  }
0xc6: {  	[sflag:s4] =	ssyncset.done $0x0  }
.Ltmp6:
0xc7: {  	s10 =	sor.u32 $0x2000, s9;
	[sflag:s4] =	ssyncadd.s32 $0xFFFFC000;
	(pc) =	sbr.rel @p1 .LBB2_5-.Ltmp6, $4  }
0xc8: {  	[spmem:s1] =	stream.indirect.scatter.add.f32 [tilespmem:s10], [sflag:$0x3], $0x80, s7, s30, $0xb8;
	[tilespmem:$0x1E000] =	vst v63  }
0xc9: {  	s9 =	smov.u32 s12;
	_ =	swait.ge [sflag:s29], $0x4000  }
0xca: {  	p2 =	sgt.u32 s11, $0x1F;
	s7 =	sadd.s32 $0x80, s7;
	[sflag:s29] =	ssyncset.done $0x0  }
0xcb: {  	s5 =	sadd.s32 $0x80, s5;
	s11 =	simm.s32 @!p2 $0x80;
	[sflag:s29] =	ssyncadd.s32 $0xFFFFC000  }
0xcc: {  	[tilespmem:s10], [sflag:s4] =	stream.indirect.gather @!p2 [hbm4b:s20+s11], $0x80, s0, s11, $0xb8;
	[tilespmem:$0x1E000] =	vst v63  }
0xcd: {  	s0 =	sadd.s32 $0x1, s6  }
0xce: {  	_ =	swait.ge [sflag:s0], $0x4000  }
0xcf: {  	[sflag:s0] =	ssyncset.done $0x0  }
0xd0: {  	s4 =	sor.u32 $0x2000, s9;
	[sflag:s0] =	ssyncadd.s32 $0xFFFFC000  }
0xd1: {  	[spmem:s1] =	stream.indirect.scatter.add.f32 [tilespmem:s4], [sflag:$0x3], $0x80, s7, s30, $0xb8;
	[tilespmem:$0x1E000] =	vst v63  }
0xd2: {  	_ =	swait.ge [sflag:s29], $0x4000  }
0xd3: {  	p1 =	sgt.u32 s2, $0x1F;
	[sflag:s29] =	ssyncset.done $0x0  }
0xd4: {  	s2 =	simm.s32 @!p1 $0x80;
	[sflag:s29] =	ssyncadd.s32 $0xFFFFC000  }
0xd5: {  	[tilespmem:s4], [sflag:s0] =	stream.indirect.gather @!p1 [hbm4b:s20+s2], $0x80, s5, s2, $0xb8;
	[tilespmem:$0x1E000] =	vst v63  }
0xd6: {  	s7 =	rddreg [dreg:$0x8]  }
0xd7: {  	[tilespmem:s3], [sflag:$0x3] =	stream.linear.gather [hbm4b:s7+s3], $0x1000, $0x38;
	[tilespmem:$0x1E000] =	vst v63  }
0xd8: {  	_ =	swait.ge [sflag:s29], $0x1000  }
0xd9: {  	[sflag:s29] =	ssyncset.done $0x0  }
0xda: {  	s8 =	simm.s32 $0x1000;
	s9 =	rddreg [dreg:$0x9];
	[sflag:s29] =	ssyncadd.s32 $0xFFFFF000  }
0xdb: {  	[tilespmem:s8], [sflag:$0x3] =	stream.linear.gather [hbm4b:s9+s3], $0x1000, $0x38;
	[tilespmem:$0x1E000] =	vst v63  }
0xdc: {  	_ =	swait.ge [sflag:s29], $0x1000  }
0xdd: {  	s10 =	simm.s32 $0x2;
	[sflag:s29] =	ssyncset.done $0x0  }
0xde: {  	s11 =	sand.u32 $0x1, s10;
	[sflag:s29] =	ssyncadd.s32 $0xFFFFF000  }
0xdf: {  	[tilespmem:s28], [sflag:$0x1] =	stream.indirect.gather [hbm4b:s20+s30], $0x80, s3, s30, $0xb8;
	[tilespmem:$0x1E000] =	vst v63  }
0xe0: {  	s4 =	sadd.s32 $0x1, s11  }
0xe1: {  	[tilespmem:s31], [sflag:$0x2] =	stream.indirect.gather [hbm4b:s20+s30], $0x80, s30, s30, $0xb8;
	[tilespmem:$0x1E000] =	vst v63  }
0xe2: {  	s12 =	sshll.u32 s11, $0xE;
	_ =	swait.ge [sflag:s4], $0x4000  }
0xe3: {  	p2 =	por $0x0, $0x0;
	s10 =	sor.u32 $0x2000, s12;
	[sflag:s4] =	ssyncset.done $0x0  }
0xe4: {  	s0 =	simm.s32 $0x100;
	s2 =	simm.s32 $0x3;
	[sflag:s4] =	ssyncadd.s32 $0xFFFFC000  }
0xe5: {  	[spmem:s1] =	stream.indirect.scatter.add.f32 [tilespmem:s10], [sflag:$0x3], $0x80, s8, s30, $0xb8;
	[tilespmem:$0x1E000] =	vst v63  }
0xe6: {  	s11 =	simm.s32 @!p2 $0x80;
	s5 =	simm.s32 $0x180;
	_ =	swait.ge [sflag:s29], $0x4000  }
0xe7: {  	s6 =	sand.u32 $0x1, s2;
	s7 =	simm.s32 $0x1080;
	[sflag:s29] =	ssyncset.done $0x0  }
0xe8: {  	s9 =	sshll.u32 s6, $0xE;
	s8 =	simm.s32 $0x4;
	[sflag:s29] =	ssyncadd.s32 $0xFFFFC000  }
.LBB2_7:
0xe9: {  	[tilespmem:s10], [sflag:s4] =	stream.indirect.gather @!p2 [hbm4b:s20+s11], $0x80, s0, s11, $0xb8;
	[tilespmem:$0x1E000] =	vst v63  }
0xea: {  	s11 =	smov.u32 s2;
	s2 =	smov.u32 s8;
	s0 =	smov.u32 s5  }
0xeb: {  	s8 =	sadd.s32 $0x1, s8;
	s4 =	sadd.s32 $0x1, s6;
	s6 =	sand.u32 $0x1, s2  }
0xec: {  	p1 =	sne.s32 s8, $0x22;
	s12 =	sshll.u32 s6, $0xE;
	_ =	swait.ge [sflag:s4], $0x4000  }
0xed: {  	[sflag:s4] =	ssyncset.done $0x0  }
.Ltmp7:
0xee: {  	s10 =	sor.u32 $0x2000, s9;
	[sflag:s4] =	ssyncadd.s32 $0xFFFFC000;
	(pc) =	sbr.rel @p1 .LBB2_7-.Ltmp7, $4  }
0xef: {  	[spmem:s1] =	stream.indirect.scatter.add.f32 [tilespmem:s10], [sflag:$0x3], $0x80, s7, s30, $0xb8;
	[tilespmem:$0x1E000] =	vst v63  }
0xf0: {  	s9 =	smov.u32 s12;
	_ =	swait.ge [sflag:s29], $0x4000  }
0xf1: {  	p2 =	sgt.u32 s11, $0x1F;
	s7 =	sadd.s32 $0x80, s7;
	[sflag:s29] =	ssyncset.done $0x0  }
0xf2: {  	s5 =	sadd.s32 $0x80, s5;
	s11 =	simm.s32 @!p2 $0x80;
	[sflag:s29] =	ssyncadd.s32 $0xFFFFC000  }
0xf3: {  	[tilespmem:s10], [sflag:s4] =	stream.indirect.gather @!p2 [hbm4b:s20+s11], $0x80, s0, s11, $0xb8;
	[tilespmem:$0x1E000] =	vst v63  }
0xf4: {  	s0 =	sadd.s32 $0x1, s6  }
0xf5: {  	_ =	swait.ge [sflag:s0], $0x4000  }
0xf6: {  	[sflag:s0] =	ssyncset.done $0x0  }
0xf7: {  	s4 =	sor.u32 $0x2000, s9;
	[sflag:s0] =	ssyncadd.s32 $0xFFFFC000  }
0xf8: {  	[spmem:s1] =	stream.indirect.scatter.add.f32 [tilespmem:s4], [sflag:$0x3], $0x80, s7, s30, $0xb8;
	[tilespmem:$0x1E000] =	vst v63  }
0xf9: {  	_ =	swait.ge [sflag:s29], $0x4000  }
0xfa: {  	p1 =	sgt.u32 s2, $0x1F;
	[sflag:s29] =	ssyncset.done $0x0  }
0xfb: {  	s2 =	simm.s32 @!p1 $0x80;
	[sflag:s29] =	ssyncadd.s32 $0xFFFFC000  }
0xfc: {  	[tilespmem:s4], [sflag:s0] =	stream.indirect.gather @!p1 [hbm4b:s20+s2], $0x80, s5, s2, $0xb8;
	[tilespmem:$0x1E000] =	vst v63  }
0xfd: {  	s7 =	rddreg [dreg:$0xa]  }
0xfe: {  	[tilespmem:s3], [sflag:$0x3] =	stream.linear.gather [hbm4b:s7+s3], $0x1000, $0x38;
	[tilespmem:$0x1E000] =	vst v63  }
0xff: {  	_ =	swait.ge [sflag:s29], $0x1000  }
0x100: {  	[sflag:s29] =	ssyncset.done $0x0  }
0x101: {  	s8 =	simm.s32 $0x1000;
	s9 =	rddreg [dreg:$0xb];
	[sflag:s29] =	ssyncadd.s32 $0xFFFFF000  }
0x102: {  	[tilespmem:s8], [sflag:$0x3] =	stream.linear.gather [hbm4b:s9+s3], $0x1000, $0x38;
	[tilespmem:$0x1E000] =	vst v63  }
0x103: {  	_ =	swait.ge [sflag:s29], $0x1000  }
0x104: {  	s10 =	simm.s32 $0x2;
	[sflag:s29] =	ssyncset.done $0x0  }
0x105: {  	s11 =	sand.u32 $0x1, s10;
	[sflag:s29] =	ssyncadd.s32 $0xFFFFF000  }
0x106: {  	[tilespmem:s28], [sflag:$0x1] =	stream.indirect.gather [hbm4b:s20+s30], $0x80, s3, s30, $0xb8;
	[tilespmem:$0x1E000] =	vst v63  }
0x107: {  	s4 =	sadd.s32 $0x1, s11  }
0x108: {  	[tilespmem:s31], [sflag:$0x2] =	stream.indirect.gather [hbm4b:s20+s30], $0x80, s30, s30, $0xb8;
	[tilespmem:$0x1E000] =	vst v63  }
0x109: {  	s12 =	sshll.u32 s11, $0xE;
	_ =	swait.ge [sflag:s4], $0x4000  }
0x10a: {  	p2 =	por $0x0, $0x0;
	s10 =	sor.u32 $0x2000, s12;
	[sflag:s4] =	ssyncset.done $0x0  }
0x10b: {  	s0 =	simm.s32 $0x100;
	s2 =	simm.s32 $0x3;
	[sflag:s4] =	ssyncadd.s32 $0xFFFFC000  }
0x10c: {  	[spmem:s1] =	stream.indirect.scatter.add.f32 [tilespmem:s10], [sflag:$0x3], $0x80, s8, s30, $0xb8;
	[tilespmem:$0x1E000] =	vst v63  }
0x10d: {  	s11 =	simm.s32 @!p2 $0x80;
	s5 =	simm.s32 $0x180;
	_ =	swait.ge [sflag:s29], $0x4000  }
0x10e: {  	s6 =	sand.u32 $0x1, s2;
	s7 =	simm.s32 $0x1080;
	[sflag:s29] =	ssyncset.done $0x0  }
0x10f: {  	s9 =	sshll.u32 s6, $0xE;
	s8 =	simm.s32 $0x4;
	[sflag:s29] =	ssyncadd.s32 $0xFFFFC000  }
.LBB2_9:
0x110: {  	[tilespmem:s10], [sflag:s4] =	stream.indirect.gather @!p2 [hbm4b:s20+s11], $0x80, s0, s11, $0xb8;
	[tilespmem:$0x1E000] =	vst v63  }
0x111: {  	s11 =	smov.u32 s2;
	s2 =	smov.u32 s8;
	s0 =	smov.u32 s5  }
0x112: {  	s8 =	sadd.s32 $0x1, s8;
	s4 =	sadd.s32 $0x1, s6;
	s6 =	sand.u32 $0x1, s2  }
0x113: {  	p1 =	seq.s32 s8, $0x22;
	s12 =	sshll.u32 s6, $0xE;
	_ =	swait.ge [sflag:s4], $0x4000  }
0x114: {  	[sflag:s4] =	ssyncset.done $0x0  }
.Ltmp8:
0x115: {  	s10 =	sor.u32 $0x2000, s9;
	[sflag:s4] =	ssyncadd.s32 $0xFFFFC000;
	(pc) =	sbr.rel @!p1 .LBB2_9-.Ltmp8, $4  }
0x116: {  	[spmem:s1] =	stream.indirect.scatter.add.f32 [tilespmem:s10], [sflag:$0x3], $0x80, s7, s30, $0xb8;
	[tilespmem:$0x1E000] =	vst v63  }
0x117: {  	s9 =	smov.u32 s12;
	_ =	swait.ge [sflag:s29], $0x4000  }
0x118: {  	p2 =	sgt.u32 s11, $0x1F;
	s7 =	sadd.s32 $0x80, s7;
	[sflag:s29] =	ssyncset.done $0x0  }
0x119: {  	s5 =	sadd.s32 $0x80, s5;
	s11 =	simm.s32 @!p2 $0x80;
	[sflag:s29] =	ssyncadd.s32 $0xFFFFC000  }
0x11a: {  	[tilespmem:s10], [sflag:s4] =	stream.indirect.gather @!p2 [hbm4b:s20+s11], $0x80, s0, s11, $0xb8;
	[tilespmem:$0x1E000] =	vst v63  }
0x11b: {  	s0 =	sadd.s32 $0x1, s6  }
0x11c: {  	_ =	swait.ge [sflag:s0], $0x4000  }
0x11d: {  	[sflag:s0] =	ssyncset.done $0x0  }
0x11e: {  	s4 =	sor.u32 $0x2000, s9;
	[sflag:s0] =	ssyncadd.s32 $0xFFFFC000  }
0x11f: {  	[spmem:s1] =	stream.indirect.scatter.add.f32 [tilespmem:s4], [sflag:$0x3], $0x80, s7, s30, $0xb8;
	[tilespmem:$0x1E000] =	vst v63  }
.Ltmp9:
0x120: {  	_ = 	snop;
	(pc) =	sbr.rel .LBB2_14-.Ltmp9, $4  }
0x121: {  	_ =	swait.ge [sflag:s29], $0x4000  }
0x122: {  	p1 =	sgt.u32 s2, $0x1F;
	[sflag:s29] =	ssyncset.done $0x0  }
0x123: {  	s2 =	simm.s32 @!p1 $0x80;
	[sflag:s29] =	ssyncadd.s32 $0xFFFFC000  }
0x124: {  	[tilespmem:s4], [sflag:s0] =	stream.indirect.gather @!p1 [hbm4b:s20+s2], $0x80, s5, s2, $0xb8;
	[tilespmem:$0x1E000] =	vst v63  }
.LBB2_15:
0x125: {  	_ =	sfence.sel $0x180000  }
0x126: {  	[bflag:$0x0] =	sbarrier.arrive $0xFFFF  }
0x127: {  	_ =	strace $0x9000004D  }
0x128: {  	s0 =	stileid.u32;
	[bflag:$0x2] =	sbarrier.arrive $0xFFFF  }
0x129: {  	p0 =	sne.s32 s0, $0x0;
	s0 =	rddreg [dreg:$0x3]  }
0x12a: {  	s0 =	sadd.s32 @!p0 $0x100000, s0  }
0x12b: {  	[sflag:s0] =	ssyncadd.tile.s32 @!p0 $0x1;
	_ =	shalt  }
.Lfunc_end2:
_tile_overlayer_lowered:
.L_overlay_start_2:
0x12c: {  	(tag) =	ssettag $0x2  }
0x12d: {  	s0 =	rddreg [dreg:$0x0];
	s2 =	stileid.u32  }
0x12e: {  	s1 =	rddreg [dreg:$0x1];
	p0 =	sne.s32 s2, $0x0  }
0x12f: {  	s3 =	rddreg [dreg:$0x2];
	[bflag:$0x3] =	sbarrier.arrive $0xFFFF;
	s2 =	simm.s32 @!p0 $0x1C03  }
0x130: {  	[timem:s3], [sflag:s2] =	dma.local @!p0 [hbm:s0], s1  }
0x131: {  	s0 =	simm.s32 @!p0 $0x3  }
0x132: {  	_ =	swait.ge @!p0 [sflag:s0], s1  }
0x133: {  	s1 =	ssub.s32 @!p0 $0x0, s1;
	[sflag:s0] =	ssyncset.done @!p0 $0x0  }
0x134: {  	[sflag:s0] =	ssyncadd.s32 @!p0 s1  }
0x135: {  	[bflag:$0x3] =	sbarrier.arrive $0xFFFF  }
0x136: {  	_ =	shalt  }

// kernel: kernel.18.cloned.1.call-start
scs
__scs_entry_jumppad:
0x0: {  	(pc) =	sbr.rel $0x88, $3  }
0x1: {  	(tag) =	ssettag $0x0;
	lr =	simm.s32 $0x1  }
0x2: {  	[smem:$0x3F99] =	sst lr;
	_ =	strace $0xD0000000  }
0x3: {  	_ = 	snop  }
0x4: {  	_ = 	snop  }
0x5: {  	_ = 	snop  }
0x6: {  	_ = 	snop  }
0x7: {  	_ = 	snop  }
__scs_overlays_trampoline_lowered:
0x8: {  	[smem:$0x3FA8] =	sst s0  }
0x9: {  	[smem:$0x3FA9] =	sst s1  }
0xa: {  	[smem:$0x3FAA] =	sst s2  }
0xb: {  	[smem:$0x3FAB] =	sst s3  }
0xc: {  	[smem:$0x3FAC] =	sst s4  }
0xd: {  	[smem:$0x3FAD] =	sst s5  }
0xe: {  	[smem:$0x3FAE] =	sst s6  }
0xf: {  	[smem:$0x3FAF] =	sst s7  }
0x10: {  	[smem:$0x3FB0] =	sst s8  }
0x11: {  	[smem:$0x3FB1] =	sst s9;
	s0 =	simm.s32 @!p0 $0x0  }
0x12: {  	s1 =	sld [smem:$0x3F97];
	s0 =	simm.s32 @p0 $0x1  }
0x13: {  	[smem:$0x3FB2] =	sst s0;
	s0 =	simm.s32 @!p1 $0x0  }
0x14: {  	s2 =	sld [smem:$0x3F96];
	s0 =	simm.s32 @p1 $0x1  }
0x15: {  	[smem:$0x3FB3] =	sst s0;
	s0 =	simm.s32 @!p2 $0x0  }
0x16: {  	s3 =	sld [smem:$0x3FDB];
	s0 =	simm.s32 @p2 $0x1  }
0x17: {  	s4 =	simm.s32 $0x1BF5;
	[smem:$0x3FB5] =	sst s0  }
0x18: {  	s0 =	sld [smem:$0x3F98];
	_ =	swait.ge [sflag:s4], $0x0  }
0x19: {  	s7 =	sld [smem:$0x3F99]  }
0x1a: {  	s8 =	sadd.s32 $0xFFFFE003, lr  }
0x1b: {  	s9 =	sadd.s32 $0xFFFFFEF7, lr;
	s5 =	simm.s32 $0xFFFFFFFF;
	p2 =	slt.u32 s8, $0xFFFFF086  }
0x1c: {  	p1 =	slt.u32 s9, $0xF7A;
	s5 =	simm.s32 @!p2 $0x0  }
0x1d: {  	s5 =	simm.s32 @p1 $0x1;
	p0 =	seq.s32 s7, s2  }
0x1e: {  	s7 =	smul.u32 @!p0 $0xF7A, s2;
	p2 =	seq.s32 @!p0 s5, $0x0  }
0x1f: {  	s9 =	smul.u32 $0xF7A, s1;
	s8 =	simm.s32 @!p0 $0x1BF5;
	p2 =	por !p2, p0  }
0x20: {  	[sflag:s8] =	ssyncset.s32 @!p0 $0xFFFFF086;
	s6 =	sadd.s32 @!p0 s3, s7;
	s7 =	simm.s32 @!p0 $0x108  }
0x21: {  	s3 =	sadd.s32 s3, s9;
	s6 =	sadd.s32 @!p0 $0x88, s6;
	s7 =	simm.s32 @p2 $0x1082  }
0x22: {  	[simem:s7], [sflag:s8] =	dma.local @!p0 [hbm:s6], $0xF7A  }
0x23: {  	s9 =	sor.u32 $0xD0000000, s2;
	s6 =	simm.s32 $0x108;
	_ =	swait.ge @!p0 [sflag:s8], $0x0  }
0x24: {  	s3 =	sadd.s32 $0x88, s3;
	s6 =	simm.s32 @!p1 $0x1082;
	[sflag:s4] =	ssyncset.s32 $0xFFFFF086  }
0x25: {  	[simem:s6], [sflag:s4] =	dma.local [hbm:s3], $0xF7A  }
0x26: {  	[smem:$0x3F99] =	sst s1;
	(tag) =	ssettag s2;
	_ =	strace s9  }
0x27: {  	s1 =	sld [smem:$0x3FA9]  }
0x28: {  	s2 =	sld [smem:$0x3FAA]  }
0x29: {  	s4 =	sld [smem:$0x3FAC]  }
0x2a: {  	p0 =	seq.s32 s5, $0x0;
	s5 =	sld [smem:$0x3FAD]  }
0x2b: {  	s6 =	sld [smem:$0x3FAE]  }
0x2c: {  	s7 =	sld [smem:$0x3FAF]  }
0x2d: {  	s3 =	simm.s32 $0x108;
	s8 =	sld [smem:$0x3FB0]  }
0x2e: {  	s3 =	simm.s32 @!p0 $0x1082;
	s9 =	sld [smem:$0x3FB1]  }
0x2f: {  	lr =	sadd.s32 s0, s3;
	s0 =	sld [smem:$0x3FA8]  }
0x30: {  	s3 =	sld [smem:$0x3FAB]  }
0x31: {  	[smem:$0x3FB4] =	sst s10  }
0x32: {  	s10 =	sld [smem:$0x3FB2];
	_ =	sdelay $0x3  }
0x33: {  	p0 =	seq.s32 s10, $0x1;
	s10 =	sld [smem:$0x3FB4];
	_ =	sdelay $0x3  }
0x34: {  	[smem:$0x3FB4] =	sst s10  }
0x35: {  	s10 =	sld [smem:$0x3FB3];
	_ =	sdelay $0x3  }
0x36: {  	p1 =	seq.s32 s10, $0x1;
	s10 =	sld [smem:$0x3FB4];
	_ =	sdelay $0x3  }
0x37: {  	[smem:$0x3FB4] =	sst s10  }
0x38: {  	s10 =	sld [smem:$0x3FB5]  }
0x39: {  	_ = 	snop;
	(pc) =	sbr.ind lr, $3  }
0x3a: {  	_ = 	snop  }
0x3b: {  	_ = 	snop  }
0x3c: {  	p2 =	seq.s32 s10, $0x1;
	s10 =	sld [smem:$0x3FB4]  }
0x3d: {  	_ =	shalt  }
0x3e: {  	_ =	shalt  }
0x3f: {  	_ =	shalt  }
0x40: {  	_ =	shalt  }
0x41: {  	_ =	shalt  }
0x42: {  	_ =	shalt  }
0x43: {  	_ =	shalt  }
0x44: {  	_ =	shalt  }
0x45: {  	_ =	shalt  }
0x46: {  	_ =	shalt  }
0x47: {  	_ =	shalt  }
0x48: {  	_ =	shalt  }
0x49: {  	_ =	shalt  }
0x4a: {  	_ =	shalt  }
0x4b: {  	_ =	shalt  }
0x4c: {  	_ =	shalt  }
0x4d: {  	_ =	shalt  }
0x4e: {  	_ =	shalt  }
0x4f: {  	_ =	shalt  }
0x50: {  	_ =	shalt  }
0x51: {  	_ =	shalt  }
0x52: {  	_ =	shalt  }
0x53: {  	_ =	shalt  }
0x54: {  	_ =	shalt  }
0x55: {  	_ =	shalt  }
0x56: {  	_ =	shalt  }
0x57: {  	_ =	shalt  }
0x58: {  	_ =	shalt  }
0x59: {  	_ =	shalt  }
0x5a: {  	_ =	shalt  }
0x5b: {  	_ =	shalt  }
0x5c: {  	_ =	shalt  }
0x5d: {  	_ =	shalt  }
0x5e: {  	_ =	shalt  }
0x5f: {  	_ =	shalt  }
0x60: {  	_ =	shalt  }
0x61: {  	_ =	shalt  }
0x62: {  	_ =	shalt  }
0x63: {  	_ =	shalt  }
0x64: {  	_ =	shalt  }
0x65: {  	_ =	shalt  }
0x66: {  	_ =	shalt  }
0x67: {  	_ =	shalt  }
0x68: {  	_ =	shalt  }
0x69: {  	_ =	shalt  }
0x6a: {  	_ =	shalt  }
0x6b: {  	_ =	shalt  }
0x6c: {  	_ =	shalt  }
0x6d: {  	_ =	shalt  }
0x6e: {  	_ =	shalt  }
0x6f: {  	_ =	shalt  }
0x70: {  	_ =	shalt  }
0x71: {  	_ =	shalt  }
0x72: {  	_ =	shalt  }
0x73: {  	_ =	shalt  }
0x74: {  	_ =	shalt  }
0x75: {  	_ =	shalt  }
0x76: {  	_ =	shalt  }
0x77: {  	_ =	shalt  }
0x78: {  	_ =	shalt  }
0x79: {  	_ =	shalt  }
0x7a: {  	_ =	shalt  }
0x7b: {  	_ =	shalt  }
0x7c: {  	_ =	shalt  }
0x7d: {  	_ =	shalt  }
0x7e: {  	_ =	shalt  }
0x7f: {  	_ =	shalt  }
0x80: {  	_ =	shalt  }
0x81: {  	_ =	shalt  }
0x82: {  	_ =	shalt  }
0x83: {  	_ =	shalt  }
0x84: {  	_ =	shalt  }
0x85: {  	_ =	shalt  }
0x86: {  	_ =	shalt  }
0x87: {  	_ =	shalt  }
.Lfunc_end0:
.L_simem_size_0:
called_computation.3_lowered:
.L_overlay_start_0:
0x88: {  	s2 =	sld [smem:$0x3FD9]  }
0x89: {  	s3 =	sld [smem:$0x3FFE];
	_ =	sdelay $0x1  }
0x8a: {  	s1 =	srdreg.scid  }
0x8b: {  	s0 =	sand.u32 $0x1, s1  }
0x8c: {  	s14 =	sshll.u32 s0, $0xA;
	s2 =	sadd.s32 s3, s2  }
0x8d: {  	s2 =	sadd.s32 s2, s14  }
0x8e: {  	[smem:$0x3FC0] =	sst s2  }
0x8f: {  	_ = 	snop  }
0x90: {  	s2 =	sld [smem:$0x3FD0];
	_ =	sdelay $0x2  }
0x91: {  	s15 =	simm.s32 $0xA;
	s4 =	simm.s32 $0x10  }
0x92: {  	[smem:s4], [sflag:s15] =	dma.local [hbm:s2], $0x1  }
0x93: {  	_ =	swait.eq [sflag:s15], $0x1  }
0x94: {  	[sflag:s15] =	ssyncset.done $0x0  }
0x95: {  	[sflag:s15] =	ssyncadd.s32 $0xFFFFFFFF  }
0x96: {  	s16 =	sld [smem:$0x11];
	(tm) =	ssettm $0x1  }
0x97: {  	s17 =	sld [smem:$0x3FFB];
	_ =	sdelay $0x3  }
0x98: {  	_ =	strace s17  }
0x99: {  	s3 =	sld [smem:$0x3FFC];
	_ =	sdelay $0x3  }
0x9a: {  	_ =	strace s3  }
0x9b: {  	s3 =	sld [smem:$0x3FFD];
	_ =	sdelay $0x3  }
0x9c: {  	_ =	strace s3  }
0x9d: {  	_ =	strace $0x8FFFFFFF  }
0x9e: {  	s18 =	sld [smem:$0x3FDB];
	_ =	sdelay $0x1  }
0x9f: {  	s19 =	simm.s32 $_scs_section_size  }
0xa0: {  	s5 =	simm.s32 $_size__tile_overlayer_lowered;
	s6 =	simm.s32 $_tile_overlayer_lowered  }
0xa1: {  	s22 =	simm.s32 $0x1BFF;
	s21 =	sshll.u32 s6, $0x1;
	s3 =	sadd.s32 s19, s18  }
0xa2: {  	s7 =	simm.s32 $0x0;
	s20 =	sshll.u32 s5, $0x1;
	s5 =	sadd.s32 s21, s3  }
0xa3: {  	[timem:s7], [sflag:s22] =	dma.local [hbm:s5], s20  }
0xa4: {  	_ =	swait.ge [sflag:s22], s20  }
0xa5: {  	s4 =	ssub.s32 $0x0, s20;
	[sflag:s22] =	ssyncset.done $0x0  }
0xa6: {  	[sflag:s22] =	ssyncadd.s32 s4;
	_ =	sdelay $0x1  }
0xa7: {  	s23 =	simm.s32 $0x1B8B  }
0xa8: {  	_ =	swait.ge [sflag:s23], $0x1  }
0xa9: {  	[sflag:s23] =	ssyncset.done $0x0  }
0xaa: {  	s25 =	simm.s32 $0x1B8E;
	s24 =	sld [smem:$0x3FFE];
	[sflag:s23] =	ssyncadd.s32 $0xFFFFFFFF  }
0xab: {  	s26 =	simm.s32 $execute0_lowered;
	[smem:$0x3FD2] =	sst s25  }
0xac: {  	s5 =	sshll.u32 s26, $0x1;
	_ =	strace $0x8000004F;
	[dreg:$0x1] =	wrdreg $0xFFFFFFFF  }
0xad: {  	s28 =	simm.s32 $_size_execute0_lowered;
	s3 =	sadd.s32 s3, s5;
	[dreg:$0x0] =	wrdreg $0x0  }
0xae: {  	s5 =	sshll.u32 s28, $0x1;
	[dreg:$0x2] =	wrdreg s3  }
0xaf: {  	[dreg:$0x3] =	wrdreg s5  }
0xb0: {  	[dreg:$0x4] =	wrdreg $0xC0  }
0xb1: {  	_ =	task [dreg:s7], $0x5FFFF  }
0xb2: {  	[dreg:$0x1] =	wrdreg $0xFFFFFFFF  }
0xb3: {  	[dreg:$0x0] =	wrdreg $0x60  }
0xb4: {  	[dreg:$0x2] =	wrdreg s16  }
0xb5: {  	[dreg:$0x3] =	wrdreg s24  }
0xb6: {  	[dreg:$0x4] =	wrdreg $0x9  }
0xb7: {  	_ =	task.clear_ibuf [dreg:s7], $0x5FFFF;
	_ =	strace $0x9000004F  }
0xb8: {  	s29 =	simm.s32 $0x9;
	_ =	strace $0x80000051  }
0xb9: {  	_ =	swait.ge [sflag:s29], $0x1  }
0xba: {  	[sflag:s29] =	ssyncadd.s32 $0xFFFFFFFF  }
0xbb: {  	_ =	strace $0x90000051  }
0xbc: {  	_ =	sfence  }
0xbd: {  	s30 =	sld [smem:$0x0];
	_ =	sdelay $0x2  }
0xbe: {  	s31 =	sshll.u32 s1, $0xD;
	s1 =	sshrl.u32 s1, $0x2  }
0xbf: {  	s3 =	sand.u32 $0x4000, s31;
	s1 =	sadd.s32 s1, s30  }
0xc0: {  	s0 =	sor.u32 s3, s0;
	s1 =	sshll.u32 s1, $0x11  }
0xc1: {  	s0 =	sor.u32 s1, s0  }
0xc2: {  	s0 =	sadd.s32 $0x8F2B, s0  }
0xc3: {  	[sflag:s0] =	ssyncadd.remote.s32 $0x1  }
0xc4: {  	_ =	sfence.sel $0xFFFF  }
0xc5: {  	[dreg:$0x0] =	wrdreg $0xFFFFFFFF;
	(pc) =	sbr.abs _section_cstart, $3  }
0xc6: {  	[dreg:$0x1] =	wrdreg $0xFFFFFFFF  }
0xc7: {  	_ =	task.clear_ibuf [dreg:s7], $0x2FFFF;
	_ =	strace $0x9FFFFFFF  }
0xc8: {  	(tm) =	ssettm $0x7FFFFFFF  }
0xc9: {  	_ =	shalt  }
tec
execute0_lowered:
.L_overlay_start_1:
0x0: {  	(tag) =	ssettag $0x1  }
0x1: {  	s0 =	srdreg.scid;
	s2 =	rddreg [dreg:$0x0]  }
0x2: {  	s5 =	rddreg [dreg:$0x1];
	s1 =	stileid.u32  }
0x3: {  	s8 =	simm.s32 $0x5000;
	s9 =	simm.s32 $0x1;
	s4 =	sand.u32 $0x1, s0  }
0x4: {  	s10 =	simm.s32 $0x2800;
	s11 =	simm.s32 $0x7800;
	s3 =	sshll.u32 s4, $0x4  }
0x5: {  	s0 =	rddreg [dreg:$0x2];
	s4 =	ssub.s32 $0x2, s4;
	s6 =	sor.u32 s1, s3  }
0x6: {  	s3 =	simm.s32 $0x0;
	s7 =	sshrl.u32 s4, $0x1;
	s6 =	smul.u32 $0x500, s6  }
0x7: {  	s12 =	simm.s32 $0x0;
	[smem:$0x7FF] =	sst s3;
	s7 =	ssub.s32 s4, s7  }
0x8: {  	_ =	strace $0x80000050;
	s7 =	smax.u32 s7, $0x1;
	s6 =	sadd.s32 s6, s5  }
0x9: {  	v0 =	vimm.s32 $0x0;
	s4 =	sadd.s32 $0x2800, s6;
	s5 =	sadd.s32 $0xD200, s6;
	s6 =	sadd.s32 $0x17C00, s6  }
.LBB2_1:
0xa: {  	[tilespmem:s8], [sflag:$0x1] =	stream.linear.gather [hbm4b:s2+s3], $0x2800, $0x38;
	[tilespmem:$0xA000] =	vst v63  }
0xb: {  	_ =	swait.ge [sflag:s9], $0x2800  }
0xc: {  	[sflag:s9] =	ssyncset.done $0x0  }
0xd: {  	[sflag:s9] =	ssyncadd.s32 $0xFFFFD800  }
0xe: {  	[tilespmem:s3], [sflag:$0x1] =	stream.linear.gather [hbm4b:s4+s3], $0x2800, $0x38;
	[tilespmem:$0xA000] =	vst v63  }
0xf: {  	_ =	swait.ge [sflag:s9], $0x2800  }
0x10: {  	[sflag:s9] =	ssyncset.done $0x0  }
0x11: {  	[sflag:s9] =	ssyncadd.s32 $0xFFFFD800  }
0x12: {  	[tilespmem:s10], [sflag:$0x1] =	stream.linear.gather [hbm4b:s5+s3], $0x2800, $0x38;
	[tilespmem:$0xA000] =	vst v63  }
0x13: {  	_ =	swait.ge [sflag:s9], $0x2800  }
0x14: {  	[sflag:s9] =	ssyncset.done $0x0  }
0x15: {  	s13 =	simm.s32 $0x0;
	[sflag:s9] =	ssyncadd.s32 $0xFFFFD800  }
0x16: {  	v1 =	vld [tilespmem:s13+$0x2800]  }
0x17: {  	v5 =	vld [tilespmem:s13+$0x10]  }
0x18: {  	v4 =	vld [tilespmem:s13+$0x0]  }
0x19: {  	v3 =	vld [tilespmem:s13+$0x2860]  }
0x1a: {  	s14 =	simm.s32 $0x80;
	v23 =	vld [tilespmem:s13+$0x30]  }
0x1b: {  	v32 =	vld [tilespmem:s14+$0x10]  }
0x1c: {  	v62 =	vld [tilespmem:s14+$0x2810]  }
0x1d: {  	v36 =	vld [tilespmem:s14+$0x2820]  }
0x1e: {  	v40 =	vld [tilespmem:s14+$0x2830];
	_ =	sdelay $0x1  }
0x1f: {  	v2 =	vshra.s32 v1, $0x1F  }
0x20: {  	v6 =	vshra.s32 v5, $0x1F;
	v7 =	vshra.s32 v4, $0x1F;
	v9 =	vshra.s32 v3, $0x1F  }
0x21: {  	vm0 =	vlt.s32 v1, $0x1;
	vm11 =	vlt.s32 v23, $0x1;
	v39 =	vshra.s32 v36, $0x1F  }
0x22: {  	v43 =	vand.u32 $0x7F, v32;
	v45 =	vand.u32 $0x7F, v62;
	v53 =	vshra.s32 v40, $0x1F  }
0x23: {  	v2 =	vshrl.u32 v2, $0x19;
	v6 =	vshrl.u32 v6, $0x19;
	v7 =	vshrl.u32 v7, $0x19  }
0x24: {  	v2 =	vadd.s32 v2, v1;
	v7 =	vadd.s32 v7, v4;
	v6 =	vadd.s32 v6, v5  }
0x25: {  	v8 =	vand.u32 $0xFFFFFF80, v2;
	v2 =	vshrl.u32 v2, $0x7;
	v11 =	vand.u32 $0xFFFFFF80, v6  }
0x26: {  	v6 =	vshrl.u32 v6, $0x7;
	v7 =	vshra.s32 v7, $0x7;
	vm1 =	vne.s32 v1, v8  }
0x27: {  	v8 =	vshrl.u32 v9, $0x19;
	v1 =	vand.u32 $0x7F, v1;
	vm2 =	vne.s32 v5, v11  }
0x28: {  	v9 =	vld [tilespmem:s13+$0x2810];
	v16 =	vshll.u32 v7, $0x7;
	vm0 =	vmand vm0, vm1;
	v13 =	vadd.s32 v8, v3  }
0x29: {  	v8 =	vld [tilespmem:s13+$0x20];
	vm1 =	vlt.s32 v5, $0x1;
	vm4 =	vne.s32 v4, v16;
	v10 =	vsel vm0, $0xFFFFFFFF, v0  }
0x2a: {  	v5 =	vand.u32 $0x7F, v5;
	vm1 =	vmand vm1, vm2;
	v2 =	vadd.s32 v10, v2  }
0x2b: {  	v10 =	vand.u32 $0xFFFFFF80, v13;
	v11 =	vsel vm1, $0xFFFFFFFF, v0;
	v2 =	vshll.u32 v2, $0x7  }
0x2c: {  	vm0 =	vne.s32 v3, v10;
	v10 =	vld [tilespmem:s13+$0x2820];
	v6 =	vadd.s32 v11, v6;
	v2 =	vor.u32 v1, v2  }
0x2d: {  	v1 =	vshra.s32 v9, $0x1F;
	v6 =	vshll.u32 v6, $0x7;
	vm2 =	vlt.s32 v9, $0x1  }
0x2e: {  	v1 =	vshrl.u32 v1, $0x19;
	v12 =	vshra.s32 v8, $0x1F;
	vm1 =	vlt.s32 v8, $0x1  }
0x2f: {  	v5 =	vor.u32 v5, v6;
	v11 =	vadd.s32 v1, v9;
	v1 =	vshrl.u32 v12, $0x19  }
0x30: {  	v12 =	vadd.s32 v1, v8;
	v1 =	vand.u32 $0xFFFFFF80, v11;
	v11 =	vshrl.u32 v11, $0x7  }
0x31: {  	v15 =	vshrl.u32 v12, $0x7;
	v14 =	vshra.s32 v10, $0x1F;
	vm3 =	vne.s32 v9, v1  }
0x32: {  	v17 =	vld [tilespmem:s13+$0x2830];
	v9 =	vand.u32 $0x7F, v9;
	v12 =	vand.u32 $0xFFFFFF80, v12;
	vm2 =	vmand vm2, vm3  }
0x33: {  	v1 =	vld [tilespmem:s13+$0x60];
	v14 =	vshrl.u32 v14, $0x19;
	vm3 =	vlt.s32 v4, $0x1;
	vm10 =	vne.s32 v8, v12  }
0x34: {  	v4 =	vand.u32 $0x7F, v4;
	v16 =	vsel vm2, $0xFFFFFFFF, v0;
	vm2 =	vmand vm3, vm4  }
0x35: {  	vm1 =	vmand vm1, vm10;
	v6 =	vadd.s32 v16, v11;
	v11 =	vadd.s32 v14, v10  }
0x36: {  	v16 =	vsel vm2, $0xFFFFFFFF, v0;
	vm2 =	vlt.s32 v10, $0x1;
	v6 =	vshll.u32 v6, $0x7  }
0x37: {  	v14 =	vld [tilespmem:s13+$0x40];
	v18 =	vand.u32 $0xFFFFFF80, v11;
	v16 =	vadd.s32 v16, v7;
	v7 =	vshra.s32 v17, $0x1F  }
0x38: {  	v11 =	vshrl.u32 v11, $0x7;
	v19 =	vshra.s32 v1, $0x1F;
	vm3 =	vne.s32 v10, v18  }
0x39: {  	v7 =	vshrl.u32 v7, $0x19;
	v24 =	vshll.u32 v16, $0x7;
	vm14 =	vlt.s32 v1, $0x1  }
0x3a: {  	vm2 =	vmand vm2, vm3;
	v21 =	vadd.s32 v7, v17;
	v7 =	vor.u32 v9, v6  }
0x3b: {  	v18 =	vld [tilespmem:s13+$0x2840];
	v19 =	vshrl.u32 v19, $0x19;
	v4 =	vor.u32 v4, v24;
	v20 =	vsel vm2, $0xFFFFFFFF, v0  }
0x3c: {  	v24 =	vand.u32 $0x7F, v3;
	v11 =	vadd.s32 v20, v11;
	v20 =	vshra.s32 v14, $0x1F  }
0x3d: {  	vm2 =	vlt.s32 v17, $0x1;
	v9 =	vand.u32 $0xFFFFFF80, v21;
	v20 =	vshrl.u32 v20, $0x19  }
0x3e: {  	v21 =	vshrl.u32 v21, $0x7;
	vm3 =	vlt.s32 v14, $0x1;
	v20 =	vadd.s32 v20, v14  }
0x3f: {  	vm12 =	vne.s32 v17, v9;
	v11 =	vshll.u32 v11, $0x7;
	v6 =	vand.u32 $0xFFFFFF80, v20  }
0x40: {  	vm2 =	vmand vm2, vm12;
	v22 =	vshra.s32 v18, $0x1F;
	vm9 =	vne.s32 v14, v6  }
0x41: {  	v6 =	vand.u32 $0x7F, v8;
	v8 =	vand.u32 $0x7F, v10;
	v10 =	vshrl.u32 v22, $0x19  }
0x42: {  	v22 =	vld [tilespmem:s13+$0x50];
	vm3 =	vmand vm3, vm9;
	v8 =	vor.u32 v8, v11;
	v11 =	vshrl.u32 v20, $0x7  }
0x43: {  	v27 =	vadd.s32 v10, v18;
	v10 =	vshra.s32 v23, $0x1F;
	v12 =	vsel vm3, $0xFFFFFFFF, v0  }
0x44: {  	vm13 =	vlt.s32 v18, $0x1;
	v10 =	vshrl.u32 v10, $0x19;
	v11 =	vadd.s32 v12, v11  }
0x45: {  	v49 =	vld [tilespmem:s14+$0x30];
	v20 =	vsel vm1, $0xFFFFFFFF, v0;
	v10 =	vadd.s32 v10, v23;
	v12 =	vshll.u32 v11, $0x7  }
0x46: {  	v11 =	vand.u32 $0xFFFFFF80, v27;
	v25 =	vand.u32 $0xFFFFFF80, v10;
	v10 =	vshrl.u32 v10, $0x7  }
0x47: {  	v29 =	vld [tilespmem:s13+$0x2850];
	v27 =	vshrl.u32 v27, $0x7;
	v16 =	vshra.s32 v22, $0x1F;
	vm5 =	vne.s32 v23, v25  }
0x48: {  	vm3 =	vne.s32 v18, v11;
	vm1 =	vlt.s32 v22, $0x1;
	vm4 =	vmand vm11, vm5  }
0x49: {  	v9 =	vshrl.u32 v16, $0x19;
	vm3 =	vmand vm13, vm3;
	v11 =	vsel vm4, $0xFFFFFFFF, v0  }
0x4a: {  	vm11 =	vlt.s32 v49, $0x1;
	v16 =	vadd.s32 v9, v22;
	v10 =	vadd.s32 v11, v10  }
0x4b: {  	v9 =	vand.u32 $0x7F, v23;
	v11 =	vsel vm2, $0xFFFFFFFF, v0;
	v10 =	vshll.u32 v10, $0x7  }
0x4c: {  	v9 =	vor.u32 v9, v10;
	v10 =	vand.u32 $0x7F, v17;
	v17 =	vshra.s32 v29, $0x1F  }
0x4d: {  	v23 =	vshrl.u32 v16, $0x7;
	v11 =	vadd.s32 v11, v21;
	v17 =	vshrl.u32 v17, $0x19  }
0x4e: {  	v21 =	vand.u32 $0xFFFFFF80, v16;
	v16 =	vadd.s32 v17, v29;
	v17 =	vadd.s32 v19, v1  }
0x4f: {  	v25 =	vld [tilespmem:s13+$0x70];
	v31 =	vsel vm3, $0xFFFFFFFF, v0;
	v19 =	vand.u32 $0xFFFFFF80, v16;
	v26 =	vand.u32 $0xFFFFFF80, v17  }
0x50: {  	vm2 =	vlt.s32 v29, $0x1;
	vm3 =	vne.s32 v29, v19;
	vm15 =	vne.s32 v1, v26  }
0x51: {  	v16 =	vshrl.u32 v16, $0x7;
	vm2 =	vmand vm2, vm3;
	vm3 =	vmand vm14, vm15  }
0x52: {  	v17 =	vshrl.u32 v17, $0x7;
	v19 =	vsel vm2, $0xFFFFFFFF, v0;
	v26 =	vsel vm3, $0xFFFFFFFF, v0  }
0x53: {  	vm2 =	vlt.s32 v3, $0x1;
	v16 =	vadd.s32 v19, v16;
	v17 =	vadd.s32 v26, v17  }
0x54: {  	vm0 =	vmand vm2, vm0;
	v19 =	vand.u32 $0x7F, v14;
	v26 =	vshra.s32 v25, $0x1F  }
0x55: {  	v14 =	vshll.u32 v17, $0x7;
	v12 =	vor.u32 v19, v12;
	v17 =	vshrl.u32 v26, $0x19  }
0x56: {  	v19 =	vshrl.u32 v13, $0x7;
	v26 =	vsel vm0, $0xFFFFFFFF, v0;
	v28 =	vadd.s32 v17, v25  }
0x57: {  	v13 =	vand.u32 $0x7F, v18;
	vm0 =	vne.s32 v22, v21;
	v21 =	vld [tilespmem:s14+$0x2800];
	v18 =	vand.u32 $0xFFFFFF80, v28  }
0x58: {  	v1 =	vand.u32 $0x7F, v1;
	vm3 =	vlt.s32 v25, $0x1;
	vm2 =	vne.s32 v25, v18  }
0x59: {  	v17 =	vadd.s32 v26, v19;
	vm0 =	vmand vm1, vm0;
	vm1 =	vmand vm3, vm2  }
0x5a: {  	v19 =	vsel vm0, $0xFFFFFFFF, v0;
	v18 =	vshrl.u32 v28, $0x7;
	v26 =	vsel vm1, $0xFFFFFFFF, v0  }
0x5b: {  	v19 =	vadd.s32 v19, v23;
	v23 =	vadd.s32 v20, v15;
	v15 =	vadd.s32 v26, v18  }
0x5c: {  	v28 =	vld [tilespmem:s14+$0x0];
	v18 =	vand.u32 $0x7F, v29;
	v29 =	vshll.u32 v15, $0x7;
	v15 =	vshra.s32 v21, $0x1F  }
0x5d: {  	v16 =	vshll.u32 v16, $0x7;
	v17 =	vshll.u32 v17, $0x7;
	v3 =	vshrl.u32 v15, $0x19  }
0x5e: {  	v20 =	vand.u32 $0x7F, v22;
	v25 =	vand.u32 $0x7F, v25;
	v26 =	vld [tilespmem:s14+$0x2860];
	v3 =	vadd.s32 v3, v21  }
0x5f: {  	v23 =	vshll.u32 v23, $0x7;
	vm0 =	vlt.s32 v21, $0x1;
	v30 =	vand.u32 $0xFFFFFF80, v3  }
0x60: {  	v23 =	vor.u32 v6, v23;
	v15 =	vshra.s32 v32, $0x1F;
	vm1 =	vne.s32 v21, v30  }
0x61: {  	v22 =	vshra.s32 v28, $0x1F;
	v15 =	vshrl.u32 v15, $0x19;
	vm0 =	vmand vm0, vm1  }
0x62: {  	v22 =	vshrl.u32 v22, $0x19;
	v3 =	vshrl.u32 v3, $0x7;
	v34 =	vsel vm0, $0xFFFFFFFF, v0  }
0x63: {  	v22 =	vadd.s32 v22, v28;
	v33 =	vshra.s32 v26, $0x1F;
	v3 =	vadd.s32 v34, v3  }
0x64: {  	v4 =	vld.idx.msk [tilespmem:v4+s8+$0x0], $0xffff;
	v21 =	vand.u32 $0x7F, v21;
	v41 =	vshra.s32 v22, $0x7;
	v3 =	vshll.u32 v3, $0x7  }
0x65: {  	v22 =	vld [tilespmem:s14+$0x2840];
	v3 =	vor.u32 v21, v3;
	v21 =	vadd.s32 v31, v27;
	v31 =	vshra.s32 v62, $0x1F  }
0x66: {  	v30 =	vshrl.u32 v33, $0x19;
	v37 =	vshll.u32 v21, $0x7;
	v21 =	vshrl.u32 v31, $0x19;
	v31 =	vld.idx.msk [tilespmem:v2+s8+$0x0], $0xffff  }
0x67: {  	v63 =	vld [tilespmem:s14+$0x20];
	v16 =	vor.u32 v18, v16;
	v15 =	vadd.s32 v15, v32;
	v30 =	vadd.s32 v30, v26  }
0x68: {  	vm1 =	vlt.s32 v32, $0x1;
	v42 =	vshll.u32 v41, $0x7;
	v35 =	vand.u32 $0xFFFFFF80, v30  }
0x69: {  	vm8 =	vne.s32 v28, v42;
	vm0 =	vne.s32 v26, v35;
	v27 =	vand.u32 $0xFFFFFF80, v15  }
0x6a: {  	v15 =	vshrl.u32 v15, $0x7;
	v57 =	vshra.s32 v22, $0x1F;
	vm2 =	vne.s32 v32, v27  }
0x6b: {  	vm14 =	vlt.s32 v22, $0x1;
	vm1 =	vmand vm1, vm2;
	v4 =	vadd.f32 v31, v4  }
0x6c: {  	v33 =	vld [tilespmem:s14+$0x2850];
	v2 =	vshra.s32 v63, $0x1F;
	v21 =	vadd.s32 v21, v62;
	v27 =	vsel vm1, $0xFFFFFFFF, v0  }
0x6d: {  	v32 =	vld [tilespmem:s14+$0x50];
	v2 =	vshrl.u32 v2, $0x19;
	v15 =	vadd.s32 v27, v15;
	v44 =	vmul.f32 $5.000000000e-01, v4  }
0x6e: {  	v38 =	vadd.s32 v2, v63;
	v2 =	vld [tilespmem:s14+$0x60];
	v48 =	vshll.u32 v15, $0x7;
	v15 =	vand.u32 $0xFFFFFF80, v21  }
0x6f: {  	v58 =	vshrl.u32 v57, $0x19;
	vm2 =	vlt.s32 v62, $0x1;
	vm3 =	vne.s32 v62, v15;
	v15 =	vld [tilespmem:s14+$0x40];
	[tilespmem:s13+$0x7800] =	vst v44  }
0x70: {  	v37 =	vor.u32 v13, v37;
	v27 =	vshrl.u32 v38, $0x7;
	v38 =	vand.u32 $0xFFFFFF80, v38;
	v5 =	vld.idx.msk [tilespmem:v5+s8+$0x0], $0xffff  }
0x71: {  	vm1 =	vlt.s32 v63, $0x1;
	v21 =	vshrl.u32 v21, $0x7;
	vm10 =	vne.s32 v63, v38;
	v7 =	vld.idx.msk [tilespmem:v7+s8+$0x0], $0xffff  }
0x72: {  	v31 =	vshrl.u32 v39, $0x19;
	vm1 =	vmand vm1, vm10;
	v62 =	vshra.s32 v32, $0x1F  }
0x73: {  	vm2 =	vmand vm2, vm3;
	vm3 =	vlt.s32 v28, $0x1;
	v31 =	vadd.s32 v31, v36  }
0x74: {  	v13 =	vshrl.u32 v62, $0x19;
	v28 =	vand.u32 $0x7F, v28;
	v50 =	vsel vm2, $0xFFFFFFFF, v0  }
0x75: {  	vm2 =	vmand vm3, vm8;
	v4 =	vor.u32 v43, v48;
	v52 =	vand.u32 $0xFFFFFF80, v31  }
0x76: {  	v43 =	vshra.s32 v2, $0x1F;
	v31 =	vshrl.u32 v31, $0x7;
	v5 =	vadd.f32 v7, v5  }
0x77: {  	v21 =	vadd.s32 v50, v21;
	v51 =	vsel vm2, $0xFFFFFFFF, v0;
	vm2 =	vlt.s32 v36, $0x1  }
0x78: {  	vm3 =	vne.s32 v36, v52;
	v55 =	vshra.s32 v15, $0x1F;
	v5 =	vmul.f32 $5.000000000e-01, v5  }
0x79: {  	v21 =	vshll.u32 v21, $0x7;
	vm2 =	vmand vm2, vm3;
	v42 =	vshrl.u32 v55, $0x19  }
0x7a: {  	v54 =	vsel vm2, $0xFFFFFFFF, v0;
	v6 =	vor.u32 v45, v21;
	v21 =	vadd.s32 v42, v15;
	[tilespmem:s13+$0x7810] =	vst v5  }
0x7b: {  	v13 =	vadd.s32 v13, v32;
	v31 =	vadd.s32 v54, v31;
	v7 =	vand.u32 $0xFFFFFF80, v21;
	v23 =	vld.idx.msk [tilespmem:v23+s8+$0x0], $0xffff  }
0x7c: {  	vm3 =	vlt.s32 v15, $0x1;
	v31 =	vshll.u32 v31, $0x7;
	vm9 =	vne.s32 v15, v7;
	v60 =	vld.idx.msk [tilespmem:v8+s8+$0x0], $0xffff  }
0x7d: {  	v21 =	vshrl.u32 v21, $0x7;
	vm3 =	vmand vm3, vm9;
	v5 =	vand.u32 $0x7F, v36  }
0x7e: {  	v59 =	vsel vm3, $0xFFFFFFFF, v0;
	v8 =	vor.u32 v5, v31;
	v31 =	vshra.s32 v49, $0x1F  }
0x7f: {  	v5 =	vadd.s32 v59, v21;
	v21 =	vadd.s32 v58, v22;
	v31 =	vshrl.u32 v31, $0x19  }
0x80: {  	v61 =	vshll.u32 v5, $0x7;
	v5 =	vand.u32 $0xFFFFFF80, v21;
	v31 =	vadd.s32 v31, v49  }
0x81: {  	vm3 =	vne.s32 v22, v5;
	v5 =	vshll.u32 v11, $0x7;
	v11 =	vadd.f32 v60, v23  }
0x82: {  	v7 =	vand.u32 $0x7F, v63;
	v63 =	vand.u32 $0xFFFFFF80, v31;
	v10 =	vor.u32 v10, v5  }
0x83: {  	vm15 =	vlt.s32 v2, $0x1;
	vm12 =	vne.s32 v49, v63;
	v11 =	vmul.f32 $5.000000000e-01, v11  }
0x84: {  	v50 =	vshrl.u32 v13, $0x7;
	v52 =	vand.u32 $0xFFFFFF80, v13;
	vm4 =	vmand vm11, vm12  }
0x85: {  	v35 =	vadd.s32 v51, v41;
	v5 =	vld [tilespmem:s14+$0x70];
	v23 =	vshrl.u32 v31, $0x7;
	v31 =	vsel vm4, $0xFFFFFFFF, v0;
	[tilespmem:s13+$0x7820] =	vst v11  }
0x86: {  	v41 =	vshrl.u32 v53, $0x19;
	v51 =	vshra.s32 v33, $0x1F;
	v11 =	vadd.s32 v31, v23;
	v31 =	vld.idx.msk [tilespmem:v9+s8+$0x0], $0xffff  }
0x87: {  	v53 =	vshrl.u32 v43, $0x19;
	vm2 =	vlt.s32 v40, $0x1;
	v9 =	vand.u32 $0x7F, v49;
	v49 =	vld.idx.msk [tilespmem:v10+s8+$0x0], $0xffff  }
0x88: {  	v41 =	vadd.s32 v41, v40;
	v35 =	vshll.u32 v35, $0x7;
	v13 =	vshrl.u32 v51, $0x19  }
0x89: {  	v56 =	vand.u32 $0xFFFFFF80, v41;
	v41 =	vshrl.u32 v41, $0x7;
	v13 =	vadd.s32 v13, v33  }
0x8a: {  	vm13 =	vne.s32 v40, v56;
	v54 =	vand.u32 $0xFFFFFF80, v13;
	v42 =	vadd.s32 v53, v2  }
0x8b: {  	v13 =	vshrl.u32 v13, $0x7;
	vm2 =	vmand vm2, vm13;
	v55 =	vand.u32 $0xFFFFFF80, v42  }
0x8c: {  	v42 =	vshrl.u32 v42, $0x7;
	vm3 =	vmand vm14, vm3;
	v31 =	vadd.f32 v49, v31  }
0x8d: {  	v15 =	vand.u32 $0x7F, v15;
	v36 =	vsel vm1, $0xFFFFFFFF, v0;
	v23 =	vsel vm3, $0xFFFFFFFF, v0  }
0x8e: {  	vm3 =	vne.s32 v33, v54;
	v11 =	vshll.u32 v11, $0x7;
	v31 =	vmul.f32 $5.000000000e-01, v31  }
0x8f: {  	v9 =	vor.u32 v9, v11;
	v11 =	vsel vm2, $0xFFFFFFFF, v0;
	vm2 =	vlt.s32 v33, $0x1  }
0x90: {  	vm1 =	vlt.s32 v32, $0x1;
	vm2 =	vmand vm2, vm3;
	vm3 =	vne.s32 v2, v55;
	[tilespmem:s13+$0x7830] =	vst v31  }
0x91: {  	v56 =	vsel vm2, $0xFFFFFFFF, v0;
	vm2 =	vmand vm15, vm3;
	vm3 =	vlt.s32 v26, $0x1;
	v58 =	vld.idx.msk [tilespmem:v12+s8+$0x0], $0xffff  }
0x92: {  	v59 =	vor.u32 v1, v14;
	v1 =	vshrl.u32 v30, $0x7;
	vm0 =	vmand vm3, vm0;
	v37 =	vld.idx.msk [tilespmem:v37+s8+$0x0], $0xffff  }
0x93: {  	v48 =	vld [tilespmem:s13+$0x2870];
	v15 =	vor.u32 v15, v61;
	v57 =	vsel vm2, $0xFFFFFFFF, v0;
	v14 =	vsel vm0, $0xFFFFFFFF, v0  }
0x94: {  	v30 =	vshra.s32 v5, $0x1F;
	v1 =	vadd.s32 v14, v1;
	v31 =	vadd.s32 v57, v42  }
0x95: {  	v12 =	vshll.u32 v31, $0x7;
	v31 =	vor.u32 v24, v17;
	v17 =	vshrl.u32 v30, $0x19  }
0x96: {  	v14 =	vshll.u32 v1, $0x7;
	v1 =	vadd.s32 v17, v5;
	v17 =	vshll.u32 v19, $0x7  }
0x97: {  	v22 =	vand.u32 $0x7F, v22;
	v17 =	vor.u32 v20, v17;
	v19 =	vadd.f32 v37, v58  }
0x98: {  	v10 =	vand.u32 $0x7F, v40;
	v11 =	vadd.s32 v11, v41;
	v20 =	vshra.s32 v48, $0x1F  }
0x99: {  	v30 =	vshrl.u32 v1, $0x7;
	v1 =	vand.u32 $0xFFFFFF80, v1;
	v18 =	vmul.f32 $5.000000000e-01, v19  }
0x9a: {  	vm2 =	vne.s32 v32, v52;
	vm3 =	vne.s32 v5, v1;
	v1 =	vshrl.u32 v20, $0x19  }
0x9b: {  	vm1 =	vmand vm1, vm2;
	vm2 =	vlt.s32 v5, $0x1;
	v1 =	vadd.s32 v1, v48;
	[tilespmem:s13+$0x7840] =	vst v18  }
0x9c: {  	v19 =	vand.u32 $0xFFFFFF80, v1;
	v18 =	vsel vm1, $0xFFFFFFFF, v0;
	vm1 =	vmand vm2, vm3;
	v60 =	vld.idx.msk [tilespmem:v17+s8+$0x0], $0xffff  }
0x9d: {  	s15 =	simm.s32 $0x100;
	vm0 =	vlt.s32 v48, $0x1;
	v17 =	vsel vm1, $0xFFFFFFFF, v0;
	vm1 =	vne.s32 v48, v19;
	v61 =	vld.idx.msk [tilespmem:v16+s8+$0x0], $0xffff  }
0x9e: {  	v13 =	vadd.s32 v56, v13;
	v24 =	vadd.s32 v36, v27;
	v34 =	vld [tilespmem:s15+$0x2800];
	vm0 =	vmand vm0, vm1  }
0x9f: {  	v1 =	vshrl.u32 v1, $0x7;
	v27 =	vld [tilespmem:s15+$0x10];
	v16 =	vadd.s32 v17, v30;
	v30 =	vsel vm0, $0xFFFFFFFF, v0  }
0xa0: {  	v36 =	vor.u32 v28, v35;
	v17 =	vshll.u32 v16, $0x7;
	v16 =	vld [tilespmem:s15+$0x0];
	v1 =	vadd.s32 v30, v1  }
0xa1: {  	v20 =	vand.u32 $0x7F, v33;
	v33 =	vand.u32 $0x7F, v48;
	v30 =	vshll.u32 v1, $0x7;
	v1 =	vld [tilespmem:s15+$0x2860]  }
0xa2: {  	v18 =	vadd.s32 v18, v50;
	v19 =	vand.u32 $0x7F, v32;
	v37 =	vadd.f32 v61, v60  }
0xa3: {  	v32 =	vor.u32 v25, v29;
	v25 =	vand.u32 $0x7F, v26;
	v29 =	vshra.s32 v34, $0x1F  }
0xa4: {  	v28 =	vshra.s32 v27, $0x1F;
	v26 =	vshrl.u32 v29, $0x19;
	v62 =	vmul.f32 $5.000000000e-01, v37  }
0xa5: {  	vm0 =	vlt.s32 v34, $0x1;
	v39 =	vshrl.u32 v28, $0x19;
	v40 =	vadd.s32 v26, v34  }
0xa6: {  	v29 =	vld [tilespmem:s15+$0x2810];
	v63 =	vshra.s32 v16, $0x1F;
	v26 =	vand.u32 $0xFFFFFF80, v40;
	v28 =	vshra.s32 v1, $0x1F;
	[tilespmem:s13+$0x7850] =	vst v62  }
0xa7: {  	s16 =	simm.s32 $0x600;
	v41 =	vshrl.u32 v63, $0x19;
	vm1 =	vne.s32 v34, v26;
	v26 =	vshrl.u32 v28, $0x19;
	v35 =	vld.idx.msk [tilespmem:v59+s8+$0x0], $0xffff  }
.LBB2_2:
0xa8: {  	p0 =	sne.s32 s16, $0x9E00;
	v37 =	vadd.s32 v41, v16;
	vm0 =	vmand vm0, vm1;
	v38 =	vadd.s32 v39, v27;
	v31 =	vld.idx.msk [tilespmem:v31+s8+$0x0], $0xffff;
	s17 =	smov.u32 s16;
	s16 =	sadd.s32 $0x200, s16  }
0xa9: {  	v39 =	vshrl.u32 v40, $0x7;
	v28 =	vadd.s32 v26, v1;
	v40 =	vsel vm0, $0xFFFFFFFF, v0  }
0xaa: {  	v21 =	vshrl.u32 v21, $0x7;
	v26 =	vadd.s32 v40, v39;
	v39 =	vld [tilespmem:s15+$0x20];
	v40 =	vand.u32 $0xFFFFFF80, v28  }
0xab: {  	v34 =	vand.u32 $0x7F, v34;
	v26 =	vshll.u32 v26, $0x7;
	vm0 =	vne.s32 v1, v40  }
0xac: {  	v33 =	vor.u32 v33, v30;
	v21 =	vadd.s32 v23, v21;
	v26 =	vor.u32 v34, v26  }
0xad: {  	v30 =	vand.u32 $0xFFFFFF80, v38;
	v23 =	vshll.u32 v21, $0x7;
	v34 =	vshra.s32 v29, $0x1F  }
0xae: {  	vm1 =	vlt.s32 v27, $0x1;
	vm2 =	vne.s32 v27, v30;
	v30 =	vadd.f32 v31, v35;
	v21 =	vld [tilespmem:s15+$0x2820]  }
0xaf: {  	vm1 =	vmand vm1, vm2;
	v31 =	vshrl.u32 v34, $0x19;
	v34 =	vshra.s32 v39, $0x1F  }
0xb0: {  	v35 =	vshrl.u32 v38, $0x7;
	v38 =	vsel vm1, $0xFFFFFFFF, v0;
	v30 =	vmul.f32 $5.000000000e-01, v30  }
0xb1: {  	v35 =	vadd.s32 v38, v35;
	v38 =	vadd.s32 v31, v29;
	v31 =	vshrl.u32 v34, $0x19  }
0xb2: {  	vm2 =	vlt.s32 v29, $0x1;
	v34 =	vshll.u32 v35, $0x7;
	v35 =	vadd.s32 v31, v39;
	[tilespmem:s13+$0x7860] =	vst v30  }
0xb3: {  	v31 =	vand.u32 $0xFFFFFF80, v38;
	v30 =	vshrl.u32 v35, $0x7;
	v40 =	vshra.s32 v21, $0x1F;
	v32 =	vld.idx.msk [tilespmem:v32+s8+$0x0], $0xffff  }
0xb4: {  	v37 =	vshra.s32 v37, $0x7;
	vm1 =	vlt.s32 v39, $0x1;
	vm3 =	vne.s32 v29, v31;
	v33 =	vld.idx.msk [tilespmem:v33+s8+$0x0], $0xffff  }
0xb5: {  	v41 =	vshll.u32 v37, $0x7;
	vm2 =	vmand vm2, vm3;
	v40 =	vshrl.u32 v40, $0x19;
	v31 =	vld [tilespmem:s15+$0x60]  }
0xb6: {  	vm4 =	vne.s32 v16, v41;
	vm3 =	vlt.s32 v16, $0x1;
	v41 =	vsel vm2, $0xFFFFFFFF, v0;
	v42 =	vld [tilespmem:s15+$0x2830]  }
0xb7: {  	v43 =	vand.u32 $0x7F, v29;
	v27 =	vand.u32 $0x7F, v27;
	v38 =	vshrl.u32 v38, $0x7  }
0xb8: {  	v44 =	vor.u32 v27, v34;
	vm2 =	vmand vm3, vm4;
	v27 =	vadd.s32 v41, v38  }
0xb9: {  	v34 =	vsel vm2, $0xFFFFFFFF, v0;
	v38 =	vadd.s32 v40, v21;
	v27 =	vshll.u32 v27, $0x7;
	v29 =	vld [tilespmem:s15+$0x40]  }
0xba: {  	v40 =	vand.u32 $0xFFFFFF80, v38;
	v33 =	vadd.f32 v33, v32;
	v41 =	vshra.s32 v31, $0x1F  }
0xbb: {  	vm2 =	vlt.s32 v21, $0x1;
	v34 =	vadd.s32 v34, v37;
	vm3 =	vne.s32 v21, v40  }
0xbc: {  	vm2 =	vmand vm2, vm3;
	v37 =	vshra.s32 v42, $0x1F;
	v33 =	vmul.f32 $5.000000000e-01, v33;
	v32 =	vld [tilespmem:s15+$0x2840]  }
0xbd: {  	v38 =	vshrl.u32 v38, $0x7;
	v40 =	vsel vm2, $0xFFFFFFFF, v0;
	v37 =	vshrl.u32 v37, $0x19  }
0xbe: {  	v38 =	vadd.s32 v40, v38;
	vm2 =	vlt.s32 v42, $0x1;
	v40 =	vshra.s32 v29, $0x1F;
	[tilespmem:s13+$0x7870] =	vst v33;
	s13 =	smov.u32 s14;
	s14 =	smov.u32 s15  }
0xbf: {  	v37 =	vadd.s32 v37, v42;
	v33 =	vshll.u32 v38, $0x7;
	v38 =	vshrl.u32 v40, $0x19;
	v40 =	vld.idx.msk [tilespmem:v3+s8+$0x0], $0xffff;
	v3 =	vmovc v26  }
0xc0: {  	v43 =	vor.u32 v43, v27;
	v45 =	vand.u32 $0xFFFFFF80, v37;
	v38 =	vadd.s32 v38, v29;
	v36 =	vld.idx.msk [tilespmem:v36+s8+$0x0], $0xffff  }
0xc1: {  	v37 =	vshrl.u32 v37, $0x7;
	v27 =	vand.u32 $0xFFFFFF80, v38;
	v46 =	vshra.s32 v32, $0x1F  }
0xc2: {  	vm3 =	vlt.s32 v29, $0x1;
	v26 =	vshll.u32 v34, $0x7;
	v47 =	vld [tilespmem:s14+$0x30];
	vm4 =	vne.s32 v29, v27  }
0xc3: {  	v27 =	vand.u32 $0xFFFFFF80, v35;
	v35 =	vand.u32 $0x7F, v39;
	vm3 =	vmand vm3, vm4  }
0xc4: {  	v21 =	vand.u32 $0x7F, v21;
	v34 =	vshrl.u32 v46, $0x19;
	vm4 =	vne.s32 v39, v27;
	v27 =	vld [tilespmem:s14+$0x50]  }
0xc5: {  	v39 =	vor.u32 v21, v33;
	v21 =	vshrl.u32 v38, $0x7;
	v33 =	vsel vm3, $0xFFFFFFFF, v0  }
0xc6: {  	v33 =	vadd.s32 v33, v21;
	v21 =	vadd.s32 v34, v32;
	v34 =	vadd.f32 v40, v36  }
0xc7: {  	vm1 =	vmand vm1, vm4;
	v38 =	vshll.u32 v33, $0x7;
	v36 =	vshra.s32 v47, $0x1F  }
0xc8: {  	v40 =	vand.u32 $0xFFFFFF80, v21;
	v46 =	vmul.f32 $5.000000000e-01, v34;
	v33 =	vshrl.u32 v36, $0x19  }
0xc9: {  	v36 =	vsel vm1, $0xFFFFFFFF, v0;
	v48 =	vadd.s32 v33, v47;
	v49 =	vshra.s32 v27, $0x1F  }
0xca: {  	vm3 =	vne.s32 v32, v40;
	vm1 =	vlt.s32 v27, $0x1;
	v33 =	vand.u32 $0xFFFFFF80, v48;
	v34 =	vld [tilespmem:s14+$0x2850];
	[tilespmem:s13+$0x7800] =	vst v46  }
0xcb: {  	vm4 =	vlt.s32 v47, $0x1;
	vm5 =	vne.s32 v47, v33;
	v40 =	vld.idx.msk [tilespmem:v4+s8+$0x0], $0xffff;
	v33 =	vor.u32 v22, v23;
	v4 =	vmovc v44  }
0xcc: {  	v22 =	vshrl.u32 v49, $0x19;
	vm4 =	vmand vm4, vm5;
	vm5 =	vne.s32 v42, v45;
	v44 =	vld.idx.msk [tilespmem:v6+s8+$0x0], $0xffff;
	v6 =	vmovc v43  }
0xcd: {  	v23 =	vshrl.u32 v48, $0x7;
	v43 =	vsel vm4, $0xFFFFFFFF, v0;
	vm2 =	vmand vm2, vm5  }
0xce: {  	v22 =	vadd.s32 v22, v27;
	vm4 =	vlt.s32 v32, $0x1;
	v23 =	vadd.s32 v43, v23  }
0xcf: {  	v43 =	vand.u32 $0x7F, v47;
	vm3 =	vmand vm4, vm3;
	v23 =	vshll.u32 v23, $0x7  }
0xd0: {  	v42 =	vand.u32 $0x7F, v42;
	v45 =	vshrl.u32 v22, $0x7;
	v43 =	vor.u32 v43, v23  }
0xd1: {  	v24 =	vshll.u32 v24, $0x7;
	v46 =	vshra.s32 v34, $0x1F;
	v23 =	vsel vm3, $0xFFFFFFFF, v0  }
0xd2: {  	v24 =	vor.u32 v7, v24;
	v7 =	vmovc v35;
	v47 =	vsel vm2, $0xFFFFFFFF, v0;
	v40 =	vadd.f32 v44, v40  }
0xd3: {  	v37 =	vadd.s32 v47, v37;
	v44 =	vand.u32 $0xFFFFFF80, v22;
	v22 =	vshrl.u32 v46, $0x19  }
0xd4: {  	v35 =	vshrl.u32 v41, $0x19;
	v22 =	vadd.s32 v22, v34;
	v40 =	vmul.f32 $5.000000000e-01, v40  }
0xd5: {  	v35 =	vadd.s32 v35, v31;
	vm2 =	vlt.s32 v34, $0x1;
	v41 =	vand.u32 $0xFFFFFF80, v22  }
0xd6: {  	vm4 =	vlt.s32 v31, $0x1;
	vm3 =	vne.s32 v34, v41;
	v41 =	vand.u32 $0xFFFFFF80, v35;
	[tilespmem:s13+$0x7810] =	vst v40  }
0xd7: {  	v22 =	vshrl.u32 v22, $0x7;
	vm2 =	vmand vm2, vm3;
	vm3 =	vne.s32 v31, v41;
	v24 =	vld.idx.msk [tilespmem:v24+s8+$0x0], $0xffff  }
0xd8: {  	v40 =	vsel vm2, $0xFFFFFFFF, v0;
	vm2 =	vmand vm4, vm3;
	vm3 =	vlt.s32 v1, $0x1;
	v41 =	vld.idx.msk [tilespmem:v8+s8+$0x0], $0xffff;
	v8 =	vmovc v39  }
0xd9: {  	v39 =	vadd.s32 v40, v22;
	v22 =	vshrl.u32 v35, $0x7;
	v35 =	vsel vm2, $0xFFFFFFFF, v0;
	v40 =	vld [tilespmem:s14+$0x70]  }
0xda: {  	vm0 =	vmand vm3, vm0;
	v22 =	vadd.s32 v35, v22;
	v35 =	vand.u32 $0x7F, v2;
	v2 =	vmovc v31  }
0xdb: {  	v29 =	vand.u32 $0x7F, v29;
	v35 =	vor.u32 v35, v12;
	v12 =	vshll.u32 v22, $0x7;
	v46 =	vld [tilespmem:s13+$0x2870]  }
0xdc: {  	v29 =	vor.u32 v29, v38;
	v22 =	vand.u32 $0x7F, v32;
	v32 =	vshll.u32 v11, $0x7;
	v11 =	vmovc v37  }
0xdd: {  	v28 =	vshrl.u32 v28, $0x7;
	v31 =	vor.u32 v25, v14;
	v37 =	vsel vm0, $0xFFFFFFFF, v0  }
0xde: {  	v14 =	vadd.s32 v37, v28;
	v24 =	vadd.f32 v41, v24;
	v25 =	vshra.s32 v40, $0x1F  }
0xdf: {  	v28 =	vor.u32 v10, v32;
	v10 =	vmovc v42;
	v14 =	vshll.u32 v14, $0x7;
	v25 =	vshrl.u32 v25, $0x19  }
0xe0: {  	v24 =	vmul.f32 $5.000000000e-01, v24;
	v25 =	vadd.s32 v25, v40;
	v32 =	vshra.s32 v46, $0x1F  }
0xe1: {  	vm0 =	vlt.s32 v46, $0x1;
	v37 =	vshrl.u32 v25, $0x7;
	v25 =	vand.u32 $0xFFFFFF80, v25  }
0xe2: {  	vm2 =	vne.s32 v27, v44;
	vm3 =	vne.s32 v40, v25;
	[tilespmem:s13+$0x7820] =	vst v24;
	v24 =	vshrl.u32 v32, $0x19  }
0xe3: {  	vm1 =	vmand vm1, vm2;
	vm2 =	vlt.s32 v40, $0x1;
	v25 =	vld.idx.msk [tilespmem:v9+s8+$0x0], $0xffff;
	v32 =	vadd.s32 v24, v46;
	v9 =	vmovc v43  }
0xe4: {  	v24 =	vsel vm1, $0xFFFFFFFF, v0;
	vm1 =	vmand vm2, vm3;
	v28 =	vld.idx.msk [tilespmem:v28+s8+$0x0], $0xffff;
	v38 =	vand.u32 $0xFFFFFF80, v32  }
0xe5: {  	v41 =	vadd.s32 v24, v45;
	v42 =	vsel vm1, $0xFFFFFFFF, v0;
	vm1 =	vne.s32 v46, v38  }
0xe6: {  	v24 =	vadd.s32 v36, v30;
	v30 =	vadd.s32 v42, v37;
	vm0 =	vmand vm0, vm1  }
0xe7: {  	v27 =	vand.u32 $0x7F, v27;
	v32 =	vshrl.u32 v32, $0x7;
	v36 =	vsel vm0, $0xFFFFFFFF, v0  }
0xe8: {  	v34 =	vand.u32 $0x7F, v34;
	v37 =	vshll.u32 v30, $0x7  }
0xe9: {  	v30 =	vadd.s32 v36, v32  }
0xea: {  	v25 =	vadd.f32 v28, v25;
	v30 =	vshll.u32 v30, $0x7;
	_ =	sdelay $0x1  }
0xeb: {  	v25 =	vmul.f32 $5.000000000e-01, v25;
	_ =	sdelay $0x1  }
0xec: {  	[tilespmem:s13+$0x7830] =	vst v25  }
0xed: {  	v25 =	vld.idx.msk [tilespmem:v15+s8+$0x0], $0xffff;
	v15 =	vmov v29  }
0xee: {  	v28 =	vld.idx.msk [tilespmem:v33+s8+$0x0], $0xffff;
	_ =	sdelay $0x4  }
0xef: {  	v29 =	vshll.u32 v18, $0x7;
	v18 =	vmov v41  }
0xf0: {  	v25 =	vadd.f32 v28, v25;
	v28 =	vor.u32 v19, v29;
	v29 =	vshll.u32 v13, $0x7;
	v13 =	vmovc v39;
	v19 =	vmovc v27  }
0xf1: {  	v27 =	vor.u32 v20, v29;
	v20 =	vmov v34  }
0xf2: {  	v25 =	vmul.f32 $5.000000000e-01, v25;
	_ =	sdelay $0x1  }
0xf3: {  	[tilespmem:s13+$0x7840] =	vst v25  }
0xf4: {  	v25 =	vld.idx.msk [tilespmem:v28+s8+$0x0], $0xffff  }
0xf5: {  	s15 =	sshra.s32 s17, $0x2;
	v28 =	vld.idx.msk [tilespmem:v27+s8+$0x0], $0xffff  }
0xf6: {  	v27 =	vld [tilespmem:s15+$0x10]  }
0xf7: {  	v34 =	vld [tilespmem:s15+$0x2800]  }
0xf8: {  	v29 =	vld [tilespmem:s15+$0x2810]  }
0xf9: {  	v38 =	vld [tilespmem:s15+$0x0]  }
0xfa: {  	v32 =	vand.u32 $0x7F, v5;
	v5 =	vmov v40;
	v33 =	vand.u32 $0x7F, v46;
	v42 =	vld [tilespmem:s15+$0x2860]  }
0xfb: {  	v16 =	vand.u32 $0x7F, v16;
	v32 =	vor.u32 v32, v17;
	v17 =	vmovc v37;
	v28 =	vadd.f32 v28, v25  }
.Ltmp0:
0xfc: {  	v36 =	vor.u32 v16, v26;
	v25 =	vand.u32 $0x7F, v1;
	v37 =	vshra.s32 v34, $0x1F;
	(pc) =	sbr.rel @p0 .LBB2_2-.Ltmp0, $4  }
0xfd: {  	v26 =	vmul.f32 $5.000000000e-01, v28;
	v43 =	vshrl.u32 v37, $0x19;
	v37 =	vshra.s32 v27, $0x1F  }
0xfe: {  	v28 =	vshra.s32 v38, $0x1F;
	v40 =	vadd.s32 v43, v34;
	v39 =	vshrl.u32 v37, $0x19;
	v16 =	vmovc v38  }
0xff: {  	v41 =	vshrl.u32 v28, $0x19;
	v28 =	vand.u32 $0xFFFFFF80, v40;
	v37 =	vshra.s32 v42, $0x1F;
	[tilespmem:s13+$0x7850] =	vst v26;
	v1 =	vmovc v42  }
0x100: {  	vm0 =	vlt.s32 v34, $0x1;
	vm1 =	vne.s32 v34, v28;
	v26 =	vshrl.u32 v37, $0x19;
	v35 =	vld.idx.msk [tilespmem:v35+s8+$0x0], $0xffff  }
0x101: {  	_ =	sdelay $0x3  }
0x102: {  	v28 =	vld.idx.msk [tilespmem:v31+s8+$0x0], $0xffff;
	_ =	sdelay $0x4  }
0x103: {  	v28 =	vadd.f32 v28, v35  }
0x104: {  	v30 =	vor.u32 v33, v30  }
0x105: {  	v28 =	vmul.f32 $5.000000000e-01, v28  }
0x106: {  	v37 =	vld [tilespmem:s15+$0x20]  }
0x107: {  	v38 =	vld [tilespmem:s15+$0x2820];
	[tilespmem:s13+$0x7860] =	vst v28  }
0x108: {  	v53 =	vld.idx.msk [tilespmem:v32+s8+$0x0], $0xffff  }
0x109: {  	v30 =	vld.idx.msk [tilespmem:v30+s8+$0x0], $0xffff;
	_ =	sdelay $0x4  }
0x10a: {  	v30 =	vadd.f32 v30, v53  }
0x10b: {  	v28 =	vld [tilespmem:s15+$0x60]  }
0x10c: {  	v35 =	vld [tilespmem:s15+$0x2830];
	v30 =	vmul.f32 $5.000000000e-01, v30  }
0x10d: {  	v33 =	vld [tilespmem:s15+$0x40]  }
0x10e: {  	v32 =	vld [tilespmem:s15+$0x2840];
	[tilespmem:s13+$0x7870] =	vst v30  }
0x10f: {  	v3 =	vld.idx.msk [tilespmem:v3+s8+$0x0], $0xffff  }
0x110: {  	v30 =	vld.idx.msk [tilespmem:v36+s8+$0x0], $0xffff;
	_ =	sdelay $0x4  }
0x111: {  	v3 =	vadd.f32 v3, v30;
	_ =	sdelay $0x1  }
0x112: {  	v36 =	vld [tilespmem:s15+$0x30];
	v3 =	vmul.f32 $5.000000000e-01, v3  }
0x113: {  	v31 =	vld [tilespmem:s15+$0x2850]  }
0x114: {  	v30 =	vld [tilespmem:s15+$0x50];
	[tilespmem:s14+$0x7800] =	vst v3  }
0x115: {  	v3 =	vld.idx.msk [tilespmem:v4+s8+$0x0], $0xffff  }
0x116: {  	v54 =	vld.idx.msk [tilespmem:v6+s8+$0x0], $0xffff;
	_ =	sdelay $0x3  }
0x117: {  	v55 =	vshll.u32 v24, $0x7  }
0x118: {  	v56 =	vor.u32 v7, v55;
	v3 =	vadd.f32 v54, v3;
	_ =	sdelay $0x1  }
0x119: {  	v3 =	vmul.f32 $5.000000000e-01, v3;
	_ =	sdelay $0x1  }
0x11a: {  	[tilespmem:s14+$0x7810] =	vst v3  }
0x11b: {  	v3 =	vld.idx.msk [tilespmem:v56+s8+$0x0], $0xffff  }
0x11c: {  	v57 =	vld.idx.msk [tilespmem:v8+s8+$0x0], $0xffff;
	_ =	sdelay $0x4  }
0x11d: {  	v58 =	vshll.u32 v11, $0x7;
	v4 =	vadd.f32 v57, v3  }
0x11e: {  	v6 =	vor.u32 v10, v58  }
0x11f: {  	v4 =	vmul.f32 $5.000000000e-01, v4;
	_ =	sdelay $0x1  }
0x120: {  	v3 =	vld [tilespmem:s15+$0x70];
	[tilespmem:s14+$0x7820] =	vst v4  }
0x121: {  	v4 =	vld.idx.msk [tilespmem:v9+s8+$0x0], $0xffff  }
0x122: {  	v6 =	vld.idx.msk [tilespmem:v6+s8+$0x0], $0xffff;
	_ =	sdelay $0x2  }
0x123: {  	v60 =	vshrl.u32 v21, $0x7  }
0x124: {  	v8 =	vadd.s32 v23, v60  }
0x125: {  	v8 =	vshll.u32 v8, $0x7;
	v4 =	vadd.f32 v6, v4  }
0x126: {  	v61 =	vor.u32 v22, v8  }
0x127: {  	v4 =	vmul.f32 $5.000000000e-01, v4;
	_ =	sdelay $0x1  }
0x128: {  	[tilespmem:s14+$0x7830] =	vst v4  }
0x129: {  	v4 =	vld.idx.msk [tilespmem:v15+s8+$0x0], $0xffff  }
0x12a: {  	v6 =	vld.idx.msk [tilespmem:v61+s8+$0x0], $0xffff;
	_ =	sdelay $0x3  }
0x12b: {  	v62 =	vshll.u32 v18, $0x7  }
0x12c: {  	v63 =	vor.u32 v19, v62;
	v15 =	vshll.u32 v13, $0x7;
	v4 =	vadd.f32 v6, v4  }
0x12d: {  	v8 =	vor.u32 v20, v15  }
0x12e: {  	v4 =	vmul.f32 $5.000000000e-01, v4;
	_ =	sdelay $0x1  }
0x12f: {  	[tilespmem:s14+$0x7840] =	vst v4  }
0x130: {  	v4 =	vld.idx.msk [tilespmem:v63+s8+$0x0], $0xffff  }
0x131: {  	v18 =	vld.idx.msk [tilespmem:v8+s8+$0x0], $0xffff;
	_ =	sdelay $0x2  }
0x132: {  	v59 =	vld [tilespmem:s14+$0x2870]  }
0x133: {  	v2 =	vand.u32 $0x7F, v2  }
0x134: {  	v2 =	vor.u32 v2, v12;
	v4 =	vadd.f32 v18, v4  }
0x135: {  	v19 =	vor.u32 v25, v14  }
0x136: {  	v4 =	vmul.f32 $5.000000000e-01, v4  }
0x137: {  	v20 =	vshra.s32 v59, $0x1F  }
0x138: {  	v8 =	vshrl.u32 v20, $0x19;
	[tilespmem:s14+$0x7850] =	vst v4  }
0x139: {  	v8 =	vadd.s32 v8, v59;
	v2 =	vld.idx.msk [tilespmem:v2+s8+$0x0], $0xffff  }
0x13a: {  	v21 =	vand.u32 $0xFFFFFF80, v8;
	v22 =	vld.idx.msk [tilespmem:v19+s8+$0x0], $0xffff  }
0x13b: {  	vm2 =	vlt.s32 v59, $0x1;
	vm3 =	vne.s32 v59, v21  }
0x13c: {  	vm2 =	vmand vm2, vm3  }
0x13d: {  	v5 =	vand.u32 $0x7F, v5;
	v23 =	vshrl.u32 v8, $0x7;
	v24 =	vsel vm2, $0xFFFFFFFF, v0  }
0x13e: {  	v5 =	vor.u32 v5, v17;
	v6 =	vadd.s32 v24, v23  }
0x13f: {  	v7 =	vand.u32 $0x7F, v59;
	v6 =	vshll.u32 v6, $0x7;
	v2 =	vadd.f32 v22, v2  }
0x140: {  	v25 =	vor.u32 v7, v6  }
0x141: {  	v2 =	vmul.f32 $5.000000000e-01, v2;
	_ =	sdelay $0x1  }
0x142: {  	v41 =	vadd.s32 v41, v16;
	[tilespmem:s14+$0x7860] =	vst v2  }
0x143: {  	v2 =	vshra.s32 v41, $0x7;
	v5 =	vld.idx.msk [tilespmem:v5+s8+$0x0], $0xffff  }
0x144: {  	v43 =	vshll.u32 v2, $0x7;
	v4 =	vld.idx.msk [tilespmem:v25+s8+$0x0], $0xffff  }
0x145: {  	vm0 =	vmand vm0, vm1;
	vm6 =	vlt.s32 v16, $0x1;
	vm7 =	vne.s32 v16, v43  }
0x146: {  	v42 =	vshrl.u32 v40, $0x7;
	v44 =	vsel vm0, $0xFFFFFFFF, v0;
	vm0 =	vmand vm6, vm7  }
0x147: {  	v45 =	vand.u32 $0x7F, v34;
	v6 =	vadd.s32 v44, v42;
	v46 =	vsel vm0, $0xFFFFFFFF, v0  }
0x148: {  	v47 =	vand.u32 $0x7F, v16;
	v6 =	vshll.u32 v6, $0x7;
	v2 =	vadd.s32 v46, v2  }
0x149: {  	v6 =	vor.u32 v45, v6;
	v2 =	vshll.u32 v2, $0x7;
	v4 =	vadd.f32 v4, v5  }
0x14a: {  	v2 =	vor.u32 v47, v2  }
0x14b: {  	v4 =	vmul.f32 $5.000000000e-01, v4  }
0x14c: {  	v49 =	vshra.s32 v29, $0x1F  }
0x14d: {  	v48 =	vadd.s32 v39, v27;
	v7 =	vshrl.u32 v49, $0x19;
	[tilespmem:s14+$0x7870] =	vst v4  }
0x14e: {  	vm8 =	vlt.s32 v27, $0x1;
	v50 =	vand.u32 $0xFFFFFF80, v48;
	v51 =	vadd.s32 v7, v29;
	v6 =	vld.idx.msk [tilespmem:v6+s8+$0x0], $0xffff  }
0x14f: {  	vm10 =	vlt.s32 v29, $0x1;
	vm9 =	vne.s32 v27, v50;
	v7 =	vand.u32 $0xFFFFFF80, v51;
	v2 =	vld.idx.msk [tilespmem:v2+s8+$0x0], $0xffff  }
0x150: {  	v55 =	vand.u32 $0x7F, v29;
	vm11 =	vne.s32 v29, v7;
	vm0 =	vmand vm8, vm9  }
0x151: {  	v52 =	vsel vm0, $0xFFFFFFFF, v0;
	vm0 =	vmand vm10, vm11;
	v5 =	vshrl.u32 v48, $0x7  }
0x152: {  	v53 =	vsel vm0, $0xFFFFFFFF, v0;
	v5 =	vadd.s32 v52, v5;
	v4 =	vshrl.u32 v51, $0x7  }
0x153: {  	v54 =	vand.u32 $0x7F, v27;
	v5 =	vshll.u32 v5, $0x7;
	v4 =	vadd.s32 v53, v4  }
0x154: {  	v5 =	vor.u32 v54, v5;
	v4 =	vshll.u32 v4, $0x7;
	v2 =	vadd.f32 v6, v2  }
0x155: {  	v4 =	vor.u32 v55, v4  }
0x156: {  	v56 =	vshra.s32 v37, $0x1F;
	v57 =	vshra.s32 v38, $0x1F;
	v2 =	vmul.f32 $5.000000000e-01, v2  }
0x157: {  	v7 =	vshrl.u32 v57, $0x19;
	v6 =	vshrl.u32 v56, $0x19  }
0x158: {  	v7 =	vadd.s32 v7, v38;
	v6 =	vadd.s32 v6, v37;
	[tilespmem:s15+$0x7800] =	vst v2  }
0x159: {  	v58 =	vand.u32 $0xFFFFFF80, v6;
	v2 =	vand.u32 $0xFFFFFF80, v7;
	v5 =	vld.idx.msk [tilespmem:v5+s8+$0x0], $0xffff  }
0x15a: {  	vm12 =	vlt.s32 v37, $0x1;
	vm15 =	vne.s32 v37, v58;
	vm14 =	vne.s32 v38, v2;
	v2 =	vld.idx.msk [tilespmem:v4+s8+$0x0], $0xffff  }
0x15b: {  	vm13 =	vlt.s32 v38, $0x1;
	v12 =	vand.u32 $0x7F, v38;
	vm0 =	vmand vm12, vm15  }
0x15c: {  	v59 =	vshrl.u32 v6, $0x7;
	v62 =	vsel vm0, $0xFFFFFFFF, v0;
	vm1 =	vmand vm13, vm14  }
0x15d: {  	v60 =	vshrl.u32 v7, $0x7;
	v4 =	vadd.s32 v62, v59;
	v61 =	vsel vm1, $0xFFFFFFFF, v0  }
0x15e: {  	v63 =	vand.u32 $0x7F, v37;
	v4 =	vshll.u32 v4, $0x7;
	v6 =	vadd.s32 v61, v60  }
0x15f: {  	v4 =	vor.u32 v63, v4;
	v6 =	vshll.u32 v6, $0x7;
	v2 =	vadd.f32 v2, v5  }
0x160: {  	v13 =	vor.u32 v12, v6  }
0x161: {  	v14 =	vshra.s32 v36, $0x1F;
	v2 =	vmul.f32 $5.000000000e-01, v2  }
0x162: {  	v15 =	vshra.s32 v35, $0x1F;
	v6 =	vshrl.u32 v14, $0x19  }
0x163: {  	v7 =	vshrl.u32 v15, $0x19;
	v6 =	vadd.s32 v6, v36;
	[tilespmem:s15+$0x7810] =	vst v2  }
0x164: {  	vm4 =	vlt.s32 v36, $0x1;
	v16 =	vand.u32 $0xFFFFFF80, v6;
	v2 =	vadd.s32 v7, v35;
	v4 =	vld.idx.msk [tilespmem:v4+s8+$0x0], $0xffff  }
0x165: {  	v21 =	vand.u32 $0x7F, v35;
	vm5 =	vne.s32 v36, v16;
	v7 =	vand.u32 $0xFFFFFF80, v2;
	v5 =	vld.idx.msk [tilespmem:v13+s8+$0x0], $0xffff  }
0x166: {  	vm6 =	vlt.s32 v35, $0x1;
	vm0 =	vmand vm4, vm5;
	vm7 =	vne.s32 v35, v7  }
0x167: {  	v6 =	vshrl.u32 v6, $0x7;
	v17 =	vsel vm0, $0xFFFFFFFF, v0;
	vm8 =	vmand vm6, vm7  }
0x168: {  	v2 =	vshrl.u32 v2, $0x7;
	v6 =	vadd.s32 v17, v6;
	v19 =	vsel vm8, $0xFFFFFFFF, v0  }
0x169: {  	v18 =	vand.u32 $0x7F, v36;
	v6 =	vshll.u32 v6, $0x7;
	v2 =	vadd.s32 v19, v2  }
0x16a: {  	v6 =	vor.u32 v18, v6;
	v2 =	vshll.u32 v2, $0x7;
	v4 =	vadd.f32 v5, v4  }
0x16b: {  	v2 =	vor.u32 v21, v2  }
0x16c: {  	v20 =	vshra.s32 v33, $0x1F;
	v4 =	vmul.f32 $5.000000000e-01, v4  }
0x16d: {  	v24 =	vshra.s32 v32, $0x1F;
	v22 =	vshrl.u32 v20, $0x19  }
0x16e: {  	v27 =	vshrl.u32 v24, $0x19;
	v5 =	vadd.s32 v22, v33;
	[tilespmem:s15+$0x7820] =	vst v4  }
0x16f: {  	v29 =	vadd.s32 v27, v32;
	vm9 =	vlt.s32 v33, $0x1;
	v23 =	vand.u32 $0xFFFFFF80, v5;
	v6 =	vld.idx.msk [tilespmem:v6+s8+$0x0], $0xffff  }
0x170: {  	v37 =	vand.u32 $0x7F, v33;
	v35 =	vand.u32 $0xFFFFFF80, v29;
	vm10 =	vne.s32 v33, v23;
	v2 =	vld.idx.msk [tilespmem:v2+s8+$0x0], $0xffff  }
0x171: {  	vm12 =	vlt.s32 v32, $0x1;
	vm11 =	vne.s32 v32, v35;
	vm0 =	vmand vm9, vm10  }
0x172: {  	v5 =	vshrl.u32 v5, $0x7;
	v34 =	vsel vm0, $0xFFFFFFFF, v0;
	vm0 =	vmand vm12, vm11  }
0x173: {  	v4 =	vshrl.u32 v29, $0x7;
	v5 =	vadd.s32 v34, v5;
	v36 =	vsel vm0, $0xFFFFFFFF, v0  }
0x174: {  	v38 =	vand.u32 $0x7F, v32;
	v5 =	vshll.u32 v5, $0x7;
	v4 =	vadd.s32 v36, v4  }
0x175: {  	v5 =	vor.u32 v37, v5;
	v4 =	vshll.u32 v4, $0x7;
	v2 =	vadd.f32 v2, v6  }
0x176: {  	v4 =	vor.u32 v38, v4  }
0x177: {  	v39 =	vshra.s32 v30, $0x1F;
	v2 =	vmul.f32 $5.000000000e-01, v2  }
0x178: {  	v40 =	vshra.s32 v31, $0x1F;
	v6 =	vshrl.u32 v39, $0x19  }
0x179: {  	v7 =	vshrl.u32 v40, $0x19;
	v6 =	vadd.s32 v6, v30;
	[tilespmem:s15+$0x7830] =	vst v2  }
0x17a: {  	v46 =	vand.u32 $0x7F, v30;
	v7 =	vadd.s32 v7, v31;
	v2 =	vand.u32 $0xFFFFFF80, v6;
	v5 =	vld.idx.msk [tilespmem:v5+s8+$0x0], $0xffff  }
0x17b: {  	vm13 =	vlt.s32 v30, $0x1;
	v41 =	vand.u32 $0xFFFFFF80, v7;
	vm6 =	vne.s32 v30, v2;
	v2 =	vld.idx.msk [tilespmem:v4+s8+$0x0], $0xffff  }
0x17c: {  	vm14 =	vlt.s32 v31, $0x1;
	vm15 =	vne.s32 v31, v41;
	vm0 =	vmand vm13, vm6  }
0x17d: {  	vm1 =	vmand vm14, vm15;
	v42 =	vshrl.u32 v6, $0x7;
	v45 =	vsel vm0, $0xFFFFFFFF, v0  }
0x17e: {  	v43 =	vshrl.u32 v7, $0x7;
	v44 =	vsel vm1, $0xFFFFFFFF, v0;
	v4 =	vadd.s32 v45, v42  }
0x17f: {  	v47 =	vand.u32 $0x7F, v31;
	v6 =	vadd.s32 v44, v43;
	v4 =	vshll.u32 v4, $0x7  }
0x180: {  	v48 =	vshll.u32 v6, $0x7;
	v2 =	vadd.f32 v2, v5;
	v4 =	vor.u32 v46, v4  }
0x181: {  	v5 =	vor.u32 v47, v48  }
0x182: {  	v49 =	vshra.s32 v28, $0x1F;
	v2 =	vmul.f32 $5.000000000e-01, v2  }
0x183: {  	v6 =	vshrl.u32 v49, $0x19  }
0x184: {  	v50 =	vadd.s32 v26, v1;
	v6 =	vadd.s32 v6, v28;
	[tilespmem:s15+$0x7840] =	vst v2  }
0x185: {  	v51 =	vand.u32 $0xFFFFFF80, v50;
	v2 =	vand.u32 $0xFFFFFF80, v6;
	v4 =	vld.idx.msk [tilespmem:v4+s8+$0x0], $0xffff  }
0x186: {  	v56 =	vand.u32 $0x7F, v28;
	vm8 =	vlt.s32 v28, $0x1;
	vm9 =	vne.s32 v28, v2;
	v2 =	vld.idx.msk [tilespmem:v5+s8+$0x0], $0xffff  }
0x187: {  	vm7 =	vne.s32 v1, v51;
	vm10 =	vlt.s32 v1, $0x1;
	vm1 =	vmand vm8, vm9  }
0x188: {  	v52 =	vshrl.u32 v6, $0x7;
	vm0 =	vmand vm10, vm7;
	v53 =	vsel vm1, $0xFFFFFFFF, v0  }
0x189: {  	v25 =	vld [tilespmem:s15+$0x2870];
	v7 =	vshrl.u32 v50, $0x7;
	v54 =	vsel vm0, $0xFFFFFFFF, v0;
	v5 =	vadd.s32 v53, v52  }
0x18a: {  	v1 =	vand.u32 $0x7F, v1;
	v55 =	vadd.s32 v54, v7;
	v5 =	vshll.u32 v5, $0x7  }
0x18b: {  	v6 =	vshll.u32 v55, $0x7;
	v5 =	vor.u32 v56, v5;
	v2 =	vadd.f32 v2, v4  }
0x18c: {  	v1 =	vor.u32 v1, v6  }
0x18d: {  	v57 =	vshra.s32 v3, $0x1F;
	v2 =	vmul.f32 $5.000000000e-01, v2  }
0x18e: {  	v58 =	vshra.s32 v25, $0x1F;
	v4 =	vshrl.u32 v57, $0x19  }
0x18f: {  	v6 =	vshrl.u32 v58, $0x19;
	v4 =	vadd.s32 v4, v3;
	[tilespmem:s15+$0x7850] =	vst v2  }
0x190: {  	v63 =	vand.u32 $0x7F, v25;
	v6 =	vadd.s32 v6, v25;
	v59 =	vand.u32 $0xFFFFFF80, v4;
	v5 =	vld.idx.msk [tilespmem:v5+s8+$0x0], $0xffff  }
0x191: {  	vm12 =	vlt.s32 v3, $0x1;
	vm11 =	vne.s32 v3, v59;
	v2 =	vand.u32 $0xFFFFFF80, v6;
	v1 =	vld.idx.msk [tilespmem:v1+s8+$0x0], $0xffff  }
0x192: {  	vm13 =	vlt.s32 v25, $0x1;
	vm0 =	vmand vm12, vm11;
	vm14 =	vne.s32 v25, v2  }
0x193: {  	v2 =	vshrl.u32 v4, $0x7;
	v60 =	vsel vm0, $0xFFFFFFFF, v0;
	vm15 =	vmand vm13, vm14  }
0x194: {  	v6 =	vshrl.u32 v6, $0x7;
	v2 =	vadd.s32 v60, v2;
	v61 =	vsel vm15, $0xFFFFFFFF, v0  }
0x195: {  	v3 =	vand.u32 $0x7F, v3;
	v2 =	vshll.u32 v2, $0x7;
	v62 =	vadd.s32 v61, v6  }
0x196: {  	v2 =	vor.u32 v3, v2;
	v4 =	vshll.u32 v62, $0x7;
	v1 =	vadd.f32 v1, v5  }
0x197: {  	v3 =	vor.u32 v63, v4  }
0x198: {  	v1 =	vmul.f32 $5.000000000e-01, v1;
	_ =	sdelay $0x1  }
0x199: {  	[tilespmem:s15+$0x7860] =	vst v1  }
0x19a: {  	v1 =	vld.idx.msk [tilespmem:v2+s8+$0x0], $0xffff  }
0x19b: {  	v2 =	vld.idx.msk [tilespmem:v3+s8+$0x0], $0xffff;
	_ =	sdelay $0x4  }
0x19c: {  	v1 =	vadd.f32 v2, v1;
	_ =	sdelay $0x1  }
0x19d: {  	s12 =	sadd.s32 $0x1, s12;
	v1 =	vmul.f32 $5.000000000e-01, v1  }
0x19e: {  	p0 =	sne.s32 s12, s7  }
.Ltmp1:
0x19f: {  	[tilespmem:s15+$0x7870] =	vst v1;
	(pc) =	sbr.rel @p0 .LBB2_1-.Ltmp1, $4  }
0x1a0: {  	[hbm4b:s6+s3] =	stream.linear.scatter [tilespmem:s11], [sflag:$0x1], $0x2800, $0x38;
	[tilespmem:$0xA000] =	vst v63  }
0x1a1: {  	_ =	swait.ge [sflag:s9], $0x2800  }
0x1a2: {  	[sflag:s9] =	ssyncset.done $0x0  }
0x1a3: {  	[sflag:s9] =	ssyncadd.s32 $0xFFFFD800  }
0x1a4: {  	_ =	sfence.sel $0x180000  }
0x1a5: {  	[bflag:$0x0] =	sbarrier.arrive $0xFFFF  }
0x1a6: {  	p0 =	sne.s32 s1, $0x0;
	_ =	strace $0x90000050  }
0x1a7: {  	s0 =	sadd.s32 @!p0 $0x100000, s0;
	[bflag:$0x2] =	sbarrier.arrive $0xFFFF  }
0x1a8: {  	[sflag:s0] =	ssyncadd.tile.s32 @!p0 $0x1;
	_ =	shalt  }
.Lfunc_end2:
_tile_overlayer_lowered:
.L_overlay_start_2:
0x1a9: {  	(tag) =	ssettag $0x2  }
0x1aa: {  	s0 =	rddreg [dreg:$0x0];
	s2 =	stileid.u32  }
0x1ab: {  	s1 =	rddreg [dreg:$0x1];
	p0 =	sne.s32 s2, $0x0  }
0x1ac: {  	s3 =	rddreg [dreg:$0x2];
	[bflag:$0x3] =	sbarrier.arrive $0xFFFF;
	s2 =	simm.s32 @!p0 $0x1C01  }
0x1ad: {  	[timem:s3], [sflag:s2] =	dma.local @!p0 [hbm:s0], s1  }
0x1ae: {  	s0 =	simm.s32 @!p0 $0x1  }
0x1af: {  	_ =	swait.ge @!p0 [sflag:s0], s1  }
0x1b0: {  	s1 =	ssub.s32 @!p0 $0x0, s1;
	[sflag:s0] =	ssyncset.done @!p0 $0x0  }
0x1b1: {  	[sflag:s0] =	ssyncadd.s32 @!p0 s1  }
0x1b2: {  	[bflag:$0x3] =	sbarrier.arrive $0xFFFF  }
0x1b3: {  	_ =	shalt  }

// kernel: kernel.9.cloned.1.call-start
scs
__scs_entry_jumppad:
0x0: {  	(pc) =	sbr.rel $0x88, $3  }
0x1: {  	(tag) =	ssettag $0x0;
	lr =	simm.s32 $0x1  }
0x2: {  	[smem:$0x3F99] =	sst lr;
	_ =	strace $0xD0000000  }
0x3: {  	_ = 	snop  }
0x4: {  	_ = 	snop  }
0x5: {  	_ = 	snop  }
0x6: {  	_ = 	snop  }
0x7: {  	_ = 	snop  }
__scs_overlays_trampoline_lowered:
0x8: {  	[smem:$0x3FA8] =	sst s0  }
0x9: {  	[smem:$0x3FA9] =	sst s1  }
0xa: {  	[smem:$0x3FAA] =	sst s2  }
0xb: {  	[smem:$0x3FAB] =	sst s3  }
0xc: {  	[smem:$0x3FAC] =	sst s4  }
0xd: {  	[smem:$0x3FAD] =	sst s5  }
0xe: {  	[smem:$0x3FAE] =	sst s6  }
0xf: {  	[smem:$0x3FAF] =	sst s7  }
0x10: {  	[smem:$0x3FB0] =	sst s8  }
0x11: {  	[smem:$0x3FB1] =	sst s9;
	s0 =	simm.s32 @!p0 $0x0  }
0x12: {  	s1 =	sld [smem:$0x3F97];
	s0 =	simm.s32 @p0 $0x1  }
0x13: {  	[smem:$0x3FB2] =	sst s0;
	s0 =	simm.s32 @!p1 $0x0  }
0x14: {  	s2 =	sld [smem:$0x3F96];
	s0 =	simm.s32 @p1 $0x1  }
0x15: {  	[smem:$0x3FB3] =	sst s0;
	s0 =	simm.s32 @!p2 $0x0  }
0x16: {  	s3 =	sld [smem:$0x3FDB];
	s0 =	simm.s32 @p2 $0x1  }
0x17: {  	s4 =	simm.s32 $0x1BF5;
	[smem:$0x3FB5] =	sst s0  }
0x18: {  	s0 =	sld [smem:$0x3F98];
	_ =	swait.ge [sflag:s4], $0x0  }
0x19: {  	s7 =	sld [smem:$0x3F99]  }
0x1a: {  	s8 =	sadd.s32 $0xFFFFE003, lr  }
0x1b: {  	s9 =	sadd.s32 $0xFFFFFEF7, lr;
	s5 =	simm.s32 $0xFFFFFFFF;
	p2 =	slt.u32 s8, $0xFFFFF086  }
0x1c: {  	p1 =	slt.u32 s9, $0xF7A;
	s5 =	simm.s32 @!p2 $0x0  }
0x1d: {  	s5 =	simm.s32 @p1 $0x1;
	p0 =	seq.s32 s7, s2  }
0x1e: {  	s7 =	smul.u32 @!p0 $0xF7A, s2;
	p2 =	seq.s32 @!p0 s5, $0x0  }
0x1f: {  	s9 =	smul.u32 $0xF7A, s1;
	s8 =	simm.s32 @!p0 $0x1BF5;
	p2 =	por !p2, p0  }
0x20: {  	[sflag:s8] =	ssyncset.s32 @!p0 $0xFFFFF086;
	s6 =	sadd.s32 @!p0 s3, s7;
	s7 =	simm.s32 @!p0 $0x108  }
0x21: {  	s3 =	sadd.s32 s3, s9;
	s6 =	sadd.s32 @!p0 $0x88, s6;
	s7 =	simm.s32 @p2 $0x1082  }
0x22: {  	[simem:s7], [sflag:s8] =	dma.local @!p0 [hbm:s6], $0xF7A  }
0x23: {  	s9 =	sor.u32 $0xD0000000, s2;
	s6 =	simm.s32 $0x108;
	_ =	swait.ge @!p0 [sflag:s8], $0x0  }
0x24: {  	s3 =	sadd.s32 $0x88, s3;
	s6 =	simm.s32 @!p1 $0x1082;
	[sflag:s4] =	ssyncset.s32 $0xFFFFF086  }
0x25: {  	[simem:s6], [sflag:s4] =	dma.local [hbm:s3], $0xF7A  }
0x26: {  	[smem:$0x3F99] =	sst s1;
	(tag) =	ssettag s2;
	_ =	strace s9  }
0x27: {  	s1 =	sld [smem:$0x3FA9]  }
0x28: {  	s2 =	sld [smem:$0x3FAA]  }
0x29: {  	s4 =	sld [smem:$0x3FAC]  }
0x2a: {  	p0 =	seq.s32 s5, $0x0;
	s5 =	sld [smem:$0x3FAD]  }
0x2b: {  	s6 =	sld [smem:$0x3FAE]  }
0x2c: {  	s7 =	sld [smem:$0x3FAF]  }
0x2d: {  	s3 =	simm.s32 $0x108;
	s8 =	sld [smem:$0x3FB0]  }
0x2e: {  	s3 =	simm.s32 @!p0 $0x1082;
	s9 =	sld [smem:$0x3FB1]  }
0x2f: {  	lr =	sadd.s32 s0, s3;
	s0 =	sld [smem:$0x3FA8]  }
0x30: {  	s3 =	sld [smem:$0x3FAB]  }
0x31: {  	[smem:$0x3FB4] =	sst s10  }
0x32: {  	s10 =	sld [smem:$0x3FB2];
	_ =	sdelay $0x3  }
0x33: {  	p0 =	seq.s32 s10, $0x1;
	s10 =	sld [smem:$0x3FB4];
	_ =	sdelay $0x3  }
0x34: {  	[smem:$0x3FB4] =	sst s10  }
0x35: {  	s10 =	sld [smem:$0x3FB3];
	_ =	sdelay $0x3  }
0x36: {  	p1 =	seq.s32 s10, $0x1;
	s10 =	sld [smem:$0x3FB4];
	_ =	sdelay $0x3  }
0x37: {  	[smem:$0x3FB4] =	sst s10  }
0x38: {  	s10 =	sld [smem:$0x3FB5]  }
0x39: {  	_ = 	snop;
	(pc) =	sbr.ind lr, $3  }
0x3a: {  	_ = 	snop  }
0x3b: {  	_ = 	snop  }
0x3c: {  	p2 =	seq.s32 s10, $0x1;
	s10 =	sld [smem:$0x3FB4]  }
0x3d: {  	_ =	shalt  }
0x3e: {  	_ =	shalt  }
0x3f: {  	_ =	shalt  }
0x40: {  	_ =	shalt  }
0x41: {  	_ =	shalt  }
0x42: {  	_ =	shalt  }
0x43: {  	_ =	shalt  }
0x44: {  	_ =	shalt  }
0x45: {  	_ =	shalt  }
0x46: {  	_ =	shalt  }
0x47: {  	_ =	shalt  }
0x48: {  	_ =	shalt  }
0x49: {  	_ =	shalt  }
0x4a: {  	_ =	shalt  }
0x4b: {  	_ =	shalt  }
0x4c: {  	_ =	shalt  }
0x4d: {  	_ =	shalt  }
0x4e: {  	_ =	shalt  }
0x4f: {  	_ =	shalt  }
0x50: {  	_ =	shalt  }
0x51: {  	_ =	shalt  }
0x52: {  	_ =	shalt  }
0x53: {  	_ =	shalt  }
0x54: {  	_ =	shalt  }
0x55: {  	_ =	shalt  }
0x56: {  	_ =	shalt  }
0x57: {  	_ =	shalt  }
0x58: {  	_ =	shalt  }
0x59: {  	_ =	shalt  }
0x5a: {  	_ =	shalt  }
0x5b: {  	_ =	shalt  }
0x5c: {  	_ =	shalt  }
0x5d: {  	_ =	shalt  }
0x5e: {  	_ =	shalt  }
0x5f: {  	_ =	shalt  }
0x60: {  	_ =	shalt  }
0x61: {  	_ =	shalt  }
0x62: {  	_ =	shalt  }
0x63: {  	_ =	shalt  }
0x64: {  	_ =	shalt  }
0x65: {  	_ =	shalt  }
0x66: {  	_ =	shalt  }
0x67: {  	_ =	shalt  }
0x68: {  	_ =	shalt  }
0x69: {  	_ =	shalt  }
0x6a: {  	_ =	shalt  }
0x6b: {  	_ =	shalt  }
0x6c: {  	_ =	shalt  }
0x6d: {  	_ =	shalt  }
0x6e: {  	_ =	shalt  }
0x6f: {  	_ =	shalt  }
0x70: {  	_ =	shalt  }
0x71: {  	_ =	shalt  }
0x72: {  	_ =	shalt  }
0x73: {  	_ =	shalt  }
0x74: {  	_ =	shalt  }
0x75: {  	_ =	shalt  }
0x76: {  	_ =	shalt  }
0x77: {  	_ =	shalt  }
0x78: {  	_ =	shalt  }
0x79: {  	_ =	shalt  }
0x7a: {  	_ =	shalt  }
0x7b: {  	_ =	shalt  }
0x7c: {  	_ =	shalt  }
0x7d: {  	_ =	shalt  }
0x7e: {  	_ =	shalt  }
0x7f: {  	_ =	shalt  }
0x80: {  	_ =	shalt  }
0x81: {  	_ =	shalt  }
0x82: {  	_ =	shalt  }
0x83: {  	_ =	shalt  }
0x84: {  	_ =	shalt  }
0x85: {  	_ =	shalt  }
0x86: {  	_ =	shalt  }
0x87: {  	_ =	shalt  }
.Lfunc_end0:
.L_simem_size_0:
called_computation_lowered:
.L_overlay_start_0:
0x88: {  	s2 =	sld [smem:$0x3FD9]  }
0x89: {  	s3 =	sld [smem:$0x3FFE];
	_ =	sdelay $0x1  }
0x8a: {  	s1 =	srdreg.scid  }
0x8b: {  	s0 =	sand.u32 $0x1, s1  }
0x8c: {  	s14 =	sshll.u32 s0, $0xA;
	s2 =	sadd.s32 s3, s2  }
0x8d: {  	s2 =	sadd.s32 s2, s14  }
0x8e: {  	[smem:$0x3FC0] =	sst s2  }
0x8f: {  	_ = 	snop  }
0x90: {  	s2 =	sld [smem:$0x3FD0];
	_ =	sdelay $0x2  }
0x91: {  	s15 =	simm.s32 $0xA;
	s4 =	simm.s32 $0x10  }
0x92: {  	[smem:s4], [sflag:s15] =	dma.local [hbm:s2], $0x1  }
0x93: {  	_ =	swait.eq [sflag:s15], $0x1  }
0x94: {  	[sflag:s15] =	ssyncset.done $0x0  }
0x95: {  	[sflag:s15] =	ssyncadd.s32 $0xFFFFFFFF  }
0x96: {  	s16 =	sld [smem:$0x10];
	(tm) =	ssettm $0x1  }
0x97: {  	s17 =	sld [smem:$0x3FFB];
	_ =	sdelay $0x3  }
0x98: {  	_ =	strace s17  }
0x99: {  	s3 =	sld [smem:$0x3FFC];
	_ =	sdelay $0x3  }
0x9a: {  	_ =	strace s3  }
0x9b: {  	s3 =	sld [smem:$0x3FFD];
	_ =	sdelay $0x3  }
0x9c: {  	_ =	strace s3  }
0x9d: {  	_ =	strace $0x8FFFFFFF  }
0x9e: {  	s18 =	sld [smem:$0x3FDB];
	_ =	sdelay $0x1  }
0x9f: {  	s19 =	simm.s32 $_scs_section_size  }
0xa0: {  	s5 =	simm.s32 $_size__tile_overlayer_lowered;
	s6 =	simm.s32 $_tile_overlayer_lowered  }
0xa1: {  	s22 =	simm.s32 $0x1BFF;
	s21 =	sshll.u32 s6, $0x1;
	s3 =	sadd.s32 s19, s18  }
0xa2: {  	s7 =	simm.s32 $0x0;
	s20 =	sshll.u32 s5, $0x1;
	s5 =	sadd.s32 s21, s3  }
0xa3: {  	[timem:s7], [sflag:s22] =	dma.local [hbm:s5], s20  }
0xa4: {  	_ =	swait.ge [sflag:s22], s20  }
0xa5: {  	s4 =	ssub.s32 $0x0, s20;
	[sflag:s22] =	ssyncset.done $0x0  }
0xa6: {  	[sflag:s22] =	ssyncadd.s32 s4;
	_ =	sdelay $0x1  }
0xa7: {  	s23 =	simm.s32 $0x1B8B  }
0xa8: {  	_ =	swait.ge [sflag:s23], $0x1  }
0xa9: {  	[sflag:s23] =	ssyncset.done $0x0  }
0xaa: {  	s25 =	simm.s32 $0x1B8E;
	s24 =	sld [smem:$0x3FFE];
	[sflag:s23] =	ssyncadd.s32 $0xFFFFFFFF  }
0xab: {  	s26 =	simm.s32 $execute0_lowered;
	[smem:$0x3FD2] =	sst s25  }
0xac: {  	s5 =	sshll.u32 s26, $0x1;
	_ =	strace $0x80000046;
	[dreg:$0x1] =	wrdreg $0xFFFFFFFF  }
0xad: {  	s28 =	simm.s32 $_size_execute0_lowered;
	s3 =	sadd.s32 s3, s5;
	[dreg:$0x0] =	wrdreg $0x0  }
0xae: {  	s5 =	sshll.u32 s28, $0x1;
	[dreg:$0x2] =	wrdreg s3  }
0xaf: {  	[dreg:$0x3] =	wrdreg s5  }
0xb0: {  	[dreg:$0x4] =	wrdreg $0xC0  }
0xb1: {  	_ =	task [dreg:s7], $0x5FFFF  }
0xb2: {  	[dreg:$0x1] =	wrdreg $0xFFFFFFFF  }
0xb3: {  	[dreg:$0x0] =	wrdreg $0x60  }
0xb4: {  	[dreg:$0x2] =	wrdreg s24  }
0xb5: {  	[dreg:$0x3] =	wrdreg s16  }
0xb6: {  	[dreg:$0x4] =	wrdreg $0x9  }
0xb7: {  	_ =	task.clear_ibuf [dreg:s7], $0x5FFFF;
	_ =	strace $0x90000046  }
0xb8: {  	s29 =	simm.s32 $0x9;
	_ =	strace $0x80000048  }
0xb9: {  	_ =	swait.ge [sflag:s29], $0x1  }
0xba: {  	[sflag:s29] =	ssyncadd.s32 $0xFFFFFFFF  }
0xbb: {  	_ =	strace $0x90000048  }
0xbc: {  	_ =	sfence  }
0xbd: {  	s30 =	sld [smem:$0x0];
	_ =	sdelay $0x2  }
0xbe: {  	s31 =	sshll.u32 s1, $0xD;
	s1 =	sshrl.u32 s1, $0x2  }
0xbf: {  	s3 =	sand.u32 $0x4000, s31;
	s1 =	sadd.s32 s1, s30  }
0xc0: {  	s0 =	sor.u32 s3, s0;
	s1 =	sshll.u32 s1, $0x11  }
0xc1: {  	s0 =	sor.u32 s1, s0  }
0xc2: {  	s0 =	sadd.s32 $0x8F2B, s0  }
0xc3: {  	[sflag:s0] =	ssyncadd.remote.s32 $0x1  }
0xc4: {  	_ =	sfence.sel $0xFFFF  }
0xc5: {  	[dreg:$0x0] =	wrdreg $0xFFFFFFFF;
	(pc) =	sbr.abs _section_cstart, $3  }
0xc6: {  	[dreg:$0x1] =	wrdreg $0xFFFFFFFF  }
0xc7: {  	_ =	task.clear_ibuf [dreg:s7], $0x2FFFF;
	_ =	strace $0x9FFFFFFF  }
0xc8: {  	(tm) =	ssettm $0x7FFFFFFF  }
0xc9: {  	_ =	shalt  }
tec
execute0_lowered:
.L_overlay_start_1:
0x0: {  	(tag) =	ssettag $0x1  }
0x1: {  	s0 =	srdreg.scid;
	s3 =	rddreg [dreg:$0x0]  }
0x2: {  	s5 =	rddreg [dreg:$0x1];
	s4 =	sand.u32 $0x1, s0  }
0x3: {  	s1 =	stileid.u32;
	s8 =	simm.s32 $0x0;
	s2 =	sshll.u32 s4, $0x4  }
0x4: {  	s4 =	ssub.s32 $0x2, s4;
	s6 =	sor.u32 s1, s2;
	s2 =	simm.s32 $0x0  }
0x5: {  	s7 =	sshrl.u32 s4, $0x1;
	s6 =	smul.u32 $0x500, s6;
	[smem:$0x7FF] =	sst s2  }
0x6: {  	s0 =	rddreg [dreg:$0x2];
	s7 =	ssub.s32 s4, s7;
	_ =	strace $0x80000047  }
0x7: {  	s3 =	sadd.s32 s6, s3;
	s4 =	sadd.s32 s5, s6;
	s5 =	smax.u32 s7, $0x1  }
0x8: {  	v0 =	vimm.f32 $0.0e+00;
	v1 =	vimm.f32 $1.000000000e+00;
	s6 =	simm.s32 $0x1;
	s7 =	simm.s32 $0x2800;
	s3 =	sadd.s32 $0xD200, s3  }
.LBB2_1:
0x9: {  	[tilespmem:s2], [sflag:$0x1] =	stream.linear.gather [hbm4b:s3+s2], $0x2800, $0x38;
	[tilespmem:$0x5000] =	vst v63  }
0xa: {  	_ =	swait.ge [sflag:s6], $0x2800  }
0xb: {  	[sflag:s6] =	ssyncset.done $0x0  }
0xc: {  	s9 =	simm.s32 $0x0;
	s10 =	simm.s32 $0x200;
	[sflag:s6] =	ssyncadd.s32 $0xFFFFD800  }
.LBB2_2:
0xd: {  	p0 =	sne.s32 s10, $0x9E00;
	[tilespmem:s9+$0x2870] =	vst v0  }
0xe: {  	[tilespmem:s9+$0x2800] =	vst v0  }
0xf: {  	[tilespmem:s9+$0x2810] =	vst v0  }
.Ltmp0:
0x10: {  	[tilespmem:s9+$0x2820] =	vst v0;
	(pc) =	sbr.rel @p0 .LBB2_2-.Ltmp0, $4  }
0x11: {  	[tilespmem:s9+$0x2830] =	vst v0  }
0x12: {  	[tilespmem:s9+$0x2840] =	vst v0  }
0x13: {  	[tilespmem:s9+$0x2850] =	vst v0  }
0x14: {  	[tilespmem:s9+$0x2860] =	vst v0;
	s9 =	sshra.s32 s10, $0x2;
	s10 =	sadd.s32 $0x200, s10  }
0x15: {  	[tilespmem:s9+$0x2870] =	vst v0  }
0x16: {  	[tilespmem:s9+$0x2800] =	vst v0  }
0x17: {  	[tilespmem:s9+$0x2810] =	vst v0  }
0x18: {  	[tilespmem:s9+$0x2820] =	vst v0  }
0x19: {  	[tilespmem:s9+$0x2830] =	vst v0  }
0x1a: {  	[tilespmem:s9+$0x2840] =	vst v0  }
0x1b: {  	[tilespmem:s9+$0x2850] =	vst v0  }
0x1c: {  	[tilespmem:s9+$0x2860] =	vst v0;
	s9 =	simm.s32 $0x0  }
.LBB2_4:
0x1d: {  	s10 =	sshra.s32 s9, $0x2  }
0x1e: {  	v2 =	vld [tilespmem:s10+$0x0];
	_ =	sdelay $0x7  }
0x1f: {  	[tilespmem:v2+s7+$0x0] =	vst.idx.add.f32.msk $0xffff, v1  }
0x20: {  	v2 =	vld [tilespmem:s10+$0x10];
	_ =	sdelay $0x7  }
0x21: {  	[tilespmem:v2+s7+$0x0] =	vst.idx.add.f32.msk $0xffff, v1  }
0x22: {  	v2 =	vld [tilespmem:s10+$0x20];
	_ =	sdelay $0x7  }
0x23: {  	[tilespmem:v2+s7+$0x0] =	vst.idx.add.f32.msk $0xffff, v1  }
0x24: {  	v2 =	vld [tilespmem:s10+$0x30];
	_ =	sdelay $0x7  }
0x25: {  	[tilespmem:v2+s7+$0x0] =	vst.idx.add.f32.msk $0xffff, v1  }
0x26: {  	v2 =	vld [tilespmem:s10+$0x40];
	_ =	sdelay $0x7  }
0x27: {  	[tilespmem:v2+s7+$0x0] =	vst.idx.add.f32.msk $0xffff, v1  }
0x28: {  	v2 =	vld [tilespmem:s10+$0x50];
	_ =	sdelay $0x7  }
0x29: {  	[tilespmem:v2+s7+$0x0] =	vst.idx.add.f32.msk $0xffff, v1  }
0x2a: {  	v2 =	vld [tilespmem:s10+$0x60];
	_ =	sdelay $0x7  }
0x2b: {  	[tilespmem:v2+s7+$0x0] =	vst.idx.add.f32.msk $0xffff, v1  }
0x2c: {  	v2 =	vld [tilespmem:s10+$0x70];
	_ =	sdelay $0x2  }
0x2d: {  	p0 =	sne.s32 s9, $0x9E00  }
.Ltmp1:
0x2e: {  	_ = 	snop;
	(pc) =	sbr.rel @p0 .LBB2_4-.Ltmp1, $2  }
0x2f: {  	_ =	sdelay $0x2  }
0x30: {  	s9 =	sadd.s32 $0x200, s9;
	[tilespmem:v2+s7+$0x0] =	vst.idx.add.f32.msk $0xffff, v1  }
0x31: {  	s8 =	sadd.s32 $0x1, s8  }
0x32: {  	p0 =	sne.s32 s8, s5  }
.Ltmp2:
0x33: {  	_ = 	snop;
	(pc) =	sbr.rel @p0 .LBB2_1-.Ltmp2, $4  }
0x34: {  	[hbm4b:s4+s2] =	stream.linear.scatter [tilespmem:s7], [sflag:$0x1], $0x2800, $0x38;
	[tilespmem:$0x5000] =	vst v63  }
0x35: {  	_ =	swait.ge [sflag:s6], $0x2800  }
0x36: {  	[sflag:s6] =	ssyncset.done $0x0  }
0x37: {  	[sflag:s6] =	ssyncadd.s32 $0xFFFFD800  }
0x38: {  	_ =	sfence.sel $0x180000  }
0x39: {  	[bflag:$0x0] =	sbarrier.arrive $0xFFFF  }
0x3a: {  	p0 =	sne.s32 s1, $0x0;
	_ =	strace $0x90000047  }
0x3b: {  	s0 =	sadd.s32 @!p0 $0x100000, s0;
	[bflag:$0x2] =	sbarrier.arrive $0xFFFF  }
0x3c: {  	[sflag:s0] =	ssyncadd.tile.s32 @!p0 $0x1;
	_ =	shalt  }
.Lfunc_end2:
_tile_overlayer_lowered:
.L_overlay_start_2:
0x3d: {  	(tag) =	ssettag $0x2  }
0x3e: {  	s0 =	rddreg [dreg:$0x0];
	s2 =	stileid.u32  }
0x3f: {  	s1 =	rddreg [dreg:$0x1];
	p0 =	sne.s32 s2, $0x0  }
0x40: {  	s3 =	rddreg [dreg:$0x2];
	[bflag:$0x3] =	sbarrier.arrive $0xFFFF;
	s2 =	simm.s32 @!p0 $0x1C01  }
0x41: {  	[timem:s3], [sflag:s2] =	dma.local @!p0 [hbm:s0], s1  }
0x42: {  	s0 =	simm.s32 @!p0 $0x1  }
0x43: {  	_ =	swait.ge @!p0 [sflag:s0], s1  }
0x44: {  	s1 =	ssub.s32 @!p0 $0x0, s1;
	[sflag:s0] =	ssyncset.done @!p0 $0x0  }
0x45: {  	[sflag:s0] =	ssyncadd.s32 @!p0 s1  }
0x46: {  	[bflag:$0x3] =	sbarrier.arrive $0xFFFF  }
0x47: {  	_ =	shalt  }

</sc_bundles>
